<compile_context>
chip_gen: v7x
topology: tpu7x:2x2x1
jax: 0.10.2.dev20260603
libtpu: 0.0.44.dev20260713+nightly
codegen_flags: <defaults>
</compile_context>

<pallas_src>
import functools

import jax
import jax.numpy as jnp
from jax import lax
from jax.experimental import pallas as pl
from jax.experimental.pallas import tpu as pltpu
from jax.experimental.pallas import tpu_sc as plsc

H = 128
EPS = 1e-3
NC, NS = 2, 16
NW = NC * NS
LANES = 16
CPR = H // LANES

_GATHER_DNUMS = lax.GatherDimensionNumbers(
    offset_dims=(), collapsed_slice_dims=(0,), start_index_map=(0,))


def _splat_lane(x, u):
    idx = jnp.full((LANES, 1), u, jnp.int32)
    return lax.gather(x, idx, _GATHER_DNUMS, slice_sizes=(1,),
                      mode=lax.GatherScatterMode.PROMISE_IN_BOUNDS)


def _make_sc_gather_sum(N, L, rpw):
    ipc = rpw // 128
    ngr = rpw // LANES
    mesh = plsc.VectorSubcoreMesh(core_axis_name="c", subcore_axis_name="s")

    @functools.partial(
        pl.kernel,
        mesh=mesh,
        out_type=jax.ShapeDtypeStruct((N, H), jnp.float32),
        scratch_types=[
            pltpu.VMEM((ipc, 128), jnp.int32),
            pltpu.VMEM((ngr, LANES), jnp.int32),
            pltpu.VMEM((rpw, H), jnp.float32),
            pltpu.VMEM((rpw, H), jnp.float32),
            pltpu.VMEM((2, H), jnp.float32),
            pltpu.SemaphoreType.DMA,
        ],
    )
    def sc_kernel(tok_hbm, seg_hbm, wemb_hbm, semb_hbm, pemb_hbm, out_hbm,
                  tok_v, seg_v, rows_v, pos_v, semb_v, sem_w):
        cid = lax.axis_index("c")
        sid = lax.axis_index("s")
        wid = sid * NC + cid
        base = wid * rpw

        pltpu.sync_copy(tok_hbm.at[pl.ds(wid * ipc, ipc)], tok_v)
        pltpu.sync_copy(seg_hbm.at[pl.ds(wid * ngr, ngr)], seg_v)
        pltpu.sync_copy(semb_hbm, semb_v)

        copies = []
        for j in range(ipc):
            copies.append(pltpu.async_copy(
                wemb_hbm.at[tok_v.at[j]], rows_v.at[pl.ds(j * 128, 128)],
                sem_w))

        pltpu.sync_copy(pemb_hbm.at[pl.ds(lax.rem(base, L), rpw)], pos_v)
        for c in copies:
            c.wait()

        seg0 = [semb_v[0, pl.ds(c * LANES, LANES)] for c in range(CPR)]
        segd = [semb_v[1, pl.ds(c * LANES, LANES)] - seg0[c]
                for c in range(CPR)]

        def group_body(g, carry):
            sidxf = seg_v[g, :].astype(jnp.float32)
            for u in range(LANES):
                sf = _splat_lane(sidxf, u)
                r = g * LANES + u
                for c in range(CPR):
                    sl = pl.ds(c * LANES, LANES)
                    rows_v[r, sl] = (rows_v[r, sl] + pos_v[r, sl]
                                     + (seg0[c] + sf * segd[c]))
            return carry

        lax.fori_loop(0, ngr, group_body, 0)

        pltpu.sync_copy(rows_v, out_hbm.at[pl.ds(base, rpw)])

    return sc_kernel


def _ln_body(x_ref, gam_ref, bet_ref, o_ref):
    x = x_ref[...]
    mean = jnp.mean(x, axis=-1, keepdims=True)
    xc = x - mean
    var = jnp.mean(xc * xc, axis=-1, keepdims=True)
    o_ref[...] = xc * lax.rsqrt(var + EPS) * gam_ref[...] + bet_ref[...]


def _tc_layernorm(x, gamma, beta, bm):
    n = x.shape[0]
    return pl.pallas_call(
        _ln_body,
        grid=(n // bm,),
        in_specs=[
            pl.BlockSpec((bm, H), lambda i: (i, 0)),
            pl.BlockSpec((1, H), lambda i: (0, 0)),
            pl.BlockSpec((1, H), lambda i: (0, 0)),
        ],
        out_specs=pl.BlockSpec((bm, H), lambda i: (i, 0)),
        out_shape=jax.ShapeDtypeStruct((n, H), jnp.float32),
    )(x, gamma.reshape(1, H), beta.reshape(1, H))


def kernel(token, segment, word_emb, seg_emb, pos_emb, gamma, beta):
    B, L = token.shape
    N = B * L
    rpw = N // NW
    tok = token.reshape(N // 128, 128).astype(jnp.int32)
    seg = segment.reshape(N // LANES, LANES).astype(jnp.int32)
    summed = _make_sc_gather_sum(N, L, rpw)(
        tok, seg, word_emb, seg_emb, pos_emb)
    out = _tc_layernorm(summed, gamma, beta, bm=1024)
    return out.reshape(B, L, H)

# --- scband reference (transcript-rebuilt; emitter-appended) ---
"""Pipeline reference for scband-input-embedding-41558103556292 (READ-ONLY COPY).

The authoritative reference and input builder live on the scoring server;
editing this copy changes nothing except your own understanding.
"""

import jax, jax.numpy as jnp
import numpy as np

VOCAB = 100000
HIDDEN = 128
MAX_POS = 2048
B, L = 4, 2048
EPS = 1e-3  # keras LayerNormalization default epsilon


def setup_inputs(seed: int = 0) -> dict:
    key = jax.random.key(seed)
    k1, k2, k3, k4, k5 = jax.random.split(key, 5)
    token = jax.random.randint(k1, (B, L), 0, VOCAB).astype(jnp.int64)
    segment = jax.random.randint(k2, (B, L), 0, 2).astype(jnp.int64)
    word_emb = jax.random.normal(k3, (VOCAB, HIDDEN), dtype=jnp.float32) * 0.02
    seg_emb = jax.random.normal(k4, (2, HIDDEN), dtype=jnp.float32) * 0.02
    pos_emb = jax.random.normal(k5, (MAX_POS, HIDDEN), dtype=jnp.float32) * 0.02
    gamma = jnp.ones((HIDDEN,), dtype=jnp.float32)
    beta = jnp.zeros((HIDDEN,), dtype=jnp.float32)
    return {"token": token, "segment": segment, "word_emb": word_emb,
            "seg_emb": seg_emb, "pos_emb": pos_emb, "gamma": gamma, "beta": beta}


def reference(token, segment, word_emb, seg_emb, pos_emb, gamma, beta):
    # token / segment embedding lookups (gather)
    token_embedding = jnp.take(word_emb, token, axis=0)        # [B, L, H]
    segment_embedding = jnp.take(seg_emb, segment, axis=0)     # [B, L, H]
    seq_len = token.shape[1]
    position_embedding = pos_emb[:seq_len][None, :, :]         # [1, L, H]
    out = token_embedding + segment_embedding + position_embedding
    # LayerNormalization over last axis (keras default: axis=-1, eps=1e-3)
    mean = jnp.mean(out, axis=-1, keepdims=True)
    var = jnp.var(out, axis=-1, keepdims=True)
    normed = (out - mean) / jnp.sqrt(var + EPS)
    out = normed * gamma + beta
    # dropout is identity at inference
    return out

if __name__ == "__main__":
    import jax
    _d = setup_inputs()
    print(jax.jit(kernel)(*tuple(_d.values())))

</pallas_src>

<mosaic_0001>
#map = affine_map<(d0, d1) -> (0, 0)>
module attributes {stable_mosaic.version = 14 : i64} {
  func.func @sc_kernel(%arg0: i32, %arg1: i32, %arg2: memref<64x128xi32, #tpu.memory_space<hbm>>, %arg3: memref<512x16xi32, #tpu.memory_space<hbm>>, %arg4: memref<100000x128xf32, #tpu.memory_space<hbm>>, %arg5: memref<2x128xf32, #tpu.memory_space<hbm>>, %arg6: memref<2048x128xf32, #tpu.memory_space<hbm>>, %arg7: memref<8192x128xf32, #tpu.memory_space<hbm>>, %arg8: memref<2x128xi32, #tpu.memory_space<vmem>>, %arg9: memref<16x16xi32, #tpu.memory_space<vmem>>, %arg10: memref<256x128xf32, #tpu.memory_space<vmem>>, %arg11: memref<256x128xf32, #tpu.memory_space<vmem>>, %arg12: memref<2x128xf32, #tpu.memory_space<vmem>>, %arg13: memref<!tpu.dma_semaphore, #tpu.memory_space<semaphore_mem>>) attributes {dimension_semantics = [#tpu.dimension_semantics<core_parallel>, #tpu.dimension_semantics<subcore_parallel>], iteration_bounds = array<i64: 2, 16>, scalar_prefetch = 0 : i64, scratch_operands = 6 : i64, tpu.core_type = #tpu.core_type<sc_vector_subcore>, window_params = [{transform_indices = #map}, {transform_indices = #map}, {transform_indices = #map}, {transform_indices = #map}, {transform_indices = #map}, {transform_indices = #map}]} {
    %mul3A = arith.constant 2 : i32
    %mul3A_0 = arith.muli %arg1, %mul3A : i32
    %add3A = arith.addi %mul3A_0, %arg0 : i32
    %mul3A_1 = arith.constant 256 : i32
    %mul3A_2 = arith.muli %add3A, %mul3A_1 : i32
    %mul3A_3 = arith.constant 2 : i32
    %mul3A_4 = arith.muli %add3A, %mul3A_3 : i32
    "tpu.region"() ({
      %run_scoped3A = tpu.sem_alloc : memref<!tpu.dma_semaphore, #tpu.memory_space<semaphore_mem>>
      %dma_start3A_137 = arith.constant 0 : i32
      %dma_start3A_138 = tpu.memref_slice %arg2[%mul3A_4, %dma_start3A_137] : memref<64x128xi32, #tpu.memory_space<hbm>> -> memref<2x128xi32, #tpu.memory_space<hbm>>
      %dma_start3A_139 = arith.constant 0 : i32
      %dma_start3A_140 = tpu.memref_slice %arg2[%mul3A_4, %dma_start3A_139] : memref<64x128xi32, #tpu.memory_space<hbm>> -> memref<2x128xi32, #tpu.memory_space<hbm>>
      tpu.enqueue_dma source(%dma_start3A_140 : memref<2x128xi32, #tpu.memory_space<hbm>>) target(%arg8 : memref<2x128xi32, #tpu.memory_space<vmem>>) target_semaphore(%run_scoped3A : memref<!tpu.dma_semaphore, #tpu.memory_space<semaphore_mem>>)
      %dma_wait3A_141 = arith.constant 0 : i32
      %dma_wait3A_142 = tpu.memref_slice %arg2[%mul3A_4, %dma_wait3A_141] : memref<64x128xi32, #tpu.memory_space<hbm>> -> memref<2x128xi32, #tpu.memory_space<hbm>>
      %dma_wait3A_143 = arith.constant 0 : i32
      %dma_wait3A_144 = tpu.memref_slice %arg2[%mul3A_4, %dma_wait3A_143] : memref<64x128xi32, #tpu.memory_space<hbm>> -> memref<2x128xi32, #tpu.memory_space<hbm>>
      tpu.wait_dma2 semaphore(%run_scoped3A : memref<!tpu.dma_semaphore, #tpu.memory_space<semaphore_mem>>) src(%dma_wait3A_144 : memref<2x128xi32, #tpu.memory_space<hbm>>) dst(%arg8 : memref<2x128xi32, #tpu.memory_space<vmem>>)
      tpu.yield
    }) : () -> ()
    %mul3A_5 = arith.constant 16 : i32
    %mul3A_6 = arith.muli %add3A, %mul3A_5 : i32
    "tpu.region"() ({
      %run_scoped3A = tpu.sem_alloc : memref<!tpu.dma_semaphore, #tpu.memory_space<semaphore_mem>>
      %dma_start3A_137 = arith.constant 0 : i32
      %dma_start3A_138 = tpu.memref_slice %arg3[%mul3A_6, %dma_start3A_137] : memref<512x16xi32, #tpu.memory_space<hbm>> -> memref<16x16xi32, #tpu.memory_space<hbm>>
      %dma_start3A_139 = arith.constant 0 : i32
      %dma_start3A_140 = tpu.memref_slice %arg3[%mul3A_6, %dma_start3A_139] : memref<512x16xi32, #tpu.memory_space<hbm>> -> memref<16x16xi32, #tpu.memory_space<hbm>>
      tpu.enqueue_dma source(%dma_start3A_140 : memref<16x16xi32, #tpu.memory_space<hbm>>) target(%arg9 : memref<16x16xi32, #tpu.memory_space<vmem>>) target_semaphore(%run_scoped3A : memref<!tpu.dma_semaphore, #tpu.memory_space<semaphore_mem>>)
      %dma_wait3A_141 = arith.constant 0 : i32
      %dma_wait3A_142 = tpu.memref_slice %arg3[%mul3A_6, %dma_wait3A_141] : memref<512x16xi32, #tpu.memory_space<hbm>> -> memref<16x16xi32, #tpu.memory_space<hbm>>
      %dma_wait3A_143 = arith.constant 0 : i32
      %dma_wait3A_144 = tpu.memref_slice %arg3[%mul3A_6, %dma_wait3A_143] : memref<512x16xi32, #tpu.memory_space<hbm>> -> memref<16x16xi32, #tpu.memory_space<hbm>>
      tpu.wait_dma2 semaphore(%run_scoped3A : memref<!tpu.dma_semaphore, #tpu.memory_space<semaphore_mem>>) src(%dma_wait3A_144 : memref<16x16xi32, #tpu.memory_space<hbm>>) dst(%arg9 : memref<16x16xi32, #tpu.memory_space<vmem>>)
      tpu.yield
    }) : () -> ()
    "tpu.region"() ({
      %run_scoped3A = tpu.sem_alloc : memref<!tpu.dma_semaphore, #tpu.memory_space<semaphore_mem>>
      tpu.enqueue_dma source(%arg5 : memref<2x128xf32, #tpu.memory_space<hbm>>) target(%arg12 : memref<2x128xf32, #tpu.memory_space<vmem>>) target_semaphore(%run_scoped3A : memref<!tpu.dma_semaphore, #tpu.memory_space<semaphore_mem>>)
      tpu.wait_dma2 semaphore(%run_scoped3A : memref<!tpu.dma_semaphore, #tpu.memory_space<semaphore_mem>>) src(%arg5 : memref<2x128xf32, #tpu.memory_space<hbm>>) dst(%arg12 : memref<2x128xf32, #tpu.memory_space<vmem>>)
      tpu.yield
    }) : () -> ()
    %dma_start3A = arith.constant 0 : i32
    %dma_start3A_7 = arith.constant 0 : i32
    %dma_start3A_8 = arith.constant 0 : i32
    %dma_start3A_9 = tpu.memref_slice %arg10[%dma_start3A_7, %dma_start3A_8] : memref<256x128xf32, #tpu.memory_space<vmem>> -> memref<128x128xf32, #tpu.memory_space<vmem>>
    %dma_start3A_10 = arith.constant 0 : i32
    %dma_start3A_11 = tpu.memref_slice %arg8[%dma_start3A, %dma_start3A_10] : memref<2x128xi32, #tpu.memory_space<vmem>> -> memref<1x128xi32, #tpu.memory_space<vmem>>
    %dma_start3A_12 = tpu.memref_squeeze %dma_start3A_11 : memref<1x128xi32, #tpu.memory_space<vmem>> -> memref<128xi32, #tpu.memory_space<vmem>>
    %dma_start3A_13 = arith.constant 0 : i32
    %dma_start3A_14 = arith.constant 0 : i32
    %dma_start3A_15 = tpu.memref_slice %arg4[%dma_start3A_13, %dma_start3A_14] : memref<100000x128xf32, #tpu.memory_space<hbm>> -> memref<100000x128xf32, #tpu.memory_space<hbm>>
    tpu.enqueue_indirect_dma source(%dma_start3A_15 : memref<100000x128xf32, #tpu.memory_space<hbm>>) target(%dma_start3A_9 : memref<128x128xf32, #tpu.memory_space<vmem>>) offsets(%dma_start3A_12 : memref<128xi32, #tpu.memory_space<vmem>>) semaphore(%arg13 : memref<!tpu.dma_semaphore, #tpu.memory_space<semaphore_mem>>)
    %dma_start3A_16 = arith.constant 1 : i32
    %dma_start3A_17 = arith.constant 128 : i32
    %dma_start3A_18 = arith.constant 0 : i32
    %dma_start3A_19 = tpu.memref_slice %arg10[%dma_start3A_17, %dma_start3A_18] : memref<256x128xf32, #tpu.memory_space<vmem>> -> memref<128x128xf32, #tpu.memory_space<vmem>>
    %dma_start3A_20 = arith.constant 0 : i32
    %dma_start3A_21 = tpu.memref_slice %arg8[%dma_start3A_16, %dma_start3A_20] : memref<2x128xi32, #tpu.memory_space<vmem>> -> memref<1x128xi32, #tpu.memory_space<vmem>>
    %dma_start3A_22 = tpu.memref_squeeze %dma_start3A_21 : memref<1x128xi32, #tpu.memory_space<vmem>> -> memref<128xi32, #tpu.memory_space<vmem>>
    %dma_start3A_23 = arith.constant 0 : i32
    %dma_start3A_24 = arith.constant 0 : i32
    %dma_start3A_25 = tpu.memref_slice %arg4[%dma_start3A_23, %dma_start3A_24] : memref<100000x128xf32, #tpu.memory_space<hbm>> -> memref<100000x128xf32, #tpu.memory_space<hbm>>
    tpu.enqueue_indirect_dma source(%dma_start3A_25 : memref<100000x128xf32, #tpu.memory_space<hbm>>) target(%dma_start3A_19 : memref<128x128xf32, #tpu.memory_space<vmem>>) offsets(%dma_start3A_22 : memref<128xi32, #tpu.memory_space<vmem>>) semaphore(%arg13 : memref<!tpu.dma_semaphore, #tpu.memory_space<semaphore_mem>>)
    %rem3A = arith.constant 2048 : i32
    %rem3A_26 = arith.remsi %mul3A_2, %rem3A : i32
    "tpu.region"() ({
      %run_scoped3A = tpu.sem_alloc : memref<!tpu.dma_semaphore, #tpu.memory_space<semaphore_mem>>
      %dma_start3A_137 = arith.constant 0 : i32
      %dma_start3A_138 = tpu.memref_slice %arg6[%rem3A_26, %dma_start3A_137] : memref<2048x128xf32, #tpu.memory_space<hbm>> -> memref<256x128xf32, #tpu.memory_space<hbm>>
      %dma_start3A_139 = arith.constant 0 : i32
      %dma_start3A_140 = tpu.memref_slice %arg6[%rem3A_26, %dma_start3A_139] : memref<2048x128xf32, #tpu.memory_space<hbm>> -> memref<256x128xf32, #tpu.memory_space<hbm>>
      tpu.enqueue_dma source(%dma_start3A_140 : memref<256x128xf32, #tpu.memory_space<hbm>>) target(%arg11 : memref<256x128xf32, #tpu.memory_space<vmem>>) target_semaphore(%run_scoped3A : memref<!tpu.dma_semaphore, #tpu.memory_space<semaphore_mem>>)
      %dma_wait3A_141 = arith.constant 0 : i32
      %dma_wait3A_142 = tpu.memref_slice %arg6[%rem3A_26, %dma_wait3A_141] : memref<2048x128xf32, #tpu.memory_space<hbm>> -> memref<256x128xf32, #tpu.memory_space<hbm>>
      %dma_wait3A_143 = arith.constant 0 : i32
      %dma_wait3A_144 = tpu.memref_slice %arg6[%rem3A_26, %dma_wait3A_143] : memref<2048x128xf32, #tpu.memory_space<hbm>> -> memref<256x128xf32, #tpu.memory_space<hbm>>
      tpu.wait_dma2 semaphore(%run_scoped3A : memref<!tpu.dma_semaphore, #tpu.memory_space<semaphore_mem>>) src(%dma_wait3A_144 : memref<256x128xf32, #tpu.memory_space<hbm>>) dst(%arg11 : memref<256x128xf32, #tpu.memory_space<vmem>>)
      tpu.yield
    }) : () -> ()
    %dma_wait3A = arith.constant 0 : i32
    %dma_wait3A_27 = arith.constant 0 : i32
    %dma_wait3A_28 = arith.constant 0 : i32
    %dma_wait3A_29 = tpu.memref_slice %arg10[%dma_wait3A_27, %dma_wait3A_28] : memref<256x128xf32, #tpu.memory_space<vmem>> -> memref<128x128xf32, #tpu.memory_space<vmem>>
    %dma_wait3A_30 = arith.constant 0 : i32
    %dma_wait3A_31 = tpu.memref_slice %arg8[%dma_wait3A, %dma_wait3A_30] : memref<2x128xi32, #tpu.memory_space<vmem>> -> memref<1x128xi32, #tpu.memory_space<vmem>>
    %dma_wait3A_32 = tpu.memref_squeeze %dma_wait3A_31 : memref<1x128xi32, #tpu.memory_space<vmem>> -> memref<128xi32, #tpu.memory_space<vmem>>
    %dma_wait3A_33 = arith.constant 0 : i32
    %dma_wait3A_34 = arith.constant 0 : i32
    %dma_wait3A_35 = tpu.memref_slice %arg4[%dma_wait3A_33, %dma_wait3A_34] : memref<100000x128xf32, #tpu.memory_space<hbm>> -> memref<100000x128xf32, #tpu.memory_space<hbm>>
    tpu.wait_indirect_dma semaphore(%arg13 : memref<!tpu.dma_semaphore, #tpu.memory_space<semaphore_mem>>) src(%dma_wait3A_35 : memref<100000x128xf32, #tpu.memory_space<hbm>>) dst(%dma_wait3A_29 : memref<128x128xf32, #tpu.memory_space<vmem>>)
    %dma_wait3A_36 = arith.constant 1 : i32
    %dma_wait3A_37 = arith.constant 128 : i32
    %dma_wait3A_38 = arith.constant 0 : i32
    %dma_wait3A_39 = tpu.memref_slice %arg10[%dma_wait3A_37, %dma_wait3A_38] : memref<256x128xf32, #tpu.memory_space<vmem>> -> memref<128x128xf32, #tpu.memory_space<vmem>>
    %dma_wait3A_40 = arith.constant 0 : i32
    %dma_wait3A_41 = tpu.memref_slice %arg8[%dma_wait3A_36, %dma_wait3A_40] : memref<2x128xi32, #tpu.memory_space<vmem>> -> memref<1x128xi32, #tpu.memory_space<vmem>>
    %dma_wait3A_42 = tpu.memref_squeeze %dma_wait3A_41 : memref<1x128xi32, #tpu.memory_space<vmem>> -> memref<128xi32, #tpu.memory_space<vmem>>
    %dma_wait3A_43 = arith.constant 0 : i32
    %dma_wait3A_44 = arith.constant 0 : i32
    %dma_wait3A_45 = tpu.memref_slice %arg4[%dma_wait3A_43, %dma_wait3A_44] : memref<100000x128xf32, #tpu.memory_space<hbm>> -> memref<100000x128xf32, #tpu.memory_space<hbm>>
    tpu.wait_indirect_dma semaphore(%arg13 : memref<!tpu.dma_semaphore, #tpu.memory_space<semaphore_mem>>) src(%dma_wait3A_45 : memref<100000x128xf32, #tpu.memory_space<hbm>>) dst(%dma_wait3A_39 : memref<128x128xf32, #tpu.memory_space<vmem>>)
    %get3A = arith.constant 0 : i32
    %get3A_46 = arith.index_cast %get3A : i32 to index
    %get3A_47 = arith.constant 0 : index
    %get3A_48 = tpu.vector_load %arg12[%get3A_46, %get3A_47] {strides = array<i32>} : memref<2x128xf32, #tpu.memory_space<vmem>>, vector<1x16xf32>,
    %get3A_49 = vector.shape_cast %get3A_48 : vector<1x16xf32> to vector<16xf32>
    %get3A_50 = arith.constant 0 : i32
    %get3A_51 = arith.index_cast %get3A_50 : i32 to index
    %get3A_52 = arith.constant 16 : index
    %get3A_53 = tpu.vector_load %arg12[%get3A_51, %get3A_52] {strides = array<i32>} : memref<2x128xf32, #tpu.memory_space<vmem>>, vector<1x16xf32>,
    %get3A_54 = vector.shape_cast %get3A_53 : vector<1x16xf32> to vector<16xf32>
    %get3A_55 = arith.constant 0 : i32
    %get3A_56 = arith.index_cast %get3A_55 : i32 to index
    %get3A_57 = arith.constant 32 : index
    %get3A_58 = tpu.vector_load %arg12[%get3A_56, %get3A_57] {strides = array<i32>} : memref<2x128xf32, #tpu.memory_space<vmem>>, vector<1x16xf32>,
    %get3A_59 = vector.shape_cast %get3A_58 : vector<1x16xf32> to vector<16xf32>
    %get3A_60 = arith.constant 0 : i32
    %get3A_61 = arith.index_cast %get3A_60 : i32 to index
    %get3A_62 = arith.constant 48 : index
    %get3A_63 = tpu.vector_load %arg12[%get3A_61, %get3A_62] {strides = array<i32>} : memref<2x128xf32, #tpu.memory_space<vmem>>, vector<1x16xf32>,
    %get3A_64 = vector.shape_cast %get3A_63 : vector<1x16xf32> to vector<16xf32>
    %get3A_65 = arith.constant 0 : i32
    %get3A_66 = arith.index_cast %get3A_65 : i32 to index
    %get3A_67 = arith.constant 64 : index
    %get3A_68 = tpu.vector_load %arg12[%get3A_66, %get3A_67] {strides = array<i32>} : memref<2x128xf32, #tpu.memory_space<vmem>>, vector<1x16xf32>,
    %get3A_69 = vector.shape_cast %get3A_68 : vector<1x16xf32> to vector<16xf32>
    %get3A_70 = arith.constant 0 : i32
    %get3A_71 = arith.index_cast %get3A_70 : i32 to index
    %get3A_72 = arith.constant 80 : index
    %get3A_73 = tpu.vector_load %arg12[%get3A_71, %get3A_72] {strides = array<i32>} : memref<2x128xf32, #tpu.memory_space<vmem>>, vector<1x16xf32>,
    %get3A_74 = vector.shape_cast %get3A_73 : vector<1x16xf32> to vector<16xf32>
    %get3A_75 = arith.constant 0 : i32
    %get3A_76 = arith.index_cast %get3A_75 : i32 to index
    %get3A_77 = arith.constant 96 : index
    %get3A_78 = tpu.vector_load %arg12[%get3A_76, %get3A_77] {strides = array<i32>} : memref<2x128xf32, #tpu.memory_space<vmem>>, vector<1x16xf32>,
    %get3A_79 = vector.shape_cast %get3A_78 : vector<1x16xf32> to vector<16xf32>
    %get3A_80 = arith.constant 0 : i32
    %get3A_81 = arith.index_cast %get3A_80 : i32 to index
    %get3A_82 = arith.constant 112 : index
    %get3A_83 = tpu.vector_load %arg12[%get3A_81, %get3A_82] {strides = array<i32>} : memref<2x128xf32, #tpu.memory_space<vmem>>, vector<1x16xf32>,
    %get3A_84 = vector.shape_cast %get3A_83 : vector<1x16xf32> to vector<16xf32>
    %get3A_85 = arith.constant 1 : i32
    %get3A_86 = arith.index_cast %get3A_85 : i32 to index
    %get3A_87 = arith.constant 0 : index
    %get3A_88 = tpu.vector_load %arg12[%get3A_86, %get3A_87] {strides = array<i32>} : memref<2x128xf32, #tpu.memory_space<vmem>>, vector<1x16xf32>,
    %get3A_89 = vector.shape_cast %get3A_88 : vector<1x16xf32> to vector<16xf32>
    %sub3A = arith.subf %get3A_89, %get3A_49 : vector<16xf32>
    %get3A_90 = arith.constant 1 : i32
    %get3A_91 = arith.index_cast %get3A_90 : i32 to index
    %get3A_92 = arith.constant 16 : index
    %get3A_93 = tpu.vector_load %arg12[%get3A_91, %get3A_92] {strides = array<i32>} : memref<2x128xf32, #tpu.memory_space<vmem>>, vector<1x16xf32>,
    %get3A_94 = vector.shape_cast %get3A_93 : vector<1x16xf32> to vector<16xf32>
    %sub3A_95 = arith.subf %get3A_94, %get3A_54 : vector<16xf32>
    %get3A_96 = arith.constant 1 : i32
    %get3A_97 = arith.index_cast %get3A_96 : i32 to index
    %get3A_98 = arith.constant 32 : index
    %get3A_99 = tpu.vector_load %arg12[%get3A_97, %get3A_98] {strides = array<i32>} : memref<2x128xf32, #tpu.memory_space<vmem>>, vector<1x16xf32>,
    %get3A_100 = vector.shape_cast %get3A_99 : vector<1x16xf32> to vector<16xf32>
    %sub3A_101 = arith.subf %get3A_100, %get3A_59 : vector<16xf32>
    %get3A_102 = arith.constant 1 : i32
    %get3A_103 = arith.index_cast %get3A_102 : i32 to index
    %get3A_104 = arith.constant 48 : index
    %get3A_105 = tpu.vector_load %arg12[%get3A_103, %get3A_104] {strides = array<i32>} : memref<2x128xf32, #tpu.memory_space<vmem>>, vector<1x16xf32>,
    %get3A_106 = vector.shape_cast %get3A_105 : vector<1x16xf32> to vector<16xf32>
    %sub3A_107 = arith.subf %get3A_106, %get3A_64 : vector<16xf32>
    %get3A_108 = arith.constant 1 : i32
    %get3A_109 = arith.index_cast %get3A_108 : i32 to index
    %get3A_110 = arith.constant 64 : index
    %get3A_111 = tpu.vector_load %arg12[%get3A_109, %get3A_110] {strides = array<i32>} : memref<2x128xf32, #tpu.memory_space<vmem>>, vector<1x16xf32>,
    %get3A_112 = vector.shape_cast %get3A_111 : vector<1x16xf32> to vector<16xf32>
    %sub3A_113 = arith.subf %get3A_112, %get3A_69 : vector<16xf32>
    %get3A_114 = arith.constant 1 : i32
    %get3A_115 = arith.index_cast %get3A_114 : i32 to index
    %get3A_116 = arith.constant 80 : index
    %get3A_117 = tpu.vector_load %arg12[%get3A_115, %get3A_116] {strides = array<i32>} : memref<2x128xf32, #tpu.memory_space<vmem>>, vector<1x16xf32>,
    %get3A_118 = vector.shape_cast %get3A_117 : vector<1x16xf32> to vector<16xf32>
    %sub3A_119 = arith.subf %get3A_118, %get3A_74 : vector<16xf32>
    %get3A_120 = arith.constant 1 : i32
    %get3A_121 = arith.index_cast %get3A_120 : i32 to index
    %get3A_122 = arith.constant 96 : index
    %get3A_123 = tpu.vector_load %arg12[%get3A_121, %get3A_122] {strides = array<i32>} : memref<2x128xf32, #tpu.memory_space<vmem>>, vector<1x16xf32>,
    %get3A_124 = vector.shape_cast %get3A_123 : vector<1x16xf32> to vector<16xf32>
    %sub3A_125 = arith.subf %get3A_124, %get3A_79 : vector<16xf32>
    %get3A_126 = arith.constant 1 : i32
    %get3A_127 = arith.index_cast %get3A_126 : i32 to index
    %get3A_128 = arith.constant 112 : index
    %get3A_129 = tpu.vector_load %arg12[%get3A_127, %get3A_128] {strides = array<i32>} : memref<2x128xf32, #tpu.memory_space<vmem>>, vector<1x16xf32>,
    %get3A_130 = vector.shape_cast %get3A_129 : vector<1x16xf32> to vector<16xf32>
    %sub3A_131 = arith.subf %get3A_130, %get3A_84 : vector<16xf32>
    %scan3A = arith.constant 0 : i32
    %scan3A_132 = arith.constant 0 : i32
    %scan3A_133 = arith.constant 16 : i32
    %scan3A_134 = arith.addi %scan3A_132, %scan3A_133 : i32
    %scan3A_135 = arith.constant 1 : i32
    scf.for %scan3A_137 = %scan3A_132 to %scan3A_134 step %scan3A_135  : i32 {
      %get3A_138 = arith.index_cast %scan3A_137 : i32 to index
      %get3A_139 = arith.constant 0 : index
      %get3A_140 = tpu.vector_load %arg9[%get3A_138, %get3A_139] {strides = array<i32>} : memref<16x16xi32, #tpu.memory_space<vmem>>, vector<1x16xi32>,
      %get3A_141 = vector.shape_cast %get3A_140 : vector<1x16xi32> to vector<16xi32>
      %convert_element_type3A = arith.sitofp %get3A_141 : vector<16xi32> to vector<16xf32>
      %broadcast_in_dim3A = arith.constant 0 : i32
      %broadcast_in_dim3A_142 = vector.broadcast %broadcast_in_dim3A : i32 to vector<16x1xi32>
      %gather3A = vector.shape_cast %broadcast_in_dim3A_142 : vector<16x1xi32> to vector<16xi32>
      %gather3A_143 = tpu.dynamic_gather %convert_element_type3A[%gather3A] in [0] : vector<16xf32>, vector<16xi32> -> vector<16xf32>
      %mul3A_144 = arith.constant 16 : i32
      %mul3A_145 = arith.muli %scan3A_137, %mul3A_144 : i32
      %add3A_146 = arith.constant 0 : i32
      %add3A_147 = arith.addi %mul3A_145, %add3A_146 : i32
      %get3A_148 = arith.index_cast %add3A_147 : i32 to index
      %get3A_149 = arith.constant 0 : index
      %get3A_150 = tpu.vector_load %arg10[%get3A_148, %get3A_149] {strides = array<i32>} : memref<256x128xf32, #tpu.memory_space<vmem>>, vector<1x16xf32>,
      %get3A_151 = vector.shape_cast %get3A_150 : vector<1x16xf32> to vector<16xf32>
      %get3A_152 = arith.index_cast %add3A_147 : i32 to index
      %get3A_153 = arith.constant 0 : index
      %get3A_154 = tpu.vector_load %arg11[%get3A_152, %get3A_153] {strides = array<i32>} : memref<256x128xf32, #tpu.memory_space<vmem>>, vector<1x16xf32>,
      %get3A_155 = vector.shape_cast %get3A_154 : vector<1x16xf32> to vector<16xf32>
      %add3A_156 = arith.addf %get3A_151, %get3A_155 : vector<16xf32>
      %mul3A_157 = arith.mulf %gather3A_143, %sub3A : vector<16xf32>
      %add3A_158 = arith.addf %get3A_49, %mul3A_157 : vector<16xf32>
      %add3A_159 = arith.addf %add3A_156, %add3A_158 : vector<16xf32>
      %swap3A = arith.index_cast %add3A_147 : i32 to index
      %swap3A_160 = arith.constant 0 : index
      %swap3A_161 = tpu.vector_load %arg10[%swap3A, %swap3A_160] {strides = array<i32>} : memref<256x128xf32, #tpu.memory_space<vmem>>, vector<1x16xf32>,
      %swap3A_162 = vector.shape_cast %swap3A_161 : vector<1x16xf32> to vector<16xf32>
      %swap3A_163 = vector.shape_cast %add3A_159 : vector<16xf32> to vector<1x16xf32>
      tpu.vector_store %arg10[%swap3A, %swap3A_160], %swap3A_163 {strides = array<i32>} : memref<256x128xf32, #tpu.memory_space<vmem>>, vector<1x16xf32>,
      %get3A_164 = arith.index_cast %add3A_147 : i32 to index
      %get3A_165 = arith.constant 16 : index
      %get3A_166 = tpu.vector_load %arg10[%get3A_164, %get3A_165] {strides = array<i32>} : memref<256x128xf32, #tpu.memory_space<vmem>>, vector<1x16xf32>,
      %get3A_167 = vector.shape_cast %get3A_166 : vector<1x16xf32> to vector<16xf32>
      %get3A_168 = arith.index_cast %add3A_147 : i32 to index
      %get3A_169 = arith.constant 16 : index
      %get3A_170 = tpu.vector_load %arg11[%get3A_168, %get3A_169] {strides = array<i32>} : memref<256x128xf32, #tpu.memory_space<vmem>>, vector<1x16xf32>,
      %get3A_171 = vector.shape_cast %get3A_170 : vector<1x16xf32> to vector<16xf32>
      %add3A_172 = arith.addf %get3A_167, %get3A_171 : vector<16xf32>
      %mul3A_173 = arith.mulf %gather3A_143, %sub3A_95 : vector<16xf32>
      %add3A_174 = arith.addf %get3A_54, %mul3A_173 : vector<16xf32>
      %add3A_175 = arith.addf %add3A_172, %add3A_174 : vector<16xf32>
      %swap3A_176 = arith.index_cast %add3A_147 : i32 to index
      %swap3A_177 = arith.constant 16 : index
      %swap3A_178 = tpu.vector_load %arg10[%swap3A_176, %swap3A_177] {strides = array<i32>} : memref<256x128xf32, #tpu.memory_space<vmem>>, vector<1x16xf32>,
      %swap3A_179 = vector.shape_cast %swap3A_178 : vector<1x16xf32> to vector<16xf32>
      %swap3A_180 = vector.shape_cast %add3A_175 : vector<16xf32> to vector<1x16xf32>
      tpu.vector_store %arg10[%swap3A_176, %swap3A_177], %swap3A_180 {strides = array<i32>} : memref<256x128xf32, #tpu.memory_space<vmem>>, vector<1x16xf32>,
      %get3A_181 = arith.index_cast %add3A_147 : i32 to index
      %get3A_182 = arith.constant 32 : index
      %get3A_183 = tpu.vector_load %arg10[%get3A_181, %get3A_182] {strides = array<i32>} : memref<256x128xf32, #tpu.memory_space<vmem>>, vector<1x16xf32>,
      %get3A_184 = vector.shape_cast %get3A_183 : vector<1x16xf32> to vector<16xf32>
      %get3A_185 = arith.index_cast %add3A_147 : i32 to index
      %get3A_186 = arith.constant 32 : index
      %get3A_187 = tpu.vector_load %arg11[%get3A_185, %get3A_186] {strides = array<i32>} : memref<256x128xf32, #tpu.memory_space<vmem>>, vector<1x16xf32>,
      %get3A_188 = vector.shape_cast %get3A_187 : vector<1x16xf32> to vector<16xf32>
      %add3A_189 = arith.addf %get3A_184, %get3A_188 : vector<16xf32>
      %mul3A_190 = arith.mulf %gather3A_143, %sub3A_101 : vector<16xf32>
      %add3A_191 = arith.addf %get3A_59, %mul3A_190 : vector<16xf32>
      %add3A_192 = arith.addf %add3A_189, %add3A_191 : vector<16xf32>
      %swap3A_193 = arith.index_cast %add3A_147 : i32 to index
      %swap3A_194 = arith.constant 32 : index
      %swap3A_195 = tpu.vector_load %arg10[%swap3A_193, %swap3A_194] {strides = array<i32>} : memref<256x128xf32, #tpu.memory_space<vmem>>, vector<1x16xf32>,
      %swap3A_196 = vector.shape_cast %swap3A_195 : vector<1x16xf32> to vector<16xf32>
      %swap3A_197 = vector.shape_cast %add3A_192 : vector<16xf32> to vector<1x16xf32>
      tpu.vector_store %arg10[%swap3A_193, %swap3A_194], %swap3A_197 {strides = array<i32>} : memref<256x128xf32, #tpu.memory_space<vmem>>, vector<1x16xf32>,
      %get3A_198 = arith.index_cast %add3A_147 : i32 to index
      %get3A_199 = arith.constant 48 : index
      %get3A_200 = tpu.vector_load %arg10[%get3A_198, %get3A_199] {strides = array<i32>} : memref<256x128xf32, #tpu.memory_space<vmem>>, vector<1x16xf32>,
      %get3A_201 = vector.shape_cast %get3A_200 : vector<1x16xf32> to vector<16xf32>
      %get3A_202 = arith.index_cast %add3A_147 : i32 to index
      %get3A_203 = arith.constant 48 : index
      %get3A_204 = tpu.vector_load %arg11[%get3A_202, %get3A_203] {strides = array<i32>} : memref<256x128xf32, #tpu.memory_space<vmem>>, vector<1x16xf32>,
      %get3A_205 = vector.shape_cast %get3A_204 : vector<1x16xf32> to vector<16xf32>
      %add3A_206 = arith.addf %get3A_201, %get3A_205 : vector<16xf32>
      %mul3A_207 = arith.mulf %gather3A_143, %sub3A_107 : vector<16xf32>
      %add3A_208 = arith.addf %get3A_64, %mul3A_207 : vector<16xf32>
      %add3A_209 = arith.addf %add3A_206, %add3A_208 : vector<16xf32>
      %swap3A_210 = arith.index_cast %add3A_147 : i32 to index
      %swap3A_211 = arith.constant 48 : index
      %swap3A_212 = tpu.vector_load %arg10[%swap3A_210, %swap3A_211] {strides = array<i32>} : memref<256x128xf32, #tpu.memory_space<vmem>>, vector<1x16xf32>,
      %swap3A_213 = vector.shape_cast %swap3A_212 : vector<1x16xf32> to vector<16xf32>
      %swap3A_214 = vector.shape_cast %add3A_209 : vector<16xf32> to vector<1x16xf32>
      tpu.vector_store %arg10[%swap3A_210, %swap3A_211], %swap3A_214 {strides = array<i32>} : memref<256x128xf32, #tpu.memory_space<vmem>>, vector<1x16xf32>,
      %get3A_215 = arith.index_cast %add3A_147 : i32 to index
      %get3A_216 = arith.constant 64 : index
      %get3A_217 = tpu.vector_load %arg10[%get3A_215, %get3A_216] {strides = array<i32>} : memref<256x128xf32, #tpu.memory_space<vmem>>, vector<1x16xf32>,
      %get3A_218 = vector.shape_cast %get3A_217 : vector<1x16xf32> to vector<16xf32>
      %get3A_219 = arith.index_cast %add3A_147 : i32 to index
      %get3A_220 = arith.constant 64 : index
      %get3A_221 = tpu.vector_load %arg11[%get3A_219, %get3A_220] {strides = array<i32>} : memref<256x128xf32, #tpu.memory_space<vmem>>, vector<1x16xf32>,
      %get3A_222 = vector.shape_cast %get3A_221 : vector<1x16xf32> to vector<16xf32>
      %add3A_223 = arith.addf %get3A_218, %get3A_222 : vector<16xf32>
      %mul3A_224 = arith.mulf %gather3A_143, %sub3A_113 : vector<16xf32>
      %add3A_225 = arith.addf %get3A_69, %mul3A_224 : vector<16xf32>
      %add3A_226 = arith.addf %add3A_223, %add3A_225 : vector<16xf32>
      %swap3A_227 = arith.index_cast %add3A_147 : i32 to index
      %swap3A_228 = arith.constant 64 : index
      %swap3A_229 = tpu.vector_load %arg10[%swap3A_227, %swap3A_228] {strides = array<i32>} : memref<256x128xf32, #tpu.memory_space<vmem>>, vector<1x16xf32>,
      %swap3A_230 = vector.shape_cast %swap3A_229 : vector<1x16xf32> to vector<16xf32>
      %swap3A_231 = vector.shape_cast %add3A_226 : vector<16xf32> to vector<1x16xf32>
      tpu.vector_store %arg10[%swap3A_227, %swap3A_228], %swap3A_231 {strides = array<i32>} : memref<256x128xf32, #tpu.memory_space<vmem>>, vector<1x16xf32>,
      %get3A_232 = arith.index_cast %add3A_147 : i32 to index
      %get3A_233 = arith.constant 80 : index
      %get3A_234 = tpu.vector_load %arg10[%get3A_232, %get3A_233] {strides = array<i32>} : memref<256x128xf32, #tpu.memory_space<vmem>>, vector<1x16xf32>,
      %get3A_235 = vector.shape_cast %get3A_234 : vector<1x16xf32> to vector<16xf32>
      %get3A_236 = arith.index_cast %add3A_147 : i32 to index
      %get3A_237 = arith.constant 80 : index
      %get3A_238 = tpu.vector_load %arg11[%get3A_236, %get3A_237] {strides = array<i32>} : memref<256x128xf32, #tpu.memory_space<vmem>>, vector<1x16xf32>,
      %get3A_239 = vector.shape_cast %get3A_238 : vector<1x16xf32> to vector<16xf32>
      %add3A_240 = arith.addf %get3A_235, %get3A_239 : vector<16xf32>
      %mul3A_241 = arith.mulf %gather3A_143, %sub3A_119 : vector<16xf32>
      %add3A_242 = arith.addf %get3A_74, %mul3A_241 : vector<16xf32>
      %add3A_243 = arith.addf %add3A_240, %add3A_242 : vector<16xf32>
      %swap3A_244 = arith.index_cast %add3A_147 : i32 to index
      %swap3A_245 = arith.constant 80 : index
      %swap3A_246 = tpu.vector_load %arg10[%swap3A_244, %swap3A_245] {strides = array<i32>} : memref<256x128xf32, #tpu.memory_space<vmem>>, vector<1x16xf32>,
      %swap3A_247 = vector.shape_cast %swap3A_246 : vector<1x16xf32> to vector<16xf32>
      %swap3A_248 = vector.shape_cast %add3A_243 : vector<16xf32> to vector<1x16xf32>
      tpu.vector_store %arg10[%swap3A_244, %swap3A_245], %swap3A_248 {strides = array<i32>} : memref<256x128xf32, #tpu.memory_space<vmem>>, vector<1x16xf32>,
      %get3A_249 = arith.index_cast %add3A_147 : i32 to index
      %get3A_250 = arith.constant 96 : index
      %get3A_251 = tpu.vector_load %arg10[%get3A_249, %get3A_250] {strides = array<i32>} : memref<256x128xf32, #tpu.memory_space<vmem>>, vector<1x16xf32>,
      %get3A_252 = vector.shape_cast %get3A_251 : vector<1x16xf32> to vector<16xf32>
      %get3A_253 = arith.index_cast %add3A_147 : i32 to index
      %get3A_254 = arith.constant 96 : index
      %get3A_255 = tpu.vector_load %arg11[%get3A_253, %get3A_254] {strides = array<i32>} : memref<256x128xf32, #tpu.memory_space<vmem>>, vector<1x16xf32>,
      %get3A_256 = vector.shape_cast %get3A_255 : vector<1x16xf32> to vector<16xf32>
      %add3A_257 = arith.addf %get3A_252, %get3A_256 : vector<16xf32>
      %mul3A_258 = arith.mulf %gather3A_143, %sub3A_125 : vector<16xf32>
      %add3A_259 = arith.addf %get3A_79, %mul3A_258 : vector<16xf32>
      %add3A_260 = arith.addf %add3A_257, %add3A_259 : vector<16xf32>
      %swap3A_261 = arith.index_cast %add3A_147 : i32 to index
      %swap3A_262 = arith.constant 96 : index
      %swap3A_263 = tpu.vector_load %arg10[%swap3A_261, %swap3A_262] {strides = array<i32>} : memref<256x128xf32, #tpu.memory_space<vmem>>, vector<1x16xf32>,
      %swap3A_264 = vector.shape_cast %swap3A_263 : vector<1x16xf32> to vector<16xf32>
      %swap3A_265 = vector.shape_cast %add3A_260 : vector<16xf32> to vector<1x16xf32>
      tpu.vector_store %arg10[%swap3A_261, %swap3A_262], %swap3A_265 {strides = array<i32>} : memref<256x128xf32, #tpu.memory_space<vmem>>, vector<1x16xf32>,
      %get3A_266 = arith.index_cast %add3A_147 : i32 to index
      %get3A_267 = arith.constant 112 : index
      %get3A_268 = tpu.vector_load %arg10[%get3A_266, %get3A_267] {strides = array<i32>} : memref<256x128xf32, #tpu.memory_space<vmem>>, vector<1x16xf32>,
      %get3A_269 = vector.shape_cast %get3A_268 : vector<1x16xf32> to vector<16xf32>
      %get3A_270 = arith.index_cast %add3A_147 : i32 to index
      %get3A_271 = arith.constant 112 : index
      %get3A_272 = tpu.vector_load %arg11[%get3A_270, %get3A_271] {strides = array<i32>} : memref<256x128xf32, #tpu.memory_space<vmem>>, vector<1x16xf32>,
      %get3A_273 = vector.shape_cast %get3A_272 : vector<1x16xf32> to vector<16xf32>
      %add3A_274 = arith.addf %get3A_269, %get3A_273 : vector<16xf32>
      %mul3A_275 = arith.mulf %gather3A_143, %sub3A_131 : vector<16xf32>
      %add3A_276 = arith.addf %get3A_84, %mul3A_275 : vector<16xf32>
      %add3A_277 = arith.addf %add3A_274, %add3A_276 : vector<16xf32>
      %swap3A_278 = arith.index_cast %add3A_147 : i32 to index
      %swap3A_279 = arith.constant 112 : index
      %swap3A_280 = tpu.vector_load %arg10[%swap3A_278, %swap3A_279] {strides = array<i32>} : memref<256x128xf32, #tpu.memory_space<vmem>>, vector<1x16xf32>,
      %swap3A_281 = vector.shape_cast %swap3A_280 : vector<1x16xf32> to vector<16xf32>
      %swap3A_282 = vector.shape_cast %add3A_277 : vector<16xf32> to vector<1x16xf32>
      tpu.vector_store %arg10[%swap3A_278, %swap3A_279], %swap3A_282 {strides = array<i32>} : memref<256x128xf32, #tpu.memory_space<vmem>>, vector<1x16xf32>,
      %broadcast_in_dim3A_283 = arith.constant 1 : i32
      %broadcast_in_dim3A_284 = vector.broadcast %broadcast_in_dim3A_283 : i32 to vector<16x1xi32>
      %gather3A_285 = vector.shape_cast %broadcast_in_dim3A_284 : vector<16x1xi32> to vector<16xi32>
      %gather3A_286 = tpu.dynamic_gather %convert_element_type3A[%gather3A_285] in [0] : vector<16xf32>, vector<16xi32> -> vector<16xf32>
      %mul3A_287 = arith.constant 16 : i32
      %mul3A_288 = arith.muli %scan3A_137, %mul3A_287 : i32
      %add3A_289 = arith.constant 1 : i32
      %add3A_290 = arith.addi %mul3A_288, %add3A_289 : i32
      %get3A_291 = arith.index_cast %add3A_290 : i32 to index
      %get3A_292 = arith.constant 0 : index
      %get3A_293 = tpu.vector_load %arg10[%get3A_291, %get3A_292] {strides = array<i32>} : memref<256x128xf32, #tpu.memory_space<vmem>>, vector<1x16xf32>,
      %get3A_294 = vector.shape_cast %get3A_293 : vector<1x16xf32> to vector<16xf32>
      %get3A_295 = arith.index_cast %add3A_290 : i32 to index
      %get3A_296 = arith.constant 0 : index
      %get3A_297 = tpu.vector_load %arg11[%get3A_295, %get3A_296] {strides = array<i32>} : memref<256x128xf32, #tpu.memory_space<vmem>>, vector<1x16xf32>,
      %get3A_298 = vector.shape_cast %get3A_297 : vector<1x16xf32> to vector<16xf32>
      %add3A_299 = arith.addf %get3A_294, %get3A_298 : vector<16xf32>
      %mul3A_300 = arith.mulf %gather3A_286, %sub3A : vector<16xf32>
      %add3A_301 = arith.addf %get3A_49, %mul3A_300 : vector<16xf32>
      %add3A_302 = arith.addf %add3A_299, %add3A_301 : vector<16xf32>
      %swap3A_303 = arith.index_cast %add3A_290 : i32 to index
      %swap3A_304 = arith.constant 0 : index
      %swap3A_305 = tpu.vector_load %arg10[%swap3A_303, %swap3A_304] {strides = array<i32>} : memref<256x128xf32, #tpu.memory_space<vmem>>, vector<1x16xf32>,
      %swap3A_306 = vector.shape_cast %swap3A_305 : vector<1x16xf32> to vector<16xf32>
      %swap3A_307 = vector.shape_cast %add3A_302 : vector<16xf32> to vector<1x16xf32>
      tpu.vector_store %arg10[%swap3A_303, %swap3A_304], %swap3A_307 {strides = array<i32>} : memref<256x128xf32, #tpu.memory_space<vmem>>, vector<1x16xf32>,
      %get3A_308 = arith.index_cast %add3A_290 : i32 to index
      %get3A_309 = arith.constant 16 : index
      %get3A_310 = tpu.vector_load %arg10[%get3A_308, %get3A_309] {strides = array<i32>} : memref<256x128xf32, #tpu.memory_space<vmem>>, vector<1x16xf32>,
      %get3A_311 = vector.shape_cast %get3A_310 : vector<1x16xf32> to vector<16xf32>
      %get3A_312 = arith.index_cast %add3A_290 : i32 to index
      %get3A_313 = arith.constant 16 : index
      %get3A_314 = tpu.vector_load %arg11[%get3A_312, %get3A_313] {strides = array<i32>} : memref<256x128xf32, #tpu.memory_space<vmem>>, vector<1x16xf32>,
      %get3A_315 = vector.shape_cast %get3A_314 : vector<1x16xf32> to vector<16xf32>
      %add3A_316 = arith.addf %get3A_311, %get3A_315 : vector<16xf32>
      %mul3A_317 = arith.mulf %gather3A_286, %sub3A_95 : vector<16xf32>
      %add3A_318 = arith.addf %get3A_54, %mul3A_317 : vector<16xf32>
      %add3A_319 = arith.addf %add3A_316, %add3A_318 : vector<16xf32>
      %swap3A_320 = arith.index_cast %add3A_290 : i32 to index
      %swap3A_321 = arith.constant 16 : index
      %swap3A_322 = tpu.vector_load %arg10[%swap3A_320, %swap3A_321] {strides = array<i32>} : memref<256x128xf32, #tpu.memory_space<vmem>>, vector<1x16xf32>,
      %swap3A_323 = vector.shape_cast %swap3A_322 : vector<1x16xf32> to vector<16xf32>
      %swap3A_324 = vector.shape_cast %add3A_319 : vector<16xf32> to vector<1x16xf32>
      tpu.vector_store %arg10[%swap3A_320, %swap3A_321], %swap3A_324 {strides = array<i32>} : memref<256x128xf32, #tpu.memory_space<vmem>>, vector<1x16xf32>,
      %get3A_325 = arith.index_cast %add3A_290 : i32 to index
      %get3A_326 = arith.constant 32 : index
      %get3A_327 = tpu.vector_load %arg10[%get3A_325, %get3A_326] {strides = array<i32>} : memref<256x128xf32, #tpu.memory_space<vmem>>, vector<1x16xf32>,
      %get3A_328 = vector.shape_cast %get3A_327 : vector<1x16xf32> to vector<16xf32>
      %get3A_329 = arith.index_cast %add3A_290 : i32 to index
      %get3A_330 = arith.constant 32 : index
      %get3A_331 = tpu.vector_load %arg11[%get3A_329, %get3A_330] {strides = array<i32>} : memref<256x128xf32, #tpu.memory_space<vmem>>, vector<1x16xf32>,
      %get3A_332 = vector.shape_cast %get3A_331 : vector<1x16xf32> to vector<16xf32>
      %add3A_333 = arith.addf %get3A_328, %get3A_332 : vector<16xf32>
      %mul3A_334 = arith.mulf %gather3A_286, %sub3A_101 : vector<16xf32>
      %add3A_335 = arith.addf %get3A_59, %mul3A_334 : vector<16xf32>
      %add3A_336 = arith.addf %add3A_333, %add3A_335 : vector<16xf32>
      %swap3A_337 = arith.index_cast %add3A_290 : i32 to index
      %swap3A_338 = arith.constant 32 : index
      %swap3A_339 = tpu.vector_load %arg10[%swap3A_337, %swap3A_338] {strides = array<i32>} : memref<256x128xf32, #tpu.memory_space<vmem>>, vector<1x16xf32>,
      %swap3A_340 = vector.shape_cast %swap3A_339 : vector<1x16xf32> to vector<16xf32>
      %swap3A_341 = vector.shape_cast %add3A_336 : vector<16xf32> to vector<1x16xf32>
      tpu.vector_store %arg10[%swap3A_337, %swap3A_338], %swap3A_341 {strides = array<i32>} : memref<256x128xf32, #tpu.memory_space<vmem>>, vector<1x16xf32>,
      %get3A_342 = arith.index_cast %add3A_290 : i32 to index
      %get3A_343 = arith.constant 48 : index
      %get3A_344 = tpu.vector_load %arg10[%get3A_342, %get3A_343] {strides = array<i32>} : memref<256x128xf32, #tpu.memory_space<vmem>>, vector<1x16xf32>,
      %get3A_345 = vector.shape_cast %get3A_344 : vector<1x16xf32> to vector<16xf32>
      %get3A_346 = arith.index_cast %add3A_290 : i32 to index
      %get3A_347 = arith.constant 48 : index
      %get3A_348 = tpu.vector_load %arg11[%get3A_346, %get3A_347] {strides = array<i32>} : memref<256x128xf32, #tpu.memory_space<vmem>>, vector<1x16xf32>,
      %get3A_349 = vector.shape_cast %get3A_348 : vector<1x16xf32> to vector<16xf32>
      %add3A_350 = arith.addf %get3A_345, %get3A_349 : vector<16xf32>
      %mul3A_351 = arith.mulf %gather3A_286, %sub3A_107 : vector<16xf32>
      %add3A_352 = arith.addf %get3A_64, %mul3A_351 : vector<16xf32>
      %add3A_353 = arith.addf %add3A_350, %add3A_352 : vector<16xf32>
      %swap3A_354 = arith.index_cast %add3A_290 : i32 to index
      %swap3A_355 = arith.constant 48 : index
      %swap3A_356 = tpu.vector_load %arg10[%swap3A_354, %swap3A_355] {strides = array<i32>} : memref<256x128xf32, #tpu.memory_space<vmem>>, vector<1x16xf32>,
      %swap3A_357 = vector.shape_cast %swap3A_356 : vector<1x16xf32> to vector<16xf32>
      %swap3A_358 = vector.shape_cast %add3A_353 : vector<16xf32> to vector<1x16xf32>
      tpu.vector_store %arg10[%swap3A_354, %swap3A_355], %swap3A_358 {strides = array<i32>} : memref<256x128xf32, #tpu.memory_space<vmem>>, vector<1x16xf32>,
      %get3A_359 = arith.index_cast %add3A_290 : i32 to index
      %get3A_360 = arith.constant 64 : index
      %get3A_361 = tpu.vector_load %arg10[%get3A_359, %get3A_360] {strides = array<i32>} : memref<256x128xf32, #tpu.memory_space<vmem>>, vector<1x16xf32>,
      %get3A_362 = vector.shape_cast %get3A_361 : vector<1x16xf32> to vector<16xf32>
      %get3A_363 = arith.index_cast %add3A_290 : i32 to index
      %get3A_364 = arith.constant 64 : index
      %get3A_365 = tpu.vector_load %arg11[%get3A_363, %get3A_364] {strides = array<i32>} : memref<256x128xf32, #tpu.memory_space<vmem>>, vector<1x16xf32>,
      %get3A_366 = vector.shape_cast %get3A_365 : vector<1x16xf32> to vector<16xf32>
      %add3A_367 = arith.addf %get3A_362, %get3A_366 : vector<16xf32>
      %mul3A_368 = arith.mulf %gather3A_286, %sub3A_113 : vector<16xf32>
      %add3A_369 = arith.addf %get3A_69, %mul3A_368 : vector<16xf32>
      %add3A_370 = arith.addf %add3A_367, %add3A_369 : vector<16xf32>
      %swap3A_371 = arith.index_cast %add3A_290 : i32 to index
      %swap3A_372 = arith.constant 64 : index
      %swap3A_373 = tpu.vector_load %arg10[%swap3A_371, %swap3A_372] {strides = array<i32>} : memref<256x128xf32, #tpu.memory_space<vmem>>, vector<1x16xf32>,
      %swap3A_374 = vector.shape_cast %swap3A_373 : vector<1x16xf32> to vector<16xf32>
      %swap3A_375 = vector.shape_cast %add3A_370 : vector<16xf32> to vector<1x16xf32>
      tpu.vector_store %arg10[%swap3A_371, %swap3A_372], %swap3A_375 {strides = array<i32>} : memref<256x128xf32, #tpu.memory_space<vmem>>, vector<1x16xf32>,
      %get3A_376 = arith.index_cast %add3A_290 : i32 to index
      %get3A_377 = arith.constant 80 : index
      %get3A_378 = tpu.vector_load %arg10[%get3A_376, %get3A_377] {strides = array<i32>} : memref<256x128xf32, #tpu.memory_space<vmem>>, vector<1x16xf32>,
      %get3A_379 = vector.shape_cast %get3A_378 : vector<1x16xf32> to vector<16xf32>
      %get3A_380 = arith.index_cast %add3A_290 : i32 to index
      %get3A_381 = arith.constant 80 : index
      %get3A_382 = tpu.vector_load %arg11[%get3A_380, %get3A_381] {strides = array<i32>} : memref<256x128xf32, #tpu.memory_space<vmem>>, vector<1x16xf32>,
      %get3A_383 = vector.shape_cast %get3A_382 : vector<1x16xf32> to vector<16xf32>
      %add3A_384 = arith.addf %get3A_379, %get3A_383 : vector<16xf32>
      %mul3A_385 = arith.mulf %gather3A_286, %sub3A_119 : vector<16xf32>
      %add3A_386 = arith.addf %get3A_74, %mul3A_385 : vector<16xf32>
      %add3A_387 = arith.addf %add3A_384, %add3A_386 : vector<16xf32>
      %swap3A_388 = arith.index_cast %add3A_290 : i32 to index
      %swap3A_389 = arith.constant 80 : index
      %swap3A_390 = tpu.vector_load %arg10[%swap3A_388, %swap3A_389] {strides = array<i32>} : memref<256x128xf32, #tpu.memory_space<vmem>>, vector<1x16xf32>,
      %swap3A_391 = vector.shape_cast %swap3A_390 : vector<1x16xf32> to vector<16xf32>
      %swap3A_392 = vector.shape_cast %add3A_387 : vector<16xf32> to vector<1x16xf32>
      tpu.vector_store %arg10[%swap3A_388, %swap3A_389], %swap3A_392 {strides = array<i32>} : memref<256x128xf32, #tpu.memory_space<vmem>>, vector<1x16xf32>,
      %get3A_393 = arith.index_cast %add3A_290 : i32 to index
      %get3A_394 = arith.constant 96 : index
      %get3A_395 = tpu.vector_load %arg10[%get3A_393, %get3A_394] {strides = array<i32>} : memref<256x128xf32, #tpu.memory_space<vmem>>, vector<1x16xf32>,
      %get3A_396 = vector.shape_cast %get3A_395 : vector<1x16xf32> to vector<16xf32>
      %get3A_397 = arith.index_cast %add3A_290 : i32 to index
      %get3A_398 = arith.constant 96 : index
      %get3A_399 = tpu.vector_load %arg11[%get3A_397, %get3A_398] {strides = array<i32>} : memref<256x128xf32, #tpu.memory_space<vmem>>, vector<1x16xf32>,
      %get3A_400 = vector.shape_cast %get3A_399 : vector<1x16xf32> to vector<16xf32>
      %add3A_401 = arith.addf %get3A_396, %get3A_400 : vector<16xf32>
      %mul3A_402 = arith.mulf %gather3A_286, %sub3A_125 : vector<16xf32>
      %add3A_403 = arith.addf %get3A_79, %mul3A_402 : vector<16xf32>
      %add3A_404 = arith.addf %add3A_401, %add3A_403 : vector<16xf32>
      %swap3A_405 = arith.index_cast %add3A_290 : i32 to index
      %swap3A_406 = arith.constant 96 : index
      %swap3A_407 = tpu.vector_load %arg10[%swap3A_405, %swap3A_406] {strides = array<i32>} : memref<256x128xf32, #tpu.memory_space<vmem>>, vector<1x16xf32>,
      %swap3A_408 = vector.shape_cast %swap3A_407 : vector<1x16xf32> to vector<16xf32>
      %swap3A_409 = vector.shape_cast %add3A_404 : vector<16xf32> to vector<1x16xf32>
      tpu.vector_store %arg10[%swap3A_405, %swap3A_406], %swap3A_409 {strides = array<i32>} : memref<256x128xf32, #tpu.memory_space<vmem>>, vector<1x16xf32>,
      %get3A_410 = arith.index_cast %add3A_290 : i32 to index
      %get3A_411 = arith.constant 112 : index
      %get3A_412 = tpu.vector_load %arg10[%get3A_410, %get3A_411] {strides = array<i32>} : memref<256x128xf32, #tpu.memory_space<vmem>>, vector<1x16xf32>,
      %get3A_413 = vector.shape_cast %get3A_412 : vector<1x16xf32> to vector<16xf32>
      %get3A_414 = arith.index_cast %add3A_290 : i32 to index
      %get3A_415 = arith.constant 112 : index
      %get3A_416 = tpu.vector_load %arg11[%get3A_414, %get3A_415] {strides = array<i32>} : memref<256x128xf32, #tpu.memory_space<vmem>>, vector<1x16xf32>,
      %get3A_417 = vector.shape_cast %get3A_416 : vector<1x16xf32> to vector<16xf32>
      %add3A_418 = arith.addf %get3A_413, %get3A_417 : vector<16xf32>
      %mul3A_419 = arith.mulf %gather3A_286, %sub3A_131 : vector<16xf32>
      %add3A_420 = arith.addf %get3A_84, %mul3A_419 : vector<16xf32>
      %add3A_421 = arith.addf %add3A_418, %add3A_420 : vector<16xf32>
      %swap3A_422 = arith.index_cast %add3A_290 : i32 to index
      %swap3A_423 = arith.constant 112 : index
      %swap3A_424 = tpu.vector_load %arg10[%swap3A_422, %swap3A_423] {strides = array<i32>} : memref<256x128xf32, #tpu.memory_space<vmem>>, vector<1x16xf32>,
      %swap3A_425 = vector.shape_cast %swap3A_424 : vector<1x16xf32> to vector<16xf32>
      %swap3A_426 = vector.shape_cast %add3A_421 : vector<16xf32> to vector<1x16xf32>
      tpu.vector_store %arg10[%swap3A_422, %swap3A_423], %swap3A_426 {strides = array<i32>} : memref<256x128xf32, #tpu.memory_space<vmem>>, vector<1x16xf32>,
      %broadcast_in_dim3A_427 = arith.constant 2 : i32
      %broadcast_in_dim3A_428 = vector.broadcast %broadcast_in_dim3A_427 : i32 to vector<16x1xi32>
      %gather3A_429 = vector.shape_cast %broadcast_in_dim3A_428 : vector<16x1xi32> to vector<16xi32>
      %gather3A_430 = tpu.dynamic_gather %convert_element_type3A[%gather3A_429] in [0] : vector<16xf32>, vector<16xi32> -> vector<16xf32>
      %mul3A_431 = arith.constant 16 : i32
      %mul3A_432 = arith.muli %scan3A_137, %mul3A_431 : i32
      %add3A_433 = arith.constant 2 : i32
      %add3A_434 = arith.addi %mul3A_432, %add3A_433 : i32
      %get3A_435 = arith.index_cast %add3A_434 : i32 to index
      %get3A_436 = arith.constant 0 : index
      %get3A_437 = tpu.vector_load %arg10[%get3A_435, %get3A_436] {strides = array<i32>} : memref<256x128xf32, #tpu.memory_space<vmem>>, vector<1x16xf32>,
      %get3A_438 = vector.shape_cast %get3A_437 : vector<1x16xf32> to vector<16xf32>
      %get3A_439 = arith.index_cast %add3A_434 : i32 to index
      %get3A_440 = arith.constant 0 : index
      %get3A_441 = tpu.vector_load %arg11[%get3A_439, %get3A_440] {strides = array<i32>} : memref<256x128xf32, #tpu.memory_space<vmem>>, vector<1x16xf32>,
      %get3A_442 = vector.shape_cast %get3A_441 : vector<1x16xf32> to vector<16xf32>
      %add3A_443 = arith.addf %get3A_438, %get3A_442 : vector<16xf32>
      %mul3A_444 = arith.mulf %gather3A_430, %sub3A : vector<16xf32>
      %add3A_445 = arith.addf %get3A_49, %mul3A_444 : vector<16xf32>
      %add3A_446 = arith.addf %add3A_443, %add3A_445 : vector<16xf32>
      %swap3A_447 = arith.index_cast %add3A_434 : i32 to index
      %swap3A_448 = arith.constant 0 : index
      %swap3A_449 = tpu.vector_load %arg10[%swap3A_447, %swap3A_448] {strides = array<i32>} : memref<256x128xf32, #tpu.memory_space<vmem>>, vector<1x16xf32>,
      %swap3A_450 = vector.shape_cast %swap3A_449 : vector<1x16xf32> to vector<16xf32>
      %swap3A_451 = vector.shape_cast %add3A_446 : vector<16xf32> to vector<1x16xf32>
      tpu.vector_store %arg10[%swap3A_447, %swap3A_448], %swap3A_451 {strides = array<i32>} : memref<256x128xf32, #tpu.memory_space<vmem>>, vector<1x16xf32>,
      %get3A_452 = arith.index_cast %add3A_434 : i32 to index
      %get3A_453 = arith.constant 16 : index
      %get3A_454 = tpu.vector_load %arg10[%get3A_452, %get3A_453] {strides = array<i32>} : memref<256x128xf32, #tpu.memory_space<vmem>>, vector<1x16xf32>,
      %get3A_455 = vector.shape_cast %get3A_454 : vector<1x16xf32> to vector<16xf32>
      %get3A_456 = arith.index_cast %add3A_434 : i32 to index
      %get3A_457 = arith.constant 16 : index
      %get3A_458 = tpu.vector_load %arg11[%get3A_456, %get3A_457] {strides = array<i32>} : memref<256x128xf32, #tpu.memory_space<vmem>>, vector<1x16xf32>,
      %get3A_459 = vector.shape_cast %get3A_458 : vector<1x16xf32> to vector<16xf32>
      %add3A_460 = arith.addf %get3A_455, %get3A_459 : vector<16xf32>
      %mul3A_461 = arith.mulf %gather3A_430, %sub3A_95 : vector<16xf32>
      %add3A_462 = arith.addf %get3A_54, %mul3A_461 : vector<16xf32>
      %add3A_463 = arith.addf %add3A_460, %add3A_462 : vector<16xf32>
      %swap3A_464 = arith.index_cast %add3A_434 : i32 to index
      %swap3A_465 = arith.constant 16 : index
      %swap3A_466 = tpu.vector_load %arg10[%swap3A_464, %swap3A_465] {strides = array<i32>} : memref<256x128xf32, #tpu.memory_space<vmem>>, vector<1x16xf32>,
      %swap3A_467 = vector.shape_cast %swap3A_466 : vector<1x16xf32> to vector<16xf32>
      %swap3A_468 = vector.shape_cast %add3A_463 : vector<16xf32> to vector<1x16xf32>
      tpu.vector_store %arg10[%swap3A_464, %swap3A_465], %swap3A_468 {strides = array<i32>} : memref<256x128xf32, #tpu.memory_space<vmem>>, vector<1x16xf32>,
      %get3A_469 = arith.index_cast %add3A_434 : i32 to index
      %get3A_470 = arith.constant 32 : index
      %get3A_471 = tpu.vector_load %arg10[%get3A_469, %get3A_470] {strides = array<i32>} : memref<256x128xf32, #tpu.memory_space<vmem>>, vector<1x16xf32>,
      %get3A_472 = vector.shape_cast %get3A_471 : vector<1x16xf32> to vector<16xf32>
      %get3A_473 = arith.index_cast %add3A_434 : i32 to index
      %get3A_474 = arith.constant 32 : index
      %get3A_475 = tpu.vector_load %arg11[%get3A_473, %get3A_474] {strides = array<i32>} : memref<256x128xf32, #tpu.memory_space<vmem>>, vector<1x16xf32>,
      %get3A_476 = vector.shape_cast %get3A_475 : vector<1x16xf32> to vector<16xf32>
      %add3A_477 = arith.addf %get3A_472, %get3A_476 : vector<16xf32>
      %mul3A_478 = arith.mulf %gather3A_430, %sub3A_101 : vector<16xf32>
      %add3A_479 = arith.addf %get3A_59, %mul3A_478 : vector<16xf32>
      %add3A_480 = arith.addf %add3A_477, %add3A_479 : vector<16xf32>
      %swap3A_481 = arith.index_cast %add3A_434 : i32 to index
      %swap3A_482 = arith.constant 32 : index
      %swap3A_483 = tpu.vector_load %arg10[%swap3A_481, %swap3A_482] {strides = array<i32>} : memref<256x128xf32, #tpu.memory_space<vmem>>, vector<1x16xf32>,
      %swap3A_484 = vector.shape_cast %swap3A_483 : vector<1x16xf32> to vector<16xf32>
      %swap3A_485 = vector.shape_cast %add3A_480 : vector<16xf32> to vector<1x16xf32>
      tpu.vector_store %arg10[%swap3A_481, %swap3A_482], %swap3A_485 {strides = array<i32>} : memref<256x128xf32, #tpu.memory_space<vmem>>, vector<1x16xf32>,
      %get3A_486 = arith.index_cast %add3A_434 : i32 to index
      %get3A_487 = arith.constant 48 : index
      %get3A_488 = tpu.vector_load %arg10[%get3A_486, %get3A_487] {strides = array<i32>} : memref<256x128xf32, #tpu.memory_space<vmem>>, vector<1x16xf32>,
      %get3A_489 = vector.shape_cast %get3A_488 : vector<1x16xf32> to vector<16xf32>
      %get3A_490 = arith.index_cast %add3A_434 : i32 to index
      %get3A_491 = arith.constant 48 : index
      %get3A_492 = tpu.vector_load %arg11[%get3A_490, %get3A_491] {strides = array<i32>} : memref<256x128xf32, #tpu.memory_space<vmem>>, vector<1x16xf32>,
      %get3A_493 = vector.shape_cast %get3A_492 : vector<1x16xf32> to vector<16xf32>
      %add3A_494 = arith.addf %get3A_489, %get3A_493 : vector<16xf32>
      %mul3A_495 = arith.mulf %gather3A_430, %sub3A_107 : vector<16xf32>
      %add3A_496 = arith.addf %get3A_64, %mul3A_495 : vector<16xf32>
      %add3A_497 = arith.addf %add3A_494, %add3A_496 : vector<16xf32>
      %swap3A_498 = arith.index_cast %add3A_434 : i32 to index
      %swap3A_499 = arith.constant 48 : index
      %swap3A_500 = tpu.vector_load %arg10[%swap3A_498, %swap3A_499] {strides = array<i32>} : memref<256x128xf32, #tpu.memory_space<vmem>>, vector<1x16xf32>,
      %swap3A_501 = vector.shape_cast %swap3A_500 : vector<1x16xf32> to vector<16xf32>
      %swap3A_502 = vector.shape_cast %add3A_497 : vector<16xf32> to vector<1x16xf32>
      tpu.vector_store %arg10[%swap3A_498, %swap3A_499], %swap3A_502 {strides = array<i32>} : memref<256x128xf32, #tpu.memory_space<vmem>>, vector<1x16xf32>,
      %get3A_503 = arith.index_cast %add3A_434 : i32 to index
      %get3A_504 = arith.constant 64 : index
      %get3A_505 = tpu.vector_load %arg10[%get3A_503, %get3A_504] {strides = array<i32>} : memref<256x128xf32, #tpu.memory_space<vmem>>, vector<1x16xf32>,
      %get3A_506 = vector.shape_cast %get3A_505 : vector<1x16xf32> to vector<16xf32>
      %get3A_507 = arith.index_cast %add3A_434 : i32 to index
      %get3A_508 = arith.constant 64 : index
      %get3A_509 = tpu.vector_load %arg11[%get3A_507, %get3A_508] {strides = array<i32>} : memref<256x128xf32, #tpu.memory_space<vmem>>, vector<1x16xf32>,
      %get3A_510 = vector.shape_cast %get3A_509 : vector<1x16xf32> to vector<16xf32>
      %add3A_511 = arith.addf %get3A_506, %get3A_510 : vector<16xf32>
      %mul3A_512 = arith.mulf %gather3A_430, %sub3A_113 : vector<16xf32>
      %add3A_513 = arith.addf %get3A_69, %mul3A_512 : vector<16xf32>
      %add3A_514 = arith.addf %add3A_511, %add3A_513 : vector<16xf32>
      %swap3A_515 = arith.index_cast %add3A_434 : i32 to index
      %swap3A_516 = arith.constant 64 : index
      %swap3A_517 = tpu.vector_load %arg10[%swap3A_515, %swap3A_516] {strides = array<i32>} : memref<256x128xf32, #tpu.memory_space<vmem>>, vector<1x16xf32>,
      %swap3A_518 = vector.shape_cast %swap3A_517 : vector<1x16xf32> to vector<16xf32>
      %swap3A_519 = vector.shape_cast %add3A_514 : vector<16xf32> to vector<1x16xf32>
      tpu.vector_store %arg10[%swap3A_515, %swap3A_516], %swap3A_519 {strides = array<i32>} : memref<256x128xf32, #tpu.memory_space<vmem>>, vector<1x16xf32>,
      %get3A_520 = arith.index_cast %add3A_434 : i32 to index
      %get3A_521 = arith.constant 80 : index
      %get3A_522 = tpu.vector_load %arg10[%get3A_520, %get3A_521] {strides = array<i32>} : memref<256x128xf32, #tpu.memory_space<vmem>>, vector<1x16xf32>,
      %get3A_523 = vector.shape_cast %get3A_522 : vector<1x16xf32> to vector<16xf32>
      %get3A_524 = arith.index_cast %add3A_434 : i32 to index
      %get3A_525 = arith.constant 80 : index
      %get3A_526 = tpu.vector_load %arg11[%get3A_524, %get3A_525] {strides = array<i32>} : memref<256x128xf32, #tpu.memory_space<vmem>>, vector<1x16xf32>,
      %get3A_527 = vector.shape_cast %get3A_526 : vector<1x16xf32> to vector<16xf32>
      %add3A_528 = arith.addf %get3A_523, %get3A_527 : vector<16xf32>
      %mul3A_529 = arith.mulf %gather3A_430, %sub3A_119 : vector<16xf32>
      %add3A_530 = arith.addf %get3A_74, %mul3A_529 : vector<16xf32>
      %add3A_531 = arith.addf %add3A_528, %add3A_530 : vector<16xf32>
      %swap3A_532 = arith.index_cast %add3A_434 : i32 to index
      %swap3A_533 = arith.constant 80 : index
      %swap3A_534 = tpu.vector_load %arg10[%swap3A_532, %swap3A_533] {strides = array<i32>} : memref<256x128xf32, #tpu.memory_space<vmem>>, vector<1x16xf32>,
      %swap3A_535 = vector.shape_cast %swap3A_534 : vector<1x16xf32> to vector<16xf32>
      %swap3A_536 = vector.shape_cast %add3A_531 : vector<16xf32> to vector<1x16xf32>
      tpu.vector_store %arg10[%swap3A_532, %swap3A_533], %swap3A_536 {strides = array<i32>} : memref<256x128xf32, #tpu.memory_space<vmem>>, vector<1x16xf32>,
      %get3A_537 = arith.index_cast %add3A_434 : i32 to index
      %get3A_538 = arith.constant 96 : index
      %get3A_539 = tpu.vector_load %arg10[%get3A_537, %get3A_538] {strides = array<i32>} : memref<256x128xf32, #tpu.memory_space<vmem>>, vector<1x16xf32>,
      %get3A_540 = vector.shape_cast %get3A_539 : vector<1x16xf32> to vector<16xf32>
      %get3A_541 = arith.index_cast %add3A_434 : i32 to index
      %get3A_542 = arith.constant 96 : index
      %get3A_543 = tpu.vector_load %arg11[%get3A_541, %get3A_542] {strides = array<i32>} : memref<256x128xf32, #tpu.memory_space<vmem>>, vector<1x16xf32>,
      %get3A_544 = vector.shape_cast %get3A_543 : vector<1x16xf32> to vector<16xf32>
      %add3A_545 = arith.addf %get3A_540, %get3A_544 : vector<16xf32>
      %mul3A_546 = arith.mulf %gather3A_430, %sub3A_125 : vector<16xf32>
      %add3A_547 = arith.addf %get3A_79, %mul3A_546 : vector<16xf32>
      %add3A_548 = arith.addf %add3A_545, %add3A_547 : vector<16xf32>
      %swap3A_549 = arith.index_cast %add3A_434 : i32 to index
      %swap3A_550 = arith.constant 96 : index
      %swap3A_551 = tpu.vector_load %arg10[%swap3A_549, %swap3A_550] {strides = array<i32>} : memref<256x128xf32, #tpu.memory_space<vmem>>, vector<1x16xf32>,
      %swap3A_552 = vector.shape_cast %swap3A_551 : vector<1x16xf32> to vector<16xf32>
      %swap3A_553 = vector.shape_cast %add3A_548 : vector<16xf32> to vector<1x16xf32>
      tpu.vector_store %arg10[%swap3A_549, %swap3A_550], %swap3A_553 {strides = array<i32>} : memref<256x128xf32, #tpu.memory_space<vmem>>, vector<1x16xf32>,
      %get3A_554 = arith.index_cast %add3A_434 : i32 to index
      %get3A_555 = arith.constant 112 : index
      %get3A_556 = tpu.vector_load %arg10[%get3A_554, %get3A_555] {strides = array<i32>} : memref<256x128xf32, #tpu.memory_space<vmem>>, vector<1x16xf32>,
      %get3A_557 = vector.shape_cast %get3A_556 : vector<1x16xf32> to vector<16xf32>
      %get3A_558 = arith.index_cast %add3A_434 : i32 to index
      %get3A_559 = arith.constant 112 : index
      %get3A_560 = tpu.vector_load %arg11[%get3A_558, %get3A_559] {strides = array<i32>} : memref<256x128xf32, #tpu.memory_space<vmem>>, vector<1x16xf32>,
      %get3A_561 = vector.shape_cast %get3A_560 : vector<1x16xf32> to vector<16xf32>
      %add3A_562 = arith.addf %get3A_557, %get3A_561 : vector<16xf32>
      %mul3A_563 = arith.mulf %gather3A_430, %sub3A_131 : vector<16xf32>
      %add3A_564 = arith.addf %get3A_84, %mul3A_563 : vector<16xf32>
      %add3A_565 = arith.addf %add3A_562, %add3A_564 : vector<16xf32>
      %swap3A_566 = arith.index_cast %add3A_434 : i32 to index
      %swap3A_567 = arith.constant 112 : index
      %swap3A_568 = tpu.vector_load %arg10[%swap3A_566, %swap3A_567] {strides = array<i32>} : memref<256x128xf32, #tpu.memory_space<vmem>>, vector<1x16xf32>,
      %swap3A_569 = vector.shape_cast %swap3A_568 : vector<1x16xf32> to vector<16xf32>
      %swap3A_570 = vector.shape_cast %add3A_565 : vector<16xf32> to vector<1x16xf32>
      tpu.vector_store %arg10[%swap3A_566, %swap3A_567], %swap3A_570 {strides = array<i32>} : memref<256x128xf32, #tpu.memory_space<vmem>>, vector<1x16xf32>,
      %broadcast_in_dim3A_571 = arith.constant 3 : i32
      %broadcast_in_dim3A_572 = vector.broadcast %broadcast_in_dim3A_571 : i32 to vector<16x1xi32>
      %gather3A_573 = vector.shape_cast %broadcast_in_dim3A_572 : vector<16x1xi32> to vector<16xi32>
      %gather3A_574 = tpu.dynamic_gather %convert_element_type3A[%gather3A_573] in [0] : vector<16xf32>, vector<16xi32> -> vector<16xf32>
      %mul3A_575 = arith.constant 16 : i32
      %mul3A_576 = arith.muli %scan3A_137, %mul3A_575 : i32
      %add3A_577 = arith.constant 3 : i32
      %add3A_578 = arith.addi %mul3A_576, %add3A_577 : i32
      %get3A_579 = arith.index_cast %add3A_578 : i32 to index
      %get3A_580 = arith.constant 0 : index
      %get3A_581 = tpu.vector_load %arg10[%get3A_579, %get3A_580] {strides = array<i32>} : memref<256x128xf32, #tpu.memory_space<vmem>>, vector<1x16xf32>,
      %get3A_582 = vector.shape_cast %get3A_581 : vector<1x16xf32> to vector<16xf32>
      %get3A_583 = arith.index_cast %add3A_578 : i32 to index
      %get3A_584 = arith.constant 0 : index
      %get3A_585 = tpu.vector_load %arg11[%get3A_583, %get3A_584] {strides = array<i32>} : memref<256x128xf32, #tpu.memory_space<vmem>>, vector<1x16xf32>,
      %get3A_586 = vector.shape_cast %get3A_585 : vector<1x16xf32> to vector<16xf32>
      %add3A_587 = arith.addf %get3A_582, %get3A_586 : vector<16xf32>
      %mul3A_588 = arith.mulf %gather3A_574, %sub3A : vector<16xf32>
      %add3A_589 = arith.addf %get3A_49, %mul3A_588 : vector<16xf32>
      %add3A_590 = arith.addf %add3A_587, %add3A_589 : vector<16xf32>
      %swap3A_591 = arith.index_cast %add3A_578 : i32 to index
      %swap3A_592 = arith.constant 0 : index
      %swap3A_593 = tpu.vector_load %arg10[%swap3A_591, %swap3A_592] {strides = array<i32>} : memref<256x128xf32, #tpu.memory_space<vmem>>, vector<1x16xf32>,
      %swap3A_594 = vector.shape_cast %swap3A_593 : vector<1x16xf32> to vector<16xf32>
      %swap3A_595 = vector.shape_cast %add3A_590 : vector<16xf32> to vector<1x16xf32>
      tpu.vector_store %arg10[%swap3A_591, %swap3A_592], %swap3A_595 {strides = array<i32>} : memref<256x128xf32, #tpu.memory_space<vmem>>, vector<1x16xf32>,
      %get3A_596 = arith.index_cast %add3A_578 : i32 to index
      %get3A_597 = arith.constant 16 : index
      %get3A_598 = tpu.vector_load %arg10[%get3A_596, %get3A_597] {strides = array<i32>} : memref<256x128xf32, #tpu.memory_space<vmem>>, vector<1x16xf32>,
      %get3A_599 = vector.shape_cast %get3A_598 : vector<1x16xf32> to vector<16xf32>
      %get3A_600 = arith.index_cast %add3A_578 : i32 to index
      %get3A_601 = arith.constant 16 : index
      %get3A_602 = tpu.vector_load %arg11[%get3A_600, %get3A_601] {strides = array<i32>} : memref<256x128xf32, #tpu.memory_space<vmem>>, vector<1x16xf32>,
      %get3A_603 = vector.shape_cast %get3A_602 : vector<1x16xf32> to vector<16xf32>
      %add3A_604 = arith.addf %get3A_599, %get3A_603 : vector<16xf32>
      %mul3A_605 = arith.mulf %gather3A_574, %sub3A_95 : vector<16xf32>
      %add3A_606 = arith.addf %get3A_54, %mul3A_605 : vector<16xf32>
      %add3A_607 = arith.addf %add3A_604, %add3A_606 : vector<16xf32>
      %swap3A_608 = arith.index_cast %add3A_578 : i32 to index
      %swap3A_609 = arith.constant 16 : index
      %swap3A_610 = tpu.vector_load %arg10[%swap3A_608, %swap3A_609] {strides = array<i32>} : memref<256x128xf32, #tpu.memory_space<vmem>>, vector<1x16xf32>,
      %swap3A_611 = vector.shape_cast %swap3A_610 : vector<1x16xf32> to vector<16xf32>
      %swap3A_612 = vector.shape_cast %add3A_607 : vector<16xf32> to vector<1x16xf32>
      tpu.vector_store %arg10[%swap3A_608, %swap3A_609], %swap3A_612 {strides = array<i32>} : memref<256x128xf32, #tpu.memory_space<vmem>>, vector<1x16xf32>,
      %get3A_613 = arith.index_cast %add3A_578 : i32 to index
      %get3A_614 = arith.constant 32 : index
      %get3A_615 = tpu.vector_load %arg10[%get3A_613, %get3A_614] {strides = array<i32>} : memref<256x128xf32, #tpu.memory_space<vmem>>, vector<1x16xf32>,
      %get3A_616 = vector.shape_cast %get3A_615 : vector<1x16xf32> to vector<16xf32>
      %get3A_617 = arith.index_cast %add3A_578 : i32 to index
      %get3A_618 = arith.constant 32 : index
      %get3A_619 = tpu.vector_load %arg11[%get3A_617, %get3A_618] {strides = array<i32>} : memref<256x128xf32, #tpu.memory_space<vmem>>, vector<1x16xf32>,
      %get3A_620 = vector.shape_cast %get3A_619 : vector<1x16xf32> to vector<16xf32>
      %add3A_621 = arith.addf %get3A_616, %get3A_620 : vector<16xf32>
      %mul3A_622 = arith.mulf %gather3A_574, %sub3A_101 : vector<16xf32>
      %add3A_623 = arith.addf %get3A_59, %mul3A_622 : vector<16xf32>
      %add3A_624 = arith.addf %add3A_621, %add3A_623 : vector<16xf32>
      %swap3A_625 = arith.index_cast %add3A_578 : i32 to index
      %swap3A_626 = arith.constant 32 : index
      %swap3A_627 = tpu.vector_load %arg10[%swap3A_625, %swap3A_626] {strides = array<i32>} : memref<256x128xf32, #tpu.memory_space<vmem>>, vector<1x16xf32>,
      %swap3A_628 = vector.shape_cast %swap3A_627 : vector<1x16xf32> to vector<16xf32>
      %swap3A_629 = vector.shape_cast %add3A_624 : vector<16xf32> to vector<1x16xf32>
      tpu.vector_store %arg10[%swap3A_625, %swap3A_626], %swap3A_629 {strides = array<i32>} : memref<256x128xf32, #tpu.memory_space<vmem>>, vector<1x16xf32>,
      %get3A_630 = arith.index_cast %add3A_578 : i32 to index
      %get3A_631 = arith.constant 48 : index
      %get3A_632 = tpu.vector_load %arg10[%get3A_630, %get3A_631] {strides = array<i32>} : memref<256x128xf32, #tpu.memory_space<vmem>>, vector<1x16xf32>,
      %get3A_633 = vector.shape_cast %get3A_632 : vector<1x16xf32> to vector<16xf32>
      %get3A_634 = arith.index_cast %add3A_578 : i32 to index
      %get3A_635 = arith.constant 48 : index
      %get3A_636 = tpu.vector_load %arg11[%get3A_634, %get3A_635] {strides = array<i32>} : memref<256x128xf32, #tpu.memory_space<vmem>>, vector<1x16xf32>,
      %get3A_637 = vector.shape_cast %get3A_636 : vector<1x16xf32> to vector<16xf32>
      %add3A_638 = arith.addf %get3A_633, %get3A_637 : vector<16xf32>
      %mul3A_639 = arith.mulf %gather3A_574, %sub3A_107 : vector<16xf32>
      %add3A_640 = arith.addf %get3A_64, %mul3A_639 : vector<16xf32>
      %add3A_641 = arith.addf %add3A_638, %add3A_640 : vector<16xf32>
      %swap3A_642 = arith.index_cast %add3A_578 : i32 to index
      %swap3A_643 = arith.constant 48 : index
      %swap3A_644 = tpu.vector_load %arg10[%swap3A_642, %swap3A_643] {strides = array<i32>} : memref<256x128xf32, #tpu.memory_space<vmem>>, vector<1x16xf32>,
      %swap3A_645 = vector.shape_cast %swap3A_644 : vector<1x16xf32> to vector<16xf32>
      %swap3A_646 = vector.shape_cast %add3A_641 : vector<16xf32> to vector<1x16xf32>
      tpu.vector_store %arg10[%swap3A_642, %swap3A_643], %swap3A_646 {strides = array<i32>} : memref<256x128xf32, #tpu.memory_space<vmem>>, vector<1x16xf32>,
      %get3A_647 = arith.index_cast %add3A_578 : i32 to index
      %get3A_648 = arith.constant 64 : index
      %get3A_649 = tpu.vector_load %arg10[%get3A_647, %get3A_648] {strides = array<i32>} : memref<256x128xf32, #tpu.memory_space<vmem>>, vector<1x16xf32>,
      %get3A_650 = vector.shape_cast %get3A_649 : vector<1x16xf32> to vector<16xf32>
      %get3A_651 = arith.index_cast %add3A_578 : i32 to index
      %get3A_652 = arith.constant 64 : index
      %get3A_653 = tpu.vector_load %arg11[%get3A_651, %get3A_652] {strides = array<i32>} : memref<256x128xf32, #tpu.memory_space<vmem>>, vector<1x16xf32>,
      %get3A_654 = vector.shape_cast %get3A_653 : vector<1x16xf32> to vector<16xf32>
      %add3A_655 = arith.addf %get3A_650, %get3A_654 : vector<16xf32>
      %mul3A_656 = arith.mulf %gather3A_574, %sub3A_113 : vector<16xf32>
      %add3A_657 = arith.addf %get3A_69, %mul3A_656 : vector<16xf32>
      %add3A_658 = arith.addf %add3A_655, %add3A_657 : vector<16xf32>
      %swap3A_659 = arith.index_cast %add3A_578 : i32 to index
      %swap3A_660 = arith.constant 64 : index
      %swap3A_661 = tpu.vector_load %arg10[%swap3A_659, %swap3A_660] {strides = array<i32>} : memref<256x128xf32, #tpu.memory_space<vmem>>, vector<1x16xf32>,
      %swap3A_662 = vector.shape_cast %swap3A_661 : vector<1x16xf32> to vector<16xf32>
      %swap3A_663 = vector.shape_cast %add3A_658 : vector<16xf32> to vector<1x16xf32>
      tpu.vector_store %arg10[%swap3A_659, %swap3A_660], %swap3A_663 {strides = array<i32>} : memref<256x128xf32, #tpu.memory_space<vmem>>, vector<1x16xf32>,
      %get3A_664 = arith.index_cast %add3A_578 : i32 to index
      %get3A_665 = arith.constant 80 : index
      %get3A_666 = tpu.vector_load %arg10[%get3A_664, %get3A_665] {strides = array<i32>} : memref<256x128xf32, #tpu.memory_space<vmem>>, vector<1x16xf32>,
      %get3A_667 = vector.shape_cast %get3A_666 : vector<1x16xf32> to vector<16xf32>
      %get3A_668 = arith.index_cast %add3A_578 : i32 to index
      %get3A_669 = arith.constant 80 : index
      %get3A_670 = tpu.vector_load %arg11[%get3A_668, %get3A_669] {strides = array<i32>} : memref<256x128xf32, #tpu.memory_space<vmem>>, vector<1x16xf32>,
      %get3A_671 = vector.shape_cast %get3A_670 : vector<1x16xf32> to vector<16xf32>
      %add3A_672 = arith.addf %get3A_667, %get3A_671 : vector<16xf32>
      %mul3A_673 = arith.mulf %gather3A_574, %sub3A_119 : vector<16xf32>
      %add3A_674 = arith.addf %get3A_74, %mul3A_673 : vector<16xf32>
      %add3A_675 = arith.addf %add3A_672, %add3A_674 : vector<16xf32>
      %swap3A_676 = arith.index_cast %add3A_578 : i32 to index
      %swap3A_677 = arith.constant 80 : index
      %swap3A_678 = tpu.vector_load %arg10[%swap3A_676, %swap3A_677] {strides = array<i32>} : memref<256x128xf32, #tpu.memory_space<vmem>>, vector<1x16xf32>,
      %swap3A_679 = vector.shape_cast %swap3A_678 : vector<1x16xf32> to vector<16xf32>
      %swap3A_680 = vector.shape_cast %add3A_675 : vector<16xf32> to vector<1x16xf32>
      tpu.vector_store %arg10[%swap3A_676, %swap3A_677], %swap3A_680 {strides = array<i32>} : memref<256x128xf32, #tpu.memory_space<vmem>>, vector<1x16xf32>,
      %get3A_681 = arith.index_cast %add3A_578 : i32 to index
      %get3A_682 = arith.constant 96 : index
      %get3A_683 = tpu.vector_load %arg10[%get3A_681, %get3A_682] {strides = array<i32>} : memref<256x128xf32, #tpu.memory_space<vmem>>, vector<1x16xf32>,
      %get3A_684 = vector.shape_cast %get3A_683 : vector<1x16xf32> to vector<16xf32>
      %get3A_685 = arith.index_cast %add3A_578 : i32 to index
      %get3A_686 = arith.constant 96 : index
      %get3A_687 = tpu.vector_load %arg11[%get3A_685, %get3A_686] {strides = array<i32>} : memref<256x128xf32, #tpu.memory_space<vmem>>, vector<1x16xf32>,
      %get3A_688 = vector.shape_cast %get3A_687 : vector<1x16xf32> to vector<16xf32>
      %add3A_689 = arith.addf %get3A_684, %get3A_688 : vector<16xf32>
      %mul3A_690 = arith.mulf %gather3A_574, %sub3A_125 : vector<16xf32>
      %add3A_691 = arith.addf %get3A_79, %mul3A_690 : vector<16xf32>
      %add3A_692 = arith.addf %add3A_689, %add3A_691 : vector<16xf32>
      %swap3A_693 = arith.index_cast %add3A_578 : i32 to index
      %swap3A_694 = arith.constant 96 : index
      %swap3A_695 = tpu.vector_load %arg10[%swap3A_693, %swap3A_694] {strides = array<i32>} : memref<256x128xf32, #tpu.memory_space<vmem>>, vector<1x16xf32>,
      %swap3A_696 = vector.shape_cast %swap3A_695 : vector<1x16xf32> to vector<16xf32>
      %swap3A_697 = vector.shape_cast %add3A_692 : vector<16xf32> to vector<1x16xf32>
      tpu.vector_store %arg10[%swap3A_693, %swap3A_694], %swap3A_697 {strides = array<i32>} : memref<256x128xf32, #tpu.memory_space<vmem>>, vector<1x16xf32>,
      %get3A_698 = arith.index_cast %add3A_578 : i32 to index
      %get3A_699 = arith.constant 112 : index
      %get3A_700 = tpu.vector_load %arg10[%get3A_698, %get3A_699] {strides = array<i32>} : memref<256x128xf32, #tpu.memory_space<vmem>>, vector<1x16xf32>,
      %get3A_701 = vector.shape_cast %get3A_700 : vector<1x16xf32> to vector<16xf32>
      %get3A_702 = arith.index_cast %add3A_578 : i32 to index
      %get3A_703 = arith.constant 112 : index
      %get3A_704 = tpu.vector_load %arg11[%get3A_702, %get3A_703] {strides = array<i32>} : memref<256x128xf32, #tpu.memory_space<vmem>>, vector<1x16xf32>,
      %get3A_705 = vector.shape_cast %get3A_704 : vector<1x16xf32> to vector<16xf32>
      %add3A_706 = arith.addf %get3A_701, %get3A_705 : vector<16xf32>
      %mul3A_707 = arith.mulf %gather3A_574, %sub3A_131 : vector<16xf32>
      %add3A_708 = arith.addf %get3A_84, %mul3A_707 : vector<16xf32>
      %add3A_709 = arith.addf %add3A_706, %add3A_708 : vector<16xf32>
      %swap3A_710 = arith.index_cast %add3A_578 : i32 to index
      %swap3A_711 = arith.constant 112 : index
      %swap3A_712 = tpu.vector_load %arg10[%swap3A_710, %swap3A_711] {strides = array<i32>} : memref<256x128xf32, #tpu.memory_space<vmem>>, vector<1x16xf32>,
      %swap3A_713 = vector.shape_cast %swap3A_712 : vector<1x16xf32> to vector<16xf32>
      %swap3A_714 = vector.shape_cast %add3A_709 : vector<16xf32> to vector<1x16xf32>
      tpu.vector_store %arg10[%swap3A_710, %swap3A_711], %swap3A_714 {strides = array<i32>} : memref<256x128xf32, #tpu.memory_space<vmem>>, vector<1x16xf32>,
      %broadcast_in_dim3A_715 = arith.constant 4 : i32
      %broadcast_in_dim3A_716 = vector.broadcast %broadcast_in_dim3A_715 : i32 to vector<16x1xi32>
      %gather3A_717 = vector.shape_cast %broadcast_in_dim3A_716 : vector<16x1xi32> to vector<16xi32>
      %gather3A_718 = tpu.dynamic_gather %convert_element_type3A[%gather3A_717] in [0] : vector<16xf32>, vector<16xi32> -> vector<16xf32>
      %mul3A_719 = arith.constant 16 : i32
      %mul3A_720 = arith.muli %scan3A_137, %mul3A_719 : i32
      %add3A_721 = arith.constant 4 : i32
      %add3A_722 = arith.addi %mul3A_720, %add3A_721 : i32
      %get3A_723 = arith.index_cast %add3A_722 : i32 to index
      %get3A_724 = arith.constant 0 : index
      %get3A_725 = tpu.vector_load %arg10[%get3A_723, %get3A_724] {strides = array<i32>} : memref<256x128xf32, #tpu.memory_space<vmem>>, vector<1x16xf32>,
      %get3A_726 = vector.shape_cast %get3A_725 : vector<1x16xf32> to vector<16xf32>
      %get3A_727 = arith.index_cast %add3A_722 : i32 to index
      %get3A_728 = arith.constant 0 : index
      %get3A_729 = tpu.vector_load %arg11[%get3A_727, %get3A_728] {strides = array<i32>} : memref<256x128xf32, #tpu.memory_space<vmem>>, vector<1x16xf32>,
      %get3A_730 = vector.shape_cast %get3A_729 : vector<1x16xf32> to vector<16xf32>
      %add3A_731 = arith.addf %get3A_726, %get3A_730 : vector<16xf32>
      %mul3A_732 = arith.mulf %gather3A_718, %sub3A : vector<16xf32>
      %add3A_733 = arith.addf %get3A_49, %mul3A_732 : vector<16xf32>
      %add3A_734 = arith.addf %add3A_731, %add3A_733 : vector<16xf32>
      %swap3A_735 = arith.index_cast %add3A_722 : i32 to index
      %swap3A_736 = arith.constant 0 : index
      %swap3A_737 = tpu.vector_load %arg10[%swap3A_735, %swap3A_736] {strides = array<i32>} : memref<256x128xf32, #tpu.memory_space<vmem>>, vector<1x16xf32>,
      %swap3A_738 = vector.shape_cast %swap3A_737 : vector<1x16xf32> to vector<16xf32>
      %swap3A_739 = vector.shape_cast %add3A_734 : vector<16xf32> to vector<1x16xf32>
      tpu.vector_store %arg10[%swap3A_735, %swap3A_736], %swap3A_739 {strides = array<i32>} : memref<256x128xf32, #tpu.memory_space<vmem>>, vector<1x16xf32>,
      %get3A_740 = arith.index_cast %add3A_722 : i32 to index
      %get3A_741 = arith.constant 16 : index
      %get3A_742 = tpu.vector_load %arg10[%get3A_740, %get3A_741] {strides = array<i32>} : memref<256x128xf32, #tpu.memory_space<vmem>>, vector<1x16xf32>,
      %get3A_743 = vector.shape_cast %get3A_742 : vector<1x16xf32> to vector<16xf32>
      %get3A_744 = arith.index_cast %add3A_722 : i32 to index
      %get3A_745 = arith.constant 16 : index
      %get3A_746 = tpu.vector_load %arg11[%get3A_744, %get3A_745] {strides = array<i32>} : memref<256x128xf32, #tpu.memory_space<vmem>>, vector<1x16xf32>,
      %get3A_747 = vector.shape_cast %get3A_746 : vector<1x16xf32> to vector<16xf32>
      %add3A_748 = arith.addf %get3A_743, %get3A_747 : vector<16xf32>
      %mul3A_749 = arith.mulf %gather3A_718, %sub3A_95 : vector<16xf32>
      %add3A_750 = arith.addf %get3A_54, %mul3A_749 : vector<16xf32>
      %add3A_751 = arith.addf %add3A_748, %add3A_750 : vector<16xf32>
      %swap3A_752 = arith.index_cast %add3A_722 : i32 to index
      %swap3A_753 = arith.constant 16 : index
      %swap3A_754 = tpu.vector_load %arg10[%swap3A_752, %swap3A_753] {strides = array<i32>} : memref<256x128xf32, #tpu.memory_space<vmem>>, vector<1x16xf32>,
      %swap3A_755 = vector.shape_cast %swap3A_754 : vector<1x16xf32> to vector<16xf32>
      %swap3A_756 = vector.shape_cast %add3A_751 : vector<16xf32> to vector<1x16xf32>
      tpu.vector_store %arg10[%swap3A_752, %swap3A_753], %swap3A_756 {strides = array<i32>} : memref<256x128xf32, #tpu.memory_space<vmem>>, vector<1x16xf32>,
      %get3A_757 = arith.index_cast %add3A_722 : i32 to index
      %get3A_758 = arith.constant 32 : index
      %get3A_759 = tpu.vector_load %arg10[%get3A_757, %get3A_758] {strides = array<i32>} : memref<256x128xf32, #tpu.memory_space<vmem>>, vector<1x16xf32>,
      %get3A_760 = vector.shape_cast %get3A_759 : vector<1x16xf32> to vector<16xf32>
      %get3A_761 = arith.index_cast %add3A_722 : i32 to index
      %get3A_762 = arith.constant 32 : index
      %get3A_763 = tpu.vector_load %arg11[%get3A_761, %get3A_762] {strides = array<i32>} : memref<256x128xf32, #tpu.memory_space<vmem>>, vector<1x16xf32>,
      %get3A_764 = vector.shape_cast %get3A_763 : vector<1x16xf32> to vector<16xf32>
      %add3A_765 = arith.addf %get3A_760, %get3A_764 : vector<16xf32>
      %mul3A_766 = arith.mulf %gather3A_718, %sub3A_101 : vector<16xf32>
      %add3A_767 = arith.addf %get3A_59, %mul3A_766 : vector<16xf32>
      %add3A_768 = arith.addf %add3A_765, %add3A_767 : vector<16xf32>
      %swap3A_769 = arith.index_cast %add3A_722 : i32 to index
      %swap3A_770 = arith.constant 32 : index
      %swap3A_771 = tpu.vector_load %arg10[%swap3A_769, %swap3A_770] {strides = array<i32>} : memref<256x128xf32, #tpu.memory_space<vmem>>, vector<1x16xf32>,
      %swap3A_772 = vector.shape_cast %swap3A_771 : vector<1x16xf32> to vector<16xf32>
      %swap3A_773 = vector.shape_cast %add3A_768 : vector<16xf32> to vector<1x16xf32>
      tpu.vector_store %arg10[%swap3A_769, %swap3A_770], %swap3A_773 {strides = array<i32>} : memref<256x128xf32, #tpu.memory_space<vmem>>, vector<1x16xf32>,
      %get3A_774 = arith.index_cast %add3A_722 : i32 to index
      %get3A_775 = arith.constant 48 : index
      %get3A_776 = tpu.vector_load %arg10[%get3A_774, %get3A_775] {strides = array<i32>} : memref<256x128xf32, #tpu.memory_space<vmem>>, vector<1x16xf32>,
      %get3A_777 = vector.shape_cast %get3A_776 : vector<1x16xf32> to vector<16xf32>
      %get3A_778 = arith.index_cast %add3A_722 : i32 to index
      %get3A_779 = arith.constant 48 : index
      %get3A_780 = tpu.vector_load %arg11[%get3A_778, %get3A_779] {strides = array<i32>} : memref<256x128xf32, #tpu.memory_space<vmem>>, vector<1x16xf32>,
      %get3A_781 = vector.shape_cast %get3A_780 : vector<1x16xf32> to vector<16xf32>
      %add3A_782 = arith.addf %get3A_777, %get3A_781 : vector<16xf32>
      %mul3A_783 = arith.mulf %gather3A_718, %sub3A_107 : vector<16xf32>
      %add3A_784 = arith.addf %get3A_64, %mul3A_783 : vector<16xf32>
      %add3A_785 = arith.addf %add3A_782, %add3A_784 : vector<16xf32>
      %swap3A_786 = arith.index_cast %add3A_722 : i32 to index
      %swap3A_787 = arith.constant 48 : index
      %swap3A_788 = tpu.vector_load %arg10[%swap3A_786, %swap3A_787] {strides = array<i32>} : memref<256x128xf32, #tpu.memory_space<vmem>>, vector<1x16xf32>,
      %swap3A_789 = vector.shape_cast %swap3A_788 : vector<1x16xf32> to vector<16xf32>
      %swap3A_790 = vector.shape_cast %add3A_785 : vector<16xf32> to vector<1x16xf32>
      tpu.vector_store %arg10[%swap3A_786, %swap3A_787], %swap3A_790 {strides = array<i32>} : memref<256x128xf32, #tpu.memory_space<vmem>>, vector<1x16xf32>,
      %get3A_791 = arith.index_cast %add3A_722 : i32 to index
      %get3A_792 = arith.constant 64 : index
      %get3A_793 = tpu.vector_load %arg10[%get3A_791, %get3A_792] {strides = array<i32>} : memref<256x128xf32, #tpu.memory_space<vmem>>, vector<1x16xf32>,
      %get3A_794 = vector.shape_cast %get3A_793 : vector<1x16xf32> to vector<16xf32>
      %get3A_795 = arith.index_cast %add3A_722 : i32 to index
      %get3A_796 = arith.constant 64 : index
      %get3A_797 = tpu.vector_load %arg11[%get3A_795, %get3A_796] {strides = array<i32>} : memref<256x128xf32, #tpu.memory_space<vmem>>, vector<1x16xf32>,
      %get3A_798 = vector.shape_cast %get3A_797 : vector<1x16xf32> to vector<16xf32>
      %add3A_799 = arith.addf %get3A_794, %get3A_798 : vector<16xf32>
      %mul3A_800 = arith.mulf %gather3A_718, %sub3A_113 : vector<16xf32>
      %add3A_801 = arith.addf %get3A_69, %mul3A_800 : vector<16xf32>
      %add3A_802 = arith.addf %add3A_799, %add3A_801 : vector<16xf32>
      %swap3A_803 = arith.index_cast %add3A_722 : i32 to index
      %swap3A_804 = arith.constant 64 : index
      %swap3A_805 = tpu.vector_load %arg10[%swap3A_803, %swap3A_804] {strides = array<i32>} : memref<256x128xf32, #tpu.memory_space<vmem>>, vector<1x16xf32>,
      %swap3A_806 = vector.shape_cast %swap3A_805 : vector<1x16xf32> to vector<16xf32>
      %swap3A_807 = vector.shape_cast %add3A_802 : vector<16xf32> to vector<1x16xf32>
      tpu.vector_store %arg10[%swap3A_803, %swap3A_804], %swap3A_807 {strides = array<i32>} : memref<256x128xf32, #tpu.memory_space<vmem>>, vector<1x16xf32>,
      %get3A_808 = arith.index_cast %add3A_722 : i32 to index
      %get3A_809 = arith.constant 80 : index
      %get3A_810 = tpu.vector_load %arg10[%get3A_808, %get3A_809] {strides = array<i32>} : memref<256x128xf32, #tpu.memory_space<vmem>>, vector<1x16xf32>,
      %get3A_811 = vector.shape_cast %get3A_810 : vector<1x16xf32> to vector<16xf32>
      %get3A_812 = arith.index_cast %add3A_722 : i32 to index
      %get3A_813 = arith.constant 80 : index
      %get3A_814 = tpu.vector_load %arg11[%get3A_812, %get3A_813] {strides = array<i32>} : memref<256x128xf32, #tpu.memory_space<vmem>>, vector<1x16xf32>,
      %get3A_815 = vector.shape_cast %get3A_814 : vector<1x16xf32> to vector<16xf32>
      %add3A_816 = arith.addf %get3A_811, %get3A_815 : vector<16xf32>
      %mul3A_817 = arith.mulf %gather3A_718, %sub3A_119 : vector<16xf32>
      %add3A_818 = arith.addf %get3A_74, %mul3A_817 : vector<16xf32>
      %add3A_819 = arith.addf %add3A_816, %add3A_818 : vector<16xf32>
      %swap3A_820 = arith.index_cast %add3A_722 : i32 to index
      %swap3A_821 = arith.constant 80 : index
      %swap3A_822 = tpu.vector_load %arg10[%swap3A_820, %swap3A_821] {strides = array<i32>} : memref<256x128xf32, #tpu.memory_space<vmem>>, vector<1x16xf32>,
      %swap3A_823 = vector.shape_cast %swap3A_822 : vector<1x16xf32> to vector<16xf32>
      %swap3A_824 = vector.shape_cast %add3A_819 : vector<16xf32> to vector<1x16xf32>
      tpu.vector_store %arg10[%swap3A_820, %swap3A_821], %swap3A_824 {strides = array<i32>} : memref<256x128xf32, #tpu.memory_space<vmem>>, vector<1x16xf32>,
      %get3A_825 = arith.index_cast %add3A_722 : i32 to index
      %get3A_826 = arith.constant 96 : index
      %get3A_827 = tpu.vector_load %arg10[%get3A_825, %get3A_826] {strides = array<i32>} : memref<256x128xf32, #tpu.memory_space<vmem>>, vector<1x16xf32>,
      %get3A_828 = vector.shape_cast %get3A_827 : vector<1x16xf32> to vector<16xf32>
      %get3A_829 = arith.index_cast %add3A_722 : i32 to index
      %get3A_830 = arith.constant 96 : index
      %get3A_831 = tpu.vector_load %arg11[%get3A_829, %get3A_830] {strides = array<i32>} : memref<256x128xf32, #tpu.memory_space<vmem>>, vector<1x16xf32>,
      %get3A_832 = vector.shape_cast %get3A_831 : vector<1x16xf32> to vector<16xf32>
      %add3A_833 = arith.addf %get3A_828, %get3A_832 : vector<16xf32>
      %mul3A_834 = arith.mulf %gather3A_718, %sub3A_125 : vector<16xf32>
      %add3A_835 = arith.addf %get3A_79, %mul3A_834 : vector<16xf32>
      %add3A_836 = arith.addf %add3A_833, %add3A_835 : vector<16xf32>
      %swap3A_837 = arith.index_cast %add3A_722 : i32 to index
      %swap3A_838 = arith.constant 96 : index
      %swap3A_839 = tpu.vector_load %arg10[%swap3A_837, %swap3A_838] {strides = array<i32>} : memref<256x128xf32, #tpu.memory_space<vmem>>, vector<1x16xf32>,
      %swap3A_840 = vector.shape_cast %swap3A_839 : vector<1x16xf32> to vector<16xf32>
      %swap3A_841 = vector.shape_cast %add3A_836 : vector<16xf32> to vector<1x16xf32>
      tpu.vector_store %arg10[%swap3A_837, %swap3A_838], %swap3A_841 {strides = array<i32>} : memref<256x128xf32, #tpu.memory_space<vmem>>, vector<1x16xf32>,
      %get3A_842 = arith.index_cast %add3A_722 : i32 to index
      %get3A_843 = arith.constant 112 : index
      %get3A_844 = tpu.vector_load %arg10[%get3A_842, %get3A_843] {strides = array<i32>} : memref<256x128xf32, #tpu.memory_space<vmem>>, vector<1x16xf32>,
      %get3A_845 = vector.shape_cast %get3A_844 : vector<1x16xf32> to vector<16xf32>
      %get3A_846 = arith.index_cast %add3A_722 : i32 to index
      %get3A_847 = arith.constant 112 : index
      %get3A_848 = tpu.vector_load %arg11[%get3A_846, %get3A_847] {strides = array<i32>} : memref<256x128xf32, #tpu.memory_space<vmem>>, vector<1x16xf32>,
      %get3A_849 = vector.shape_cast %get3A_848 : vector<1x16xf32> to vector<16xf32>
      %add3A_850 = arith.addf %get3A_845, %get3A_849 : vector<16xf32>
      %mul3A_851 = arith.mulf %gather3A_718, %sub3A_131 : vector<16xf32>
      %add3A_852 = arith.addf %get3A_84, %mul3A_851 : vector<16xf32>
      %add3A_853 = arith.addf %add3A_850, %add3A_852 : vector<16xf32>
      %swap3A_854 = arith.index_cast %add3A_722 : i32 to index
      %swap3A_855 = arith.constant 112 : index
      %swap3A_856 = tpu.vector_load %arg10[%swap3A_854, %swap3A_855] {strides = array<i32>} : memref<256x128xf32, #tpu.memory_space<vmem>>, vector<1x16xf32>,
      %swap3A_857 = vector.shape_cast %swap3A_856 : vector<1x16xf32> to vector<16xf32>
      %swap3A_858 = vector.shape_cast %add3A_853 : vector<16xf32> to vector<1x16xf32>
      tpu.vector_store %arg10[%swap3A_854, %swap3A_855], %swap3A_858 {strides = array<i32>} : memref<256x128xf32, #tpu.memory_space<vmem>>, vector<1x16xf32>,
      %broadcast_in_dim3A_859 = arith.constant 5 : i32
      %broadcast_in_dim3A_860 = vector.broadcast %broadcast_in_dim3A_859 : i32 to vector<16x1xi32>
      %gather3A_861 = vector.shape_cast %broadcast_in_dim3A_860 : vector<16x1xi32> to vector<16xi32>
      %gather3A_862 = tpu.dynamic_gather %convert_element_type3A[%gather3A_861] in [0] : vector<16xf32>, vector<16xi32> -> vector<16xf32>
      %mul3A_863 = arith.constant 16 : i32
      %mul3A_864 = arith.muli %scan3A_137, %mul3A_863 : i32
      %add3A_865 = arith.constant 5 : i32
      %add3A_866 = arith.addi %mul3A_864, %add3A_865 : i32
      %get3A_867 = arith.index_cast %add3A_866 : i32 to index
      %get3A_868 = arith.constant 0 : index
      %get3A_869 = tpu.vector_load %arg10[%get3A_867, %get3A_868] {strides = array<i32>} : memref<256x128xf32, #tpu.memory_space<vmem>>, vector<1x16xf32>,
      %get3A_870 = vector.shape_cast %get3A_869 : vector<1x16xf32> to vector<16xf32>
      %get3A_871 = arith.index_cast %add3A_866 : i32 to index
      %get3A_872 = arith.constant 0 : index
      %get3A_873 = tpu.vector_load %arg11[%get3A_871, %get3A_872] {strides = array<i32>} : memref<256x128xf32, #tpu.memory_space<vmem>>, vector<1x16xf32>,
      %get3A_874 = vector.shape_cast %get3A_873 : vector<1x16xf32> to vector<16xf32>
      %add3A_875 = arith.addf %get3A_870, %get3A_874 : vector<16xf32>
      %mul3A_876 = arith.mulf %gather3A_862, %sub3A : vector<16xf32>
      %add3A_877 = arith.addf %get3A_49, %mul3A_876 : vector<16xf32>
      %add3A_878 = arith.addf %add3A_875, %add3A_877 : vector<16xf32>
      %swap3A_879 = arith.index_cast %add3A_866 : i32 to index
      %swap3A_880 = arith.constant 0 : index
      %swap3A_881 = tpu.vector_load %arg10[%swap3A_879, %swap3A_880] {strides = array<i32>} : memref<256x128xf32, #tpu.memory_space<vmem>>, vector<1x16xf32>,
      %swap3A_882 = vector.shape_cast %swap3A_881 : vector<1x16xf32> to vector<16xf32>
      %swap3A_883 = vector.shape_cast %add3A_878 : vector<16xf32> to vector<1x16xf32>
      tpu.vector_store %arg10[%swap3A_879, %swap3A_880], %swap3A_883 {strides = array<i32>} : memref<256x128xf32, #tpu.memory_space<vmem>>, vector<1x16xf32>,
      %get3A_884 = arith.index_cast %add3A_866 : i32 to index
      %get3A_885 = arith.constant 16 : index
      %get3A_886 = tpu.vector_load %arg10[%get3A_884, %get3A_885] {strides = array<i32>} : memref<256x128xf32, #tpu.memory_space<vmem>>, vector<1x16xf32>,
      %get3A_887 = vector.shape_cast %get3A_886 : vector<1x16xf32> to vector<16xf32>
      %get3A_888 = arith.index_cast %add3A_866 : i32 to index
      %get3A_889 = arith.constant 16 : index
      %get3A_890 = tpu.vector_load %arg11[%get3A_888, %get3A_889] {strides = array<i32>} : memref<256x128xf32, #tpu.memory_space<vmem>>, vector<1x16xf32>,
      %get3A_891 = vector.shape_cast %get3A_890 : vector<1x16xf32> to vector<16xf32>
      %add3A_892 = arith.addf %get3A_887, %get3A_891 : vector<16xf32>
      %mul3A_893 = arith.mulf %gather3A_862, %sub3A_95 : vector<16xf32>
      %add3A_894 = arith.addf %get3A_54, %mul3A_893 : vector<16xf32>
      %add3A_895 = arith.addf %add3A_892, %add3A_894 : vector<16xf32>
      %swap3A_896 = arith.index_cast %add3A_866 : i32 to index
      %swap3A_897 = arith.constant 16 : index
      %swap3A_898 = tpu.vector_load %arg10[%swap3A_896, %swap3A_897] {strides = array<i32>} : memref<256x128xf32, #tpu.memory_space<vmem>>, vector<1x16xf32>,
      %swap3A_899 = vector.shape_cast %swap3A_898 : vector<1x16xf32> to vector<16xf32>
      %swap3A_900 = vector.shape_cast %add3A_895 : vector<16xf32> to vector<1x16xf32>
      tpu.vector_store %arg10[%swap3A_896, %swap3A_897], %swap3A_900 {strides = array<i32>} : memref<256x128xf32, #tpu.memory_space<vmem>>, vector<1x16xf32>,
      %get3A_901 = arith.index_cast %add3A_866 : i32 to index
      %get3A_902 = arith.constant 32 : index
      %get3A_903 = tpu.vector_load %arg10[%get3A_901, %get3A_902] {strides = array<i32>} : memref<256x128xf32, #tpu.memory_space<vmem>>, vector<1x16xf32>,
      %get3A_904 = vector.shape_cast %get3A_903 : vector<1x16xf32> to vector<16xf32>
      %get3A_905 = arith.index_cast %add3A_866 : i32 to index
      %get3A_906 = arith.constant 32 : index
      %get3A_907 = tpu.vector_load %arg11[%get3A_905, %get3A_906] {strides = array<i32>} : memref<256x128xf32, #tpu.memory_space<vmem>>, vector<1x16xf32>,
      %get3A_908 = vector.shape_cast %get3A_907 : vector<1x16xf32> to vector<16xf32>
      %add3A_909 = arith.addf %get3A_904, %get3A_908 : vector<16xf32>
      %mul3A_910 = arith.mulf %gather3A_862, %sub3A_101 : vector<16xf32>
      %add3A_911 = arith.addf %get3A_59, %mul3A_910 : vector<16xf32>
      %add3A_912 = arith.addf %add3A_909, %add3A_911 : vector<16xf32>
      %swap3A_913 = arith.index_cast %add3A_866 : i32 to index
      %swap3A_914 = arith.constant 32 : index
      %swap3A_915 = tpu.vector_load %arg10[%swap3A_913, %swap3A_914] {strides = array<i32>} : memref<256x128xf32, #tpu.memory_space<vmem>>, vector<1x16xf32>,
      %swap3A_916 = vector.shape_cast %swap3A_915 : vector<1x16xf32> to vector<16xf32>
      %swap3A_917 = vector.shape_cast %add3A_912 : vector<16xf32> to vector<1x16xf32>
      tpu.vector_store %arg10[%swap3A_913, %swap3A_914], %swap3A_917 {strides = array<i32>} : memref<256x128xf32, #tpu.memory_space<vmem>>, vector<1x16xf32>,
      %get3A_918 = arith.index_cast %add3A_866 : i32 to index
      %get3A_919 = arith.constant 48 : index
      %get3A_920 = tpu.vector_load %arg10[%get3A_918, %get3A_919] {strides = array<i32>} : memref<256x128xf32, #tpu.memory_space<vmem>>, vector<1x16xf32>,
      %get3A_921 = vector.shape_cast %get3A_920 : vector<1x16xf32> to vector<16xf32>
      %get3A_922 = arith.index_cast %add3A_866 : i32 to index
      %get3A_923 = arith.constant 48 : index
      %get3A_924 = tpu.vector_load %arg11[%get3A_922, %get3A_923] {strides = array<i32>} : memref<256x128xf32, #tpu.memory_space<vmem>>, vector<1x16xf32>,
      %get3A_925 = vector.shape_cast %get3A_924 : vector<1x16xf32> to vector<16xf32>
      %add3A_926 = arith.addf %get3A_921, %get3A_925 : vector<16xf32>
      %mul3A_927 = arith.mulf %gather3A_862, %sub3A_107 : vector<16xf32>
      %add3A_928 = arith.addf %get3A_64, %mul3A_927 : vector<16xf32>
      %add3A_929 = arith.addf %add3A_926, %add3A_928 : vector<16xf32>
      %swap3A_930 = arith.index_cast %add3A_866 : i32 to index
      %swap3A_931 = arith.constant 48 : index
      %swap3A_932 = tpu.vector_load %arg10[%swap3A_930, %swap3A_931] {strides = array<i32>} : memref<256x128xf32, #tpu.memory_space<vmem>>, vector<1x16xf32>,
      %swap3A_933 = vector.shape_cast %swap3A_932 : vector<1x16xf32> to vector<16xf32>
      %swap3A_934 = vector.shape_cast %add3A_929 : vector<16xf32> to vector<1x16xf32>
      tpu.vector_store %arg10[%swap3A_930, %swap3A_931], %swap3A_934 {strides = array<i32>} : memref<256x128xf32, #tpu.memory_space<vmem>>, vector<1x16xf32>,
      %get3A_935 = arith.index_cast %add3A_866 : i32 to index
      %get3A_936 = arith.constant 64 : index
      %get3A_937 = tpu.vector_load %arg10[%get3A_935, %get3A_936] {strides = array<i32>} : memref<256x128xf32, #tpu.memory_space<vmem>>, vector<1x16xf32>,
      %get3A_938 = vector.shape_cast %get3A_937 : vector<1x16xf32> to vector<16xf32>
      %get3A_939 = arith.index_cast %add3A_866 : i32 to index
      %get3A_940 = arith.constant 64 : index
      %get3A_941 = tpu.vector_load %arg11[%get3A_939, %get3A_940] {strides = array<i32>} : memref<256x128xf32, #tpu.memory_space<vmem>>, vector<1x16xf32>,
      %get3A_942 = vector.shape_cast %get3A_941 : vector<1x16xf32> to vector<16xf32>
      %add3A_943 = arith.addf %get3A_938, %get3A_942 : vector<16xf32>
      %mul3A_944 = arith.mulf %gather3A_862, %sub3A_113 : vector<16xf32>
      %add3A_945 = arith.addf %get3A_69, %mul3A_944 : vector<16xf32>
      %add3A_946 = arith.addf %add3A_943, %add3A_945 : vector<16xf32>
      %swap3A_947 = arith.index_cast %add3A_866 : i32 to index
      %swap3A_948 = arith.constant 64 : index
      %swap3A_949 = tpu.vector_load %arg10[%swap3A_947, %swap3A_948] {strides = array<i32>} : memref<256x128xf32, #tpu.memory_space<vmem>>, vector<1x16xf32>,
      %swap3A_950 = vector.shape_cast %swap3A_949 : vector<1x16xf32> to vector<16xf32>
      %swap3A_951 = vector.shape_cast %add3A_946 : vector<16xf32> to vector<1x16xf32>
      tpu.vector_store %arg10[%swap3A_947, %swap3A_948], %swap3A_951 {strides = array<i32>} : memref<256x128xf32, #tpu.memory_space<vmem>>, vector<1x16xf32>,
      %get3A_952 = arith.index_cast %add3A_866 : i32 to index
      %get3A_953 = arith.constant 80 : index
      %get3A_954 = tpu.vector_load %arg10[%get3A_952, %get3A_953] {strides = array<i32>} : memref<256x128xf32, #tpu.memory_space<vmem>>, vector<1x16xf32>,
      %get3A_955 = vector.shape_cast %get3A_954 : vector<1x16xf32> to vector<16xf32>
      %get3A_956 = arith.index_cast %add3A_866 : i32 to index
      %get3A_957 = arith.constant 80 : index
      %get3A_958 = tpu.vector_load %arg11[%get3A_956, %get3A_957] {strides = array<i32>} : memref<256x128xf32, #tpu.memory_space<vmem>>, vector<1x16xf32>,
      %get3A_959 = vector.shape_cast %get3A_958 : vector<1x16xf32> to vector<16xf32>
      %add3A_960 = arith.addf %get3A_955, %get3A_959 : vector<16xf32>
      %mul3A_961 = arith.mulf %gather3A_862, %sub3A_119 : vector<16xf32>
      %add3A_962 = arith.addf %get3A_74, %mul3A_961 : vector<16xf32>
      %add3A_963 = arith.addf %add3A_960, %add3A_962 : vector<16xf32>
      %swap3A_964 = arith.index_cast %add3A_866 : i32 to index
      %swap3A_965 = arith.constant 80 : index
      %swap3A_966 = tpu.vector_load %arg10[%swap3A_964, %swap3A_965] {strides = array<i32>} : memref<256x128xf32, #tpu.memory_space<vmem>>, vector<1x16xf32>,
      %swap3A_967 = vector.shape_cast %swap3A_966 : vector<1x16xf32> to vector<16xf32>
      %swap3A_968 = vector.shape_cast %add3A_963 : vector<16xf32> to vector<1x16xf32>
      tpu.vector_store %arg10[%swap3A_964, %swap3A_965], %swap3A_968 {strides = array<i32>} : memref<256x128xf32, #tpu.memory_space<vmem>>, vector<1x16xf32>,
      %get3A_969 = arith.index_cast %add3A_866 : i32 to index
      %get3A_970 = arith.constant 96 : index
      %get3A_971 = tpu.vector_load %arg10[%get3A_969, %get3A_970] {strides = array<i32>} : memref<256x128xf32, #tpu.memory_space<vmem>>, vector<1x16xf32>,
      %get3A_972 = vector.shape_cast %get3A_971 : vector<1x16xf32> to vector<16xf32>
      %get3A_973 = arith.index_cast %add3A_866 : i32 to index
      %get3A_974 = arith.constant 96 : index
      %get3A_975 = tpu.vector_load %arg11[%get3A_973, %get3A_974] {strides = array<i32>} : memref<256x128xf32, #tpu.memory_space<vmem>>, vector<1x16xf32>,
      %get3A_976 = vector.shape_cast %get3A_975 : vector<1x16xf32> to vector<16xf32>
      %add3A_977 = arith.addf %get3A_972, %get3A_976 : vector<16xf32>
      %mul3A_978 = arith.mulf %gather3A_862, %sub3A_125 : vector<16xf32>
      %add3A_979 = arith.addf %get3A_79, %mul3A_978 : vector<16xf32>
      %add3A_980 = arith.addf %add3A_977, %add3A_979 : vector<16xf32>
      %swap3A_981 = arith.index_cast %add3A_866 : i32 to index
      %swap3A_982 = arith.constant 96 : index
      %swap3A_983 = tpu.vector_load %arg10[%swap3A_981, %swap3A_982] {strides = array<i32>} : memref<256x128xf32, #tpu.memory_space<vmem>>, vector<1x16xf32>,
      %swap3A_984 = vector.shape_cast %swap3A_983 : vector<1x16xf32> to vector<16xf32>
      %swap3A_985 = vector.shape_cast %add3A_980 : vector<16xf32> to vector<1x16xf32>
      tpu.vector_store %arg10[%swap3A_981, %swap3A_982], %swap3A_985 {strides = array<i32>} : memref<256x128xf32, #tpu.memory_space<vmem>>, vector<1x16xf32>,
      %get3A_986 = arith.index_cast %add3A_866 : i32 to index
      %get3A_987 = arith.constant 112 : index
      %get3A_988 = tpu.vector_load %arg10[%get3A_986, %get3A_987] {strides = array<i32>} : memref<256x128xf32, #tpu.memory_space<vmem>>, vector<1x16xf32>,
      %get3A_989 = vector.shape_cast %get3A_988 : vector<1x16xf32> to vector<16xf32>
      %get3A_990 = arith.index_cast %add3A_866 : i32 to index
      %get3A_991 = arith.constant 112 : index
      %get3A_992 = tpu.vector_load %arg11[%get3A_990, %get3A_991] {strides = array<i32>} : memref<256x128xf32, #tpu.memory_space<vmem>>, vector<1x16xf32>,
      %get3A_993 = vector.shape_cast %get3A_992 : vector<1x16xf32> to vector<16xf32>
      %add3A_994 = arith.addf %get3A_989, %get3A_993 : vector<16xf32>
      %mul3A_995 = arith.mulf %gather3A_862, %sub3A_131 : vector<16xf32>
      %add3A_996 = arith.addf %get3A_84, %mul3A_995 : vector<16xf32>
      %add3A_997 = arith.addf %add3A_994, %add3A_996 : vector<16xf32>
      %swap3A_998 = arith.index_cast %add3A_866 : i32 to index
      %swap3A_999 = arith.constant 112 : index
      %swap3A_1000 = tpu.vector_load %arg10[%swap3A_998, %swap3A_999] {strides = array<i32>} : memref<256x128xf32, #tpu.memory_space<vmem>>, vector<1x16xf32>,
      %swap3A_1001 = vector.shape_cast %swap3A_1000 : vector<1x16xf32> to vector<16xf32>
      %swap3A_1002 = vector.shape_cast %add3A_997 : vector<16xf32> to vector<1x16xf32>
      tpu.vector_store %arg10[%swap3A_998, %swap3A_999], %swap3A_1002 {strides = array<i32>} : memref<256x128xf32, #tpu.memory_space<vmem>>, vector<1x16xf32>,
      %broadcast_in_dim3A_1003 = arith.constant 6 : i32
      %broadcast_in_dim3A_1004 = vector.broadcast %broadcast_in_dim3A_1003 : i32 to vector<16x1xi32>
      %gather3A_1005 = vector.shape_cast %broadcast_in_dim3A_1004 : vector<16x1xi32> to vector<16xi32>
      %gather3A_1006 = tpu.dynamic_gather %convert_element_type3A[%gather3A_1005] in [0] : vector<16xf32>, vector<16xi32> -> vector<16xf32>
      %mul3A_1007 = arith.constant 16 : i32
      %mul3A_1008 = arith.muli %scan3A_137, %mul3A_1007 : i32
      %add3A_1009 = arith.constant 6 : i32
      %add3A_1010 = arith.addi %mul3A_1008, %add3A_1009 : i32
      %get3A_1011 = arith.index_cast %add3A_1010 : i32 to index
      %get3A_1012 = arith.constant 0 : index
      %get3A_1013 = tpu.vector_load %arg10[%get3A_1011, %get3A_1012] {strides = array<i32>} : memref<256x128xf32, #tpu.memory_space<vmem>>, vector<1x16xf32>,
      %get3A_1014 = vector.shape_cast %get3A_1013 : vector<1x16xf32> to vector<16xf32>
      %get3A_1015 = arith.index_cast %add3A_1010 : i32 to index
      %get3A_1016 = arith.constant 0 : index
      %get3A_1017 = tpu.vector_load %arg11[%get3A_1015, %get3A_1016] {strides = array<i32>} : memref<256x128xf32, #tpu.memory_space<vmem>>, vector<1x16xf32>,
      %get3A_1018 = vector.shape_cast %get3A_1017 : vector<1x16xf32> to vector<16xf32>
      %add3A_1019 = arith.addf %get3A_1014, %get3A_1018 : vector<16xf32>
      %mul3A_1020 = arith.mulf %gather3A_1006, %sub3A : vector<16xf32>
      %add3A_1021 = arith.addf %get3A_49, %mul3A_1020 : vector<16xf32>
      %add3A_1022 = arith.addf %add3A_1019, %add3A_1021 : vector<16xf32>
      %swap3A_1023 = arith.index_cast %add3A_1010 : i32 to index
      %swap3A_1024 = arith.constant 0 : index
      %swap3A_1025 = tpu.vector_load %arg10[%swap3A_1023, %swap3A_1024] {strides = array<i32>} : memref<256x128xf32, #tpu.memory_space<vmem>>, vector<1x16xf32>,
      %swap3A_1026 = vector.shape_cast %swap3A_1025 : vector<1x16xf32> to vector<16xf32>
      %swap3A_1027 = vector.shape_cast %add3A_1022 : vector<16xf32> to vector<1x16xf32>
      tpu.vector_store %arg10[%swap3A_1023, %swap3A_1024], %swap3A_1027 {strides = array<i32>} : memref<256x128xf32, #tpu.memory_space<vmem>>, vector<1x16xf32>,
      %get3A_1028 = arith.index_cast %add3A_1010 : i32 to index
      %get3A_1029 = arith.constant 16 : index
      %get3A_1030 = tpu.vector_load %arg10[%get3A_1028, %get3A_1029] {strides = array<i32>} : memref<256x128xf32, #tpu.memory_space<vmem>>, vector<1x16xf32>,
      %get3A_1031 = vector.shape_cast %get3A_1030 : vector<1x16xf32> to vector<16xf32>
      %get3A_1032 = arith.index_cast %add3A_1010 : i32 to index
      %get3A_1033 = arith.constant 16 : index
      %get3A_1034 = tpu.vector_load %arg11[%get3A_1032, %get3A_1033] {strides = array<i32>} : memref<256x128xf32, #tpu.memory_space<vmem>>, vector<1x16xf32>,
      %get3A_1035 = vector.shape_cast %get3A_1034 : vector<1x16xf32> to vector<16xf32>
      %add3A_1036 = arith.addf %get3A_1031, %get3A_1035 : vector<16xf32>
      %mul3A_1037 = arith.mulf %gather3A_1006, %sub3A_95 : vector<16xf32>
      %add3A_1038 = arith.addf %get3A_54, %mul3A_1037 : vector<16xf32>
      %add3A_1039 = arith.addf %add3A_1036, %add3A_1038 : vector<16xf32>
      %swap3A_1040 = arith.index_cast %add3A_1010 : i32 to index
      %swap3A_1041 = arith.constant 16 : index
      %swap3A_1042 = tpu.vector_load %arg10[%swap3A_1040, %swap3A_1041] {strides = array<i32>} : memref<256x128xf32, #tpu.memory_space<vmem>>, vector<1x16xf32>,
      %swap3A_1043 = vector.shape_cast %swap3A_1042 : vector<1x16xf32> to vector<16xf32>
      %swap3A_1044 = vector.shape_cast %add3A_1039 : vector<16xf32> to vector<1x16xf32>
      tpu.vector_store %arg10[%swap3A_1040, %swap3A_1041], %swap3A_1044 {strides = array<i32>} : memref<256x128xf32, #tpu.memory_space<vmem>>, vector<1x16xf32>,
      %get3A_1045 = arith.index_cast %add3A_1010 : i32 to index
      %get3A_1046 = arith.constant 32 : index
      %get3A_1047 = tpu.vector_load %arg10[%get3A_1045, %get3A_1046] {strides = array<i32>} : memref<256x128xf32, #tpu.memory_space<vmem>>, vector<1x16xf32>,
      %get3A_1048 = vector.shape_cast %get3A_1047 : vector<1x16xf32> to vector<16xf32>
      %get3A_1049 = arith.index_cast %add3A_1010 : i32 to index
      %get3A_1050 = arith.constant 32 : index
      %get3A_1051 = tpu.vector_load %arg11[%get3A_1049, %get3A_1050] {strides = array<i32>} : memref<256x128xf32, #tpu.memory_space<vmem>>, vector<1x16xf32>,
      %get3A_1052 = vector.shape_cast %get3A_1051 : vector<1x16xf32> to vector<16xf32>
      %add3A_1053 = arith.addf %get3A_1048, %get3A_1052 : vector<16xf32>
      %mul3A_1054 = arith.mulf %gather3A_1006, %sub3A_101 : vector<16xf32>
      %add3A_1055 = arith.addf %get3A_59, %mul3A_1054 : vector<16xf32>
      %add3A_1056 = arith.addf %add3A_1053, %add3A_1055 : vector<16xf32>
      %swap3A_1057 = arith.index_cast %add3A_1010 : i32 to index
      %swap3A_1058 = arith.constant 32 : index
      %swap3A_1059 = tpu.vector_load %arg10[%swap3A_1057, %swap3A_1058] {strides = array<i32>} : memref<256x128xf32, #tpu.memory_space<vmem>>, vector<1x16xf32>,
      %swap3A_1060 = vector.shape_cast %swap3A_1059 : vector<1x16xf32> to vector<16xf32>
      %swap3A_1061 = vector.shape_cast %add3A_1056 : vector<16xf32> to vector<1x16xf32>
      tpu.vector_store %arg10[%swap3A_1057, %swap3A_1058], %swap3A_1061 {strides = array<i32>} : memref<256x128xf32, #tpu.memory_space<vmem>>, vector<1x16xf32>,
      %get3A_1062 = arith.index_cast %add3A_1010 : i32 to index
      %get3A_1063 = arith.constant 48 : index
      %get3A_1064 = tpu.vector_load %arg10[%get3A_1062, %get3A_1063] {strides = array<i32>} : memref<256x128xf32, #tpu.memory_space<vmem>>, vector<1x16xf32>,
      %get3A_1065 = vector.shape_cast %get3A_1064 : vector<1x16xf32> to vector<16xf32>
      %get3A_1066 = arith.index_cast %add3A_1010 : i32 to index
      %get3A_1067 = arith.constant 48 : index
      %get3A_1068 = tpu.vector_load %arg11[%get3A_1066, %get3A_1067] {strides = array<i32>} : memref<256x128xf32, #tpu.memory_space<vmem>>, vector<1x16xf32>,
      %get3A_1069 = vector.shape_cast %get3A_1068 : vector<1x16xf32> to vector<16xf32>
      %add3A_1070 = arith.addf %get3A_1065, %get3A_1069 : vector<16xf32>
      %mul3A_1071 = arith.mulf %gather3A_1006, %sub3A_107 : vector<16xf32>
      %add3A_1072 = arith.addf %get3A_64, %mul3A_1071 : vector<16xf32>
      %add3A_1073 = arith.addf %add3A_1070, %add3A_1072 : vector<16xf32>
      %swap3A_1074 = arith.index_cast %add3A_1010 : i32 to index
      %swap3A_1075 = arith.constant 48 : index
      %swap3A_1076 = tpu.vector_load %arg10[%swap3A_1074, %swap3A_1075] {strides = array<i32>} : memref<256x128xf32, #tpu.memory_space<vmem>>, vector<1x16xf32>,
      %swap3A_1077 = vector.shape_cast %swap3A_1076 : vector<1x16xf32> to vector<16xf32>
      %swap3A_1078 = vector.shape_cast %add3A_1073 : vector<16xf32> to vector<1x16xf32>
      tpu.vector_store %arg10[%swap3A_1074, %swap3A_1075], %swap3A_1078 {strides = array<i32>} : memref<256x128xf32, #tpu.memory_space<vmem>>, vector<1x16xf32>,
      %get3A_1079 = arith.index_cast %add3A_1010 : i32 to index
      %get3A_1080 = arith.constant 64 : index
      %get3A_1081 = tpu.vector_load %arg10[%get3A_1079, %get3A_1080] {strides = array<i32>} : memref<256x128xf32, #tpu.memory_space<vmem>>, vector<1x16xf32>,
      %get3A_1082 = vector.shape_cast %get3A_1081 : vector<1x16xf32> to vector<16xf32>
      %get3A_1083 = arith.index_cast %add3A_1010 : i32 to index
      %get3A_1084 = arith.constant 64 : index
      %get3A_1085 = tpu.vector_load %arg11[%get3A_1083, %get3A_1084] {strides = array<i32>} : memref<256x128xf32, #tpu.memory_space<vmem>>, vector<1x16xf32>,
      %get3A_1086 = vector.shape_cast %get3A_1085 : vector<1x16xf32> to vector<16xf32>
      %add3A_1087 = arith.addf %get3A_1082, %get3A_1086 : vector<16xf32>
      %mul3A_1088 = arith.mulf %gather3A_1006, %sub3A_113 : vector<16xf32>
      %add3A_1089 = arith.addf %get3A_69, %mul3A_1088 : vector<16xf32>
      %add3A_1090 = arith.addf %add3A_1087, %add3A_1089 : vector<16xf32>
      %swap3A_1091 = arith.index_cast %add3A_1010 : i32 to index
      %swap3A_1092 = arith.constant 64 : index
      %swap3A_1093 = tpu.vector_load %arg10[%swap3A_1091, %swap3A_1092] {strides = array<i32>} : memref<256x128xf32, #tpu.memory_space<vmem>>, vector<1x16xf32>,
      %swap3A_1094 = vector.shape_cast %swap3A_1093 : vector<1x16xf32> to vector<16xf32>
      %swap3A_1095 = vector.shape_cast %add3A_1090 : vector<16xf32> to vector<1x16xf32>
      tpu.vector_store %arg10[%swap3A_1091, %swap3A_1092], %swap3A_1095 {strides = array<i32>} : memref<256x128xf32, #tpu.memory_space<vmem>>, vector<1x16xf32>,
      %get3A_1096 = arith.index_cast %add3A_1010 : i32 to index
      %get3A_1097 = arith.constant 80 : index
      %get3A_1098 = tpu.vector_load %arg10[%get3A_1096, %get3A_1097] {strides = array<i32>} : memref<256x128xf32, #tpu.memory_space<vmem>>, vector<1x16xf32>,
      %get3A_1099 = vector.shape_cast %get3A_1098 : vector<1x16xf32> to vector<16xf32>
      %get3A_1100 = arith.index_cast %add3A_1010 : i32 to index
      %get3A_1101 = arith.constant 80 : index
      %get3A_1102 = tpu.vector_load %arg11[%get3A_1100, %get3A_1101] {strides = array<i32>} : memref<256x128xf32, #tpu.memory_space<vmem>>, vector<1x16xf32>,
      %get3A_1103 = vector.shape_cast %get3A_1102 : vector<1x16xf32> to vector<16xf32>
      %add3A_1104 = arith.addf %get3A_1099, %get3A_1103 : vector<16xf32>
      %mul3A_1105 = arith.mulf %gather3A_1006, %sub3A_119 : vector<16xf32>
      %add3A_1106 = arith.addf %get3A_74, %mul3A_1105 : vector<16xf32>
      %add3A_1107 = arith.addf %add3A_1104, %add3A_1106 : vector<16xf32>
      %swap3A_1108 = arith.index_cast %add3A_1010 : i32 to index
      %swap3A_1109 = arith.constant 80 : index
      %swap3A_1110 = tpu.vector_load %arg10[%swap3A_1108, %swap3A_1109] {strides = array<i32>} : memref<256x128xf32, #tpu.memory_space<vmem>>, vector<1x16xf32>,
      %swap3A_1111 = vector.shape_cast %swap3A_1110 : vector<1x16xf32> to vector<16xf32>
      %swap3A_1112 = vector.shape_cast %add3A_1107 : vector<16xf32> to vector<1x16xf32>
      tpu.vector_store %arg10[%swap3A_1108, %swap3A_1109], %swap3A_1112 {strides = array<i32>} : memref<256x128xf32, #tpu.memory_space<vmem>>, vector<1x16xf32>,
      %get3A_1113 = arith.index_cast %add3A_1010 : i32 to index
      %get3A_1114 = arith.constant 96 : index
      %get3A_1115 = tpu.vector_load %arg10[%get3A_1113, %get3A_1114] {strides = array<i32>} : memref<256x128xf32, #tpu.memory_space<vmem>>, vector<1x16xf32>,
      %get3A_1116 = vector.shape_cast %get3A_1115 : vector<1x16xf32> to vector<16xf32>
      %get3A_1117 = arith.index_cast %add3A_1010 : i32 to index
      %get3A_1118 = arith.constant 96 : index
      %get3A_1119 = tpu.vector_load %arg11[%get3A_1117, %get3A_1118] {strides = array<i32>} : memref<256x128xf32, #tpu.memory_space<vmem>>, vector<1x16xf32>,
      %get3A_1120 = vector.shape_cast %get3A_1119 : vector<1x16xf32> to vector<16xf32>
      %add3A_1121 = arith.addf %get3A_1116, %get3A_1120 : vector<16xf32>
      %mul3A_1122 = arith.mulf %gather3A_1006, %sub3A_125 : vector<16xf32>
      %add3A_1123 = arith.addf %get3A_79, %mul3A_1122 : vector<16xf32>
      %add3A_1124 = arith.addf %add3A_1121, %add3A_1123 : vector<16xf32>
      %swap3A_1125 = arith.index_cast %add3A_1010 : i32 to index
      %swap3A_1126 = arith.constant 96 : index
      %swap3A_1127 = tpu.vector_load %arg10[%swap3A_1125, %swap3A_1126] {strides = array<i32>} : memref<256x128xf32, #tpu.memory_space<vmem>>, vector<1x16xf32>,
      %swap3A_1128 = vector.shape_cast %swap3A_1127 : vector<1x16xf32> to vector<16xf32>
      %swap3A_1129 = vector.shape_cast %add3A_1124 : vector<16xf32> to vector<1x16xf32>
      tpu.vector_store %arg10[%swap3A_1125, %swap3A_1126], %swap3A_1129 {strides = array<i32>} : memref<256x128xf32, #tpu.memory_space<vmem>>, vector<1x16xf32>,
      %get3A_1130 = arith.index_cast %add3A_1010 : i32 to index
      %get3A_1131 = arith.constant 112 : index
      %get3A_1132 = tpu.vector_load %arg10[%get3A_1130, %get3A_1131] {strides = array<i32>} : memref<256x128xf32, #tpu.memory_space<vmem>>, vector<1x16xf32>,
      %get3A_1133 = vector.shape_cast %get3A_1132 : vector<1x16xf32> to vector<16xf32>
      %get3A_1134 = arith.index_cast %add3A_1010 : i32 to index
      %get3A_1135 = arith.constant 112 : index
      %get3A_1136 = tpu.vector_load %arg11[%get3A_1134, %get3A_1135] {strides = array<i32>} : memref<256x128xf32, #tpu.memory_space<vmem>>, vector<1x16xf32>,
      %get3A_1137 = vector.shape_cast %get3A_1136 : vector<1x16xf32> to vector<16xf32>
      %add3A_1138 = arith.addf %get3A_1133, %get3A_1137 : vector<16xf32>
      %mul3A_1139 = arith.mulf %gather3A_1006, %sub3A_131 : vector<16xf32>
      %add3A_1140 = arith.addf %get3A_84, %mul3A_1139 : vector<16xf32>
      %add3A_1141 = arith.addf %add3A_1138, %add3A_1140 : vector<16xf32>
      %swap3A_1142 = arith.index_cast %add3A_1010 : i32 to index
      %swap3A_1143 = arith.constant 112 : index
      %swap3A_1144 = tpu.vector_load %arg10[%swap3A_1142, %swap3A_1143] {strides = array<i32>} : memref<256x128xf32, #tpu.memory_space<vmem>>, vector<1x16xf32>,
      %swap3A_1145 = vector.shape_cast %swap3A_1144 : vector<1x16xf32> to vector<16xf32>
      %swap3A_1146 = vector.shape_cast %add3A_1141 : vector<16xf32> to vector<1x16xf32>
      tpu.vector_store %arg10[%swap3A_1142, %swap3A_1143], %swap3A_1146 {strides = array<i32>} : memref<256x128xf32, #tpu.memory_space<vmem>>, vector<1x16xf32>,
      %broadcast_in_dim3A_1147 = arith.constant 7 : i32
      %broadcast_in_dim3A_1148 = vector.broadcast %broadcast_in_dim3A_1147 : i32 to vector<16x1xi32>
      %gather3A_1149 = vector.shape_cast %broadcast_in_dim3A_1148 : vector<16x1xi32> to vector<16xi32>
      %gather3A_1150 = tpu.dynamic_gather %convert_element_type3A[%gather3A_1149] in [0] : vector<16xf32>, vector<16xi32> -> vector<16xf32>
      %mul3A_1151 = arith.constant 16 : i32
      %mul3A_1152 = arith.muli %scan3A_137, %mul3A_1151 : i32
      %add3A_1153 = arith.constant 7 : i32
      %add3A_1154 = arith.addi %mul3A_1152, %add3A_1153 : i32
      %get3A_1155 = arith.index_cast %add3A_1154 : i32 to index
      %get3A_1156 = arith.constant 0 : index
      %get3A_1157 = tpu.vector_load %arg10[%get3A_1155, %get3A_1156] {strides = array<i32>} : memref<256x128xf32, #tpu.memory_space<vmem>>, vector<1x16xf32>,
      %get3A_1158 = vector.shape_cast %get3A_1157 : vector<1x16xf32> to vector<16xf32>
      %get3A_1159 = arith.index_cast %add3A_1154 : i32 to index
      %get3A_1160 = arith.constant 0 : index
      %get3A_1161 = tpu.vector_load %arg11[%get3A_1159, %get3A_1160] {strides = array<i32>} : memref<256x128xf32, #tpu.memory_space<vmem>>, vector<1x16xf32>,
      %get3A_1162 = vector.shape_cast %get3A_1161 : vector<1x16xf32> to vector<16xf32>
      %add3A_1163 = arith.addf %get3A_1158, %get3A_1162 : vector<16xf32>
      %mul3A_1164 = arith.mulf %gather3A_1150, %sub3A : vector<16xf32>
      %add3A_1165 = arith.addf %get3A_49, %mul3A_1164 : vector<16xf32>
      %add3A_1166 = arith.addf %add3A_1163, %add3A_1165 : vector<16xf32>
      %swap3A_1167 = arith.index_cast %add3A_1154 : i32 to index
      %swap3A_1168 = arith.constant 0 : index
      %swap3A_1169 = tpu.vector_load %arg10[%swap3A_1167, %swap3A_1168] {strides = array<i32>} : memref<256x128xf32, #tpu.memory_space<vmem>>, vector<1x16xf32>,
      %swap3A_1170 = vector.shape_cast %swap3A_1169 : vector<1x16xf32> to vector<16xf32>
      %swap3A_1171 = vector.shape_cast %add3A_1166 : vector<16xf32> to vector<1x16xf32>
      tpu.vector_store %arg10[%swap3A_1167, %swap3A_1168], %swap3A_1171 {strides = array<i32>} : memref<256x128xf32, #tpu.memory_space<vmem>>, vector<1x16xf32>,
      %get3A_1172 = arith.index_cast %add3A_1154 : i32 to index
      %get3A_1173 = arith.constant 16 : index
      %get3A_1174 = tpu.vector_load %arg10[%get3A_1172, %get3A_1173] {strides = array<i32>} : memref<256x128xf32, #tpu.memory_space<vmem>>, vector<1x16xf32>,
      %get3A_1175 = vector.shape_cast %get3A_1174 : vector<1x16xf32> to vector<16xf32>
      %get3A_1176 = arith.index_cast %add3A_1154 : i32 to index
      %get3A_1177 = arith.constant 16 : index
      %get3A_1178 = tpu.vector_load %arg11[%get3A_1176, %get3A_1177] {strides = array<i32>} : memref<256x128xf32, #tpu.memory_space<vmem>>, vector<1x16xf32>,
      %get3A_1179 = vector.shape_cast %get3A_1178 : vector<1x16xf32> to vector<16xf32>
      %add3A_1180 = arith.addf %get3A_1175, %get3A_1179 : vector<16xf32>
      %mul3A_1181 = arith.mulf %gather3A_1150, %sub3A_95 : vector<16xf32>
      %add3A_1182 = arith.addf %get3A_54, %mul3A_1181 : vector<16xf32>
      %add3A_1183 = arith.addf %add3A_1180, %add3A_1182 : vector<16xf32>
      %swap3A_1184 = arith.index_cast %add3A_1154 : i32 to index
      %swap3A_1185 = arith.constant 16 : index
      %swap3A_1186 = tpu.vector_load %arg10[%swap3A_1184, %swap3A_1185] {strides = array<i32>} : memref<256x128xf32, #tpu.memory_space<vmem>>, vector<1x16xf32>,
      %swap3A_1187 = vector.shape_cast %swap3A_1186 : vector<1x16xf32> to vector<16xf32>
      %swap3A_1188 = vector.shape_cast %add3A_1183 : vector<16xf32> to vector<1x16xf32>
      tpu.vector_store %arg10[%swap3A_1184, %swap3A_1185], %swap3A_1188 {strides = array<i32>} : memref<256x128xf32, #tpu.memory_space<vmem>>, vector<1x16xf32>,
      %get3A_1189 = arith.index_cast %add3A_1154 : i32 to index
      %get3A_1190 = arith.constant 32 : index
      %get3A_1191 = tpu.vector_load %arg10[%get3A_1189, %get3A_1190] {strides = array<i32>} : memref<256x128xf32, #tpu.memory_space<vmem>>, vector<1x16xf32>,
      %get3A_1192 = vector.shape_cast %get3A_1191 : vector<1x16xf32> to vector<16xf32>
      %get3A_1193 = arith.index_cast %add3A_1154 : i32 to index
      %get3A_1194 = arith.constant 32 : index
      %get3A_1195 = tpu.vector_load %arg11[%get3A_1193, %get3A_1194] {strides = array<i32>} : memref<256x128xf32, #tpu.memory_space<vmem>>, vector<1x16xf32>,
      %get3A_1196 = vector.shape_cast %get3A_1195 : vector<1x16xf32> to vector<16xf32>
      %add3A_1197 = arith.addf %get3A_1192, %get3A_1196 : vector<16xf32>
      %mul3A_1198 = arith.mulf %gather3A_1150, %sub3A_101 : vector<16xf32>
      %add3A_1199 = arith.addf %get3A_59, %mul3A_1198 : vector<16xf32>
      %add3A_1200 = arith.addf %add3A_1197, %add3A_1199 : vector<16xf32>
      %swap3A_1201 = arith.index_cast %add3A_1154 : i32 to index
      %swap3A_1202 = arith.constant 32 : index
      %swap3A_1203 = tpu.vector_load %arg10[%swap3A_1201, %swap3A_1202] {strides = array<i32>} : memref<256x128xf32, #tpu.memory_space<vmem>>, vector<1x16xf32>,
      %swap3A_1204 = vector.shape_cast %swap3A_1203 : vector<1x16xf32> to vector<16xf32>
      %swap3A_1205 = vector.shape_cast %add3A_1200 : vector<16xf32> to vector<1x16xf32>
      tpu.vector_store %arg10[%swap3A_1201, %swap3A_1202], %swap3A_1205 {strides = array<i32>} : memref<256x128xf32, #tpu.memory_space<vmem>>, vector<1x16xf32>,
      %get3A_1206 = arith.index_cast %add3A_1154 : i32 to index
      %get3A_1207 = arith.constant 48 : index
      %get3A_1208 = tpu.vector_load %arg10[%get3A_1206, %get3A_1207] {strides = array<i32>} : memref<256x128xf32, #tpu.memory_space<vmem>>, vector<1x16xf32>,
      %get3A_1209 = vector.shape_cast %get3A_1208 : vector<1x16xf32> to vector<16xf32>
      %get3A_1210 = arith.index_cast %add3A_1154 : i32 to index
      %get3A_1211 = arith.constant 48 : index
      %get3A_1212 = tpu.vector_load %arg11[%get3A_1210, %get3A_1211] {strides = array<i32>} : memref<256x128xf32, #tpu.memory_space<vmem>>, vector<1x16xf32>,
      %get3A_1213 = vector.shape_cast %get3A_1212 : vector<1x16xf32> to vector<16xf32>
      %add3A_1214 = arith.addf %get3A_1209, %get3A_1213 : vector<16xf32>
      %mul3A_1215 = arith.mulf %gather3A_1150, %sub3A_107 : vector<16xf32>
      %add3A_1216 = arith.addf %get3A_64, %mul3A_1215 : vector<16xf32>
      %add3A_1217 = arith.addf %add3A_1214, %add3A_1216 : vector<16xf32>
      %swap3A_1218 = arith.index_cast %add3A_1154 : i32 to index
      %swap3A_1219 = arith.constant 48 : index
      %swap3A_1220 = tpu.vector_load %arg10[%swap3A_1218, %swap3A_1219] {strides = array<i32>} : memref<256x128xf32, #tpu.memory_space<vmem>>, vector<1x16xf32>,
      %swap3A_1221 = vector.shape_cast %swap3A_1220 : vector<1x16xf32> to vector<16xf32>
      %swap3A_1222 = vector.shape_cast %add3A_1217 : vector<16xf32> to vector<1x16xf32>
      tpu.vector_store %arg10[%swap3A_1218, %swap3A_1219], %swap3A_1222 {strides = array<i32>} : memref<256x128xf32, #tpu.memory_space<vmem>>, vector<1x16xf32>,
      %get3A_1223 = arith.index_cast %add3A_1154 : i32 to index
      %get3A_1224 = arith.constant 64 : index
      %get3A_1225 = tpu.vector_load %arg10[%get3A_1223, %get3A_1224] {strides = array<i32>} : memref<256x128xf32, #tpu.memory_space<vmem>>, vector<1x16xf32>,
      %get3A_1226 = vector.shape_cast %get3A_1225 : vector<1x16xf32> to vector<16xf32>
      %get3A_1227 = arith.index_cast %add3A_1154 : i32 to index
      %get3A_1228 = arith.constant 64 : index
      %get3A_1229 = tpu.vector_load %arg11[%get3A_1227, %get3A_1228] {strides = array<i32>} : memref<256x128xf32, #tpu.memory_space<vmem>>, vector<1x16xf32>,
      %get3A_1230 = vector.shape_cast %get3A_1229 : vector<1x16xf32> to vector<16xf32>
      %add3A_1231 = arith.addf %get3A_1226, %get3A_1230 : vector<16xf32>
      %mul3A_1232 = arith.mulf %gather3A_1150, %sub3A_113 : vector<16xf32>
      %add3A_1233 = arith.addf %get3A_69, %mul3A_1232 : vector<16xf32>
      %add3A_1234 = arith.addf %add3A_1231, %add3A_1233 : vector<16xf32>
      %swap3A_1235 = arith.index_cast %add3A_1154 : i32 to index
      %swap3A_1236 = arith.constant 64 : index
      %swap3A_1237 = tpu.vector_load %arg10[%swap3A_1235, %swap3A_1236] {strides = array<i32>} : memref<256x128xf32, #tpu.memory_space<vmem>>, vector<1x16xf32>,
      %swap3A_1238 = vector.shape_cast %swap3A_1237 : vector<1x16xf32> to vector<16xf32>
      %swap3A_1239 = vector.shape_cast %add3A_1234 : vector<16xf32> to vector<1x16xf32>
      tpu.vector_store %arg10[%swap3A_1235, %swap3A_1236], %swap3A_1239 {strides = array<i32>} : memref<256x128xf32, #tpu.memory_space<vmem>>, vector<1x16xf32>,
      %get3A_1240 = arith.index_cast %add3A_1154 : i32 to index
      %get3A_1241 = arith.constant 80 : index
      %get3A_1242 = tpu.vector_load %arg10[%get3A_1240, %get3A_1241] {strides = array<i32>} : memref<256x128xf32, #tpu.memory_space<vmem>>, vector<1x16xf32>,
      %get3A_1243 = vector.shape_cast %get3A_1242 : vector<1x16xf32> to vector<16xf32>
      %get3A_1244 = arith.index_cast %add3A_1154 : i32 to index
      %get3A_1245 = arith.constant 80 : index
      %get3A_1246 = tpu.vector_load %arg11[%get3A_1244, %get3A_1245] {strides = array<i32>} : memref<256x128xf32, #tpu.memory_space<vmem>>, vector<1x16xf32>,
      %get3A_1247 = vector.shape_cast %get3A_1246 : vector<1x16xf32> to vector<16xf32>
      %add3A_1248 = arith.addf %get3A_1243, %get3A_1247 : vector<16xf32>
      %mul3A_1249 = arith.mulf %gather3A_1150, %sub3A_119 : vector<16xf32>
      %add3A_1250 = arith.addf %get3A_74, %mul3A_1249 : vector<16xf32>
      %add3A_1251 = arith.addf %add3A_1248, %add3A_1250 : vector<16xf32>
      %swap3A_1252 = arith.index_cast %add3A_1154 : i32 to index
      %swap3A_1253 = arith.constant 80 : index
      %swap3A_1254 = tpu.vector_load %arg10[%swap3A_1252, %swap3A_1253] {strides = array<i32>} : memref<256x128xf32, #tpu.memory_space<vmem>>, vector<1x16xf32>,
      %swap3A_1255 = vector.shape_cast %swap3A_1254 : vector<1x16xf32> to vector<16xf32>
      %swap3A_1256 = vector.shape_cast %add3A_1251 : vector<16xf32> to vector<1x16xf32>
      tpu.vector_store %arg10[%swap3A_1252, %swap3A_1253], %swap3A_1256 {strides = array<i32>} : memref<256x128xf32, #tpu.memory_space<vmem>>, vector<1x16xf32>,
      %get3A_1257 = arith.index_cast %add3A_1154 : i32 to index
      %get3A_1258 = arith.constant 96 : index
      %get3A_1259 = tpu.vector_load %arg10[%get3A_1257, %get3A_1258] {strides = array<i32>} : memref<256x128xf32, #tpu.memory_space<vmem>>, vector<1x16xf32>,
      %get3A_1260 = vector.shape_cast %get3A_1259 : vector<1x16xf32> to vector<16xf32>
      %get3A_1261 = arith.index_cast %add3A_1154 : i32 to index
      %get3A_1262 = arith.constant 96 : index
      %get3A_1263 = tpu.vector_load %arg11[%get3A_1261, %get3A_1262] {strides = array<i32>} : memref<256x128xf32, #tpu.memory_space<vmem>>, vector<1x16xf32>,
      %get3A_1264 = vector.shape_cast %get3A_1263 : vector<1x16xf32> to vector<16xf32>
      %add3A_1265 = arith.addf %get3A_1260, %get3A_1264 : vector<16xf32>
      %mul3A_1266 = arith.mulf %gather3A_1150, %sub3A_125 : vector<16xf32>
      %add3A_1267 = arith.addf %get3A_79, %mul3A_1266 : vector<16xf32>
      %add3A_1268 = arith.addf %add3A_1265, %add3A_1267 : vector<16xf32>
      %swap3A_1269 = arith.index_cast %add3A_1154 : i32 to index
      %swap3A_1270 = arith.constant 96 : index
      %swap3A_1271 = tpu.vector_load %arg10[%swap3A_1269, %swap3A_1270] {strides = array<i32>} : memref<256x128xf32, #tpu.memory_space<vmem>>, vector<1x16xf32>,
      %swap3A_1272 = vector.shape_cast %swap3A_1271 : vector<1x16xf32> to vector<16xf32>
      %swap3A_1273 = vector.shape_cast %add3A_1268 : vector<16xf32> to vector<1x16xf32>
      tpu.vector_store %arg10[%swap3A_1269, %swap3A_1270], %swap3A_1273 {strides = array<i32>} : memref<256x128xf32, #tpu.memory_space<vmem>>, vector<1x16xf32>,
      %get3A_1274 = arith.index_cast %add3A_1154 : i32 to index
      %get3A_1275 = arith.constant 112 : index
      %get3A_1276 = tpu.vector_load %arg10[%get3A_1274, %get3A_1275] {strides = array<i32>} : memref<256x128xf32, #tpu.memory_space<vmem>>, vector<1x16xf32>,
      %get3A_1277 = vector.shape_cast %get3A_1276 : vector<1x16xf32> to vector<16xf32>
      %get3A_1278 = arith.index_cast %add3A_1154 : i32 to index
      %get3A_1279 = arith.constant 112 : index
      %get3A_1280 = tpu.vector_load %arg11[%get3A_1278, %get3A_1279] {strides = array<i32>} : memref<256x128xf32, #tpu.memory_space<vmem>>, vector<1x16xf32>,
      %get3A_1281 = vector.shape_cast %get3A_1280 : vector<1x16xf32> to vector<16xf32>
      %add3A_1282 = arith.addf %get3A_1277, %get3A_1281 : vector<16xf32>
      %mul3A_1283 = arith.mulf %gather3A_1150, %sub3A_131 : vector<16xf32>
      %add3A_1284 = arith.addf %get3A_84, %mul3A_1283 : vector<16xf32>
      %add3A_1285 = arith.addf %add3A_1282, %add3A_1284 : vector<16xf32>
      %swap3A_1286 = arith.index_cast %add3A_1154 : i32 to index
      %swap3A_1287 = arith.constant 112 : index
      %swap3A_1288 = tpu.vector_load %arg10[%swap3A_1286, %swap3A_1287] {strides = array<i32>} : memref<256x128xf32, #tpu.memory_space<vmem>>, vector<1x16xf32>,
      %swap3A_1289 = vector.shape_cast %swap3A_1288 : vector<1x16xf32> to vector<16xf32>
      %swap3A_1290 = vector.shape_cast %add3A_1285 : vector<16xf32> to vector<1x16xf32>
      tpu.vector_store %arg10[%swap3A_1286, %swap3A_1287], %swap3A_1290 {strides = array<i32>} : memref<256x128xf32, #tpu.memory_space<vmem>>, vector<1x16xf32>,
      %broadcast_in_dim3A_1291 = arith.constant 8 : i32
      %broadcast_in_dim3A_1292 = vector.broadcast %broadcast_in_dim3A_1291 : i32 to vector<16x1xi32>
      %gather3A_1293 = vector.shape_cast %broadcast_in_dim3A_1292 : vector<16x1xi32> to vector<16xi32>
      %gather3A_1294 = tpu.dynamic_gather %convert_element_type3A[%gather3A_1293] in [0] : vector<16xf32>, vector<16xi32> -> vector<16xf32>
      %mul3A_1295 = arith.constant 16 : i32
      %mul3A_1296 = arith.muli %scan3A_137, %mul3A_1295 : i32
      %add3A_1297 = arith.constant 8 : i32
      %add3A_1298 = arith.addi %mul3A_1296, %add3A_1297 : i32
      %get3A_1299 = arith.index_cast %add3A_1298 : i32 to index
      %get3A_1300 = arith.constant 0 : index
      %get3A_1301 = tpu.vector_load %arg10[%get3A_1299, %get3A_1300] {strides = array<i32>} : memref<256x128xf32, #tpu.memory_space<vmem>>, vector<1x16xf32>,
      %get3A_1302 = vector.shape_cast %get3A_1301 : vector<1x16xf32> to vector<16xf32>
      %get3A_1303 = arith.index_cast %add3A_1298 : i32 to index
      %get3A_1304 = arith.constant 0 : index
      %get3A_1305 = tpu.vector_load %arg11[%get3A_1303, %get3A_1304] {strides = array<i32>} : memref<256x128xf32, #tpu.memory_space<vmem>>, vector<1x16xf32>,
      %get3A_1306 = vector.shape_cast %get3A_1305 : vector<1x16xf32> to vector<16xf32>
      %add3A_1307 = arith.addf %get3A_1302, %get3A_1306 : vector<16xf32>
      %mul3A_1308 = arith.mulf %gather3A_1294, %sub3A : vector<16xf32>
      %add3A_1309 = arith.addf %get3A_49, %mul3A_1308 : vector<16xf32>
      %add3A_1310 = arith.addf %add3A_1307, %add3A_1309 : vector<16xf32>
      %swap3A_1311 = arith.index_cast %add3A_1298 : i32 to index
      %swap3A_1312 = arith.constant 0 : index
      %swap3A_1313 = tpu.vector_load %arg10[%swap3A_1311, %swap3A_1312] {strides = array<i32>} : memref<256x128xf32, #tpu.memory_space<vmem>>, vector<1x16xf32>,
      %swap3A_1314 = vector.shape_cast %swap3A_1313 : vector<1x16xf32> to vector<16xf32>
      %swap3A_1315 = vector.shape_cast %add3A_1310 : vector<16xf32> to vector<1x16xf32>
      tpu.vector_store %arg10[%swap3A_1311, %swap3A_1312], %swap3A_1315 {strides = array<i32>} : memref<256x128xf32, #tpu.memory_space<vmem>>, vector<1x16xf32>,
      %get3A_1316 = arith.index_cast %add3A_1298 : i32 to index
      %get3A_1317 = arith.constant 16 : index
      %get3A_1318 = tpu.vector_load %arg10[%get3A_1316, %get3A_1317] {strides = array<i32>} : memref<256x128xf32, #tpu.memory_space<vmem>>, vector<1x16xf32>,
      %get3A_1319 = vector.shape_cast %get3A_1318 : vector<1x16xf32> to vector<16xf32>
      %get3A_1320 = arith.index_cast %add3A_1298 : i32 to index
      %get3A_1321 = arith.constant 16 : index
      %get3A_1322 = tpu.vector_load %arg11[%get3A_1320, %get3A_1321] {strides = array<i32>} : memref<256x128xf32, #tpu.memory_space<vmem>>, vector<1x16xf32>,
      %get3A_1323 = vector.shape_cast %get3A_1322 : vector<1x16xf32> to vector<16xf32>
      %add3A_1324 = arith.addf %get3A_1319, %get3A_1323 : vector<16xf32>
      %mul3A_1325 = arith.mulf %gather3A_1294, %sub3A_95 : vector<16xf32>
      %add3A_1326 = arith.addf %get3A_54, %mul3A_1325 : vector<16xf32>
      %add3A_1327 = arith.addf %add3A_1324, %add3A_1326 : vector<16xf32>
      %swap3A_1328 = arith.index_cast %add3A_1298 : i32 to index
      %swap3A_1329 = arith.constant 16 : index
      %swap3A_1330 = tpu.vector_load %arg10[%swap3A_1328, %swap3A_1329] {strides = array<i32>} : memref<256x128xf32, #tpu.memory_space<vmem>>, vector<1x16xf32>,
      %swap3A_1331 = vector.shape_cast %swap3A_1330 : vector<1x16xf32> to vector<16xf32>
      %swap3A_1332 = vector.shape_cast %add3A_1327 : vector<16xf32> to vector<1x16xf32>
      tpu.vector_store %arg10[%swap3A_1328, %swap3A_1329], %swap3A_1332 {strides = array<i32>} : memref<256x128xf32, #tpu.memory_space<vmem>>, vector<1x16xf32>,
      %get3A_1333 = arith.index_cast %add3A_1298 : i32 to index
      %get3A_1334 = arith.constant 32 : index
      %get3A_1335 = tpu.vector_load %arg10[%get3A_1333, %get3A_1334] {strides = array<i32>} : memref<256x128xf32, #tpu.memory_space<vmem>>, vector<1x16xf32>,
      %get3A_1336 = vector.shape_cast %get3A_1335 : vector<1x16xf32> to vector<16xf32>
      %get3A_1337 = arith.index_cast %add3A_1298 : i32 to index
      %get3A_1338 = arith.constant 32 : index
      %get3A_1339 = tpu.vector_load %arg11[%get3A_1337, %get3A_1338] {strides = array<i32>} : memref<256x128xf32, #tpu.memory_space<vmem>>, vector<1x16xf32>,
      %get3A_1340 = vector.shape_cast %get3A_1339 : vector<1x16xf32> to vector<16xf32>
      %add3A_1341 = arith.addf %get3A_1336, %get3A_1340 : vector<16xf32>
      %mul3A_1342 = arith.mulf %gather3A_1294, %sub3A_101 : vector<16xf32>
      %add3A_1343 = arith.addf %get3A_59, %mul3A_1342 : vector<16xf32>
      %add3A_1344 = arith.addf %add3A_1341, %add3A_1343 : vector<16xf32>
      %swap3A_1345 = arith.index_cast %add3A_1298 : i32 to index
      %swap3A_1346 = arith.constant 32 : index
      %swap3A_1347 = tpu.vector_load %arg10[%swap3A_1345, %swap3A_1346] {strides = array<i32>} : memref<256x128xf32, #tpu.memory_space<vmem>>, vector<1x16xf32>,
      %swap3A_1348 = vector.shape_cast %swap3A_1347 : vector<1x16xf32> to vector<16xf32>
      %swap3A_1349 = vector.shape_cast %add3A_1344 : vector<16xf32> to vector<1x16xf32>
      tpu.vector_store %arg10[%swap3A_1345, %swap3A_1346], %swap3A_1349 {strides = array<i32>} : memref<256x128xf32, #tpu.memory_space<vmem>>, vector<1x16xf32>,
      %get3A_1350 = arith.index_cast %add3A_1298 : i32 to index
      %get3A_1351 = arith.constant 48 : index
      %get3A_1352 = tpu.vector_load %arg10[%get3A_1350, %get3A_1351] {strides = array<i32>} : memref<256x128xf32, #tpu.memory_space<vmem>>, vector<1x16xf32>,
      %get3A_1353 = vector.shape_cast %get3A_1352 : vector<1x16xf32> to vector<16xf32>
      %get3A_1354 = arith.index_cast %add3A_1298 : i32 to index
      %get3A_1355 = arith.constant 48 : index
      %get3A_1356 = tpu.vector_load %arg11[%get3A_1354, %get3A_1355] {strides = array<i32>} : memref<256x128xf32, #tpu.memory_space<vmem>>, vector<1x16xf32>,
      %get3A_1357 = vector.shape_cast %get3A_1356 : vector<1x16xf32> to vector<16xf32>
      %add3A_1358 = arith.addf %get3A_1353, %get3A_1357 : vector<16xf32>
      %mul3A_1359 = arith.mulf %gather3A_1294, %sub3A_107 : vector<16xf32>
      %add3A_1360 = arith.addf %get3A_64, %mul3A_1359 : vector<16xf32>
      %add3A_1361 = arith.addf %add3A_1358, %add3A_1360 : vector<16xf32>
      %swap3A_1362 = arith.index_cast %add3A_1298 : i32 to index
      %swap3A_1363 = arith.constant 48 : index
      %swap3A_1364 = tpu.vector_load %arg10[%swap3A_1362, %swap3A_1363] {strides = array<i32>} : memref<256x128xf32, #tpu.memory_space<vmem>>, vector<1x16xf32>,
      %swap3A_1365 = vector.shape_cast %swap3A_1364 : vector<1x16xf32> to vector<16xf32>
      %swap3A_1366 = vector.shape_cast %add3A_1361 : vector<16xf32> to vector<1x16xf32>
      tpu.vector_store %arg10[%swap3A_1362, %swap3A_1363], %swap3A_1366 {strides = array<i32>} : memref<256x128xf32, #tpu.memory_space<vmem>>, vector<1x16xf32>,
      %get3A_1367 = arith.index_cast %add3A_1298 : i32 to index
      %get3A_1368 = arith.constant 64 : index
      %get3A_1369 = tpu.vector_load %arg10[%get3A_1367, %get3A_1368] {strides = array<i32>} : memref<256x128xf32, #tpu.memory_space<vmem>>, vector<1x16xf32>,
      %get3A_1370 = vector.shape_cast %get3A_1369 : vector<1x16xf32> to vector<16xf32>
      %get3A_1371 = arith.index_cast %add3A_1298 : i32 to index
      %get3A_1372 = arith.constant 64 : index
      %get3A_1373 = tpu.vector_load %arg11[%get3A_1371, %get3A_1372] {strides = array<i32>} : memref<256x128xf32, #tpu.memory_space<vmem>>, vector<1x16xf32>,
      %get3A_1374 = vector.shape_cast %get3A_1373 : vector<1x16xf32> to vector<16xf32>
      %add3A_1375 = arith.addf %get3A_1370, %get3A_1374 : vector<16xf32>
      %mul3A_1376 = arith.mulf %gather3A_1294, %sub3A_113 : vector<16xf32>
      %add3A_1377 = arith.addf %get3A_69, %mul3A_1376 : vector<16xf32>
      %add3A_1378 = arith.addf %add3A_1375, %add3A_1377 : vector<16xf32>
      %swap3A_1379 = arith.index_cast %add3A_1298 : i32 to index
      %swap3A_1380 = arith.constant 64 : index
      %swap3A_1381 = tpu.vector_load %arg10[%swap3A_1379, %swap3A_1380] {strides = array<i32>} : memref<256x128xf32, #tpu.memory_space<vmem>>, vector<1x16xf32>,
      %swap3A_1382 = vector.shape_cast %swap3A_1381 : vector<1x16xf32> to vector<16xf32>
      %swap3A_1383 = vector.shape_cast %add3A_1378 : vector<16xf32> to vector<1x16xf32>
      tpu.vector_store %arg10[%swap3A_1379, %swap3A_1380], %swap3A_1383 {strides = array<i32>} : memref<256x128xf32, #tpu.memory_space<vmem>>, vector<1x16xf32>,
      %get3A_1384 = arith.index_cast %add3A_1298 : i32 to index
      %get3A_1385 = arith.constant 80 : index
      %get3A_1386 = tpu.vector_load %arg10[%get3A_1384, %get3A_1385] {strides = array<i32>} : memref<256x128xf32, #tpu.memory_space<vmem>>, vector<1x16xf32>,
      %get3A_1387 = vector.shape_cast %get3A_1386 : vector<1x16xf32> to vector<16xf32>
      %get3A_1388 = arith.index_cast %add3A_1298 : i32 to index
      %get3A_1389 = arith.constant 80 : index
      %get3A_1390 = tpu.vector_load %arg11[%get3A_1388, %get3A_1389] {strides = array<i32>} : memref<256x128xf32, #tpu.memory_space<vmem>>, vector<1x16xf32>,
      %get3A_1391 = vector.shape_cast %get3A_1390 : vector<1x16xf32> to vector<16xf32>
      %add3A_1392 = arith.addf %get3A_1387, %get3A_1391 : vector<16xf32>
      %mul3A_1393 = arith.mulf %gather3A_1294, %sub3A_119 : vector<16xf32>
      %add3A_1394 = arith.addf %get3A_74, %mul3A_1393 : vector<16xf32>
      %add3A_1395 = arith.addf %add3A_1392, %add3A_1394 : vector<16xf32>
      %swap3A_1396 = arith.index_cast %add3A_1298 : i32 to index
      %swap3A_1397 = arith.constant 80 : index
      %swap3A_1398 = tpu.vector_load %arg10[%swap3A_1396, %swap3A_1397] {strides = array<i32>} : memref<256x128xf32, #tpu.memory_space<vmem>>, vector<1x16xf32>,
      %swap3A_1399 = vector.shape_cast %swap3A_1398 : vector<1x16xf32> to vector<16xf32>
      %swap3A_1400 = vector.shape_cast %add3A_1395 : vector<16xf32> to vector<1x16xf32>
      tpu.vector_store %arg10[%swap3A_1396, %swap3A_1397], %swap3A_1400 {strides = array<i32>} : memref<256x128xf32, #tpu.memory_space<vmem>>, vector<1x16xf32>,
      %get3A_1401 = arith.index_cast %add3A_1298 : i32 to index
      %get3A_1402 = arith.constant 96 : index
      %get3A_1403 = tpu.vector_load %arg10[%get3A_1401, %get3A_1402] {strides = array<i32>} : memref<256x128xf32, #tpu.memory_space<vmem>>, vector<1x16xf32>,
      %get3A_1404 = vector.shape_cast %get3A_1403 : vector<1x16xf32> to vector<16xf32>
      %get3A_1405 = arith.index_cast %add3A_1298 : i32 to index
      %get3A_1406 = arith.constant 96 : index
      %get3A_1407 = tpu.vector_load %arg11[%get3A_1405, %get3A_1406] {strides = array<i32>} : memref<256x128xf32, #tpu.memory_space<vmem>>, vector<1x16xf32>,
      %get3A_1408 = vector.shape_cast %get3A_1407 : vector<1x16xf32> to vector<16xf32>
      %add3A_1409 = arith.addf %get3A_1404, %get3A_1408 : vector<16xf32>
      %mul3A_1410 = arith.mulf %gather3A_1294, %sub3A_125 : vector<16xf32>
      %add3A_1411 = arith.addf %get3A_79, %mul3A_1410 : vector<16xf32>
      %add3A_1412 = arith.addf %add3A_1409, %add3A_1411 : vector<16xf32>
      %swap3A_1413 = arith.index_cast %add3A_1298 : i32 to index
      %swap3A_1414 = arith.constant 96 : index
      %swap3A_1415 = tpu.vector_load %arg10[%swap3A_1413, %swap3A_1414] {strides = array<i32>} : memref<256x128xf32, #tpu.memory_space<vmem>>, vector<1x16xf32>,
      %swap3A_1416 = vector.shape_cast %swap3A_1415 : vector<1x16xf32> to vector<16xf32>
      %swap3A_1417 = vector.shape_cast %add3A_1412 : vector<16xf32> to vector<1x16xf32>
      tpu.vector_store %arg10[%swap3A_1413, %swap3A_1414], %swap3A_1417 {strides = array<i32>} : memref<256x128xf32, #tpu.memory_space<vmem>>, vector<1x16xf32>,
      %get3A_1418 = arith.index_cast %add3A_1298 : i32 to index
      %get3A_1419 = arith.constant 112 : index
      %get3A_1420 = tpu.vector_load %arg10[%get3A_1418, %get3A_1419] {strides = array<i32>} : memref<256x128xf32, #tpu.memory_space<vmem>>, vector<1x16xf32>,
      %get3A_1421 = vector.shape_cast %get3A_1420 : vector<1x16xf32> to vector<16xf32>
      %get3A_1422 = arith.index_cast %add3A_1298 : i32 to index
      %get3A_1423 = arith.constant 112 : index
      %get3A_1424 = tpu.vector_load %arg11[%get3A_1422, %get3A_1423] {strides = array<i32>} : memref<256x128xf32, #tpu.memory_space<vmem>>, vector<1x16xf32>,
      %get3A_1425 = vector.shape_cast %get3A_1424 : vector<1x16xf32> to vector<16xf32>
      %add3A_1426 = arith.addf %get3A_1421, %get3A_1425 : vector<16xf32>
      %mul3A_1427 = arith.mulf %gather3A_1294, %sub3A_131 : vector<16xf32>
      %add3A_1428 = arith.addf %get3A_84, %mul3A_1427 : vector<16xf32>
      %add3A_1429 = arith.addf %add3A_1426, %add3A_1428 : vector<16xf32>
      %swap3A_1430 = arith.index_cast %add3A_1298 : i32 to index
      %swap3A_1431 = arith.constant 112 : index
      %swap3A_1432 = tpu.vector_load %arg10[%swap3A_1430, %swap3A_1431] {strides = array<i32>} : memref<256x128xf32, #tpu.memory_space<vmem>>, vector<1x16xf32>,
      %swap3A_1433 = vector.shape_cast %swap3A_1432 : vector<1x16xf32> to vector<16xf32>
      %swap3A_1434 = vector.shape_cast %add3A_1429 : vector<16xf32> to vector<1x16xf32>
      tpu.vector_store %arg10[%swap3A_1430, %swap3A_1431], %swap3A_1434 {strides = array<i32>} : memref<256x128xf32, #tpu.memory_space<vmem>>, vector<1x16xf32>,
      %broadcast_in_dim3A_1435 = arith.constant 9 : i32
      %broadcast_in_dim3A_1436 = vector.broadcast %broadcast_in_dim3A_1435 : i32 to vector<16x1xi32>
      %gather3A_1437 = vector.shape_cast %broadcast_in_dim3A_1436 : vector<16x1xi32> to vector<16xi32>
      %gather3A_1438 = tpu.dynamic_gather %convert_element_type3A[%gather3A_1437] in [0] : vector<16xf32>, vector<16xi32> -> vector<16xf32>
      %mul3A_1439 = arith.constant 16 : i32
      %mul3A_1440 = arith.muli %scan3A_137, %mul3A_1439 : i32
      %add3A_1441 = arith.constant 9 : i32
      %add3A_1442 = arith.addi %mul3A_1440, %add3A_1441 : i32
      %get3A_1443 = arith.index_cast %add3A_1442 : i32 to index
      %get3A_1444 = arith.constant 0 : index
      %get3A_1445 = tpu.vector_load %arg10[%get3A_1443, %get3A_1444] {strides = array<i32>} : memref<256x128xf32, #tpu.memory_space<vmem>>, vector<1x16xf32>,
      %get3A_1446 = vector.shape_cast %get3A_1445 : vector<1x16xf32> to vector<16xf32>
      %get3A_1447 = arith.index_cast %add3A_1442 : i32 to index
      %get3A_1448 = arith.constant 0 : index
      %get3A_1449 = tpu.vector_load %arg11[%get3A_1447, %get3A_1448] {strides = array<i32>} : memref<256x128xf32, #tpu.memory_space<vmem>>, vector<1x16xf32>,
      %get3A_1450 = vector.shape_cast %get3A_1449 : vector<1x16xf32> to vector<16xf32>
      %add3A_1451 = arith.addf %get3A_1446, %get3A_1450 : vector<16xf32>
      %mul3A_1452 = arith.mulf %gather3A_1438, %sub3A : vector<16xf32>
      %add3A_1453 = arith.addf %get3A_49, %mul3A_1452 : vector<16xf32>
      %add3A_1454 = arith.addf %add3A_1451, %add3A_1453 : vector<16xf32>
      %swap3A_1455 = arith.index_cast %add3A_1442 : i32 to index
      %swap3A_1456 = arith.constant 0 : index
      %swap3A_1457 = tpu.vector_load %arg10[%swap3A_1455, %swap3A_1456] {strides = array<i32>} : memref<256x128xf32, #tpu.memory_space<vmem>>, vector<1x16xf32>,
      %swap3A_1458 = vector.shape_cast %swap3A_1457 : vector<1x16xf32> to vector<16xf32>
      %swap3A_1459 = vector.shape_cast %add3A_1454 : vector<16xf32> to vector<1x16xf32>
      tpu.vector_store %arg10[%swap3A_1455, %swap3A_1456], %swap3A_1459 {strides = array<i32>} : memref<256x128xf32, #tpu.memory_space<vmem>>, vector<1x16xf32>,
      %get3A_1460 = arith.index_cast %add3A_1442 : i32 to index
      %get3A_1461 = arith.constant 16 : index
      %get3A_1462 = tpu.vector_load %arg10[%get3A_1460, %get3A_1461] {strides = array<i32>} : memref<256x128xf32, #tpu.memory_space<vmem>>, vector<1x16xf32>,
      %get3A_1463 = vector.shape_cast %get3A_1462 : vector<1x16xf32> to vector<16xf32>
      %get3A_1464 = arith.index_cast %add3A_1442 : i32 to index
      %get3A_1465 = arith.constant 16 : index
      %get3A_1466 = tpu.vector_load %arg11[%get3A_1464, %get3A_1465] {strides = array<i32>} : memref<256x128xf32, #tpu.memory_space<vmem>>, vector<1x16xf32>,
      %get3A_1467 = vector.shape_cast %get3A_1466 : vector<1x16xf32> to vector<16xf32>
      %add3A_1468 = arith.addf %get3A_1463, %get3A_1467 : vector<16xf32>
      %mul3A_1469 = arith.mulf %gather3A_1438, %sub3A_95 : vector<16xf32>
      %add3A_1470 = arith.addf %get3A_54, %mul3A_1469 : vector<16xf32>
      %add3A_1471 = arith.addf %add3A_1468, %add3A_1470 : vector<16xf32>
      %swap3A_1472 = arith.index_cast %add3A_1442 : i32 to index
      %swap3A_1473 = arith.constant 16 : index
      %swap3A_1474 = tpu.vector_load %arg10[%swap3A_1472, %swap3A_1473] {strides = array<i32>} : memref<256x128xf32, #tpu.memory_space<vmem>>, vector<1x16xf32>,
      %swap3A_1475 = vector.shape_cast %swap3A_1474 : vector<1x16xf32> to vector<16xf32>
      %swap3A_1476 = vector.shape_cast %add3A_1471 : vector<16xf32> to vector<1x16xf32>
      tpu.vector_store %arg10[%swap3A_1472, %swap3A_1473], %swap3A_1476 {strides = array<i32>} : memref<256x128xf32, #tpu.memory_space<vmem>>, vector<1x16xf32>,
      %get3A_1477 = arith.index_cast %add3A_1442 : i32 to index
      %get3A_1478 = arith.constant 32 : index
      %get3A_1479 = tpu.vector_load %arg10[%get3A_1477, %get3A_1478] {strides = array<i32>} : memref<256x128xf32, #tpu.memory_space<vmem>>, vector<1x16xf32>,
      %get3A_1480 = vector.shape_cast %get3A_1479 : vector<1x16xf32> to vector<16xf32>
      %get3A_1481 = arith.index_cast %add3A_1442 : i32 to index
      %get3A_1482 = arith.constant 32 : index
      %get3A_1483 = tpu.vector_load %arg11[%get3A_1481, %get3A_1482] {strides = array<i32>} : memref<256x128xf32, #tpu.memory_space<vmem>>, vector<1x16xf32>,
      %get3A_1484 = vector.shape_cast %get3A_1483 : vector<1x16xf32> to vector<16xf32>
      %add3A_1485 = arith.addf %get3A_1480, %get3A_1484 : vector<16xf32>
      %mul3A_1486 = arith.mulf %gather3A_1438, %sub3A_101 : vector<16xf32>
      %add3A_1487 = arith.addf %get3A_59, %mul3A_1486 : vector<16xf32>
      %add3A_1488 = arith.addf %add3A_1485, %add3A_1487 : vector<16xf32>
      %swap3A_1489 = arith.index_cast %add3A_1442 : i32 to index
      %swap3A_1490 = arith.constant 32 : index
      %swap3A_1491 = tpu.vector_load %arg10[%swap3A_1489, %swap3A_1490] {strides = array<i32>} : memref<256x128xf32, #tpu.memory_space<vmem>>, vector<1x16xf32>,
      %swap3A_1492 = vector.shape_cast %swap3A_1491 : vector<1x16xf32> to vector<16xf32>
      %swap3A_1493 = vector.shape_cast %add3A_1488 : vector<16xf32> to vector<1x16xf32>
      tpu.vector_store %arg10[%swap3A_1489, %swap3A_1490], %swap3A_1493 {strides = array<i32>} : memref<256x128xf32, #tpu.memory_space<vmem>>, vector<1x16xf32>,
      %get3A_1494 = arith.index_cast %add3A_1442 : i32 to index
      %get3A_1495 = arith.constant 48 : index
      %get3A_1496 = tpu.vector_load %arg10[%get3A_1494, %get3A_1495] {strides = array<i32>} : memref<256x128xf32, #tpu.memory_space<vmem>>, vector<1x16xf32>,
      %get3A_1497 = vector.shape_cast %get3A_1496 : vector<1x16xf32> to vector<16xf32>
      %get3A_1498 = arith.index_cast %add3A_1442 : i32 to index
      %get3A_1499 = arith.constant 48 : index
      %get3A_1500 = tpu.vector_load %arg11[%get3A_1498, %get3A_1499] {strides = array<i32>} : memref<256x128xf32, #tpu.memory_space<vmem>>, vector<1x16xf32>,
      %get3A_1501 = vector.shape_cast %get3A_1500 : vector<1x16xf32> to vector<16xf32>
      %add3A_1502 = arith.addf %get3A_1497, %get3A_1501 : vector<16xf32>
      %mul3A_1503 = arith.mulf %gather3A_1438, %sub3A_107 : vector<16xf32>
      %add3A_1504 = arith.addf %get3A_64, %mul3A_1503 : vector<16xf32>
      %add3A_1505 = arith.addf %add3A_1502, %add3A_1504 : vector<16xf32>
      %swap3A_1506 = arith.index_cast %add3A_1442 : i32 to index
      %swap3A_1507 = arith.constant 48 : index
      %swap3A_1508 = tpu.vector_load %arg10[%swap3A_1506, %swap3A_1507] {strides = array<i32>} : memref<256x128xf32, #tpu.memory_space<vmem>>, vector<1x16xf32>,
      %swap3A_1509 = vector.shape_cast %swap3A_1508 : vector<1x16xf32> to vector<16xf32>
      %swap3A_1510 = vector.shape_cast %add3A_1505 : vector<16xf32> to vector<1x16xf32>
      tpu.vector_store %arg10[%swap3A_1506, %swap3A_1507], %swap3A_1510 {strides = array<i32>} : memref<256x128xf32, #tpu.memory_space<vmem>>, vector<1x16xf32>,
      %get3A_1511 = arith.index_cast %add3A_1442 : i32 to index
      %get3A_1512 = arith.constant 64 : index
      %get3A_1513 = tpu.vector_load %arg10[%get3A_1511, %get3A_1512] {strides = array<i32>} : memref<256x128xf32, #tpu.memory_space<vmem>>, vector<1x16xf32>,
      %get3A_1514 = vector.shape_cast %get3A_1513 : vector<1x16xf32> to vector<16xf32>
      %get3A_1515 = arith.index_cast %add3A_1442 : i32 to index
      %get3A_1516 = arith.constant 64 : index
      %get3A_1517 = tpu.vector_load %arg11[%get3A_1515, %get3A_1516] {strides = array<i32>} : memref<256x128xf32, #tpu.memory_space<vmem>>, vector<1x16xf32>,
      %get3A_1518 = vector.shape_cast %get3A_1517 : vector<1x16xf32> to vector<16xf32>
      %add3A_1519 = arith.addf %get3A_1514, %get3A_1518 : vector<16xf32>
      %mul3A_1520 = arith.mulf %gather3A_1438, %sub3A_113 : vector<16xf32>
      %add3A_1521 = arith.addf %get3A_69, %mul3A_1520 : vector<16xf32>
      %add3A_1522 = arith.addf %add3A_1519, %add3A_1521 : vector<16xf32>
      %swap3A_1523 = arith.index_cast %add3A_1442 : i32 to index
      %swap3A_1524 = arith.constant 64 : index
      %swap3A_1525 = tpu.vector_load %arg10[%swap3A_1523, %swap3A_1524] {strides = array<i32>} : memref<256x128xf32, #tpu.memory_space<vmem>>, vector<1x16xf32>,
      %swap3A_1526 = vector.shape_cast %swap3A_1525 : vector<1x16xf32> to vector<16xf32>
      %swap3A_1527 = vector.shape_cast %add3A_1522 : vector<16xf32> to vector<1x16xf32>
      tpu.vector_store %arg10[%swap3A_1523, %swap3A_1524], %swap3A_1527 {strides = array<i32>} : memref<256x128xf32, #tpu.memory_space<vmem>>, vector<1x16xf32>,
      %get3A_1528 = arith.index_cast %add3A_1442 : i32 to index
      %get3A_1529 = arith.constant 80 : index
      %get3A_1530 = tpu.vector_load %arg10[%get3A_1528, %get3A_1529] {strides = array<i32>} : memref<256x128xf32, #tpu.memory_space<vmem>>, vector<1x16xf32>,
      %get3A_1531 = vector.shape_cast %get3A_1530 : vector<1x16xf32> to vector<16xf32>
      %get3A_1532 = arith.index_cast %add3A_1442 : i32 to index
      %get3A_1533 = arith.constant 80 : index
      %get3A_1534 = tpu.vector_load %arg11[%get3A_1532, %get3A_1533] {strides = array<i32>} : memref<256x128xf32, #tpu.memory_space<vmem>>, vector<1x16xf32>,
      %get3A_1535 = vector.shape_cast %get3A_1534 : vector<1x16xf32> to vector<16xf32>
      %add3A_1536 = arith.addf %get3A_1531, %get3A_1535 : vector<16xf32>
      %mul3A_1537 = arith.mulf %gather3A_1438, %sub3A_119 : vector<16xf32>
      %add3A_1538 = arith.addf %get3A_74, %mul3A_1537 : vector<16xf32>
      %add3A_1539 = arith.addf %add3A_1536, %add3A_1538 : vector<16xf32>
      %swap3A_1540 = arith.index_cast %add3A_1442 : i32 to index
      %swap3A_1541 = arith.constant 80 : index
      %swap3A_1542 = tpu.vector_load %arg10[%swap3A_1540, %swap3A_1541] {strides = array<i32>} : memref<256x128xf32, #tpu.memory_space<vmem>>, vector<1x16xf32>,
      %swap3A_1543 = vector.shape_cast %swap3A_1542 : vector<1x16xf32> to vector<16xf32>
      %swap3A_1544 = vector.shape_cast %add3A_1539 : vector<16xf32> to vector<1x16xf32>
      tpu.vector_store %arg10[%swap3A_1540, %swap3A_1541], %swap3A_1544 {strides = array<i32>} : memref<256x128xf32, #tpu.memory_space<vmem>>, vector<1x16xf32>,
      %get3A_1545 = arith.index_cast %add3A_1442 : i32 to index
      %get3A_1546 = arith.constant 96 : index
      %get3A_1547 = tpu.vector_load %arg10[%get3A_1545, %get3A_1546] {strides = array<i32>} : memref<256x128xf32, #tpu.memory_space<vmem>>, vector<1x16xf32>,
      %get3A_1548 = vector.shape_cast %get3A_1547 : vector<1x16xf32> to vector<16xf32>
      %get3A_1549 = arith.index_cast %add3A_1442 : i32 to index
      %get3A_1550 = arith.constant 96 : index
      %get3A_1551 = tpu.vector_load %arg11[%get3A_1549, %get3A_1550] {strides = array<i32>} : memref<256x128xf32, #tpu.memory_space<vmem>>, vector<1x16xf32>,
      %get3A_1552 = vector.shape_cast %get3A_1551 : vector<1x16xf32> to vector<16xf32>
      %add3A_1553 = arith.addf %get3A_1548, %get3A_1552 : vector<16xf32>
      %mul3A_1554 = arith.mulf %gather3A_1438, %sub3A_125 : vector<16xf32>
      %add3A_1555 = arith.addf %get3A_79, %mul3A_1554 : vector<16xf32>
      %add3A_1556 = arith.addf %add3A_1553, %add3A_1555 : vector<16xf32>
      %swap3A_1557 = arith.index_cast %add3A_1442 : i32 to index
      %swap3A_1558 = arith.constant 96 : index
      %swap3A_1559 = tpu.vector_load %arg10[%swap3A_1557, %swap3A_1558] {strides = array<i32>} : memref<256x128xf32, #tpu.memory_space<vmem>>, vector<1x16xf32>,
      %swap3A_1560 = vector.shape_cast %swap3A_1559 : vector<1x16xf32> to vector<16xf32>
      %swap3A_1561 = vector.shape_cast %add3A_1556 : vector<16xf32> to vector<1x16xf32>
      tpu.vector_store %arg10[%swap3A_1557, %swap3A_1558], %swap3A_1561 {strides = array<i32>} : memref<256x128xf32, #tpu.memory_space<vmem>>, vector<1x16xf32>,
      %get3A_1562 = arith.index_cast %add3A_1442 : i32 to index
      %get3A_1563 = arith.constant 112 : index
      %get3A_1564 = tpu.vector_load %arg10[%get3A_1562, %get3A_1563] {strides = array<i32>} : memref<256x128xf32, #tpu.memory_space<vmem>>, vector<1x16xf32>,
      %get3A_1565 = vector.shape_cast %get3A_1564 : vector<1x16xf32> to vector<16xf32>
      %get3A_1566 = arith.index_cast %add3A_1442 : i32 to index
      %get3A_1567 = arith.constant 112 : index
      %get3A_1568 = tpu.vector_load %arg11[%get3A_1566, %get3A_1567] {strides = array<i32>} : memref<256x128xf32, #tpu.memory_space<vmem>>, vector<1x16xf32>,
      %get3A_1569 = vector.shape_cast %get3A_1568 : vector<1x16xf32> to vector<16xf32>
      %add3A_1570 = arith.addf %get3A_1565, %get3A_1569 : vector<16xf32>
      %mul3A_1571 = arith.mulf %gather3A_1438, %sub3A_131 : vector<16xf32>
      %add3A_1572 = arith.addf %get3A_84, %mul3A_1571 : vector<16xf32>
      %add3A_1573 = arith.addf %add3A_1570, %add3A_1572 : vector<16xf32>
      %swap3A_1574 = arith.index_cast %add3A_1442 : i32 to index
      %swap3A_1575 = arith.constant 112 : index
      %swap3A_1576 = tpu.vector_load %arg10[%swap3A_1574, %swap3A_1575] {strides = array<i32>} : memref<256x128xf32, #tpu.memory_space<vmem>>, vector<1x16xf32>,
      %swap3A_1577 = vector.shape_cast %swap3A_1576 : vector<1x16xf32> to vector<16xf32>
      %swap3A_1578 = vector.shape_cast %add3A_1573 : vector<16xf32> to vector<1x16xf32>
      tpu.vector_store %arg10[%swap3A_1574, %swap3A_1575], %swap3A_1578 {strides = array<i32>} : memref<256x128xf32, #tpu.memory_space<vmem>>, vector<1x16xf32>,
      %broadcast_in_dim3A_1579 = arith.constant 10 : i32
      %broadcast_in_dim3A_1580 = vector.broadcast %broadcast_in_dim3A_1579 : i32 to vector<16x1xi32>
      %gather3A_1581 = vector.shape_cast %broadcast_in_dim3A_1580 : vector<16x1xi32> to vector<16xi32>
      %gather3A_1582 = tpu.dynamic_gather %convert_element_type3A[%gather3A_1581] in [0] : vector<16xf32>, vector<16xi32> -> vector<16xf32>
      %mul3A_1583 = arith.constant 16 : i32
      %mul3A_1584 = arith.muli %scan3A_137, %mul3A_1583 : i32
      %add3A_1585 = arith.constant 10 : i32
      %add3A_1586 = arith.addi %mul3A_1584, %add3A_1585 : i32
      %get3A_1587 = arith.index_cast %add3A_1586 : i32 to index
      %get3A_1588 = arith.constant 0 : index
      %get3A_1589 = tpu.vector_load %arg10[%get3A_1587, %get3A_1588] {strides = array<i32>} : memref<256x128xf32, #tpu.memory_space<vmem>>, vector<1x16xf32>,
      %get3A_1590 = vector.shape_cast %get3A_1589 : vector<1x16xf32> to vector<16xf32>
      %get3A_1591 = arith.index_cast %add3A_1586 : i32 to index
      %get3A_1592 = arith.constant 0 : index
      %get3A_1593 = tpu.vector_load %arg11[%get3A_1591, %get3A_1592] {strides = array<i32>} : memref<256x128xf32, #tpu.memory_space<vmem>>, vector<1x16xf32>,
      %get3A_1594 = vector.shape_cast %get3A_1593 : vector<1x16xf32> to vector<16xf32>
      %add3A_1595 = arith.addf %get3A_1590, %get3A_1594 : vector<16xf32>
      %mul3A_1596 = arith.mulf %gather3A_1582, %sub3A : vector<16xf32>
      %add3A_1597 = arith.addf %get3A_49, %mul3A_1596 : vector<16xf32>
      %add3A_1598 = arith.addf %add3A_1595, %add3A_1597 : vector<16xf32>
      %swap3A_1599 = arith.index_cast %add3A_1586 : i32 to index
      %swap3A_1600 = arith.constant 0 : index
      %swap3A_1601 = tpu.vector_load %arg10[%swap3A_1599, %swap3A_1600] {strides = array<i32>} : memref<256x128xf32, #tpu.memory_space<vmem>>, vector<1x16xf32>,
      %swap3A_1602 = vector.shape_cast %swap3A_1601 : vector<1x16xf32> to vector<16xf32>
      %swap3A_1603 = vector.shape_cast %add3A_1598 : vector<16xf32> to vector<1x16xf32>
      tpu.vector_store %arg10[%swap3A_1599, %swap3A_1600], %swap3A_1603 {strides = array<i32>} : memref<256x128xf32, #tpu.memory_space<vmem>>, vector<1x16xf32>,
      %get3A_1604 = arith.index_cast %add3A_1586 : i32 to index
      %get3A_1605 = arith.constant 16 : index
      %get3A_1606 = tpu.vector_load %arg10[%get3A_1604, %get3A_1605] {strides = array<i32>} : memref<256x128xf32, #tpu.memory_space<vmem>>, vector<1x16xf32>,
      %get3A_1607 = vector.shape_cast %get3A_1606 : vector<1x16xf32> to vector<16xf32>
      %get3A_1608 = arith.index_cast %add3A_1586 : i32 to index
      %get3A_1609 = arith.constant 16 : index
      %get3A_1610 = tpu.vector_load %arg11[%get3A_1608, %get3A_1609] {strides = array<i32>} : memref<256x128xf32, #tpu.memory_space<vmem>>, vector<1x16xf32>,
      %get3A_1611 = vector.shape_cast %get3A_1610 : vector<1x16xf32> to vector<16xf32>
      %add3A_1612 = arith.addf %get3A_1607, %get3A_1611 : vector<16xf32>
      %mul3A_1613 = arith.mulf %gather3A_1582, %sub3A_95 : vector<16xf32>
      %add3A_1614 = arith.addf %get3A_54, %mul3A_1613 : vector<16xf32>
      %add3A_1615 = arith.addf %add3A_1612, %add3A_1614 : vector<16xf32>
      %swap3A_1616 = arith.index_cast %add3A_1586 : i32 to index
      %swap3A_1617 = arith.constant 16 : index
      %swap3A_1618 = tpu.vector_load %arg10[%swap3A_1616, %swap3A_1617] {strides = array<i32>} : memref<256x128xf32, #tpu.memory_space<vmem>>, vector<1x16xf32>,
      %swap3A_1619 = vector.shape_cast %swap3A_1618 : vector<1x16xf32> to vector<16xf32>
      %swap3A_1620 = vector.shape_cast %add3A_1615 : vector<16xf32> to vector<1x16xf32>
      tpu.vector_store %arg10[%swap3A_1616, %swap3A_1617], %swap3A_1620 {strides = array<i32>} : memref<256x128xf32, #tpu.memory_space<vmem>>, vector<1x16xf32>,
      %get3A_1621 = arith.index_cast %add3A_1586 : i32 to index
      %get3A_1622 = arith.constant 32 : index
      %get3A_1623 = tpu.vector_load %arg10[%get3A_1621, %get3A_1622] {strides = array<i32>} : memref<256x128xf32, #tpu.memory_space<vmem>>, vector<1x16xf32>,
      %get3A_1624 = vector.shape_cast %get3A_1623 : vector<1x16xf32> to vector<16xf32>
      %get3A_1625 = arith.index_cast %add3A_1586 : i32 to index
      %get3A_1626 = arith.constant 32 : index
      %get3A_1627 = tpu.vector_load %arg11[%get3A_1625, %get3A_1626] {strides = array<i32>} : memref<256x128xf32, #tpu.memory_space<vmem>>, vector<1x16xf32>,
      %get3A_1628 = vector.shape_cast %get3A_1627 : vector<1x16xf32> to vector<16xf32>
      %add3A_1629 = arith.addf %get3A_1624, %get3A_1628 : vector<16xf32>
      %mul3A_1630 = arith.mulf %gather3A_1582, %sub3A_101 : vector<16xf32>
      %add3A_1631 = arith.addf %get3A_59, %mul3A_1630 : vector<16xf32>
      %add3A_1632 = arith.addf %add3A_1629, %add3A_1631 : vector<16xf32>
      %swap3A_1633 = arith.index_cast %add3A_1586 : i32 to index
      %swap3A_1634 = arith.constant 32 : index
      %swap3A_1635 = tpu.vector_load %arg10[%swap3A_1633, %swap3A_1634] {strides = array<i32>} : memref<256x128xf32, #tpu.memory_space<vmem>>, vector<1x16xf32>,
      %swap3A_1636 = vector.shape_cast %swap3A_1635 : vector<1x16xf32> to vector<16xf32>
      %swap3A_1637 = vector.shape_cast %add3A_1632 : vector<16xf32> to vector<1x16xf32>
      tpu.vector_store %arg10[%swap3A_1633, %swap3A_1634], %swap3A_1637 {strides = array<i32>} : memref<256x128xf32, #tpu.memory_space<vmem>>, vector<1x16xf32>,
      %get3A_1638 = arith.index_cast %add3A_1586 : i32 to index
      %get3A_1639 = arith.constant 48 : index
      %get3A_1640 = tpu.vector_load %arg10[%get3A_1638, %get3A_1639] {strides = array<i32>} : memref<256x128xf32, #tpu.memory_space<vmem>>, vector<1x16xf32>,
      %get3A_1641 = vector.shape_cast %get3A_1640 : vector<1x16xf32> to vector<16xf32>
      %get3A_1642 = arith.index_cast %add3A_1586 : i32 to index
      %get3A_1643 = arith.constant 48 : index
      %get3A_1644 = tpu.vector_load %arg11[%get3A_1642, %get3A_1643] {strides = array<i32>} : memref<256x128xf32, #tpu.memory_space<vmem>>, vector<1x16xf32>,
      %get3A_1645 = vector.shape_cast %get3A_1644 : vector<1x16xf32> to vector<16xf32>
      %add3A_1646 = arith.addf %get3A_1641, %get3A_1645 : vector<16xf32>
      %mul3A_1647 = arith.mulf %gather3A_1582, %sub3A_107 : vector<16xf32>
      %add3A_1648 = arith.addf %get3A_64, %mul3A_1647 : vector<16xf32>
      %add3A_1649 = arith.addf %add3A_1646, %add3A_1648 : vector<16xf32>
      %swap3A_1650 = arith.index_cast %add3A_1586 : i32 to index
      %swap3A_1651 = arith.constant 48 : index
      %swap3A_1652 = tpu.vector_load %arg10[%swap3A_1650, %swap3A_1651] {strides = array<i32>} : memref<256x128xf32, #tpu.memory_space<vmem>>, vector<1x16xf32>,
      %swap3A_1653 = vector.shape_cast %swap3A_1652 : vector<1x16xf32> to vector<16xf32>
      %swap3A_1654 = vector.shape_cast %add3A_1649 : vector<16xf32> to vector<1x16xf32>
      tpu.vector_store %arg10[%swap3A_1650, %swap3A_1651], %swap3A_1654 {strides = array<i32>} : memref<256x128xf32, #tpu.memory_space<vmem>>, vector<1x16xf32>,
      %get3A_1655 = arith.index_cast %add3A_1586 : i32 to index
      %get3A_1656 = arith.constant 64 : index
      %get3A_1657 = tpu.vector_load %arg10[%get3A_1655, %get3A_1656] {strides = array<i32>} : memref<256x128xf32, #tpu.memory_space<vmem>>, vector<1x16xf32>,
      %get3A_1658 = vector.shape_cast %get3A_1657 : vector<1x16xf32> to vector<16xf32>
      %get3A_1659 = arith.index_cast %add3A_1586 : i32 to index
      %get3A_1660 = arith.constant 64 : index
      %get3A_1661 = tpu.vector_load %arg11[%get3A_1659, %get3A_1660] {strides = array<i32>} : memref<256x128xf32, #tpu.memory_space<vmem>>, vector<1x16xf32>,
      %get3A_1662 = vector.shape_cast %get3A_1661 : vector<1x16xf32> to vector<16xf32>
      %add3A_1663 = arith.addf %get3A_1658, %get3A_1662 : vector<16xf32>
      %mul3A_1664 = arith.mulf %gather3A_1582, %sub3A_113 : vector<16xf32>
      %add3A_1665 = arith.addf %get3A_69, %mul3A_1664 : vector<16xf32>
      %add3A_1666 = arith.addf %add3A_1663, %add3A_1665 : vector<16xf32>
      %swap3A_1667 = arith.index_cast %add3A_1586 : i32 to index
      %swap3A_1668 = arith.constant 64 : index
      %swap3A_1669 = tpu.vector_load %arg10[%swap3A_1667, %swap3A_1668] {strides = array<i32>} : memref<256x128xf32, #tpu.memory_space<vmem>>, vector<1x16xf32>,
      %swap3A_1670 = vector.shape_cast %swap3A_1669 : vector<1x16xf32> to vector<16xf32>
      %swap3A_1671 = vector.shape_cast %add3A_1666 : vector<16xf32> to vector<1x16xf32>
      tpu.vector_store %arg10[%swap3A_1667, %swap3A_1668], %swap3A_1671 {strides = array<i32>} : memref<256x128xf32, #tpu.memory_space<vmem>>, vector<1x16xf32>,
      %get3A_1672 = arith.index_cast %add3A_1586 : i32 to index
      %get3A_1673 = arith.constant 80 : index
      %get3A_1674 = tpu.vector_load %arg10[%get3A_1672, %get3A_1673] {strides = array<i32>} : memref<256x128xf32, #tpu.memory_space<vmem>>, vector<1x16xf32>,
      %get3A_1675 = vector.shape_cast %get3A_1674 : vector<1x16xf32> to vector<16xf32>
      %get3A_1676 = arith.index_cast %add3A_1586 : i32 to index
      %get3A_1677 = arith.constant 80 : index
      %get3A_1678 = tpu.vector_load %arg11[%get3A_1676, %get3A_1677] {strides = array<i32>} : memref<256x128xf32, #tpu.memory_space<vmem>>, vector<1x16xf32>,
      %get3A_1679 = vector.shape_cast %get3A_1678 : vector<1x16xf32> to vector<16xf32>
      %add3A_1680 = arith.addf %get3A_1675, %get3A_1679 : vector<16xf32>
      %mul3A_1681 = arith.mulf %gather3A_1582, %sub3A_119 : vector<16xf32>
      %add3A_1682 = arith.addf %get3A_74, %mul3A_1681 : vector<16xf32>
      %add3A_1683 = arith.addf %add3A_1680, %add3A_1682 : vector<16xf32>
      %swap3A_1684 = arith.index_cast %add3A_1586 : i32 to index
      %swap3A_1685 = arith.constant 80 : index
      %swap3A_1686 = tpu.vector_load %arg10[%swap3A_1684, %swap3A_1685] {strides = array<i32>} : memref<256x128xf32, #tpu.memory_space<vmem>>, vector<1x16xf32>,
      %swap3A_1687 = vector.shape_cast %swap3A_1686 : vector<1x16xf32> to vector<16xf32>
      %swap3A_1688 = vector.shape_cast %add3A_1683 : vector<16xf32> to vector<1x16xf32>
      tpu.vector_store %arg10[%swap3A_1684, %swap3A_1685], %swap3A_1688 {strides = array<i32>} : memref<256x128xf32, #tpu.memory_space<vmem>>, vector<1x16xf32>,
      %get3A_1689 = arith.index_cast %add3A_1586 : i32 to index
      %get3A_1690 = arith.constant 96 : index
      %get3A_1691 = tpu.vector_load %arg10[%get3A_1689, %get3A_1690] {strides = array<i32>} : memref<256x128xf32, #tpu.memory_space<vmem>>, vector<1x16xf32>,
      %get3A_1692 = vector.shape_cast %get3A_1691 : vector<1x16xf32> to vector<16xf32>
      %get3A_1693 = arith.index_cast %add3A_1586 : i32 to index
      %get3A_1694 = arith.constant 96 : index
      %get3A_1695 = tpu.vector_load %arg11[%get3A_1693, %get3A_1694] {strides = array<i32>} : memref<256x128xf32, #tpu.memory_space<vmem>>, vector<1x16xf32>,
      %get3A_1696 = vector.shape_cast %get3A_1695 : vector<1x16xf32> to vector<16xf32>
      %add3A_1697 = arith.addf %get3A_1692, %get3A_1696 : vector<16xf32>
      %mul3A_1698 = arith.mulf %gather3A_1582, %sub3A_125 : vector<16xf32>
      %add3A_1699 = arith.addf %get3A_79, %mul3A_1698 : vector<16xf32>
      %add3A_1700 = arith.addf %add3A_1697, %add3A_1699 : vector<16xf32>
      %swap3A_1701 = arith.index_cast %add3A_1586 : i32 to index
      %swap3A_1702 = arith.constant 96 : index
      %swap3A_1703 = tpu.vector_load %arg10[%swap3A_1701, %swap3A_1702] {strides = array<i32>} : memref<256x128xf32, #tpu.memory_space<vmem>>, vector<1x16xf32>,
      %swap3A_1704 = vector.shape_cast %swap3A_1703 : vector<1x16xf32> to vector<16xf32>
      %swap3A_1705 = vector.shape_cast %add3A_1700 : vector<16xf32> to vector<1x16xf32>
      tpu.vector_store %arg10[%swap3A_1701, %swap3A_1702], %swap3A_1705 {strides = array<i32>} : memref<256x128xf32, #tpu.memory_space<vmem>>, vector<1x16xf32>,
      %get3A_1706 = arith.index_cast %add3A_1586 : i32 to index
      %get3A_1707 = arith.constant 112 : index
      %get3A_1708 = tpu.vector_load %arg10[%get3A_1706, %get3A_1707] {strides = array<i32>} : memref<256x128xf32, #tpu.memory_space<vmem>>, vector<1x16xf32>,
      %get3A_1709 = vector.shape_cast %get3A_1708 : vector<1x16xf32> to vector<16xf32>
      %get3A_1710 = arith.index_cast %add3A_1586 : i32 to index
      %get3A_1711 = arith.constant 112 : index
      %get3A_1712 = tpu.vector_load %arg11[%get3A_1710, %get3A_1711] {strides = array<i32>} : memref<256x128xf32, #tpu.memory_space<vmem>>, vector<1x16xf32>,
      %get3A_1713 = vector.shape_cast %get3A_1712 : vector<1x16xf32> to vector<16xf32>
      %add3A_1714 = arith.addf %get3A_1709, %get3A_1713 : vector<16xf32>
      %mul3A_1715 = arith.mulf %gather3A_1582, %sub3A_131 : vector<16xf32>
      %add3A_1716 = arith.addf %get3A_84, %mul3A_1715 : vector<16xf32>
      %add3A_1717 = arith.addf %add3A_1714, %add3A_1716 : vector<16xf32>
      %swap3A_1718 = arith.index_cast %add3A_1586 : i32 to index
      %swap3A_1719 = arith.constant 112 : index
      %swap3A_1720 = tpu.vector_load %arg10[%swap3A_1718, %swap3A_1719] {strides = array<i32>} : memref<256x128xf32, #tpu.memory_space<vmem>>, vector<1x16xf32>,
      %swap3A_1721 = vector.shape_cast %swap3A_1720 : vector<1x16xf32> to vector<16xf32>
      %swap3A_1722 = vector.shape_cast %add3A_1717 : vector<16xf32> to vector<1x16xf32>
      tpu.vector_store %arg10[%swap3A_1718, %swap3A_1719], %swap3A_1722 {strides = array<i32>} : memref<256x128xf32, #tpu.memory_space<vmem>>, vector<1x16xf32>,
      %broadcast_in_dim3A_1723 = arith.constant 11 : i32
      %broadcast_in_dim3A_1724 = vector.broadcast %broadcast_in_dim3A_1723 : i32 to vector<16x1xi32>
      %gather3A_1725 = vector.shape_cast %broadcast_in_dim3A_1724 : vector<16x1xi32> to vector<16xi32>
      %gather3A_1726 = tpu.dynamic_gather %convert_element_type3A[%gather3A_1725] in [0] : vector<16xf32>, vector<16xi32> -> vector<16xf32>
      %mul3A_1727 = arith.constant 16 : i32
      %mul3A_1728 = arith.muli %scan3A_137, %mul3A_1727 : i32
      %add3A_1729 = arith.constant 11 : i32
      %add3A_1730 = arith.addi %mul3A_1728, %add3A_1729 : i32
      %get3A_1731 = arith.index_cast %add3A_1730 : i32 to index
      %get3A_1732 = arith.constant 0 : index
      %get3A_1733 = tpu.vector_load %arg10[%get3A_1731, %get3A_1732] {strides = array<i32>} : memref<256x128xf32, #tpu.memory_space<vmem>>, vector<1x16xf32>,
      %get3A_1734 = vector.shape_cast %get3A_1733 : vector<1x16xf32> to vector<16xf32>
      %get3A_1735 = arith.index_cast %add3A_1730 : i32 to index
      %get3A_1736 = arith.constant 0 : index
      %get3A_1737 = tpu.vector_load %arg11[%get3A_1735, %get3A_1736] {strides = array<i32>} : memref<256x128xf32, #tpu.memory_space<vmem>>, vector<1x16xf32>,
      %get3A_1738 = vector.shape_cast %get3A_1737 : vector<1x16xf32> to vector<16xf32>
      %add3A_1739 = arith.addf %get3A_1734, %get3A_1738 : vector<16xf32>
      %mul3A_1740 = arith.mulf %gather3A_1726, %sub3A : vector<16xf32>
      %add3A_1741 = arith.addf %get3A_49, %mul3A_1740 : vector<16xf32>
      %add3A_1742 = arith.addf %add3A_1739, %add3A_1741 : vector<16xf32>
      %swap3A_1743 = arith.index_cast %add3A_1730 : i32 to index
      %swap3A_1744 = arith.constant 0 : index
      %swap3A_1745 = tpu.vector_load %arg10[%swap3A_1743, %swap3A_1744] {strides = array<i32>} : memref<256x128xf32, #tpu.memory_space<vmem>>, vector<1x16xf32>,
      %swap3A_1746 = vector.shape_cast %swap3A_1745 : vector<1x16xf32> to vector<16xf32>
      %swap3A_1747 = vector.shape_cast %add3A_1742 : vector<16xf32> to vector<1x16xf32>
      tpu.vector_store %arg10[%swap3A_1743, %swap3A_1744], %swap3A_1747 {strides = array<i32>} : memref<256x128xf32, #tpu.memory_space<vmem>>, vector<1x16xf32>,
      %get3A_1748 = arith.index_cast %add3A_1730 : i32 to index
      %get3A_1749 = arith.constant 16 : index
      %get3A_1750 = tpu.vector_load %arg10[%get3A_1748, %get3A_1749] {strides = array<i32>} : memref<256x128xf32, #tpu.memory_space<vmem>>, vector<1x16xf32>,
      %get3A_1751 = vector.shape_cast %get3A_1750 : vector<1x16xf32> to vector<16xf32>
      %get3A_1752 = arith.index_cast %add3A_1730 : i32 to index
      %get3A_1753 = arith.constant 16 : index
      %get3A_1754 = tpu.vector_load %arg11[%get3A_1752, %get3A_1753] {strides = array<i32>} : memref<256x128xf32, #tpu.memory_space<vmem>>, vector<1x16xf32>,
      %get3A_1755 = vector.shape_cast %get3A_1754 : vector<1x16xf32> to vector<16xf32>
      %add3A_1756 = arith.addf %get3A_1751, %get3A_1755 : vector<16xf32>
      %mul3A_1757 = arith.mulf %gather3A_1726, %sub3A_95 : vector<16xf32>
      %add3A_1758 = arith.addf %get3A_54, %mul3A_1757 : vector<16xf32>
      %add3A_1759 = arith.addf %add3A_1756, %add3A_1758 : vector<16xf32>
      %swap3A_1760 = arith.index_cast %add3A_1730 : i32 to index
      %swap3A_1761 = arith.constant 16 : index
      %swap3A_1762 = tpu.vector_load %arg10[%swap3A_1760, %swap3A_1761] {strides = array<i32>} : memref<256x128xf32, #tpu.memory_space<vmem>>, vector<1x16xf32>,
      %swap3A_1763 = vector.shape_cast %swap3A_1762 : vector<1x16xf32> to vector<16xf32>
      %swap3A_1764 = vector.shape_cast %add3A_1759 : vector<16xf32> to vector<1x16xf32>
      tpu.vector_store %arg10[%swap3A_1760, %swap3A_1761], %swap3A_1764 {strides = array<i32>} : memref<256x128xf32, #tpu.memory_space<vmem>>, vector<1x16xf32>,
      %get3A_1765 = arith.index_cast %add3A_1730 : i32 to index
      %get3A_1766 = arith.constant 32 : index
      %get3A_1767 = tpu.vector_load %arg10[%get3A_1765, %get3A_1766] {strides = array<i32>} : memref<256x128xf32, #tpu.memory_space<vmem>>, vector<1x16xf32>,
      %get3A_1768 = vector.shape_cast %get3A_1767 : vector<1x16xf32> to vector<16xf32>
      %get3A_1769 = arith.index_cast %add3A_1730 : i32 to index
      %get3A_1770 = arith.constant 32 : index
      %get3A_1771 = tpu.vector_load %arg11[%get3A_1769, %get3A_1770] {strides = array<i32>} : memref<256x128xf32, #tpu.memory_space<vmem>>, vector<1x16xf32>,
      %get3A_1772 = vector.shape_cast %get3A_1771 : vector<1x16xf32> to vector<16xf32>
      %add3A_1773 = arith.addf %get3A_1768, %get3A_1772 : vector<16xf32>
      %mul3A_1774 = arith.mulf %gather3A_1726, %sub3A_101 : vector<16xf32>
      %add3A_1775 = arith.addf %get3A_59, %mul3A_1774 : vector<16xf32>
      %add3A_1776 = arith.addf %add3A_1773, %add3A_1775 : vector<16xf32>
      %swap3A_1777 = arith.index_cast %add3A_1730 : i32 to index
      %swap3A_1778 = arith.constant 32 : index
      %swap3A_1779 = tpu.vector_load %arg10[%swap3A_1777, %swap3A_1778] {strides = array<i32>} : memref<256x128xf32, #tpu.memory_space<vmem>>, vector<1x16xf32>,
      %swap3A_1780 = vector.shape_cast %swap3A_1779 : vector<1x16xf32> to vector<16xf32>
      %swap3A_1781 = vector.shape_cast %add3A_1776 : vector<16xf32> to vector<1x16xf32>
      tpu.vector_store %arg10[%swap3A_1777, %swap3A_1778], %swap3A_1781 {strides = array<i32>} : memref<256x128xf32, #tpu.memory_space<vmem>>, vector<1x16xf32>,
      %get3A_1782 = arith.index_cast %add3A_1730 : i32 to index
      %get3A_1783 = arith.constant 48 : index
      %get3A_1784 = tpu.vector_load %arg10[%get3A_1782, %get3A_1783] {strides = array<i32>} : memref<256x128xf32, #tpu.memory_space<vmem>>, vector<1x16xf32>,
      %get3A_1785 = vector.shape_cast %get3A_1784 : vector<1x16xf32> to vector<16xf32>
      %get3A_1786 = arith.index_cast %add3A_1730 : i32 to index
      %get3A_1787 = arith.constant 48 : index
      %get3A_1788 = tpu.vector_load %arg11[%get3A_1786, %get3A_1787] {strides = array<i32>} : memref<256x128xf32, #tpu.memory_space<vmem>>, vector<1x16xf32>,
      %get3A_1789 = vector.shape_cast %get3A_1788 : vector<1x16xf32> to vector<16xf32>
      %add3A_1790 = arith.addf %get3A_1785, %get3A_1789 : vector<16xf32>
      %mul3A_1791 = arith.mulf %gather3A_1726, %sub3A_107 : vector<16xf32>
      %add3A_1792 = arith.addf %get3A_64, %mul3A_1791 : vector<16xf32>
      %add3A_1793 = arith.addf %add3A_1790, %add3A_1792 : vector<16xf32>
      %swap3A_1794 = arith.index_cast %add3A_1730 : i32 to index
      %swap3A_1795 = arith.constant 48 : index
      %swap3A_1796 = tpu.vector_load %arg10[%swap3A_1794, %swap3A_1795] {strides = array<i32>} : memref<256x128xf32, #tpu.memory_space<vmem>>, vector<1x16xf32>,
      %swap3A_1797 = vector.shape_cast %swap3A_1796 : vector<1x16xf32> to vector<16xf32>
      %swap3A_1798 = vector.shape_cast %add3A_1793 : vector<16xf32> to vector<1x16xf32>
      tpu.vector_store %arg10[%swap3A_1794, %swap3A_1795], %swap3A_1798 {strides = array<i32>} : memref<256x128xf32, #tpu.memory_space<vmem>>, vector<1x16xf32>,
      %get3A_1799 = arith.index_cast %add3A_1730 : i32 to index
      %get3A_1800 = arith.constant 64 : index
      %get3A_1801 = tpu.vector_load %arg10[%get3A_1799, %get3A_1800] {strides = array<i32>} : memref<256x128xf32, #tpu.memory_space<vmem>>, vector<1x16xf32>,
      %get3A_1802 = vector.shape_cast %get3A_1801 : vector<1x16xf32> to vector<16xf32>
      %get3A_1803 = arith.index_cast %add3A_1730 : i32 to index
      %get3A_1804 = arith.constant 64 : index
      %get3A_1805 = tpu.vector_load %arg11[%get3A_1803, %get3A_1804] {strides = array<i32>} : memref<256x128xf32, #tpu.memory_space<vmem>>, vector<1x16xf32>,
      %get3A_1806 = vector.shape_cast %get3A_1805 : vector<1x16xf32> to vector<16xf32>
      %add3A_1807 = arith.addf %get3A_1802, %get3A_1806 : vector<16xf32>
      %mul3A_1808 = arith.mulf %gather3A_1726, %sub3A_113 : vector<16xf32>
      %add3A_1809 = arith.addf %get3A_69, %mul3A_1808 : vector<16xf32>
      %add3A_1810 = arith.addf %add3A_1807, %add3A_1809 : vector<16xf32>
      %swap3A_1811 = arith.index_cast %add3A_1730 : i32 to index
      %swap3A_1812 = arith.constant 64 : index
      %swap3A_1813 = tpu.vector_load %arg10[%swap3A_1811, %swap3A_1812] {strides = array<i32>} : memref<256x128xf32, #tpu.memory_space<vmem>>, vector<1x16xf32>,
      %swap3A_1814 = vector.shape_cast %swap3A_1813 : vector<1x16xf32> to vector<16xf32>
      %swap3A_1815 = vector.shape_cast %add3A_1810 : vector<16xf32> to vector<1x16xf32>
      tpu.vector_store %arg10[%swap3A_1811, %swap3A_1812], %swap3A_1815 {strides = array<i32>} : memref<256x128xf32, #tpu.memory_space<vmem>>, vector<1x16xf32>,
      %get3A_1816 = arith.index_cast %add3A_1730 : i32 to index
      %get3A_1817 = arith.constant 80 : index
      %get3A_1818 = tpu.vector_load %arg10[%get3A_1816, %get3A_1817] {strides = array<i32>} : memref<256x128xf32, #tpu.memory_space<vmem>>, vector<1x16xf32>,
      %get3A_1819 = vector.shape_cast %get3A_1818 : vector<1x16xf32> to vector<16xf32>
      %get3A_1820 = arith.index_cast %add3A_1730 : i32 to index
      %get3A_1821 = arith.constant 80 : index
      %get3A_1822 = tpu.vector_load %arg11[%get3A_1820, %get3A_1821] {strides = array<i32>} : memref<256x128xf32, #tpu.memory_space<vmem>>, vector<1x16xf32>,
      %get3A_1823 = vector.shape_cast %get3A_1822 : vector<1x16xf32> to vector<16xf32>
      %add3A_1824 = arith.addf %get3A_1819, %get3A_1823 : vector<16xf32>
      %mul3A_1825 = arith.mulf %gather3A_1726, %sub3A_119 : vector<16xf32>
      %add3A_1826 = arith.addf %get3A_74, %mul3A_1825 : vector<16xf32>
      %add3A_1827 = arith.addf %add3A_1824, %add3A_1826 : vector<16xf32>
      %swap3A_1828 = arith.index_cast %add3A_1730 : i32 to index
      %swap3A_1829 = arith.constant 80 : index
      %swap3A_1830 = tpu.vector_load %arg10[%swap3A_1828, %swap3A_1829] {strides = array<i32>} : memref<256x128xf32, #tpu.memory_space<vmem>>, vector<1x16xf32>,
      %swap3A_1831 = vector.shape_cast %swap3A_1830 : vector<1x16xf32> to vector<16xf32>
      %swap3A_1832 = vector.shape_cast %add3A_1827 : vector<16xf32> to vector<1x16xf32>
      tpu.vector_store %arg10[%swap3A_1828, %swap3A_1829], %swap3A_1832 {strides = array<i32>} : memref<256x128xf32, #tpu.memory_space<vmem>>, vector<1x16xf32>,
      %get3A_1833 = arith.index_cast %add3A_1730 : i32 to index
      %get3A_1834 = arith.constant 96 : index
      %get3A_1835 = tpu.vector_load %arg10[%get3A_1833, %get3A_1834] {strides = array<i32>} : memref<256x128xf32, #tpu.memory_space<vmem>>, vector<1x16xf32>,
      %get3A_1836 = vector.shape_cast %get3A_1835 : vector<1x16xf32> to vector<16xf32>
      %get3A_1837 = arith.index_cast %add3A_1730 : i32 to index
      %get3A_1838 = arith.constant 96 : index
      %get3A_1839 = tpu.vector_load %arg11[%get3A_1837, %get3A_1838] {strides = array<i32>} : memref<256x128xf32, #tpu.memory_space<vmem>>, vector<1x16xf32>,
      %get3A_1840 = vector.shape_cast %get3A_1839 : vector<1x16xf32> to vector<16xf32>
      %add3A_1841 = arith.addf %get3A_1836, %get3A_1840 : vector<16xf32>
      %mul3A_1842 = arith.mulf %gather3A_1726, %sub3A_125 : vector<16xf32>
      %add3A_1843 = arith.addf %get3A_79, %mul3A_1842 : vector<16xf32>
      %add3A_1844 = arith.addf %add3A_1841, %add3A_1843 : vector<16xf32>
      %swap3A_1845 = arith.index_cast %add3A_1730 : i32 to index
      %swap3A_1846 = arith.constant 96 : index
      %swap3A_1847 = tpu.vector_load %arg10[%swap3A_1845, %swap3A_1846] {strides = array<i32>} : memref<256x128xf32, #tpu.memory_space<vmem>>, vector<1x16xf32>,
      %swap3A_1848 = vector.shape_cast %swap3A_1847 : vector<1x16xf32> to vector<16xf32>
      %swap3A_1849 = vector.shape_cast %add3A_1844 : vector<16xf32> to vector<1x16xf32>
      tpu.vector_store %arg10[%swap3A_1845, %swap3A_1846], %swap3A_1849 {strides = array<i32>} : memref<256x128xf32, #tpu.memory_space<vmem>>, vector<1x16xf32>,
      %get3A_1850 = arith.index_cast %add3A_1730 : i32 to index
      %get3A_1851 = arith.constant 112 : index
      %get3A_1852 = tpu.vector_load %arg10[%get3A_1850, %get3A_1851] {strides = array<i32>} : memref<256x128xf32, #tpu.memory_space<vmem>>, vector<1x16xf32>,
      %get3A_1853 = vector.shape_cast %get3A_1852 : vector<1x16xf32> to vector<16xf32>
      %get3A_1854 = arith.index_cast %add3A_1730 : i32 to index
      %get3A_1855 = arith.constant 112 : index
      %get3A_1856 = tpu.vector_load %arg11[%get3A_1854, %get3A_1855] {strides = array<i32>} : memref<256x128xf32, #tpu.memory_space<vmem>>, vector<1x16xf32>,
      %get3A_1857 = vector.shape_cast %get3A_1856 : vector<1x16xf32> to vector<16xf32>
      %add3A_1858 = arith.addf %get3A_1853, %get3A_1857 : vector<16xf32>
      %mul3A_1859 = arith.mulf %gather3A_1726, %sub3A_131 : vector<16xf32>
      %add3A_1860 = arith.addf %get3A_84, %mul3A_1859 : vector<16xf32>
      %add3A_1861 = arith.addf %add3A_1858, %add3A_1860 : vector<16xf32>
      %swap3A_1862 = arith.index_cast %add3A_1730 : i32 to index
      %swap3A_1863 = arith.constant 112 : index
      %swap3A_1864 = tpu.vector_load %arg10[%swap3A_1862, %swap3A_1863] {strides = array<i32>} : memref<256x128xf32, #tpu.memory_space<vmem>>, vector<1x16xf32>,
      %swap3A_1865 = vector.shape_cast %swap3A_1864 : vector<1x16xf32> to vector<16xf32>
      %swap3A_1866 = vector.shape_cast %add3A_1861 : vector<16xf32> to vector<1x16xf32>
      tpu.vector_store %arg10[%swap3A_1862, %swap3A_1863], %swap3A_1866 {strides = array<i32>} : memref<256x128xf32, #tpu.memory_space<vmem>>, vector<1x16xf32>,
      %broadcast_in_dim3A_1867 = arith.constant 12 : i32
      %broadcast_in_dim3A_1868 = vector.broadcast %broadcast_in_dim3A_1867 : i32 to vector<16x1xi32>
      %gather3A_1869 = vector.shape_cast %broadcast_in_dim3A_1868 : vector<16x1xi32> to vector<16xi32>
      %gather3A_1870 = tpu.dynamic_gather %convert_element_type3A[%gather3A_1869] in [0] : vector<16xf32>, vector<16xi32> -> vector<16xf32>
      %mul3A_1871 = arith.constant 16 : i32
      %mul3A_1872 = arith.muli %scan3A_137, %mul3A_1871 : i32
      %add3A_1873 = arith.constant 12 : i32
      %add3A_1874 = arith.addi %mul3A_1872, %add3A_1873 : i32
      %get3A_1875 = arith.index_cast %add3A_1874 : i32 to index
      %get3A_1876 = arith.constant 0 : index
      %get3A_1877 = tpu.vector_load %arg10[%get3A_1875, %get3A_1876] {strides = array<i32>} : memref<256x128xf32, #tpu.memory_space<vmem>>, vector<1x16xf32>,
      %get3A_1878 = vector.shape_cast %get3A_1877 : vector<1x16xf32> to vector<16xf32>
      %get3A_1879 = arith.index_cast %add3A_1874 : i32 to index
      %get3A_1880 = arith.constant 0 : index
      %get3A_1881 = tpu.vector_load %arg11[%get3A_1879, %get3A_1880] {strides = array<i32>} : memref<256x128xf32, #tpu.memory_space<vmem>>, vector<1x16xf32>,
      %get3A_1882 = vector.shape_cast %get3A_1881 : vector<1x16xf32> to vector<16xf32>
      %add3A_1883 = arith.addf %get3A_1878, %get3A_1882 : vector<16xf32>
      %mul3A_1884 = arith.mulf %gather3A_1870, %sub3A : vector<16xf32>
      %add3A_1885 = arith.addf %get3A_49, %mul3A_1884 : vector<16xf32>
      %add3A_1886 = arith.addf %add3A_1883, %add3A_1885 : vector<16xf32>
      %swap3A_1887 = arith.index_cast %add3A_1874 : i32 to index
      %swap3A_1888 = arith.constant 0 : index
      %swap3A_1889 = tpu.vector_load %arg10[%swap3A_1887, %swap3A_1888] {strides = array<i32>} : memref<256x128xf32, #tpu.memory_space<vmem>>, vector<1x16xf32>,
      %swap3A_1890 = vector.shape_cast %swap3A_1889 : vector<1x16xf32> to vector<16xf32>
      %swap3A_1891 = vector.shape_cast %add3A_1886 : vector<16xf32> to vector<1x16xf32>
      tpu.vector_store %arg10[%swap3A_1887, %swap3A_1888], %swap3A_1891 {strides = array<i32>} : memref<256x128xf32, #tpu.memory_space<vmem>>, vector<1x16xf32>,
      %get3A_1892 = arith.index_cast %add3A_1874 : i32 to index
      %get3A_1893 = arith.constant 16 : index
      %get3A_1894 = tpu.vector_load %arg10[%get3A_1892, %get3A_1893] {strides = array<i32>} : memref<256x128xf32, #tpu.memory_space<vmem>>, vector<1x16xf32>,
      %get3A_1895 = vector.shape_cast %get3A_1894 : vector<1x16xf32> to vector<16xf32>
      %get3A_1896 = arith.index_cast %add3A_1874 : i32 to index
      %get3A_1897 = arith.constant 16 : index
      %get3A_1898 = tpu.vector_load %arg11[%get3A_1896, %get3A_1897] {strides = array<i32>} : memref<256x128xf32, #tpu.memory_space<vmem>>, vector<1x16xf32>,
      %get3A_1899 = vector.shape_cast %get3A_1898 : vector<1x16xf32> to vector<16xf32>
      %add3A_1900 = arith.addf %get3A_1895, %get3A_1899 : vector<16xf32>
      %mul3A_1901 = arith.mulf %gather3A_1870, %sub3A_95 : vector<16xf32>
      %add3A_1902 = arith.addf %get3A_54, %mul3A_1901 : vector<16xf32>
      %add3A_1903 = arith.addf %add3A_1900, %add3A_1902 : vector<16xf32>
      %swap3A_1904 = arith.index_cast %add3A_1874 : i32 to index
      %swap3A_1905 = arith.constant 16 : index
      %swap3A_1906 = tpu.vector_load %arg10[%swap3A_1904, %swap3A_1905] {strides = array<i32>} : memref<256x128xf32, #tpu.memory_space<vmem>>, vector<1x16xf32>,
      %swap3A_1907 = vector.shape_cast %swap3A_1906 : vector<1x16xf32> to vector<16xf32>
      %swap3A_1908 = vector.shape_cast %add3A_1903 : vector<16xf32> to vector<1x16xf32>
      tpu.vector_store %arg10[%swap3A_1904, %swap3A_1905], %swap3A_1908 {strides = array<i32>} : memref<256x128xf32, #tpu.memory_space<vmem>>, vector<1x16xf32>,
      %get3A_1909 = arith.index_cast %add3A_1874 : i32 to index
      %get3A_1910 = arith.constant 32 : index
      %get3A_1911 = tpu.vector_load %arg10[%get3A_1909, %get3A_1910] {strides = array<i32>} : memref<256x128xf32, #tpu.memory_space<vmem>>, vector<1x16xf32>,
      %get3A_1912 = vector.shape_cast %get3A_1911 : vector<1x16xf32> to vector<16xf32>
      %get3A_1913 = arith.index_cast %add3A_1874 : i32 to index
      %get3A_1914 = arith.constant 32 : index
      %get3A_1915 = tpu.vector_load %arg11[%get3A_1913, %get3A_1914] {strides = array<i32>} : memref<256x128xf32, #tpu.memory_space<vmem>>, vector<1x16xf32>,
      %get3A_1916 = vector.shape_cast %get3A_1915 : vector<1x16xf32> to vector<16xf32>
      %add3A_1917 = arith.addf %get3A_1912, %get3A_1916 : vector<16xf32>
      %mul3A_1918 = arith.mulf %gather3A_1870, %sub3A_101 : vector<16xf32>
      %add3A_1919 = arith.addf %get3A_59, %mul3A_1918 : vector<16xf32>
      %add3A_1920 = arith.addf %add3A_1917, %add3A_1919 : vector<16xf32>
      %swap3A_1921 = arith.index_cast %add3A_1874 : i32 to index
      %swap3A_1922 = arith.constant 32 : index
      %swap3A_1923 = tpu.vector_load %arg10[%swap3A_1921, %swap3A_1922] {strides = array<i32>} : memref<256x128xf32, #tpu.memory_space<vmem>>, vector<1x16xf32>,
      %swap3A_1924 = vector.shape_cast %swap3A_1923 : vector<1x16xf32> to vector<16xf32>
      %swap3A_1925 = vector.shape_cast %add3A_1920 : vector<16xf32> to vector<1x16xf32>
      tpu.vector_store %arg10[%swap3A_1921, %swap3A_1922], %swap3A_1925 {strides = array<i32>} : memref<256x128xf32, #tpu.memory_space<vmem>>, vector<1x16xf32>,
      %get3A_1926 = arith.index_cast %add3A_1874 : i32 to index
      %get3A_1927 = arith.constant 48 : index
      %get3A_1928 = tpu.vector_load %arg10[%get3A_1926, %get3A_1927] {strides = array<i32>} : memref<256x128xf32, #tpu.memory_space<vmem>>, vector<1x16xf32>,
      %get3A_1929 = vector.shape_cast %get3A_1928 : vector<1x16xf32> to vector<16xf32>
      %get3A_1930 = arith.index_cast %add3A_1874 : i32 to index
      %get3A_1931 = arith.constant 48 : index
      %get3A_1932 = tpu.vector_load %arg11[%get3A_1930, %get3A_1931] {strides = array<i32>} : memref<256x128xf32, #tpu.memory_space<vmem>>, vector<1x16xf32>,
      %get3A_1933 = vector.shape_cast %get3A_1932 : vector<1x16xf32> to vector<16xf32>
      %add3A_1934 = arith.addf %get3A_1929, %get3A_1933 : vector<16xf32>
      %mul3A_1935 = arith.mulf %gather3A_1870, %sub3A_107 : vector<16xf32>
      %add3A_1936 = arith.addf %get3A_64, %mul3A_1935 : vector<16xf32>
      %add3A_1937 = arith.addf %add3A_1934, %add3A_1936 : vector<16xf32>
      %swap3A_1938 = arith.index_cast %add3A_1874 : i32 to index
      %swap3A_1939 = arith.constant 48 : index
      %swap3A_1940 = tpu.vector_load %arg10[%swap3A_1938, %swap3A_1939] {strides = array<i32>} : memref<256x128xf32, #tpu.memory_space<vmem>>, vector<1x16xf32>,
      %swap3A_1941 = vector.shape_cast %swap3A_1940 : vector<1x16xf32> to vector<16xf32>
      %swap3A_1942 = vector.shape_cast %add3A_1937 : vector<16xf32> to vector<1x16xf32>
      tpu.vector_store %arg10[%swap3A_1938, %swap3A_1939], %swap3A_1942 {strides = array<i32>} : memref<256x128xf32, #tpu.memory_space<vmem>>, vector<1x16xf32>,
      %get3A_1943 = arith.index_cast %add3A_1874 : i32 to index
      %get3A_1944 = arith.constant 64 : index
      %get3A_1945 = tpu.vector_load %arg10[%get3A_1943, %get3A_1944] {strides = array<i32>} : memref<256x128xf32, #tpu.memory_space<vmem>>, vector<1x16xf32>,
      %get3A_1946 = vector.shape_cast %get3A_1945 : vector<1x16xf32> to vector<16xf32>
      %get3A_1947 = arith.index_cast %add3A_1874 : i32 to index
      %get3A_1948 = arith.constant 64 : index
      %get3A_1949 = tpu.vector_load %arg11[%get3A_1947, %get3A_1948] {strides = array<i32>} : memref<256x128xf32, #tpu.memory_space<vmem>>, vector<1x16xf32>,
      %get3A_1950 = vector.shape_cast %get3A_1949 : vector<1x16xf32> to vector<16xf32>
      %add3A_1951 = arith.addf %get3A_1946, %get3A_1950 : vector<16xf32>
      %mul3A_1952 = arith.mulf %gather3A_1870, %sub3A_113 : vector<16xf32>
      %add3A_1953 = arith.addf %get3A_69, %mul3A_1952 : vector<16xf32>
      %add3A_1954 = arith.addf %add3A_1951, %add3A_1953 : vector<16xf32>
      %swap3A_1955 = arith.index_cast %add3A_1874 : i32 to index
      %swap3A_1956 = arith.constant 64 : index
      %swap3A_1957 = tpu.vector_load %arg10[%swap3A_1955, %swap3A_1956] {strides = array<i32>} : memref<256x128xf32, #tpu.memory_space<vmem>>, vector<1x16xf32>,
      %swap3A_1958 = vector.shape_cast %swap3A_1957 : vector<1x16xf32> to vector<16xf32>
      %swap3A_1959 = vector.shape_cast %add3A_1954 : vector<16xf32> to vector<1x16xf32>
      tpu.vector_store %arg10[%swap3A_1955, %swap3A_1956], %swap3A_1959 {strides = array<i32>} : memref<256x128xf32, #tpu.memory_space<vmem>>, vector<1x16xf32>,
      %get3A_1960 = arith.index_cast %add3A_1874 : i32 to index
      %get3A_1961 = arith.constant 80 : index
      %get3A_1962 = tpu.vector_load %arg10[%get3A_1960, %get3A_1961] {strides = array<i32>} : memref<256x128xf32, #tpu.memory_space<vmem>>, vector<1x16xf32>,
      %get3A_1963 = vector.shape_cast %get3A_1962 : vector<1x16xf32> to vector<16xf32>
      %get3A_1964 = arith.index_cast %add3A_1874 : i32 to index
      %get3A_1965 = arith.constant 80 : index
      %get3A_1966 = tpu.vector_load %arg11[%get3A_1964, %get3A_1965] {strides = array<i32>} : memref<256x128xf32, #tpu.memory_space<vmem>>, vector<1x16xf32>,
      %get3A_1967 = vector.shape_cast %get3A_1966 : vector<1x16xf32> to vector<16xf32>
      %add3A_1968 = arith.addf %get3A_1963, %get3A_1967 : vector<16xf32>
      %mul3A_1969 = arith.mulf %gather3A_1870, %sub3A_119 : vector<16xf32>
      %add3A_1970 = arith.addf %get3A_74, %mul3A_1969 : vector<16xf32>
      %add3A_1971 = arith.addf %add3A_1968, %add3A_1970 : vector<16xf32>
      %swap3A_1972 = arith.index_cast %add3A_1874 : i32 to index
      %swap3A_1973 = arith.constant 80 : index
      %swap3A_1974 = tpu.vector_load %arg10[%swap3A_1972, %swap3A_1973] {strides = array<i32>} : memref<256x128xf32, #tpu.memory_space<vmem>>, vector<1x16xf32>,
      %swap3A_1975 = vector.shape_cast %swap3A_1974 : vector<1x16xf32> to vector<16xf32>
      %swap3A_1976 = vector.shape_cast %add3A_1971 : vector<16xf32> to vector<1x16xf32>
      tpu.vector_store %arg10[%swap3A_1972, %swap3A_1973], %swap3A_1976 {strides = array<i32>} : memref<256x128xf32, #tpu.memory_space<vmem>>, vector<1x16xf32>,
      %get3A_1977 = arith.index_cast %add3A_1874 : i32 to index
      %get3A_1978 = arith.constant 96 : index
      %get3A_1979 = tpu.vector_load %arg10[%get3A_1977, %get3A_1978] {strides = array<i32>} : memref<256x128xf32, #tpu.memory_space<vmem>>, vector<1x16xf32>,
      %get3A_1980 = vector.shape_cast %get3A_1979 : vector<1x16xf32> to vector<16xf32>
      %get3A_1981 = arith.index_cast %add3A_1874 : i32 to index
      %get3A_1982 = arith.constant 96 : index
      %get3A_1983 = tpu.vector_load %arg11[%get3A_1981, %get3A_1982] {strides = array<i32>} : memref<256x128xf32, #tpu.memory_space<vmem>>, vector<1x16xf32>,
      %get3A_1984 = vector.shape_cast %get3A_1983 : vector<1x16xf32> to vector<16xf32>
      %add3A_1985 = arith.addf %get3A_1980, %get3A_1984 : vector<16xf32>
      %mul3A_1986 = arith.mulf %gather3A_1870, %sub3A_125 : vector<16xf32>
      %add3A_1987 = arith.addf %get3A_79, %mul3A_1986 : vector<16xf32>
      %add3A_1988 = arith.addf %add3A_1985, %add3A_1987 : vector<16xf32>
      %swap3A_1989 = arith.index_cast %add3A_1874 : i32 to index
      %swap3A_1990 = arith.constant 96 : index
      %swap3A_1991 = tpu.vector_load %arg10[%swap3A_1989, %swap3A_1990] {strides = array<i32>} : memref<256x128xf32, #tpu.memory_space<vmem>>, vector<1x16xf32>,
      %swap3A_1992 = vector.shape_cast %swap3A_1991 : vector<1x16xf32> to vector<16xf32>
      %swap3A_1993 = vector.shape_cast %add3A_1988 : vector<16xf32> to vector<1x16xf32>
      tpu.vector_store %arg10[%swap3A_1989, %swap3A_1990], %swap3A_1993 {strides = array<i32>} : memref<256x128xf32, #tpu.memory_space<vmem>>, vector<1x16xf32>,
      %get3A_1994 = arith.index_cast %add3A_1874 : i32 to index
      %get3A_1995 = arith.constant 112 : index
      %get3A_1996 = tpu.vector_load %arg10[%get3A_1994, %get3A_1995] {strides = array<i32>} : memref<256x128xf32, #tpu.memory_space<vmem>>, vector<1x16xf32>,
      %get3A_1997 = vector.shape_cast %get3A_1996 : vector<1x16xf32> to vector<16xf32>
      %get3A_1998 = arith.index_cast %add3A_1874 : i32 to index
      %get3A_1999 = arith.constant 112 : index
      %get3A_2000 = tpu.vector_load %arg11[%get3A_1998, %get3A_1999] {strides = array<i32>} : memref<256x128xf32, #tpu.memory_space<vmem>>, vector<1x16xf32>,
      %get3A_2001 = vector.shape_cast %get3A_2000 : vector<1x16xf32> to vector<16xf32>
      %add3A_2002 = arith.addf %get3A_1997, %get3A_2001 : vector<16xf32>
      %mul3A_2003 = arith.mulf %gather3A_1870, %sub3A_131 : vector<16xf32>
      %add3A_2004 = arith.addf %get3A_84, %mul3A_2003 : vector<16xf32>
      %add3A_2005 = arith.addf %add3A_2002, %add3A_2004 : vector<16xf32>
      %swap3A_2006 = arith.index_cast %add3A_1874 : i32 to index
      %swap3A_2007 = arith.constant 112 : index
      %swap3A_2008 = tpu.vector_load %arg10[%swap3A_2006, %swap3A_2007] {strides = array<i32>} : memref<256x128xf32, #tpu.memory_space<vmem>>, vector<1x16xf32>,
      %swap3A_2009 = vector.shape_cast %swap3A_2008 : vector<1x16xf32> to vector<16xf32>
      %swap3A_2010 = vector.shape_cast %add3A_2005 : vector<16xf32> to vector<1x16xf32>
      tpu.vector_store %arg10[%swap3A_2006, %swap3A_2007], %swap3A_2010 {strides = array<i32>} : memref<256x128xf32, #tpu.memory_space<vmem>>, vector<1x16xf32>,
      %broadcast_in_dim3A_2011 = arith.constant 13 : i32
      %broadcast_in_dim3A_2012 = vector.broadcast %broadcast_in_dim3A_2011 : i32 to vector<16x1xi32>
      %gather3A_2013 = vector.shape_cast %broadcast_in_dim3A_2012 : vector<16x1xi32> to vector<16xi32>
      %gather3A_2014 = tpu.dynamic_gather %convert_element_type3A[%gather3A_2013] in [0] : vector<16xf32>, vector<16xi32> -> vector<16xf32>
      %mul3A_2015 = arith.constant 16 : i32
      %mul3A_2016 = arith.muli %scan3A_137, %mul3A_2015 : i32
      %add3A_2017 = arith.constant 13 : i32
      %add3A_2018 = arith.addi %mul3A_2016, %add3A_2017 : i32
      %get3A_2019 = arith.index_cast %add3A_2018 : i32 to index
      %get3A_2020 = arith.constant 0 : index
      %get3A_2021 = tpu.vector_load %arg10[%get3A_2019, %get3A_2020] {strides = array<i32>} : memref<256x128xf32, #tpu.memory_space<vmem>>, vector<1x16xf32>,
      %get3A_2022 = vector.shape_cast %get3A_2021 : vector<1x16xf32> to vector<16xf32>
      %get3A_2023 = arith.index_cast %add3A_2018 : i32 to index
      %get3A_2024 = arith.constant 0 : index
      %get3A_2025 = tpu.vector_load %arg11[%get3A_2023, %get3A_2024] {strides = array<i32>} : memref<256x128xf32, #tpu.memory_space<vmem>>, vector<1x16xf32>,
      %get3A_2026 = vector.shape_cast %get3A_2025 : vector<1x16xf32> to vector<16xf32>
      %add3A_2027 = arith.addf %get3A_2022, %get3A_2026 : vector<16xf32>
      %mul3A_2028 = arith.mulf %gather3A_2014, %sub3A : vector<16xf32>
      %add3A_2029 = arith.addf %get3A_49, %mul3A_2028 : vector<16xf32>
      %add3A_2030 = arith.addf %add3A_2027, %add3A_2029 : vector<16xf32>
      %swap3A_2031 = arith.index_cast %add3A_2018 : i32 to index
      %swap3A_2032 = arith.constant 0 : index
      %swap3A_2033 = tpu.vector_load %arg10[%swap3A_2031, %swap3A_2032] {strides = array<i32>} : memref<256x128xf32, #tpu.memory_space<vmem>>, vector<1x16xf32>,
      %swap3A_2034 = vector.shape_cast %swap3A_2033 : vector<1x16xf32> to vector<16xf32>
      %swap3A_2035 = vector.shape_cast %add3A_2030 : vector<16xf32> to vector<1x16xf32>
      tpu.vector_store %arg10[%swap3A_2031, %swap3A_2032], %swap3A_2035 {strides = array<i32>} : memref<256x128xf32, #tpu.memory_space<vmem>>, vector<1x16xf32>,
      %get3A_2036 = arith.index_cast %add3A_2018 : i32 to index
      %get3A_2037 = arith.constant 16 : index
      %get3A_2038 = tpu.vector_load %arg10[%get3A_2036, %get3A_2037] {strides = array<i32>} : memref<256x128xf32, #tpu.memory_space<vmem>>, vector<1x16xf32>,
      %get3A_2039 = vector.shape_cast %get3A_2038 : vector<1x16xf32> to vector<16xf32>
      %get3A_2040 = arith.index_cast %add3A_2018 : i32 to index
      %get3A_2041 = arith.constant 16 : index
      %get3A_2042 = tpu.vector_load %arg11[%get3A_2040, %get3A_2041] {strides = array<i32>} : memref<256x128xf32, #tpu.memory_space<vmem>>, vector<1x16xf32>,
      %get3A_2043 = vector.shape_cast %get3A_2042 : vector<1x16xf32> to vector<16xf32>
      %add3A_2044 = arith.addf %get3A_2039, %get3A_2043 : vector<16xf32>
      %mul3A_2045 = arith.mulf %gather3A_2014, %sub3A_95 : vector<16xf32>
      %add3A_2046 = arith.addf %get3A_54, %mul3A_2045 : vector<16xf32>
      %add3A_2047 = arith.addf %add3A_2044, %add3A_2046 : vector<16xf32>
      %swap3A_2048 = arith.index_cast %add3A_2018 : i32 to index
      %swap3A_2049 = arith.constant 16 : index
      %swap3A_2050 = tpu.vector_load %arg10[%swap3A_2048, %swap3A_2049] {strides = array<i32>} : memref<256x128xf32, #tpu.memory_space<vmem>>, vector<1x16xf32>,
      %swap3A_2051 = vector.shape_cast %swap3A_2050 : vector<1x16xf32> to vector<16xf32>
      %swap3A_2052 = vector.shape_cast %add3A_2047 : vector<16xf32> to vector<1x16xf32>
      tpu.vector_store %arg10[%swap3A_2048, %swap3A_2049], %swap3A_2052 {strides = array<i32>} : memref<256x128xf32, #tpu.memory_space<vmem>>, vector<1x16xf32>,
      %get3A_2053 = arith.index_cast %add3A_2018 : i32 to index
      %get3A_2054 = arith.constant 32 : index
      %get3A_2055 = tpu.vector_load %arg10[%get3A_2053, %get3A_2054] {strides = array<i32>} : memref<256x128xf32, #tpu.memory_space<vmem>>, vector<1x16xf32>,
      %get3A_2056 = vector.shape_cast %get3A_2055 : vector<1x16xf32> to vector<16xf32>
      %get3A_2057 = arith.index_cast %add3A_2018 : i32 to index
      %get3A_2058 = arith.constant 32 : index
      %get3A_2059 = tpu.vector_load %arg11[%get3A_2057, %get3A_2058] {strides = array<i32>} : memref<256x128xf32, #tpu.memory_space<vmem>>, vector<1x16xf32>,
      %get3A_2060 = vector.shape_cast %get3A_2059 : vector<1x16xf32> to vector<16xf32>
      %add3A_2061 = arith.addf %get3A_2056, %get3A_2060 : vector<16xf32>
      %mul3A_2062 = arith.mulf %gather3A_2014, %sub3A_101 : vector<16xf32>
      %add3A_2063 = arith.addf %get3A_59, %mul3A_2062 : vector<16xf32>
      %add3A_2064 = arith.addf %add3A_2061, %add3A_2063 : vector<16xf32>
      %swap3A_2065 = arith.index_cast %add3A_2018 : i32 to index
      %swap3A_2066 = arith.constant 32 : index
      %swap3A_2067 = tpu.vector_load %arg10[%swap3A_2065, %swap3A_2066] {strides = array<i32>} : memref<256x128xf32, #tpu.memory_space<vmem>>, vector<1x16xf32>,
      %swap3A_2068 = vector.shape_cast %swap3A_2067 : vector<1x16xf32> to vector<16xf32>
      %swap3A_2069 = vector.shape_cast %add3A_2064 : vector<16xf32> to vector<1x16xf32>
      tpu.vector_store %arg10[%swap3A_2065, %swap3A_2066], %swap3A_2069 {strides = array<i32>} : memref<256x128xf32, #tpu.memory_space<vmem>>, vector<1x16xf32>,
      %get3A_2070 = arith.index_cast %add3A_2018 : i32 to index
      %get3A_2071 = arith.constant 48 : index
      %get3A_2072 = tpu.vector_load %arg10[%get3A_2070, %get3A_2071] {strides = array<i32>} : memref<256x128xf32, #tpu.memory_space<vmem>>, vector<1x16xf32>,
      %get3A_2073 = vector.shape_cast %get3A_2072 : vector<1x16xf32> to vector<16xf32>
      %get3A_2074 = arith.index_cast %add3A_2018 : i32 to index
      %get3A_2075 = arith.constant 48 : index
      %get3A_2076 = tpu.vector_load %arg11[%get3A_2074, %get3A_2075] {strides = array<i32>} : memref<256x128xf32, #tpu.memory_space<vmem>>, vector<1x16xf32>,
      %get3A_2077 = vector.shape_cast %get3A_2076 : vector<1x16xf32> to vector<16xf32>
      %add3A_2078 = arith.addf %get3A_2073, %get3A_2077 : vector<16xf32>
      %mul3A_2079 = arith.mulf %gather3A_2014, %sub3A_107 : vector<16xf32>
      %add3A_2080 = arith.addf %get3A_64, %mul3A_2079 : vector<16xf32>
      %add3A_2081 = arith.addf %add3A_2078, %add3A_2080 : vector<16xf32>
      %swap3A_2082 = arith.index_cast %add3A_2018 : i32 to index
      %swap3A_2083 = arith.constant 48 : index
      %swap3A_2084 = tpu.vector_load %arg10[%swap3A_2082, %swap3A_2083] {strides = array<i32>} : memref<256x128xf32, #tpu.memory_space<vmem>>, vector<1x16xf32>,
      %swap3A_2085 = vector.shape_cast %swap3A_2084 : vector<1x16xf32> to vector<16xf32>
      %swap3A_2086 = vector.shape_cast %add3A_2081 : vector<16xf32> to vector<1x16xf32>
      tpu.vector_store %arg10[%swap3A_2082, %swap3A_2083], %swap3A_2086 {strides = array<i32>} : memref<256x128xf32, #tpu.memory_space<vmem>>, vector<1x16xf32>,
      %get3A_2087 = arith.index_cast %add3A_2018 : i32 to index
      %get3A_2088 = arith.constant 64 : index
      %get3A_2089 = tpu.vector_load %arg10[%get3A_2087, %get3A_2088] {strides = array<i32>} : memref<256x128xf32, #tpu.memory_space<vmem>>, vector<1x16xf32>,
      %get3A_2090 = vector.shape_cast %get3A_2089 : vector<1x16xf32> to vector<16xf32>
      %get3A_2091 = arith.index_cast %add3A_2018 : i32 to index
      %get3A_2092 = arith.constant 64 : index
      %get3A_2093 = tpu.vector_load %arg11[%get3A_2091, %get3A_2092] {strides = array<i32>} : memref<256x128xf32, #tpu.memory_space<vmem>>, vector<1x16xf32>,
      %get3A_2094 = vector.shape_cast %get3A_2093 : vector<1x16xf32> to vector<16xf32>
      %add3A_2095 = arith.addf %get3A_2090, %get3A_2094 : vector<16xf32>
      %mul3A_2096 = arith.mulf %gather3A_2014, %sub3A_113 : vector<16xf32>
      %add3A_2097 = arith.addf %get3A_69, %mul3A_2096 : vector<16xf32>
      %add3A_2098 = arith.addf %add3A_2095, %add3A_2097 : vector<16xf32>
      %swap3A_2099 = arith.index_cast %add3A_2018 : i32 to index
      %swap3A_2100 = arith.constant 64 : index
      %swap3A_2101 = tpu.vector_load %arg10[%swap3A_2099, %swap3A_2100] {strides = array<i32>} : memref<256x128xf32, #tpu.memory_space<vmem>>, vector<1x16xf32>,
      %swap3A_2102 = vector.shape_cast %swap3A_2101 : vector<1x16xf32> to vector<16xf32>
      %swap3A_2103 = vector.shape_cast %add3A_2098 : vector<16xf32> to vector<1x16xf32>
      tpu.vector_store %arg10[%swap3A_2099, %swap3A_2100], %swap3A_2103 {strides = array<i32>} : memref<256x128xf32, #tpu.memory_space<vmem>>, vector<1x16xf32>,
      %get3A_2104 = arith.index_cast %add3A_2018 : i32 to index
      %get3A_2105 = arith.constant 80 : index
      %get3A_2106 = tpu.vector_load %arg10[%get3A_2104, %get3A_2105] {strides = array<i32>} : memref<256x128xf32, #tpu.memory_space<vmem>>, vector<1x16xf32>,
      %get3A_2107 = vector.shape_cast %get3A_2106 : vector<1x16xf32> to vector<16xf32>
      %get3A_2108 = arith.index_cast %add3A_2018 : i32 to index
      %get3A_2109 = arith.constant 80 : index
      %get3A_2110 = tpu.vector_load %arg11[%get3A_2108, %get3A_2109] {strides = array<i32>} : memref<256x128xf32, #tpu.memory_space<vmem>>, vector<1x16xf32>,
      %get3A_2111 = vector.shape_cast %get3A_2110 : vector<1x16xf32> to vector<16xf32>
      %add3A_2112 = arith.addf %get3A_2107, %get3A_2111 : vector<16xf32>
      %mul3A_2113 = arith.mulf %gather3A_2014, %sub3A_119 : vector<16xf32>
      %add3A_2114 = arith.addf %get3A_74, %mul3A_2113 : vector<16xf32>
      %add3A_2115 = arith.addf %add3A_2112, %add3A_2114 : vector<16xf32>
      %swap3A_2116 = arith.index_cast %add3A_2018 : i32 to index
      %swap3A_2117 = arith.constant 80 : index
      %swap3A_2118 = tpu.vector_load %arg10[%swap3A_2116, %swap3A_2117] {strides = array<i32>} : memref<256x128xf32, #tpu.memory_space<vmem>>, vector<1x16xf32>,
      %swap3A_2119 = vector.shape_cast %swap3A_2118 : vector<1x16xf32> to vector<16xf32>
      %swap3A_2120 = vector.shape_cast %add3A_2115 : vector<16xf32> to vector<1x16xf32>
      tpu.vector_store %arg10[%swap3A_2116, %swap3A_2117], %swap3A_2120 {strides = array<i32>} : memref<256x128xf32, #tpu.memory_space<vmem>>, vector<1x16xf32>,
      %get3A_2121 = arith.index_cast %add3A_2018 : i32 to index
      %get3A_2122 = arith.constant 96 : index
      %get3A_2123 = tpu.vector_load %arg10[%get3A_2121, %get3A_2122] {strides = array<i32>} : memref<256x128xf32, #tpu.memory_space<vmem>>, vector<1x16xf32>,
      %get3A_2124 = vector.shape_cast %get3A_2123 : vector<1x16xf32> to vector<16xf32>
      %get3A_2125 = arith.index_cast %add3A_2018 : i32 to index
      %get3A_2126 = arith.constant 96 : index
      %get3A_2127 = tpu.vector_load %arg11[%get3A_2125, %get3A_2126] {strides = array<i32>} : memref<256x128xf32, #tpu.memory_space<vmem>>, vector<1x16xf32>,
      %get3A_2128 = vector.shape_cast %get3A_2127 : vector<1x16xf32> to vector<16xf32>
      %add3A_2129 = arith.addf %get3A_2124, %get3A_2128 : vector<16xf32>
      %mul3A_2130 = arith.mulf %gather3A_2014, %sub3A_125 : vector<16xf32>
      %add3A_2131 = arith.addf %get3A_79, %mul3A_2130 : vector<16xf32>
      %add3A_2132 = arith.addf %add3A_2129, %add3A_2131 : vector<16xf32>
      %swap3A_2133 = arith.index_cast %add3A_2018 : i32 to index
      %swap3A_2134 = arith.constant 96 : index
      %swap3A_2135 = tpu.vector_load %arg10[%swap3A_2133, %swap3A_2134] {strides = array<i32>} : memref<256x128xf32, #tpu.memory_space<vmem>>, vector<1x16xf32>,
      %swap3A_2136 = vector.shape_cast %swap3A_2135 : vector<1x16xf32> to vector<16xf32>
      %swap3A_2137 = vector.shape_cast %add3A_2132 : vector<16xf32> to vector<1x16xf32>
      tpu.vector_store %arg10[%swap3A_2133, %swap3A_2134], %swap3A_2137 {strides = array<i32>} : memref<256x128xf32, #tpu.memory_space<vmem>>, vector<1x16xf32>,
      %get3A_2138 = arith.index_cast %add3A_2018 : i32 to index
      %get3A_2139 = arith.constant 112 : index
      %get3A_2140 = tpu.vector_load %arg10[%get3A_2138, %get3A_2139] {strides = array<i32>} : memref<256x128xf32, #tpu.memory_space<vmem>>, vector<1x16xf32>,
      %get3A_2141 = vector.shape_cast %get3A_2140 : vector<1x16xf32> to vector<16xf32>
      %get3A_2142 = arith.index_cast %add3A_2018 : i32 to index
      %get3A_2143 = arith.constant 112 : index
      %get3A_2144 = tpu.vector_load %arg11[%get3A_2142, %get3A_2143] {strides = array<i32>} : memref<256x128xf32, #tpu.memory_space<vmem>>, vector<1x16xf32>,
      %get3A_2145 = vector.shape_cast %get3A_2144 : vector<1x16xf32> to vector<16xf32>
      %add3A_2146 = arith.addf %get3A_2141, %get3A_2145 : vector<16xf32>
      %mul3A_2147 = arith.mulf %gather3A_2014, %sub3A_131 : vector<16xf32>
      %add3A_2148 = arith.addf %get3A_84, %mul3A_2147 : vector<16xf32>
      %add3A_2149 = arith.addf %add3A_2146, %add3A_2148 : vector<16xf32>
      %swap3A_2150 = arith.index_cast %add3A_2018 : i32 to index
      %swap3A_2151 = arith.constant 112 : index
      %swap3A_2152 = tpu.vector_load %arg10[%swap3A_2150, %swap3A_2151] {strides = array<i32>} : memref<256x128xf32, #tpu.memory_space<vmem>>, vector<1x16xf32>,
      %swap3A_2153 = vector.shape_cast %swap3A_2152 : vector<1x16xf32> to vector<16xf32>
      %swap3A_2154 = vector.shape_cast %add3A_2149 : vector<16xf32> to vector<1x16xf32>
      tpu.vector_store %arg10[%swap3A_2150, %swap3A_2151], %swap3A_2154 {strides = array<i32>} : memref<256x128xf32, #tpu.memory_space<vmem>>, vector<1x16xf32>,
      %broadcast_in_dim3A_2155 = arith.constant 14 : i32
      %broadcast_in_dim3A_2156 = vector.broadcast %broadcast_in_dim3A_2155 : i32 to vector<16x1xi32>
      %gather3A_2157 = vector.shape_cast %broadcast_in_dim3A_2156 : vector<16x1xi32> to vector<16xi32>
      %gather3A_2158 = tpu.dynamic_gather %convert_element_type3A[%gather3A_2157] in [0] : vector<16xf32>, vector<16xi32> -> vector<16xf32>
      %mul3A_2159 = arith.constant 16 : i32
      %mul3A_2160 = arith.muli %scan3A_137, %mul3A_2159 : i32
      %add3A_2161 = arith.constant 14 : i32
      %add3A_2162 = arith.addi %mul3A_2160, %add3A_2161 : i32
      %get3A_2163 = arith.index_cast %add3A_2162 : i32 to index
      %get3A_2164 = arith.constant 0 : index
      %get3A_2165 = tpu.vector_load %arg10[%get3A_2163, %get3A_2164] {strides = array<i32>} : memref<256x128xf32, #tpu.memory_space<vmem>>, vector<1x16xf32>,
      %get3A_2166 = vector.shape_cast %get3A_2165 : vector<1x16xf32> to vector<16xf32>
      %get3A_2167 = arith.index_cast %add3A_2162 : i32 to index
      %get3A_2168 = arith.constant 0 : index
      %get3A_2169 = tpu.vector_load %arg11[%get3A_2167, %get3A_2168] {strides = array<i32>} : memref<256x128xf32, #tpu.memory_space<vmem>>, vector<1x16xf32>,
      %get3A_2170 = vector.shape_cast %get3A_2169 : vector<1x16xf32> to vector<16xf32>
      %add3A_2171 = arith.addf %get3A_2166, %get3A_2170 : vector<16xf32>
      %mul3A_2172 = arith.mulf %gather3A_2158, %sub3A : vector<16xf32>
      %add3A_2173 = arith.addf %get3A_49, %mul3A_2172 : vector<16xf32>
      %add3A_2174 = arith.addf %add3A_2171, %add3A_2173 : vector<16xf32>
      %swap3A_2175 = arith.index_cast %add3A_2162 : i32 to index
      %swap3A_2176 = arith.constant 0 : index
      %swap3A_2177 = tpu.vector_load %arg10[%swap3A_2175, %swap3A_2176] {strides = array<i32>} : memref<256x128xf32, #tpu.memory_space<vmem>>, vector<1x16xf32>,
      %swap3A_2178 = vector.shape_cast %swap3A_2177 : vector<1x16xf32> to vector<16xf32>
      %swap3A_2179 = vector.shape_cast %add3A_2174 : vector<16xf32> to vector<1x16xf32>
      tpu.vector_store %arg10[%swap3A_2175, %swap3A_2176], %swap3A_2179 {strides = array<i32>} : memref<256x128xf32, #tpu.memory_space<vmem>>, vector<1x16xf32>,
      %get3A_2180 = arith.index_cast %add3A_2162 : i32 to index
      %get3A_2181 = arith.constant 16 : index
      %get3A_2182 = tpu.vector_load %arg10[%get3A_2180, %get3A_2181] {strides = array<i32>} : memref<256x128xf32, #tpu.memory_space<vmem>>, vector<1x16xf32>,
      %get3A_2183 = vector.shape_cast %get3A_2182 : vector<1x16xf32> to vector<16xf32>
      %get3A_2184 = arith.index_cast %add3A_2162 : i32 to index
      %get3A_2185 = arith.constant 16 : index
      %get3A_2186 = tpu.vector_load %arg11[%get3A_2184, %get3A_2185] {strides = array<i32>} : memref<256x128xf32, #tpu.memory_space<vmem>>, vector<1x16xf32>,
      %get3A_2187 = vector.shape_cast %get3A_2186 : vector<1x16xf32> to vector<16xf32>
      %add3A_2188 = arith.addf %get3A_2183, %get3A_2187 : vector<16xf32>
      %mul3A_2189 = arith.mulf %gather3A_2158, %sub3A_95 : vector<16xf32>
      %add3A_2190 = arith.addf %get3A_54, %mul3A_2189 : vector<16xf32>
      %add3A_2191 = arith.addf %add3A_2188, %add3A_2190 : vector<16xf32>
      %swap3A_2192 = arith.index_cast %add3A_2162 : i32 to index
      %swap3A_2193 = arith.constant 16 : index
      %swap3A_2194 = tpu.vector_load %arg10[%swap3A_2192, %swap3A_2193] {strides = array<i32>} : memref<256x128xf32, #tpu.memory_space<vmem>>, vector<1x16xf32>,
      %swap3A_2195 = vector.shape_cast %swap3A_2194 : vector<1x16xf32> to vector<16xf32>
      %swap3A_2196 = vector.shape_cast %add3A_2191 : vector<16xf32> to vector<1x16xf32>
      tpu.vector_store %arg10[%swap3A_2192, %swap3A_2193], %swap3A_2196 {strides = array<i32>} : memref<256x128xf32, #tpu.memory_space<vmem>>, vector<1x16xf32>,
      %get3A_2197 = arith.index_cast %add3A_2162 : i32 to index
      %get3A_2198 = arith.constant 32 : index
      %get3A_2199 = tpu.vector_load %arg10[%get3A_2197, %get3A_2198] {strides = array<i32>} : memref<256x128xf32, #tpu.memory_space<vmem>>, vector<1x16xf32>,
      %get3A_2200 = vector.shape_cast %get3A_2199 : vector<1x16xf32> to vector<16xf32>
      %get3A_2201 = arith.index_cast %add3A_2162 : i32 to index
      %get3A_2202 = arith.constant 32 : index
      %get3A_2203 = tpu.vector_load %arg11[%get3A_2201, %get3A_2202] {strides = array<i32>} : memref<256x128xf32, #tpu.memory_space<vmem>>, vector<1x16xf32>,
      %get3A_2204 = vector.shape_cast %get3A_2203 : vector<1x16xf32> to vector<16xf32>
      %add3A_2205 = arith.addf %get3A_2200, %get3A_2204 : vector<16xf32>
      %mul3A_2206 = arith.mulf %gather3A_2158, %sub3A_101 : vector<16xf32>
      %add3A_2207 = arith.addf %get3A_59, %mul3A_2206 : vector<16xf32>
      %add3A_2208 = arith.addf %add3A_2205, %add3A_2207 : vector<16xf32>
      %swap3A_2209 = arith.index_cast %add3A_2162 : i32 to index
      %swap3A_2210 = arith.constant 32 : index
      %swap3A_2211 = tpu.vector_load %arg10[%swap3A_2209, %swap3A_2210] {strides = array<i32>} : memref<256x128xf32, #tpu.memory_space<vmem>>, vector<1x16xf32>,
      %swap3A_2212 = vector.shape_cast %swap3A_2211 : vector<1x16xf32> to vector<16xf32>
      %swap3A_2213 = vector.shape_cast %add3A_2208 : vector<16xf32> to vector<1x16xf32>
      tpu.vector_store %arg10[%swap3A_2209, %swap3A_2210], %swap3A_2213 {strides = array<i32>} : memref<256x128xf32, #tpu.memory_space<vmem>>, vector<1x16xf32>,
      %get3A_2214 = arith.index_cast %add3A_2162 : i32 to index
      %get3A_2215 = arith.constant 48 : index
      %get3A_2216 = tpu.vector_load %arg10[%get3A_2214, %get3A_2215] {strides = array<i32>} : memref<256x128xf32, #tpu.memory_space<vmem>>, vector<1x16xf32>,
      %get3A_2217 = vector.shape_cast %get3A_2216 : vector<1x16xf32> to vector<16xf32>
      %get3A_2218 = arith.index_cast %add3A_2162 : i32 to index
      %get3A_2219 = arith.constant 48 : index
      %get3A_2220 = tpu.vector_load %arg11[%get3A_2218, %get3A_2219] {strides = array<i32>} : memref<256x128xf32, #tpu.memory_space<vmem>>, vector<1x16xf32>,
      %get3A_2221 = vector.shape_cast %get3A_2220 : vector<1x16xf32> to vector<16xf32>
      %add3A_2222 = arith.addf %get3A_2217, %get3A_2221 : vector<16xf32>
      %mul3A_2223 = arith.mulf %gather3A_2158, %sub3A_107 : vector<16xf32>
      %add3A_2224 = arith.addf %get3A_64, %mul3A_2223 : vector<16xf32>
      %add3A_2225 = arith.addf %add3A_2222, %add3A_2224 : vector<16xf32>
      %swap3A_2226 = arith.index_cast %add3A_2162 : i32 to index
      %swap3A_2227 = arith.constant 48 : index
      %swap3A_2228 = tpu.vector_load %arg10[%swap3A_2226, %swap3A_2227] {strides = array<i32>} : memref<256x128xf32, #tpu.memory_space<vmem>>, vector<1x16xf32>,
      %swap3A_2229 = vector.shape_cast %swap3A_2228 : vector<1x16xf32> to vector<16xf32>
      %swap3A_2230 = vector.shape_cast %add3A_2225 : vector<16xf32> to vector<1x16xf32>
      tpu.vector_store %arg10[%swap3A_2226, %swap3A_2227], %swap3A_2230 {strides = array<i32>} : memref<256x128xf32, #tpu.memory_space<vmem>>, vector<1x16xf32>,
      %get3A_2231 = arith.index_cast %add3A_2162 : i32 to index
      %get3A_2232 = arith.constant 64 : index
      %get3A_2233 = tpu.vector_load %arg10[%get3A_2231, %get3A_2232] {strides = array<i32>} : memref<256x128xf32, #tpu.memory_space<vmem>>, vector<1x16xf32>,
      %get3A_2234 = vector.shape_cast %get3A_2233 : vector<1x16xf32> to vector<16xf32>
      %get3A_2235 = arith.index_cast %add3A_2162 : i32 to index
      %get3A_2236 = arith.constant 64 : index
      %get3A_2237 = tpu.vector_load %arg11[%get3A_2235, %get3A_2236] {strides = array<i32>} : memref<256x128xf32, #tpu.memory_space<vmem>>, vector<1x16xf32>,
      %get3A_2238 = vector.shape_cast %get3A_2237 : vector<1x16xf32> to vector<16xf32>
      %add3A_2239 = arith.addf %get3A_2234, %get3A_2238 : vector<16xf32>
      %mul3A_2240 = arith.mulf %gather3A_2158, %sub3A_113 : vector<16xf32>
      %add3A_2241 = arith.addf %get3A_69, %mul3A_2240 : vector<16xf32>
      %add3A_2242 = arith.addf %add3A_2239, %add3A_2241 : vector<16xf32>
      %swap3A_2243 = arith.index_cast %add3A_2162 : i32 to index
      %swap3A_2244 = arith.constant 64 : index
      %swap3A_2245 = tpu.vector_load %arg10[%swap3A_2243, %swap3A_2244] {strides = array<i32>} : memref<256x128xf32, #tpu.memory_space<vmem>>, vector<1x16xf32>,
      %swap3A_2246 = vector.shape_cast %swap3A_2245 : vector<1x16xf32> to vector<16xf32>
      %swap3A_2247 = vector.shape_cast %add3A_2242 : vector<16xf32> to vector<1x16xf32>
      tpu.vector_store %arg10[%swap3A_2243, %swap3A_2244], %swap3A_2247 {strides = array<i32>} : memref<256x128xf32, #tpu.memory_space<vmem>>, vector<1x16xf32>,
      %get3A_2248 = arith.index_cast %add3A_2162 : i32 to index
      %get3A_2249 = arith.constant 80 : index
      %get3A_2250 = tpu.vector_load %arg10[%get3A_2248, %get3A_2249] {strides = array<i32>} : memref<256x128xf32, #tpu.memory_space<vmem>>, vector<1x16xf32>,
      %get3A_2251 = vector.shape_cast %get3A_2250 : vector<1x16xf32> to vector<16xf32>
      %get3A_2252 = arith.index_cast %add3A_2162 : i32 to index
      %get3A_2253 = arith.constant 80 : index
      %get3A_2254 = tpu.vector_load %arg11[%get3A_2252, %get3A_2253] {strides = array<i32>} : memref<256x128xf32, #tpu.memory_space<vmem>>, vector<1x16xf32>,
      %get3A_2255 = vector.shape_cast %get3A_2254 : vector<1x16xf32> to vector<16xf32>
      %add3A_2256 = arith.addf %get3A_2251, %get3A_2255 : vector<16xf32>
      %mul3A_2257 = arith.mulf %gather3A_2158, %sub3A_119 : vector<16xf32>
      %add3A_2258 = arith.addf %get3A_74, %mul3A_2257 : vector<16xf32>
      %add3A_2259 = arith.addf %add3A_2256, %add3A_2258 : vector<16xf32>
      %swap3A_2260 = arith.index_cast %add3A_2162 : i32 to index
      %swap3A_2261 = arith.constant 80 : index
      %swap3A_2262 = tpu.vector_load %arg10[%swap3A_2260, %swap3A_2261] {strides = array<i32>} : memref<256x128xf32, #tpu.memory_space<vmem>>, vector<1x16xf32>,
      %swap3A_2263 = vector.shape_cast %swap3A_2262 : vector<1x16xf32> to vector<16xf32>
      %swap3A_2264 = vector.shape_cast %add3A_2259 : vector<16xf32> to vector<1x16xf32>
      tpu.vector_store %arg10[%swap3A_2260, %swap3A_2261], %swap3A_2264 {strides = array<i32>} : memref<256x128xf32, #tpu.memory_space<vmem>>, vector<1x16xf32>,
      %get3A_2265 = arith.index_cast %add3A_2162 : i32 to index
      %get3A_2266 = arith.constant 96 : index
      %get3A_2267 = tpu.vector_load %arg10[%get3A_2265, %get3A_2266] {strides = array<i32>} : memref<256x128xf32, #tpu.memory_space<vmem>>, vector<1x16xf32>,
      %get3A_2268 = vector.shape_cast %get3A_2267 : vector<1x16xf32> to vector<16xf32>
      %get3A_2269 = arith.index_cast %add3A_2162 : i32 to index
      %get3A_2270 = arith.constant 96 : index
      %get3A_2271 = tpu.vector_load %arg11[%get3A_2269, %get3A_2270] {strides = array<i32>} : memref<256x128xf32, #tpu.memory_space<vmem>>, vector<1x16xf32>,
      %get3A_2272 = vector.shape_cast %get3A_2271 : vector<1x16xf32> to vector<16xf32>
      %add3A_2273 = arith.addf %get3A_2268, %get3A_2272 : vector<16xf32>
      %mul3A_2274 = arith.mulf %gather3A_2158, %sub3A_125 : vector<16xf32>
      %add3A_2275 = arith.addf %get3A_79, %mul3A_2274 : vector<16xf32>
      %add3A_2276 = arith.addf %add3A_2273, %add3A_2275 : vector<16xf32>
      %swap3A_2277 = arith.index_cast %add3A_2162 : i32 to index
      %swap3A_2278 = arith.constant 96 : index
      %swap3A_2279 = tpu.vector_load %arg10[%swap3A_2277, %swap3A_2278] {strides = array<i32>} : memref<256x128xf32, #tpu.memory_space<vmem>>, vector<1x16xf32>,
      %swap3A_2280 = vector.shape_cast %swap3A_2279 : vector<1x16xf32> to vector<16xf32>
      %swap3A_2281 = vector.shape_cast %add3A_2276 : vector<16xf32> to vector<1x16xf32>
      tpu.vector_store %arg10[%swap3A_2277, %swap3A_2278], %swap3A_2281 {strides = array<i32>} : memref<256x128xf32, #tpu.memory_space<vmem>>, vector<1x16xf32>,
      %get3A_2282 = arith.index_cast %add3A_2162 : i32 to index
      %get3A_2283 = arith.constant 112 : index
      %get3A_2284 = tpu.vector_load %arg10[%get3A_2282, %get3A_2283] {strides = array<i32>} : memref<256x128xf32, #tpu.memory_space<vmem>>, vector<1x16xf32>,
      %get3A_2285 = vector.shape_cast %get3A_2284 : vector<1x16xf32> to vector<16xf32>
      %get3A_2286 = arith.index_cast %add3A_2162 : i32 to index
      %get3A_2287 = arith.constant 112 : index
      %get3A_2288 = tpu.vector_load %arg11[%get3A_2286, %get3A_2287] {strides = array<i32>} : memref<256x128xf32, #tpu.memory_space<vmem>>, vector<1x16xf32>,
      %get3A_2289 = vector.shape_cast %get3A_2288 : vector<1x16xf32> to vector<16xf32>
      %add3A_2290 = arith.addf %get3A_2285, %get3A_2289 : vector<16xf32>
      %mul3A_2291 = arith.mulf %gather3A_2158, %sub3A_131 : vector<16xf32>
      %add3A_2292 = arith.addf %get3A_84, %mul3A_2291 : vector<16xf32>
      %add3A_2293 = arith.addf %add3A_2290, %add3A_2292 : vector<16xf32>
      %swap3A_2294 = arith.index_cast %add3A_2162 : i32 to index
      %swap3A_2295 = arith.constant 112 : index
      %swap3A_2296 = tpu.vector_load %arg10[%swap3A_2294, %swap3A_2295] {strides = array<i32>} : memref<256x128xf32, #tpu.memory_space<vmem>>, vector<1x16xf32>,
      %swap3A_2297 = vector.shape_cast %swap3A_2296 : vector<1x16xf32> to vector<16xf32>
      %swap3A_2298 = vector.shape_cast %add3A_2293 : vector<16xf32> to vector<1x16xf32>
      tpu.vector_store %arg10[%swap3A_2294, %swap3A_2295], %swap3A_2298 {strides = array<i32>} : memref<256x128xf32, #tpu.memory_space<vmem>>, vector<1x16xf32>,
      %broadcast_in_dim3A_2299 = arith.constant 15 : i32
      %broadcast_in_dim3A_2300 = vector.broadcast %broadcast_in_dim3A_2299 : i32 to vector<16x1xi32>
      %gather3A_2301 = vector.shape_cast %broadcast_in_dim3A_2300 : vector<16x1xi32> to vector<16xi32>
      %gather3A_2302 = tpu.dynamic_gather %convert_element_type3A[%gather3A_2301] in [0] : vector<16xf32>, vector<16xi32> -> vector<16xf32>
      %mul3A_2303 = arith.constant 16 : i32
      %mul3A_2304 = arith.muli %scan3A_137, %mul3A_2303 : i32
      %add3A_2305 = arith.constant 15 : i32
      %add3A_2306 = arith.addi %mul3A_2304, %add3A_2305 : i32
      %get3A_2307 = arith.index_cast %add3A_2306 : i32 to index
      %get3A_2308 = arith.constant 0 : index
      %get3A_2309 = tpu.vector_load %arg10[%get3A_2307, %get3A_2308] {strides = array<i32>} : memref<256x128xf32, #tpu.memory_space<vmem>>, vector<1x16xf32>,
      %get3A_2310 = vector.shape_cast %get3A_2309 : vector<1x16xf32> to vector<16xf32>
      %get3A_2311 = arith.index_cast %add3A_2306 : i32 to index
      %get3A_2312 = arith.constant 0 : index
      %get3A_2313 = tpu.vector_load %arg11[%get3A_2311, %get3A_2312] {strides = array<i32>} : memref<256x128xf32, #tpu.memory_space<vmem>>, vector<1x16xf32>,
      %get3A_2314 = vector.shape_cast %get3A_2313 : vector<1x16xf32> to vector<16xf32>
      %add3A_2315 = arith.addf %get3A_2310, %get3A_2314 : vector<16xf32>
      %mul3A_2316 = arith.mulf %gather3A_2302, %sub3A : vector<16xf32>
      %add3A_2317 = arith.addf %get3A_49, %mul3A_2316 : vector<16xf32>
      %add3A_2318 = arith.addf %add3A_2315, %add3A_2317 : vector<16xf32>
      %swap3A_2319 = arith.index_cast %add3A_2306 : i32 to index
      %swap3A_2320 = arith.constant 0 : index
      %swap3A_2321 = tpu.vector_load %arg10[%swap3A_2319, %swap3A_2320] {strides = array<i32>} : memref<256x128xf32, #tpu.memory_space<vmem>>, vector<1x16xf32>,
      %swap3A_2322 = vector.shape_cast %swap3A_2321 : vector<1x16xf32> to vector<16xf32>
      %swap3A_2323 = vector.shape_cast %add3A_2318 : vector<16xf32> to vector<1x16xf32>
      tpu.vector_store %arg10[%swap3A_2319, %swap3A_2320], %swap3A_2323 {strides = array<i32>} : memref<256x128xf32, #tpu.memory_space<vmem>>, vector<1x16xf32>,
      %get3A_2324 = arith.index_cast %add3A_2306 : i32 to index
      %get3A_2325 = arith.constant 16 : index
      %get3A_2326 = tpu.vector_load %arg10[%get3A_2324, %get3A_2325] {strides = array<i32>} : memref<256x128xf32, #tpu.memory_space<vmem>>, vector<1x16xf32>,
      %get3A_2327 = vector.shape_cast %get3A_2326 : vector<1x16xf32> to vector<16xf32>
      %get3A_2328 = arith.index_cast %add3A_2306 : i32 to index
      %get3A_2329 = arith.constant 16 : index
      %get3A_2330 = tpu.vector_load %arg11[%get3A_2328, %get3A_2329] {strides = array<i32>} : memref<256x128xf32, #tpu.memory_space<vmem>>, vector<1x16xf32>,
      %get3A_2331 = vector.shape_cast %get3A_2330 : vector<1x16xf32> to vector<16xf32>
      %add3A_2332 = arith.addf %get3A_2327, %get3A_2331 : vector<16xf32>
      %mul3A_2333 = arith.mulf %gather3A_2302, %sub3A_95 : vector<16xf32>
      %add3A_2334 = arith.addf %get3A_54, %mul3A_2333 : vector<16xf32>
      %add3A_2335 = arith.addf %add3A_2332, %add3A_2334 : vector<16xf32>
      %swap3A_2336 = arith.index_cast %add3A_2306 : i32 to index
      %swap3A_2337 = arith.constant 16 : index
      %swap3A_2338 = tpu.vector_load %arg10[%swap3A_2336, %swap3A_2337] {strides = array<i32>} : memref<256x128xf32, #tpu.memory_space<vmem>>, vector<1x16xf32>,
      %swap3A_2339 = vector.shape_cast %swap3A_2338 : vector<1x16xf32> to vector<16xf32>
      %swap3A_2340 = vector.shape_cast %add3A_2335 : vector<16xf32> to vector<1x16xf32>
      tpu.vector_store %arg10[%swap3A_2336, %swap3A_2337], %swap3A_2340 {strides = array<i32>} : memref<256x128xf32, #tpu.memory_space<vmem>>, vector<1x16xf32>,
      %get3A_2341 = arith.index_cast %add3A_2306 : i32 to index
      %get3A_2342 = arith.constant 32 : index
      %get3A_2343 = tpu.vector_load %arg10[%get3A_2341, %get3A_2342] {strides = array<i32>} : memref<256x128xf32, #tpu.memory_space<vmem>>, vector<1x16xf32>,
      %get3A_2344 = vector.shape_cast %get3A_2343 : vector<1x16xf32> to vector<16xf32>
      %get3A_2345 = arith.index_cast %add3A_2306 : i32 to index
      %get3A_2346 = arith.constant 32 : index
      %get3A_2347 = tpu.vector_load %arg11[%get3A_2345, %get3A_2346] {strides = array<i32>} : memref<256x128xf32, #tpu.memory_space<vmem>>, vector<1x16xf32>,
      %get3A_2348 = vector.shape_cast %get3A_2347 : vector<1x16xf32> to vector<16xf32>
      %add3A_2349 = arith.addf %get3A_2344, %get3A_2348 : vector<16xf32>
      %mul3A_2350 = arith.mulf %gather3A_2302, %sub3A_101 : vector<16xf32>
      %add3A_2351 = arith.addf %get3A_59, %mul3A_2350 : vector<16xf32>
      %add3A_2352 = arith.addf %add3A_2349, %add3A_2351 : vector<16xf32>
      %swap3A_2353 = arith.index_cast %add3A_2306 : i32 to index
      %swap3A_2354 = arith.constant 32 : index
      %swap3A_2355 = tpu.vector_load %arg10[%swap3A_2353, %swap3A_2354] {strides = array<i32>} : memref<256x128xf32, #tpu.memory_space<vmem>>, vector<1x16xf32>,
      %swap3A_2356 = vector.shape_cast %swap3A_2355 : vector<1x16xf32> to vector<16xf32>
      %swap3A_2357 = vector.shape_cast %add3A_2352 : vector<16xf32> to vector<1x16xf32>
      tpu.vector_store %arg10[%swap3A_2353, %swap3A_2354], %swap3A_2357 {strides = array<i32>} : memref<256x128xf32, #tpu.memory_space<vmem>>, vector<1x16xf32>,
      %get3A_2358 = arith.index_cast %add3A_2306 : i32 to index
      %get3A_2359 = arith.constant 48 : index
      %get3A_2360 = tpu.vector_load %arg10[%get3A_2358, %get3A_2359] {strides = array<i32>} : memref<256x128xf32, #tpu.memory_space<vmem>>, vector<1x16xf32>,
      %get3A_2361 = vector.shape_cast %get3A_2360 : vector<1x16xf32> to vector<16xf32>
      %get3A_2362 = arith.index_cast %add3A_2306 : i32 to index
      %get3A_2363 = arith.constant 48 : index
      %get3A_2364 = tpu.vector_load %arg11[%get3A_2362, %get3A_2363] {strides = array<i32>} : memref<256x128xf32, #tpu.memory_space<vmem>>, vector<1x16xf32>,
      %get3A_2365 = vector.shape_cast %get3A_2364 : vector<1x16xf32> to vector<16xf32>
      %add3A_2366 = arith.addf %get3A_2361, %get3A_2365 : vector<16xf32>
      %mul3A_2367 = arith.mulf %gather3A_2302, %sub3A_107 : vector<16xf32>
      %add3A_2368 = arith.addf %get3A_64, %mul3A_2367 : vector<16xf32>
      %add3A_2369 = arith.addf %add3A_2366, %add3A_2368 : vector<16xf32>
      %swap3A_2370 = arith.index_cast %add3A_2306 : i32 to index
      %swap3A_2371 = arith.constant 48 : index
      %swap3A_2372 = tpu.vector_load %arg10[%swap3A_2370, %swap3A_2371] {strides = array<i32>} : memref<256x128xf32, #tpu.memory_space<vmem>>, vector<1x16xf32>,
      %swap3A_2373 = vector.shape_cast %swap3A_2372 : vector<1x16xf32> to vector<16xf32>
      %swap3A_2374 = vector.shape_cast %add3A_2369 : vector<16xf32> to vector<1x16xf32>
      tpu.vector_store %arg10[%swap3A_2370, %swap3A_2371], %swap3A_2374 {strides = array<i32>} : memref<256x128xf32, #tpu.memory_space<vmem>>, vector<1x16xf32>,
      %get3A_2375 = arith.index_cast %add3A_2306 : i32 to index
      %get3A_2376 = arith.constant 64 : index
      %get3A_2377 = tpu.vector_load %arg10[%get3A_2375, %get3A_2376] {strides = array<i32>} : memref<256x128xf32, #tpu.memory_space<vmem>>, vector<1x16xf32>,
      %get3A_2378 = vector.shape_cast %get3A_2377 : vector<1x16xf32> to vector<16xf32>
      %get3A_2379 = arith.index_cast %add3A_2306 : i32 to index
      %get3A_2380 = arith.constant 64 : index
      %get3A_2381 = tpu.vector_load %arg11[%get3A_2379, %get3A_2380] {strides = array<i32>} : memref<256x128xf32, #tpu.memory_space<vmem>>, vector<1x16xf32>,
      %get3A_2382 = vector.shape_cast %get3A_2381 : vector<1x16xf32> to vector<16xf32>
      %add3A_2383 = arith.addf %get3A_2378, %get3A_2382 : vector<16xf32>
      %mul3A_2384 = arith.mulf %gather3A_2302, %sub3A_113 : vector<16xf32>
      %add3A_2385 = arith.addf %get3A_69, %mul3A_2384 : vector<16xf32>
      %add3A_2386 = arith.addf %add3A_2383, %add3A_2385 : vector<16xf32>
      %swap3A_2387 = arith.index_cast %add3A_2306 : i32 to index
      %swap3A_2388 = arith.constant 64 : index
      %swap3A_2389 = tpu.vector_load %arg10[%swap3A_2387, %swap3A_2388] {strides = array<i32>} : memref<256x128xf32, #tpu.memory_space<vmem>>, vector<1x16xf32>,
      %swap3A_2390 = vector.shape_cast %swap3A_2389 : vector<1x16xf32> to vector<16xf32>
      %swap3A_2391 = vector.shape_cast %add3A_2386 : vector<16xf32> to vector<1x16xf32>
      tpu.vector_store %arg10[%swap3A_2387, %swap3A_2388], %swap3A_2391 {strides = array<i32>} : memref<256x128xf32, #tpu.memory_space<vmem>>, vector<1x16xf32>,
      %get3A_2392 = arith.index_cast %add3A_2306 : i32 to index
      %get3A_2393 = arith.constant 80 : index
      %get3A_2394 = tpu.vector_load %arg10[%get3A_2392, %get3A_2393] {strides = array<i32>} : memref<256x128xf32, #tpu.memory_space<vmem>>, vector<1x16xf32>,
      %get3A_2395 = vector.shape_cast %get3A_2394 : vector<1x16xf32> to vector<16xf32>
      %get3A_2396 = arith.index_cast %add3A_2306 : i32 to index
      %get3A_2397 = arith.constant 80 : index
      %get3A_2398 = tpu.vector_load %arg11[%get3A_2396, %get3A_2397] {strides = array<i32>} : memref<256x128xf32, #tpu.memory_space<vmem>>, vector<1x16xf32>,
      %get3A_2399 = vector.shape_cast %get3A_2398 : vector<1x16xf32> to vector<16xf32>
      %add3A_2400 = arith.addf %get3A_2395, %get3A_2399 : vector<16xf32>
      %mul3A_2401 = arith.mulf %gather3A_2302, %sub3A_119 : vector<16xf32>
      %add3A_2402 = arith.addf %get3A_74, %mul3A_2401 : vector<16xf32>
      %add3A_2403 = arith.addf %add3A_2400, %add3A_2402 : vector<16xf32>
      %swap3A_2404 = arith.index_cast %add3A_2306 : i32 to index
      %swap3A_2405 = arith.constant 80 : index
      %swap3A_2406 = tpu.vector_load %arg10[%swap3A_2404, %swap3A_2405] {strides = array<i32>} : memref<256x128xf32, #tpu.memory_space<vmem>>, vector<1x16xf32>,
      %swap3A_2407 = vector.shape_cast %swap3A_2406 : vector<1x16xf32> to vector<16xf32>
      %swap3A_2408 = vector.shape_cast %add3A_2403 : vector<16xf32> to vector<1x16xf32>
      tpu.vector_store %arg10[%swap3A_2404, %swap3A_2405], %swap3A_2408 {strides = array<i32>} : memref<256x128xf32, #tpu.memory_space<vmem>>, vector<1x16xf32>,
      %get3A_2409 = arith.index_cast %add3A_2306 : i32 to index
      %get3A_2410 = arith.constant 96 : index
      %get3A_2411 = tpu.vector_load %arg10[%get3A_2409, %get3A_2410] {strides = array<i32>} : memref<256x128xf32, #tpu.memory_space<vmem>>, vector<1x16xf32>,
      %get3A_2412 = vector.shape_cast %get3A_2411 : vector<1x16xf32> to vector<16xf32>
      %get3A_2413 = arith.index_cast %add3A_2306 : i32 to index
      %get3A_2414 = arith.constant 96 : index
      %get3A_2415 = tpu.vector_load %arg11[%get3A_2413, %get3A_2414] {strides = array<i32>} : memref<256x128xf32, #tpu.memory_space<vmem>>, vector<1x16xf32>,
      %get3A_2416 = vector.shape_cast %get3A_2415 : vector<1x16xf32> to vector<16xf32>
      %add3A_2417 = arith.addf %get3A_2412, %get3A_2416 : vector<16xf32>
      %mul3A_2418 = arith.mulf %gather3A_2302, %sub3A_125 : vector<16xf32>
      %add3A_2419 = arith.addf %get3A_79, %mul3A_2418 : vector<16xf32>
      %add3A_2420 = arith.addf %add3A_2417, %add3A_2419 : vector<16xf32>
      %swap3A_2421 = arith.index_cast %add3A_2306 : i32 to index
      %swap3A_2422 = arith.constant 96 : index
      %swap3A_2423 = tpu.vector_load %arg10[%swap3A_2421, %swap3A_2422] {strides = array<i32>} : memref<256x128xf32, #tpu.memory_space<vmem>>, vector<1x16xf32>,
      %swap3A_2424 = vector.shape_cast %swap3A_2423 : vector<1x16xf32> to vector<16xf32>
      %swap3A_2425 = vector.shape_cast %add3A_2420 : vector<16xf32> to vector<1x16xf32>
      tpu.vector_store %arg10[%swap3A_2421, %swap3A_2422], %swap3A_2425 {strides = array<i32>} : memref<256x128xf32, #tpu.memory_space<vmem>>, vector<1x16xf32>,
      %get3A_2426 = arith.index_cast %add3A_2306 : i32 to index
      %get3A_2427 = arith.constant 112 : index
      %get3A_2428 = tpu.vector_load %arg10[%get3A_2426, %get3A_2427] {strides = array<i32>} : memref<256x128xf32, #tpu.memory_space<vmem>>, vector<1x16xf32>,
      %get3A_2429 = vector.shape_cast %get3A_2428 : vector<1x16xf32> to vector<16xf32>
      %get3A_2430 = arith.index_cast %add3A_2306 : i32 to index
      %get3A_2431 = arith.constant 112 : index
      %get3A_2432 = tpu.vector_load %arg11[%get3A_2430, %get3A_2431] {strides = array<i32>} : memref<256x128xf32, #tpu.memory_space<vmem>>, vector<1x16xf32>,
      %get3A_2433 = vector.shape_cast %get3A_2432 : vector<1x16xf32> to vector<16xf32>
      %add3A_2434 = arith.addf %get3A_2429, %get3A_2433 : vector<16xf32>
      %mul3A_2435 = arith.mulf %gather3A_2302, %sub3A_131 : vector<16xf32>
      %add3A_2436 = arith.addf %get3A_84, %mul3A_2435 : vector<16xf32>
      %add3A_2437 = arith.addf %add3A_2434, %add3A_2436 : vector<16xf32>
      %swap3A_2438 = arith.index_cast %add3A_2306 : i32 to index
      %swap3A_2439 = arith.constant 112 : index
      %swap3A_2440 = tpu.vector_load %arg10[%swap3A_2438, %swap3A_2439] {strides = array<i32>} : memref<256x128xf32, #tpu.memory_space<vmem>>, vector<1x16xf32>,
      %swap3A_2441 = vector.shape_cast %swap3A_2440 : vector<1x16xf32> to vector<16xf32>
      %swap3A_2442 = vector.shape_cast %add3A_2437 : vector<16xf32> to vector<1x16xf32>
      tpu.vector_store %arg10[%swap3A_2438, %swap3A_2439], %swap3A_2442 {strides = array<i32>} : memref<256x128xf32, #tpu.memory_space<vmem>>, vector<1x16xf32>,
    }
    %scan3A_136 = arith.constant 16 : i32
    "tpu.region"() ({
      %run_scoped3A = tpu.sem_alloc : memref<!tpu.dma_semaphore, #tpu.memory_space<semaphore_mem>>
      %dma_start3A_137 = arith.constant 0 : i32
      %dma_start3A_138 = tpu.memref_slice %arg7[%mul3A_2, %dma_start3A_137] : memref<8192x128xf32, #tpu.memory_space<hbm>> -> memref<256x128xf32, #tpu.memory_space<hbm>>
      %dma_start3A_139 = arith.constant 0 : i32
      %dma_start3A_140 = tpu.memref_slice %arg7[%mul3A_2, %dma_start3A_139] : memref<8192x128xf32, #tpu.memory_space<hbm>> -> memref<256x128xf32, #tpu.memory_space<hbm>>
      tpu.enqueue_dma source(%arg10 : memref<256x128xf32, #tpu.memory_space<vmem>>) target(%dma_start3A_140 : memref<256x128xf32, #tpu.memory_space<hbm>>) target_semaphore(%run_scoped3A : memref<!tpu.dma_semaphore, #tpu.memory_space<semaphore_mem>>)
      %dma_wait3A_141 = arith.constant 0 : i32
      %dma_wait3A_142 = tpu.memref_slice %arg7[%mul3A_2, %dma_wait3A_141] : memref<8192x128xf32, #tpu.memory_space<hbm>> -> memref<256x128xf32, #tpu.memory_space<hbm>>
      %dma_wait3A_143 = arith.constant 0 : i32
      %dma_wait3A_144 = tpu.memref_slice %arg7[%mul3A_2, %dma_wait3A_143] : memref<8192x128xf32, #tpu.memory_space<hbm>> -> memref<256x128xf32, #tpu.memory_space<hbm>>
      tpu.wait_dma2 semaphore(%run_scoped3A : memref<!tpu.dma_semaphore, #tpu.memory_space<semaphore_mem>>) src(%arg10 : memref<256x128xf32, #tpu.memory_space<vmem>>) dst(%dma_wait3A_144 : memref<256x128xf32, #tpu.memory_space<hbm>>)
      tpu.yield
    }) : () -> ()
    return
  }
}

module attributes {stable_mosaic.version = 14 : i64} {
  func.func @_ln_body(%arg0: i32, %arg1: memref<1024x128xf32, #tpu.memory_space<vmem>>, %arg2: memref<1x128xf32, #tpu.memory_space<vmem>>, %arg3: memref<1x128xf32, #tpu.memory_space<vmem>>, %arg4: memref<1024x128xf32, #tpu.memory_space<vmem>>) attributes {dimension_semantics = [#tpu.dimension_semantics<arbitrary>], iteration_bounds = array<i64: 8>, scalar_prefetch = 0 : i64, scratch_operands = 0 : i64, tpu.core_type = #tpu.core_type<tc>, window_params = [{transform_indices = @transform_0, window_bounds = array<i64: 1024, 128>}, {pipeline_mode = #tpu.pipeline_mode<synchronous>, transform_indices = @transform_1, window_bounds = array<i64: 1, 128>}, {pipeline_mode = #tpu.pipeline_mode<synchronous>, transform_indices = @transform_2, window_bounds = array<i64: 1, 128>}, {transform_indices = @transform_3, window_bounds = array<i64: 1024, 128>}]} {
    %get3A = arith.constant 0 : index
    %get3A_0 = arith.constant 0 : index
    %get3A_1 = vector.load %arg1[%get3A, %get3A_0] : memref<1024x128xf32, #tpu.memory_space<vmem>>, vector<1024x128xf32>
    %reduce_sum3A = arith.constant dense<0.000000e+00> : vector<1024xf32>
    %reduce_sum3A_2 = vector.multi_reduction <add>, %get3A_1, %reduce_sum3A [1] : vector<1024x128xf32> to vector<1024xf32>
    %broadcast_in_dim3A = vector.shape_cast %reduce_sum3A_2 : vector<1024xf32> to vector<1024x1xf32>
    %div3A = arith.constant 1.280000e+02 : f32
    %div3A_3 = vector.broadcast %div3A : f32 to vector<1024x1xf32>
    %div3A_4 = arith.divf %broadcast_in_dim3A, %div3A_3 : vector<1024x1xf32>
    %sub3A = vector.broadcast %div3A_4 : vector<1024x1xf32> to vector<1024x128xf32>
    %sub3A_5 = arith.subf %get3A_1, %sub3A : vector<1024x128xf32>
    %mul3A = arith.mulf %sub3A_5, %sub3A_5 : vector<1024x128xf32>
    %reduce_sum3A_6 = arith.constant dense<0.000000e+00> : vector<1024xf32>
    %reduce_sum3A_7 = vector.multi_reduction <add>, %mul3A, %reduce_sum3A_6 [1] : vector<1024x128xf32> to vector<1024xf32>
    %broadcast_in_dim3A_8 = vector.shape_cast %reduce_sum3A_7 : vector<1024xf32> to vector<1024x1xf32>
    %div3A_9 = arith.constant 1.280000e+02 : f32
    %div3A_10 = vector.broadcast %div3A_9 : f32 to vector<1024x1xf32>
    %div3A_11 = arith.divf %broadcast_in_dim3A_8, %div3A_10 : vector<1024x1xf32>
    %add3A = arith.constant 1.000000e-03 : f32
    %add3A_12 = vector.broadcast %add3A : f32 to vector<1024x1xf32>
    %add3A_13 = arith.addf %div3A_11, %add3A_12 : vector<1024x1xf32>
    %rsqrt3A = math.rsqrt %add3A_13 : vector<1024x1xf32>
    %mul3A_14 = vector.broadcast %rsqrt3A : vector<1024x1xf32> to vector<1024x128xf32>
    %mul3A_15 = arith.mulf %sub3A_5, %mul3A_14 : vector<1024x128xf32>
    %get3A_16 = arith.constant 0 : index
    %get3A_17 = arith.constant 0 : index
    %get3A_18 = vector.load %arg2[%get3A_16, %get3A_17] : memref<1x128xf32, #tpu.memory_space<vmem>>, vector<1x128xf32>
    %mul3A_19 = vector.broadcast %get3A_18 : vector<1x128xf32> to vector<1024x128xf32>
    %mul3A_20 = arith.mulf %mul3A_15, %mul3A_19 : vector<1024x128xf32>
    %get3A_21 = arith.constant 0 : index
    %get3A_22 = arith.constant 0 : index
    %get3A_23 = vector.load %arg3[%get3A_21, %get3A_22] : memref<1x128xf32, #tpu.memory_space<vmem>>, vector<1x128xf32>
    %add3A_24 = vector.broadcast %get3A_23 : vector<1x128xf32> to vector<1024x128xf32>
    %add3A_25 = arith.addf %mul3A_20, %add3A_24 : vector<1024x128xf32>
    %swap3A = arith.constant 0 : index
    %swap3A_26 = arith.constant 0 : index
    %swap3A_27 = vector.load %arg4[%swap3A, %swap3A_26] : memref<1024x128xf32, #tpu.memory_space<vmem>>, vector<1024x128xf32>
    tpu.vector_store %arg4[%swap3A, %swap3A_26], %add3A_25 {strides = array<i32>} : memref<1024x128xf32, #tpu.memory_space<vmem>>, vector<1024x128xf32>,
    return
  }
  func.func @transform_0(%arg0: i32) -> (i32, i32) {
    %c0_i32 = arith.constant 0 : i32
    %c0_i32_0 = arith.constant 0 : i32
    return %arg0, %c0_i32 : i32, i32
  }
  func.func @transform_1(%arg0: i32) -> (i32, i32) {
    %c0_i32 = arith.constant 0 : i32
    %c0_i32_0 = arith.constant 0 : i32
    %c0_i32_1 = arith.constant 0 : i32
    return %c0_i32, %c0_i32_0 : i32, i32
  }
  func.func @transform_2(%arg0: i32) -> (i32, i32) {
    %c0_i32 = arith.constant 0 : i32
    %c0_i32_0 = arith.constant 0 : i32
    %c0_i32_1 = arith.constant 0 : i32
    return %c0_i32, %c0_i32_0 : i32, i32
  }
  func.func @transform_3(%arg0: i32) -> (i32, i32) {
    %c0_i32 = arith.constant 0 : i32
    %c0_i32_0 = arith.constant 0 : i32
    return %arg0, %c0_i32 : i32, i32
  }
}

</mosaic_0001>

<sc_bundles>
// kernel: kernel.4.cloned.1.call-start
scs
__scs_entry_jumppad:
0x0: {  	(pc) =	sbr.rel $0x88, $3  }
0x1: {  	(tag) =	ssettag $0x0;
	lr =	simm.s32 $0x1  }
0x2: {  	[smem:$0x3F9A] =	sst lr;
	_ =	strace $0xD0000000  }
0x3: {  	_ = 	snop  }
0x4: {  	_ = 	snop  }
0x5: {  	_ = 	snop  }
0x6: {  	_ = 	snop  }
0x7: {  	_ = 	snop  }
__scs_overlays_trampoline_lowered:
0x8: {  	[smem:$0x3FA9] =	sst s0  }
0x9: {  	[smem:$0x3FAA] =	sst s1  }
0xa: {  	[smem:$0x3FAB] =	sst s2  }
0xb: {  	[smem:$0x3FAC] =	sst s3  }
0xc: {  	[smem:$0x3FAD] =	sst s4  }
0xd: {  	[smem:$0x3FAE] =	sst s5  }
0xe: {  	[smem:$0x3FAF] =	sst s6  }
0xf: {  	[smem:$0x3FB0] =	sst s7  }
0x10: {  	[smem:$0x3FB1] =	sst s8  }
0x11: {  	[smem:$0x3FB2] =	sst s9;
	s0 =	simm.s32 @!p0 $0x0  }
0x12: {  	s1 =	sld [smem:$0x3F98];
	s0 =	simm.s32 @p0 $0x1  }
0x13: {  	[smem:$0x3FB3] =	sst s0;
	s0 =	simm.s32 @!p1 $0x0  }
0x14: {  	s2 =	sld [smem:$0x3F97];
	s0 =	simm.s32 @p1 $0x1  }
0x15: {  	[smem:$0x3FB4] =	sst s0;
	s0 =	simm.s32 @!p2 $0x0  }
0x16: {  	s3 =	sld [smem:$0x3FDB];
	s0 =	simm.s32 @p2 $0x1  }
0x17: {  	s4 =	simm.s32 $0x1BF5;
	[smem:$0x3FB6] =	sst s0  }
0x18: {  	s0 =	sld [smem:$0x3F99];
	_ =	swait.ge [sflag:s4], $0x0  }
0x19: {  	s7 =	sld [smem:$0x3F9A]  }
0x1a: {  	s8 =	sadd.s32 $0xFFFFE003, lr  }
0x1b: {  	s9 =	sadd.s32 $0xFFFFFEF7, lr;
	s5 =	simm.s32 $0xFFFFFFFF;
	p2 =	slt.u32 s8, $0xFFFFF086  }
0x1c: {  	p1 =	slt.u32 s9, $0xF7A;
	s5 =	simm.s32 @!p2 $0x0  }
0x1d: {  	s5 =	simm.s32 @p1 $0x1;
	p0 =	seq.s32 s7, s2  }
0x1e: {  	s7 =	smul.u32 @!p0 $0xF7A, s2;
	p2 =	seq.s32 @!p0 s5, $0x0  }
0x1f: {  	s9 =	smul.u32 $0xF7A, s1;
	s8 =	simm.s32 @!p0 $0x1BF5;
	p2 =	por !p2, p0  }
0x20: {  	[sflag:s8] =	ssyncset.s32 @!p0 $0xFFFFF086;
	s6 =	sadd.s32 @!p0 s3, s7;
	s7 =	simm.s32 @!p0 $0x108  }
0x21: {  	s3 =	sadd.s32 s3, s9;
	s6 =	sadd.s32 @!p0 $0x88, s6;
	s7 =	simm.s32 @p2 $0x1082  }
0x22: {  	[simem:s7], [sflag:s8] =	dma.local @!p0 [hbm:s6], $0xF7A  }
0x23: {  	s9 =	sor.u32 $0xD0000000, s2;
	s6 =	simm.s32 $0x108;
	_ =	swait.ge @!p0 [sflag:s8], $0x0  }
0x24: {  	s3 =	sadd.s32 $0x88, s3;
	s6 =	simm.s32 @!p1 $0x1082;
	[sflag:s4] =	ssyncset.s32 $0xFFFFF086  }
0x25: {  	[simem:s6], [sflag:s4] =	dma.local [hbm:s3], $0xF7A  }
0x26: {  	[smem:$0x3F9A] =	sst s1;
	(tag) =	ssettag s2;
	_ =	strace s9  }
0x27: {  	s1 =	sld [smem:$0x3FAA]  }
0x28: {  	s2 =	sld [smem:$0x3FAB]  }
0x29: {  	s4 =	sld [smem:$0x3FAD]  }
0x2a: {  	p0 =	seq.s32 s5, $0x0;
	s5 =	sld [smem:$0x3FAE]  }
0x2b: {  	s6 =	sld [smem:$0x3FAF]  }
0x2c: {  	s7 =	sld [smem:$0x3FB0]  }
0x2d: {  	s3 =	simm.s32 $0x108;
	s8 =	sld [smem:$0x3FB1]  }
0x2e: {  	s3 =	simm.s32 @!p0 $0x1082;
	s9 =	sld [smem:$0x3FB2]  }
0x2f: {  	lr =	sadd.s32 s0, s3;
	s0 =	sld [smem:$0x3FA9]  }
0x30: {  	s3 =	sld [smem:$0x3FAC]  }
0x31: {  	[smem:$0x3FB5] =	sst s10  }
0x32: {  	s10 =	sld [smem:$0x3FB3];
	_ =	sdelay $0x3  }
0x33: {  	p0 =	seq.s32 s10, $0x1;
	s10 =	sld [smem:$0x3FB5];
	_ =	sdelay $0x3  }
0x34: {  	[smem:$0x3FB5] =	sst s10  }
0x35: {  	s10 =	sld [smem:$0x3FB4];
	_ =	sdelay $0x3  }
0x36: {  	p1 =	seq.s32 s10, $0x1;
	s10 =	sld [smem:$0x3FB5];
	_ =	sdelay $0x3  }
0x37: {  	[smem:$0x3FB5] =	sst s10  }
0x38: {  	s10 =	sld [smem:$0x3FB6]  }
0x39: {  	_ = 	snop;
	(pc) =	sbr.ind lr, $3  }
0x3a: {  	_ = 	snop  }
0x3b: {  	_ = 	snop  }
0x3c: {  	p2 =	seq.s32 s10, $0x1;
	s10 =	sld [smem:$0x3FB5]  }
0x3d: {  	_ =	shalt  }
0x3e: {  	_ =	shalt  }
0x3f: {  	_ =	shalt  }
0x40: {  	_ =	shalt  }
0x41: {  	_ =	shalt  }
0x42: {  	_ =	shalt  }
0x43: {  	_ =	shalt  }
0x44: {  	_ =	shalt  }
0x45: {  	_ =	shalt  }
0x46: {  	_ =	shalt  }
0x47: {  	_ =	shalt  }
0x48: {  	_ =	shalt  }
0x49: {  	_ =	shalt  }
0x4a: {  	_ =	shalt  }
0x4b: {  	_ =	shalt  }
0x4c: {  	_ =	shalt  }
0x4d: {  	_ =	shalt  }
0x4e: {  	_ =	shalt  }
0x4f: {  	_ =	shalt  }
0x50: {  	_ =	shalt  }
0x51: {  	_ =	shalt  }
0x52: {  	_ =	shalt  }
0x53: {  	_ =	shalt  }
0x54: {  	_ =	shalt  }
0x55: {  	_ =	shalt  }
0x56: {  	_ =	shalt  }
0x57: {  	_ =	shalt  }
0x58: {  	_ =	shalt  }
0x59: {  	_ =	shalt  }
0x5a: {  	_ =	shalt  }
0x5b: {  	_ =	shalt  }
0x5c: {  	_ =	shalt  }
0x5d: {  	_ =	shalt  }
0x5e: {  	_ =	shalt  }
0x5f: {  	_ =	shalt  }
0x60: {  	_ =	shalt  }
0x61: {  	_ =	shalt  }
0x62: {  	_ =	shalt  }
0x63: {  	_ =	shalt  }
0x64: {  	_ =	shalt  }
0x65: {  	_ =	shalt  }
0x66: {  	_ =	shalt  }
0x67: {  	_ =	shalt  }
0x68: {  	_ =	shalt  }
0x69: {  	_ =	shalt  }
0x6a: {  	_ =	shalt  }
0x6b: {  	_ =	shalt  }
0x6c: {  	_ =	shalt  }
0x6d: {  	_ =	shalt  }
0x6e: {  	_ =	shalt  }
0x6f: {  	_ =	shalt  }
0x70: {  	_ =	shalt  }
0x71: {  	_ =	shalt  }
0x72: {  	_ =	shalt  }
0x73: {  	_ =	shalt  }
0x74: {  	_ =	shalt  }
0x75: {  	_ =	shalt  }
0x76: {  	_ =	shalt  }
0x77: {  	_ =	shalt  }
0x78: {  	_ =	shalt  }
0x79: {  	_ =	shalt  }
0x7a: {  	_ =	shalt  }
0x7b: {  	_ =	shalt  }
0x7c: {  	_ =	shalt  }
0x7d: {  	_ =	shalt  }
0x7e: {  	_ =	shalt  }
0x7f: {  	_ =	shalt  }
0x80: {  	_ =	shalt  }
0x81: {  	_ =	shalt  }
0x82: {  	_ =	shalt  }
0x83: {  	_ =	shalt  }
0x84: {  	_ =	shalt  }
0x85: {  	_ =	shalt  }
0x86: {  	_ =	shalt  }
0x87: {  	_ =	shalt  }
.Lfunc_end0:
.L_simem_size_0:
called_computation_lowered:
.L_overlay_start_0:
0x88: {  	s2 =	sld [smem:$0x3FD9]  }
0x89: {  	s3 =	sld [smem:$0x3FFE];
	_ =	sdelay $0x1  }
0x8a: {  	s1 =	srdreg.scid  }
0x8b: {  	s0 =	sand.u32 $0x1, s1  }
0x8c: {  	s17 =	sshll.u32 s0, $0xA;
	s2 =	sadd.s32 s3, s2  }
0x8d: {  	s2 =	sadd.s32 s2, s17  }
0x8e: {  	[smem:$0x3FC1] =	sst s2  }
0x8f: {  	_ = 	snop  }
0x90: {  	s2 =	sld [smem:$0x3FC7]  }
0x91: {  	s18 =	sld [smem:$0x3FC6]  }
0x92: {  	s4 =	sld [smem:$0x3FC5]  }
0x93: {  	s5 =	sld [smem:$0x3FD0];
	(tm) =	ssettm $0x1  }
0x94: {  	s6 =	sld [smem:$0x3FFB];
	_ =	sdelay $0x3  }
0x95: {  	_ =	strace s6  }
0x96: {  	s6 =	sld [smem:$0x3FFC];
	_ =	sdelay $0x3  }
0x97: {  	_ =	strace s6  }
0x98: {  	s6 =	sld [smem:$0x3FFD];
	_ =	sdelay $0x3  }
0x99: {  	_ =	strace s6  }
0x9a: {  	_ =	strace $0x8FFFFFFF  }
0x9b: {  	s19 =	sld [smem:$0x3FDB];
	_ =	sdelay $0x1  }
0x9c: {  	s7 =	simm.s32 $_scs_section_size  }
0x9d: {  	s8 =	simm.s32 $_size__tile_overlayer_lowered;
	s9 =	simm.s32 $_tile_overlayer_lowered  }
0x9e: {  	s22 =	simm.s32 $0x1BFF;
	s21 =	sshll.u32 s9, $0x1;
	s6 =	sadd.s32 s7, s19  }
0x9f: {  	s10 =	simm.s32 $0x0;
	s20 =	sshll.u32 s8, $0x1;
	s8 =	sadd.s32 s21, s6  }
0xa0: {  	[timem:s10], [sflag:s22] =	dma.local [hbm:s8], s20  }
0xa1: {  	_ =	swait.ge [sflag:s22], s20  }
0xa2: {  	s7 =	ssub.s32 $0x0, s20;
	[sflag:s22] =	ssyncset.done $0x0  }
0xa3: {  	[sflag:s22] =	ssyncadd.s32 s7;
	_ =	sdelay $0x1  }
0xa4: {  	s23 =	simm.s32 $0x1B8B  }
0xa5: {  	_ =	swait.ge [sflag:s23], $0x1  }
0xa6: {  	[sflag:s23] =	ssyncset.done $0x0  }
0xa7: {  	s25 =	simm.s32 $0x1B8E;
	s24 =	sld [smem:$0x3FFE];
	[sflag:s23] =	ssyncadd.s32 $0xFFFFFFFF  }
0xa8: {  	s26 =	simm.s32 $execute0_lowered;
	[smem:$0x3FD2] =	sst s25  }
0xa9: {  	s8 =	sshll.u32 s26, $0x1;
	_ =	strace $0x80000046;
	[dreg:$0x1] =	wrdreg $0xFFFFFFFF  }
0xaa: {  	s28 =	simm.s32 $_size_execute0_lowered;
	s6 =	sadd.s32 s6, s8;
	[dreg:$0x0] =	wrdreg $0x0  }
0xab: {  	s8 =	sshll.u32 s28, $0x1;
	[dreg:$0x2] =	wrdreg s6  }
0xac: {  	[dreg:$0x3] =	wrdreg s8  }
0xad: {  	[dreg:$0x4] =	wrdreg $0xC0  }
0xae: {  	_ =	task [dreg:s10], $0x5FFFF  }
0xaf: {  	[dreg:$0x1] =	wrdreg $0xFFFFFFFF  }
0xb0: {  	[dreg:$0x0] =	wrdreg $0x60  }
0xb1: {  	[dreg:$0x2] =	wrdreg s24  }
0xb2: {  	[dreg:$0x3] =	wrdreg s2  }
0xb3: {  	[dreg:$0x4] =	wrdreg s18  }
0xb4: {  	[dreg:$0x5] =	wrdreg s4  }
0xb5: {  	[dreg:$0x6] =	wrdreg s5  }
0xb6: {  	[dreg:$0x7] =	wrdreg $0x9  }
0xb7: {  	_ =	task.clear_ibuf [dreg:s10], $0x8FFFF;
	_ =	strace $0x90000046  }
0xb8: {  	s29 =	simm.s32 $0x9;
	_ =	strace $0x80000048  }
0xb9: {  	_ =	swait.ge [sflag:s29], $0x1  }
0xba: {  	[sflag:s29] =	ssyncadd.s32 $0xFFFFFFFF  }
0xbb: {  	_ =	strace $0x90000048  }
0xbc: {  	_ =	sfence  }
0xbd: {  	s30 =	sld [smem:$0x0];
	_ =	sdelay $0x2  }
0xbe: {  	s31 =	sshll.u32 s1, $0xD;
	s1 =	sshrl.u32 s1, $0x2  }
0xbf: {  	s3 =	sand.u32 $0x4000, s31;
	s1 =	sadd.s32 s1, s30  }
0xc0: {  	s0 =	sor.u32 s3, s0;
	s1 =	sshll.u32 s1, $0x11  }
0xc1: {  	s0 =	sor.u32 s1, s0  }
0xc2: {  	s0 =	sadd.s32 $0x8F2B, s0  }
0xc3: {  	[sflag:s0] =	ssyncadd.remote.s32 $0x1  }
0xc4: {  	_ =	sfence.sel $0xFFFF  }
0xc5: {  	[dreg:$0x0] =	wrdreg $0xFFFFFFFF;
	(pc) =	sbr.abs _section_cstart, $3  }
0xc6: {  	[dreg:$0x1] =	wrdreg $0xFFFFFFFF  }
0xc7: {  	_ =	task.clear_ibuf [dreg:s10], $0x2FFFF;
	_ =	strace $0x9FFFFFFF  }
0xc8: {  	(tm) =	ssettm $0x7FFFFFFF  }
0xc9: {  	_ =	shalt  }
tec
execute0_lowered:
.L_overlay_start_1:
0x0: {  	(tag) =	ssettag $0x1  }
0x1: {  	s5 =	rddreg [dreg:$0x0]  }
0x2: {  	s1 =	rddreg [dreg:$0x1]  }
0x3: {  	s2 =	rddreg [dreg:$0x2]  }
0x4: {  	s7 =	rddreg [dreg:$0x3]  }
0x5: {  	s8 =	rddreg [dreg:$0x4]  }
0x6: {  	s0 =	rddreg [dreg:$0x5];
	s6 =	srdreg.scid  }
0x7: {  	s3 =	stileid.u32;
	s4 =	simm.s32 $0x0;
	s13 =	simm.s32 $0x80  }
0x8: {  	s14 =	simm.s32 $0x900;
	s15 =	simm.s32 $0x4900;
	s16 =	simm.s32 $0x8900  }
0x9: {  	s17 =	simm.s32 $0x1;
	s6 =	sand.u32 $0x1, s6;
	s9 =	sshll.u32 s3, $0x1  }
0xa: {  	s18 =	simm.s32 $0x0;
	[smem:$0x7FF] =	sst s4;
	s9 =	sor.u32 s6, s9  }
0xb: {  	_ =	strace $0x80000047;
	s6 =	ssub.s32 $0x2, s6;
	s10 =	sshll.u32 s9, $0x5  }
0xc: {  	s11 =	sshll.u32 s9, $0x8;
	s12 =	sshrl.u32 s6, $0x1;
	s9 =	sshll.u32 s9, $0xC  }
0xd: {  	s10 =	sadd.s32 s10, s5;
	s11 =	sadd.s32 s11, s5;
	s12 =	ssub.s32 s6, s12  }
0xe: {  	s31 =	sand.u32 $0x7000, s9;
	s8 =	sadd.s32 s8, s9;
	s5 =	sadd.s32 $0xA00, s10  }
0xf: {  	s6 =	sadd.s32 $0xE00, s11;
	s7 =	sadd.s32 s7, s31;
	s9 =	smax.u32 s12, $0x1  }
0x10: {  	s10 =	simm.s32 $0x2;
	s11 =	simm.s32 $0x100;
	s12 =	simm.s32 $0x10900  }
.LBB2_1:
0x11: {  	[tilespmem:s4], [sflag:$0x2] =	stream.linear.gather [hbm4b:s5+s4], $0x100, $0x38;
	[tilespmem:$0x10A00] =	vst v63  }
0x12: {  	_ =	swait.ge [sflag:s10], $0x100  }
0x13: {  	[sflag:s10] =	ssyncset.done $0x0  }
0x14: {  	[sflag:s10] =	ssyncadd.s32 $0xFFFFFF00  }
0x15: {  	[tilespmem:s11], [sflag:$0x2] =	stream.linear.gather [hbm4b:s6+s4], $0x800, $0x38;
	[tilespmem:$0x10A00] =	vst v63  }
0x16: {  	_ =	swait.ge [sflag:s10], $0x800  }
0x17: {  	[sflag:s10] =	ssyncset.done $0x0  }
0x18: {  	[sflag:s10] =	ssyncadd.s32 $0xFFFFF800  }
0x19: {  	[tilespmem:s12], [sflag:$0x2] =	stream.linear.gather [hbm4b:s2+s4], $0x100, $0x38;
	[tilespmem:$0x10A00] =	vst v63  }
0x1a: {  	_ =	swait.ge [sflag:s10], $0x100  }
0x1b: {  	[sflag:s10] =	ssyncset.done $0x0  }
0x1c: {  	[sflag:s10] =	ssyncadd.s32 $0xFFFFFF00  }
0x1d: {  	[tilespmem:s14], [sflag:$0x1] =	stream.indirect.gather [hbm4b:s1+s13], $0x80, s4, s13, $0xb8;
	[tilespmem:$0x10A00] =	vst v63  }
0x1e: {  	_ = 	snop  }
0x1f: {  	[tilespmem:s15], [sflag:$0x1] =	stream.indirect.gather [hbm4b:s1+s13], $0x80, s13, s13, $0xb8;
	[tilespmem:$0x10A00] =	vst v63  }
0x20: {  	_ = 	snop  }
0x21: {  	[tilespmem:s16], [sflag:$0x2] =	stream.linear.gather [hbm4b:s7+s4], $0x8000, $0x38;
	[tilespmem:$0x10A00] =	vst v63  }
0x22: {  	_ =	swait.ge [sflag:s10], $0x8000  }
0x23: {  	[sflag:s10] =	ssyncset.done $0x0  }
0x24: {  	[sflag:s10] =	ssyncadd.s32 $0xFFFF8000  }
0x25: {  	_ =	swait.ge [sflag:s17], $0x4000  }
0x26: {  	[sflag:s17] =	ssyncset.done $0x0  }
0x27: {  	[sflag:s17] =	ssyncadd.s32 $0xFFFFC000  }
0x28: {  	_ =	swait.ge [sflag:s17], $0x4000  }
0x29: {  	[sflag:s17] =	ssyncset.done $0x0  }
0x2a: {  	[sflag:s17] =	ssyncadd.s32 $0xFFFFC000  }
0x2b: {  	v0 =	vld [tilespmem:$0x10900];
	_ =	sdelay $0x4  }
0x2c: {  	[tilespmem:$0x1FE80] =	vst v0;
	v0 =	vld [tilespmem:$0x10910];
	_ =	sdelay $0x4  }
0x2d: {  	[tilespmem:$0x1FEB0] =	vst v0;
	v0 =	vld [tilespmem:$0x10920];
	_ =	sdelay $0x4  }
0x2e: {  	[tilespmem:$0x1FEE0] =	vst v0;
	v0 =	vld [tilespmem:$0x10930];
	_ =	sdelay $0x4  }
0x2f: {  	[tilespmem:$0x1FF10] =	vst v0;
	v0 =	vld [tilespmem:$0x10940];
	_ =	sdelay $0x4  }
0x30: {  	[tilespmem:$0x1FF40] =	vst v0;
	v0 =	vld [tilespmem:$0x10950];
	_ =	sdelay $0x4  }
0x31: {  	[tilespmem:$0x1FF70] =	vst v0;
	v0 =	vld [tilespmem:$0x10960];
	_ =	sdelay $0x4  }
0x32: {  	[tilespmem:$0x1FFA0] =	vst v0;
	v0 =	vld [tilespmem:$0x10970];
	_ =	sdelay $0x4  }
0x33: {  	[tilespmem:$0x1FFD0] =	vst v0;
	v0 =	vld [tilespmem:$0x10980];
	_ =	sdelay $0x4  }
0x34: {  	[tilespmem:$0x1FE90] =	vst v0;
	v0 =	vld [tilespmem:$0x10990];
	_ =	sdelay $0x4  }
0x35: {  	[tilespmem:$0x1FEC0] =	vst v0;
	v0 =	vld [tilespmem:$0x109A0];
	_ =	sdelay $0x4  }
0x36: {  	[tilespmem:$0x1FEF0] =	vst v0;
	v0 =	vld [tilespmem:$0x109B0];
	_ =	sdelay $0x4  }
0x37: {  	[tilespmem:$0x1FF20] =	vst v0;
	v0 =	vld [tilespmem:$0x109C0];
	_ =	sdelay $0x4  }
0x38: {  	[tilespmem:$0x1FF50] =	vst v0;
	v0 =	vld [tilespmem:$0x109D0];
	_ =	sdelay $0x4  }
0x39: {  	[tilespmem:$0x1FF80] =	vst v0;
	v0 =	vld [tilespmem:$0x109E0];
	_ =	sdelay $0x4  }
0x3a: {  	[tilespmem:$0x1FFB0] =	vst v0;
	v0 =	vld [tilespmem:$0x109F0];
	_ =	sdelay $0x3  }
0x3b: {  	s19 =	simm.s32 $0x0  }
0x3c: {  	[tilespmem:$0x1FFE0] =	vst v0;
	v0 =	vld [tilespmem:s19+$0x8900];
	_ =	sdelay $0x4  }
0x3d: {  	[tilespmem:$0x1F100] =	vst v0;
	v0 =	vld [tilespmem:s19+$0x8910];
	_ =	sdelay $0x4  }
0x3e: {  	[tilespmem:$0x1F110] =	vst v0;
	v0 =	vld [tilespmem:s19+$0x8920];
	_ =	sdelay $0x4  }
0x3f: {  	[tilespmem:$0x1F120] =	vst v0;
	v0 =	vld [tilespmem:s19+$0x8930];
	_ =	sdelay $0x4  }
0x40: {  	[tilespmem:$0x1F130] =	vst v0;
	v0 =	vld [tilespmem:s19+$0x8940];
	_ =	sdelay $0x4  }
0x41: {  	[tilespmem:$0x1F140] =	vst v0;
	v0 =	vld [tilespmem:s19+$0x8950];
	_ =	sdelay $0x4  }
0x42: {  	[tilespmem:$0x1F150] =	vst v0;
	v0 =	vld [tilespmem:s19+$0x8960];
	_ =	sdelay $0x4  }
0x43: {  	[tilespmem:$0x1F160] =	vst v0;
	v0 =	vld [tilespmem:s19+$0x8970];
	_ =	sdelay $0x4  }
0x44: {  	[tilespmem:$0x1F170] =	vst v0;
	v0 =	vld [tilespmem:s19+$0x8980];
	_ =	sdelay $0x4  }
0x45: {  	[tilespmem:$0x1F180] =	vst v0;
	v0 =	vld [tilespmem:s19+$0x8990];
	_ =	sdelay $0x4  }
0x46: {  	[tilespmem:$0x1F190] =	vst v0;
	v0 =	vld [tilespmem:s19+$0x89A0];
	_ =	sdelay $0x4  }
0x47: {  	[tilespmem:$0x1F1A0] =	vst v0;
	v0 =	vld [tilespmem:s19+$0x89B0];
	_ =	sdelay $0x4  }
0x48: {  	[tilespmem:$0x1F1B0] =	vst v0;
	v0 =	vld [tilespmem:s19+$0x89C0];
	_ =	sdelay $0x4  }
0x49: {  	[tilespmem:$0x1F1C0] =	vst v0;
	v0 =	vld [tilespmem:s19+$0x89D0];
	_ =	sdelay $0x4  }
0x4a: {  	[tilespmem:$0x1F1D0] =	vst v0;
	v0 =	vld [tilespmem:s19+$0x89E0];
	_ =	sdelay $0x4  }
0x4b: {  	[tilespmem:$0x1F1E0] =	vst v0;
	v0 =	vld [tilespmem:s19+$0x89F0];
	_ =	sdelay $0x4  }
0x4c: {  	[tilespmem:$0x1F1F0] =	vst v0;
	v0 =	vld [tilespmem:s19+$0x8A00];
	_ =	sdelay $0x4  }
0x4d: {  	[tilespmem:$0x1F200] =	vst v0;
	v0 =	vld [tilespmem:s19+$0x8A10];
	_ =	sdelay $0x4  }
0x4e: {  	[tilespmem:$0x1F210] =	vst v0;
	v0 =	vld [tilespmem:s19+$0x8A20];
	_ =	sdelay $0x4  }
0x4f: {  	[tilespmem:$0x1F220] =	vst v0;
	v0 =	vld [tilespmem:s19+$0x8A30];
	_ =	sdelay $0x4  }
0x50: {  	[tilespmem:$0x1F230] =	vst v0;
	v0 =	vld [tilespmem:s19+$0x8A40];
	_ =	sdelay $0x4  }
0x51: {  	[tilespmem:$0x1FE60] =	vst v0;
	v0 =	vld [tilespmem:s19+$0x8A50];
	_ =	sdelay $0x4  }
0x52: {  	[tilespmem:$0x1FE70] =	vst v0;
	v0 =	vld [tilespmem:s19+$0x8A60];
	_ =	sdelay $0x4  }
0x53: {  	[tilespmem:$0x1FE40] =	vst v0;
	v0 =	vld [tilespmem:s19+$0x8A70];
	_ =	sdelay $0x4  }
0x54: {  	[tilespmem:$0x1FE50] =	vst v0;
	v0 =	vld [tilespmem:s19+$0x8A80];
	_ =	sdelay $0x4  }
0x55: {  	[tilespmem:$0x1FE20] =	vst v0;
	v0 =	vld [tilespmem:s19+$0x8A90];
	_ =	sdelay $0x4  }
0x56: {  	[tilespmem:$0x1FE30] =	vst v0;
	v0 =	vld [tilespmem:s19+$0x8AA0];
	_ =	sdelay $0x4  }
0x57: {  	[tilespmem:$0x1FE00] =	vst v0;
	v0 =	vld [tilespmem:s19+$0x8AB0];
	_ =	sdelay $0x4  }
0x58: {  	[tilespmem:$0x1FE10] =	vst v0;
	v0 =	vld [tilespmem:s19+$0x8AC0];
	_ =	sdelay $0x4  }
0x59: {  	[tilespmem:$0x1FDE0] =	vst v0;
	v0 =	vld [tilespmem:s19+$0x8AD0];
	_ =	sdelay $0x4  }
0x5a: {  	[tilespmem:$0x1FDF0] =	vst v0;
	v0 =	vld [tilespmem:s19+$0x8AE0];
	_ =	sdelay $0x4  }
0x5b: {  	[tilespmem:$0x1FDC0] =	vst v0;
	v0 =	vld [tilespmem:s19+$0x8AF0];
	_ =	sdelay $0x4  }
0x5c: {  	[tilespmem:$0x1FDD0] =	vst v0;
	v0 =	vld [tilespmem:s19+$0x8B00];
	_ =	sdelay $0x4  }
0x5d: {  	[tilespmem:$0x1FDA0] =	vst v0;
	v0 =	vld [tilespmem:s19+$0x8B10];
	_ =	sdelay $0x4  }
0x5e: {  	[tilespmem:$0x1FDB0] =	vst v0;
	v0 =	vld [tilespmem:s19+$0x8B20];
	_ =	sdelay $0x4  }
0x5f: {  	[tilespmem:$0x1FD80] =	vst v0;
	v0 =	vld [tilespmem:s19+$0x8B30];
	_ =	sdelay $0x4  }
0x60: {  	[tilespmem:$0x1FD90] =	vst v0;
	v0 =	vld [tilespmem:s19+$0x8B40];
	_ =	sdelay $0x4  }
0x61: {  	[tilespmem:$0x1FD60] =	vst v0;
	v0 =	vld [tilespmem:s19+$0x8B50];
	_ =	sdelay $0x4  }
0x62: {  	[tilespmem:$0x1FD70] =	vst v0;
	v0 =	vld [tilespmem:s19+$0x8B60];
	_ =	sdelay $0x4  }
0x63: {  	[tilespmem:$0x1FD30] =	vst v0;
	v0 =	vld [tilespmem:s19+$0x8B70];
	_ =	sdelay $0x4  }
0x64: {  	[tilespmem:$0x1FD40] =	vst v0;
	v0 =	vld [tilespmem:s19+$0x8B80];
	_ =	sdelay $0x4  }
0x65: {  	[tilespmem:$0x1FCF0] =	vst v0;
	v0 =	vld [tilespmem:s19+$0x8B90];
	_ =	sdelay $0x4  }
0x66: {  	[tilespmem:$0x1FD10] =	vst v0;
	v0 =	vld [tilespmem:s19+$0x8BA0];
	_ =	sdelay $0x4  }
0x67: {  	[tilespmem:$0x1FCB0] =	vst v0;
	v0 =	vld [tilespmem:s19+$0x8BB0];
	_ =	sdelay $0x4  }
0x68: {  	[tilespmem:$0x1FCD0] =	vst v0;
	v0 =	vld [tilespmem:s19+$0x8BC0];
	_ =	sdelay $0x4  }
0x69: {  	[tilespmem:$0x1FC70] =	vst v0;
	v0 =	vld [tilespmem:s19+$0x8BD0];
	_ =	sdelay $0x4  }
0x6a: {  	[tilespmem:$0x1FC90] =	vst v0;
	v0 =	vld [tilespmem:s19+$0x8BE0];
	_ =	sdelay $0x4  }
0x6b: {  	[tilespmem:$0x1FC30] =	vst v0;
	v0 =	vld [tilespmem:s19+$0x8BF0];
	_ =	sdelay $0x4  }
0x6c: {  	[tilespmem:$0x1FC50] =	vst v0;
	v0 =	vld [tilespmem:s19+$0x8C00];
	_ =	sdelay $0x4  }
0x6d: {  	[tilespmem:$0x1FC00] =	vst v0  }
0x6e: {  	v0 =	vld [tilespmem:s19+$0x8C10];
	_ =	sdelay $0x4  }
0x6f: {  	[tilespmem:$0x1FC20] =	vst v0;
	v0 =	vld [tilespmem:s19+$0x8C20];
	_ =	sdelay $0x4  }
0x70: {  	[tilespmem:$0x1FBC0] =	vst v0;
	v0 =	vld [tilespmem:s19+$0x8C30];
	_ =	sdelay $0x4  }
0x71: {  	[tilespmem:$0x1FBE0] =	vst v0;
	v0 =	vld [tilespmem:s19+$0x8C40];
	_ =	sdelay $0x4  }
0x72: {  	[tilespmem:$0x1FB80] =	vst v0;
	v0 =	vld [tilespmem:s19+$0x8C50];
	_ =	sdelay $0x4  }
0x73: {  	[tilespmem:$0x1FBA0] =	vst v0;
	v0 =	vld [tilespmem:s19+$0x8C60];
	_ =	sdelay $0x4  }
0x74: {  	[tilespmem:$0x1FB40] =	vst v0;
	v0 =	vld [tilespmem:s19+$0x8C70];
	_ =	sdelay $0x4  }
0x75: {  	[tilespmem:$0x1FB60] =	vst v0;
	v0 =	vld [tilespmem:s19+$0x8C80];
	_ =	sdelay $0x4  }
0x76: {  	[tilespmem:$0x1FB00] =	vst v0;
	v0 =	vld [tilespmem:s19+$0x8C90];
	_ =	sdelay $0x4  }
0x77: {  	[tilespmem:$0x1FB20] =	vst v0;
	v0 =	vld [tilespmem:s19+$0x8CA0];
	_ =	sdelay $0x4  }
0x78: {  	[tilespmem:$0x1FAC0] =	vst v0;
	v0 =	vld [tilespmem:s19+$0x8CB0];
	_ =	sdelay $0x4  }
0x79: {  	[tilespmem:$0x1FAE0] =	vst v0;
	v0 =	vld [tilespmem:s19+$0x8CC0];
	_ =	sdelay $0x4  }
0x7a: {  	[tilespmem:$0x1FA80] =	vst v0;
	v0 =	vld [tilespmem:s19+$0x8CD0];
	_ =	sdelay $0x4  }
0x7b: {  	[tilespmem:$0x1FAA0] =	vst v0;
	v0 =	vld [tilespmem:s19+$0x8CE0];
	_ =	sdelay $0x4  }
0x7c: {  	[tilespmem:$0x1FA40] =	vst v0;
	v0 =	vld [tilespmem:s19+$0x8CF0];
	_ =	sdelay $0x4  }
0x7d: {  	[tilespmem:$0x1FA60] =	vst v0;
	v0 =	vld [tilespmem:s19+$0x8D00];
	_ =	sdelay $0x4  }
0x7e: {  	[tilespmem:$0x1F9F0] =	vst v0;
	v0 =	vld [tilespmem:s19+$0x8D10];
	_ =	sdelay $0x4  }
0x7f: {  	[tilespmem:$0x1FA10] =	vst v0;
	v0 =	vld [tilespmem:s19+$0x8D20];
	_ =	sdelay $0x4  }
0x80: {  	[tilespmem:$0x1F990] =	vst v0;
	v0 =	vld [tilespmem:s19+$0x8D30];
	_ =	sdelay $0x4  }
0x81: {  	[tilespmem:$0x1F9C0] =	vst v0;
	v0 =	vld [tilespmem:s19+$0x8D40];
	_ =	sdelay $0x4  }
0x82: {  	[tilespmem:$0x1F930] =	vst v0;
	v0 =	vld [tilespmem:s19+$0x8D50];
	_ =	sdelay $0x4  }
0x83: {  	[tilespmem:$0x1F960] =	vst v0;
	v0 =	vld [tilespmem:s19+$0x8D60];
	_ =	sdelay $0x4  }
0x84: {  	[tilespmem:$0x1F8D0] =	vst v0;
	v0 =	vld [tilespmem:s19+$0x8D70];
	_ =	sdelay $0x4  }
0x85: {  	[tilespmem:$0x1F900] =	vst v0;
	v0 =	vld [tilespmem:s19+$0x8D80];
	_ =	sdelay $0x4  }
0x86: {  	[tilespmem:$0x1F880] =	vst v0;
	v0 =	vld [tilespmem:s19+$0x8D90];
	_ =	sdelay $0x4  }
0x87: {  	[tilespmem:$0x1F8A0] =	vst v0;
	v0 =	vld [tilespmem:s19+$0x8DA0];
	_ =	sdelay $0x4  }
0x88: {  	[tilespmem:$0x1F830] =	vst v0;
	v0 =	vld [tilespmem:s19+$0x8DB0];
	_ =	sdelay $0x4  }
0x89: {  	[tilespmem:$0x1F850] =	vst v0;
	v0 =	vld [tilespmem:s19+$0x8DC0];
	_ =	sdelay $0x4  }
0x8a: {  	[tilespmem:$0x1F7E0] =	vst v0;
	v0 =	vld [tilespmem:s19+$0x8DD0];
	_ =	sdelay $0x4  }
0x8b: {  	[tilespmem:$0x1F800] =	vst v0;
	v0 =	vld [tilespmem:s19+$0x8DE0];
	_ =	sdelay $0x4  }
0x8c: {  	[tilespmem:$0x1F7A0] =	vst v0;
	v0 =	vld [tilespmem:s19+$0x8DF0];
	_ =	sdelay $0x4  }
0x8d: {  	[tilespmem:$0x1F7C0] =	vst v0;
	v0 =	vld [tilespmem:s19+$0x8E00];
	_ =	sdelay $0x4  }
0x8e: {  	[tilespmem:$0x1F760] =	vst v0;
	v0 =	vld [tilespmem:s19+$0x8E10];
	_ =	sdelay $0x4  }
0x8f: {  	[tilespmem:$0x1F780] =	vst v0;
	v0 =	vld [tilespmem:s19+$0x8E20];
	_ =	sdelay $0x4  }
0x90: {  	[tilespmem:$0x1F720] =	vst v0;
	v0 =	vld [tilespmem:s19+$0x8E30];
	_ =	sdelay $0x4  }
0x91: {  	[tilespmem:$0x1F740] =	vst v0;
	v0 =	vld [tilespmem:s19+$0x8E40];
	_ =	sdelay $0x4  }
0x92: {  	[tilespmem:$0x1F6E0] =	vst v0;
	v0 =	vld [tilespmem:s19+$0x8E50];
	_ =	sdelay $0x4  }
0x93: {  	[tilespmem:$0x1F700] =	vst v0;
	v0 =	vld [tilespmem:s19+$0x8E60];
	_ =	sdelay $0x4  }
0x94: {  	[tilespmem:$0x1F6A0] =	vst v0;
	v0 =	vld [tilespmem:s19+$0x8E70];
	_ =	sdelay $0x4  }
0x95: {  	[tilespmem:$0x1F6C0] =	vst v0;
	v0 =	vld [tilespmem:s19+$0x8E80];
	_ =	sdelay $0x4  }
0x96: {  	[tilespmem:$0x1F660] =	vst v0;
	v0 =	vld [tilespmem:s19+$0x8E90];
	_ =	sdelay $0x4  }
0x97: {  	[tilespmem:$0x1F680] =	vst v0;
	v0 =	vld [tilespmem:s19+$0x8EA0];
	_ =	sdelay $0x4  }
0x98: {  	[tilespmem:$0x1F620] =	vst v0;
	v0 =	vld [tilespmem:s19+$0x8EB0];
	_ =	sdelay $0x4  }
0x99: {  	[tilespmem:$0x1F640] =	vst v0;
	v0 =	vld [tilespmem:s19+$0x8EC0];
	_ =	sdelay $0x4  }
0x9a: {  	[tilespmem:$0x1F5E0] =	vst v0;
	v0 =	vld [tilespmem:s19+$0x8ED0];
	_ =	sdelay $0x4  }
0x9b: {  	[tilespmem:$0x1F600] =	vst v0;
	v0 =	vld [tilespmem:s19+$0x8EE0];
	_ =	sdelay $0x4  }
0x9c: {  	[tilespmem:$0x1F5A0] =	vst v0;
	v0 =	vld [tilespmem:s19+$0x8EF0];
	_ =	sdelay $0x4  }
0x9d: {  	[tilespmem:$0x1F5C0] =	vst v0;
	v0 =	vld [tilespmem:s19+$0x8F00];
	_ =	sdelay $0x4  }
0x9e: {  	[tilespmem:$0x1F560] =	vst v0;
	v0 =	vld [tilespmem:s19+$0x8F10];
	_ =	sdelay $0x4  }
0x9f: {  	[tilespmem:$0x1F580] =	vst v0;
	v0 =	vld [tilespmem:s19+$0x8F20];
	_ =	sdelay $0x4  }
0xa0: {  	[tilespmem:$0x1F520] =	vst v0;
	v0 =	vld [tilespmem:s19+$0x8F30];
	_ =	sdelay $0x4  }
0xa1: {  	[tilespmem:$0x1F540] =	vst v0;
	v0 =	vld [tilespmem:s19+$0x8F40];
	_ =	sdelay $0x4  }
0xa2: {  	[tilespmem:$0x1F4E0] =	vst v0;
	v0 =	vld [tilespmem:s19+$0x8F50];
	_ =	sdelay $0x4  }
0xa3: {  	[tilespmem:$0x1F500] =	vst v0;
	v0 =	vld [tilespmem:s19+$0x8F60];
	_ =	sdelay $0x4  }
0xa4: {  	[tilespmem:$0x1F4A0] =	vst v0;
	v0 =	vld [tilespmem:s19+$0x8F70];
	_ =	sdelay $0x4  }
0xa5: {  	[tilespmem:$0x1F4C0] =	vst v0;
	v0 =	vld [tilespmem:s19+$0x8F80];
	_ =	sdelay $0x4  }
0xa6: {  	[tilespmem:$0x1F460] =	vst v0;
	v0 =	vld [tilespmem:s19+$0x8F90];
	_ =	sdelay $0x4  }
0xa7: {  	[tilespmem:$0x1F480] =	vst v0;
	v0 =	vld [tilespmem:s19+$0x8FA0];
	_ =	sdelay $0x4  }
0xa8: {  	[tilespmem:$0x1F420] =	vst v0;
	v0 =	vld [tilespmem:s19+$0x8FB0];
	_ =	sdelay $0x4  }
0xa9: {  	[tilespmem:$0x1F440] =	vst v0;
	v0 =	vld [tilespmem:s19+$0x8FC0];
	_ =	sdelay $0x4  }
0xaa: {  	[tilespmem:$0x1F3E0] =	vst v0;
	v0 =	vld [tilespmem:s19+$0x8FD0];
	_ =	sdelay $0x4  }
0xab: {  	[tilespmem:$0x1F400] =	vst v0;
	v0 =	vld [tilespmem:s19+$0x8FE0];
	_ =	sdelay $0x4  }
0xac: {  	[tilespmem:$0x1F3A0] =	vst v0;
	v0 =	vld [tilespmem:s19+$0x8FF0];
	_ =	sdelay $0x4  }
0xad: {  	[tilespmem:$0x1F3C0] =	vst v0;
	v0 =	vld [tilespmem:s19+$0x9000];
	_ =	sdelay $0x4  }
0xae: {  	[tilespmem:$0x1F360] =	vst v0;
	v0 =	vld [tilespmem:s19+$0x9010];
	_ =	sdelay $0x4  }
0xaf: {  	[tilespmem:$0x1F380] =	vst v0;
	v0 =	vld [tilespmem:s19+$0x9020];
	_ =	sdelay $0x4  }
0xb0: {  	[tilespmem:$0x1F320] =	vst v0;
	v0 =	vld [tilespmem:s19+$0x9030];
	_ =	sdelay $0x4  }
0xb1: {  	[tilespmem:$0x1F340] =	vst v0;
	v0 =	vld [tilespmem:s19+$0x9040];
	_ =	sdelay $0x4  }
0xb2: {  	[tilespmem:$0x1F2E0] =	vst v0;
	v0 =	vld [tilespmem:s19+$0x9050];
	_ =	sdelay $0x3  }
0xb3: {  	v5 =	vld [tilespmem:s19+$0x90E0]  }
0xb4: {  	[tilespmem:$0x1F300] =	vst v0;
	v0 =	vld [tilespmem:s19+$0x10E0];
	_ =	sdelay $0x3  }
0xb5: {  	v11 =	vld [tilespmem:s19+$0x1040]  }
0xb6: {  	v0 =	vadd.f32 v5, v0;
	v5 =	vld [tilespmem:$0x1F2E0];
	_ =	sdelay $0x4  }
0xb7: {  	v5 =	vadd.f32 v5, v11  }
0xb8: {  	v14 =	vld [tilespmem:s19+$0x1050]  }
0xb9: {  	[tilespmem:$0x1F2F0] =	vst v5;
	v5 =	vld [tilespmem:$0x1F300];
	_ =	sdelay $0x3  }
0xba: {  	v33 =	vld [tilespmem:s19+$0xF20]  }
0xbb: {  	v5 =	vadd.f32 v5, v14;
	v14 =	vld [tilespmem:$0x1F520];
	_ =	sdelay $0x4  }
0xbc: {  	v14 =	vadd.f32 v14, v33  }
0xbd: {  	v36 =	vld [tilespmem:s19+$0xF30]  }
0xbe: {  	[tilespmem:$0x1F530] =	vst v14;
	v14 =	vld [tilespmem:$0x1F540];
	_ =	sdelay $0x4  }
0xbf: {  	v14 =	vadd.f32 v14, v36  }
0xc0: {  	v35 =	vld [tilespmem:s19+$0xF00]  }
0xc1: {  	[tilespmem:$0x1F550] =	vst v14;
	v14 =	vld [tilespmem:$0x1F560];
	_ =	sdelay $0x4  }
0xc2: {  	v14 =	vadd.f32 v14, v35  }
0xc3: {  	v38 =	vld [tilespmem:s19+$0xF10]  }
0xc4: {  	[tilespmem:$0x1F570] =	vst v14;
	v14 =	vld [tilespmem:$0x1F580];
	_ =	sdelay $0x4  }
0xc5: {  	v14 =	vadd.f32 v14, v38  }
0xc6: {  	v37 =	vld [tilespmem:s19+$0xEE0]  }
0xc7: {  	[tilespmem:$0x1F590] =	vst v14;
	v14 =	vld [tilespmem:$0x1F5A0];
	_ =	sdelay $0x4  }
0xc8: {  	v14 =	vadd.f32 v14, v37  }
0xc9: {  	v40 =	vld [tilespmem:s19+$0xEF0]  }
0xca: {  	[tilespmem:$0x1F5B0] =	vst v14;
	v14 =	vld [tilespmem:$0x1F5C0];
	_ =	sdelay $0x4  }
0xcb: {  	v14 =	vadd.f32 v14, v40  }
0xcc: {  	v39 =	vld [tilespmem:s19+$0xEC0]  }
0xcd: {  	[tilespmem:$0x1F5D0] =	vst v14;
	v14 =	vld [tilespmem:$0x1F5E0];
	_ =	sdelay $0x4  }
0xce: {  	v14 =	vadd.f32 v14, v39  }
0xcf: {  	v44 =	vld [tilespmem:s19+$0xED0]  }
0xd0: {  	[tilespmem:$0x1F5F0] =	vst v14;
	v14 =	vld [tilespmem:$0x1F600];
	_ =	sdelay $0x4  }
0xd1: {  	v14 =	vadd.f32 v14, v44  }
0xd2: {  	v43 =	vld [tilespmem:s19+$0xEA0]  }
0xd3: {  	[tilespmem:$0x1F610] =	vst v14;
	v14 =	vld [tilespmem:$0x1F620];
	_ =	sdelay $0x4  }
0xd4: {  	v14 =	vadd.f32 v14, v43  }
0xd5: {  	v46 =	vld [tilespmem:s19+$0xEB0]  }
0xd6: {  	[tilespmem:$0x1F630] =	vst v14;
	v14 =	vld [tilespmem:$0x1F640];
	_ =	sdelay $0x4  }
0xd7: {  	v14 =	vadd.f32 v14, v46  }
0xd8: {  	v45 =	vld [tilespmem:s19+$0xE80]  }
0xd9: {  	[tilespmem:$0x1F650] =	vst v14;
	v14 =	vld [tilespmem:$0x1F660];
	_ =	sdelay $0x4  }
0xda: {  	v14 =	vadd.f32 v14, v45  }
0xdb: {  	v48 =	vld [tilespmem:s19+$0xE90]  }
0xdc: {  	[tilespmem:$0x1F670] =	vst v14;
	v14 =	vld [tilespmem:$0x1F680];
	_ =	sdelay $0x4  }
0xdd: {  	v14 =	vadd.f32 v14, v48  }
0xde: {  	v47 =	vld [tilespmem:s19+$0xE60]  }
0xdf: {  	[tilespmem:$0x1F690] =	vst v14;
	v14 =	vld [tilespmem:$0x1F6A0];
	_ =	sdelay $0x4  }
0xe0: {  	v14 =	vadd.f32 v14, v47  }
0xe1: {  	v50 =	vld [tilespmem:s19+$0xE70]  }
0xe2: {  	[tilespmem:$0x1F6B0] =	vst v14;
	v14 =	vld [tilespmem:$0x1F6C0];
	_ =	sdelay $0x4  }
0xe3: {  	v14 =	vadd.f32 v14, v50  }
0xe4: {  	v49 =	vld [tilespmem:s19+$0xE40]  }
0xe5: {  	[tilespmem:$0x1F6D0] =	vst v14;
	v14 =	vld [tilespmem:$0x1F6E0];
	_ =	sdelay $0x4  }
0xe6: {  	v14 =	vadd.f32 v14, v49  }
0xe7: {  	v52 =	vld [tilespmem:s19+$0xE50]  }
0xe8: {  	[tilespmem:$0x1F6F0] =	vst v14;
	v14 =	vld [tilespmem:$0x1F700];
	_ =	sdelay $0x4  }
0xe9: {  	v14 =	vadd.f32 v14, v52  }
0xea: {  	v51 =	vld [tilespmem:s19+$0xE20]  }
0xeb: {  	[tilespmem:$0x1F710] =	vst v14;
	v14 =	vld [tilespmem:$0x1F720];
	_ =	sdelay $0x4  }
0xec: {  	v14 =	vadd.f32 v14, v51  }
0xed: {  	v56 =	vld [tilespmem:s19+$0xE30]  }
0xee: {  	[tilespmem:$0x1F730] =	vst v14;
	v14 =	vld [tilespmem:$0x1F740];
	_ =	sdelay $0x4  }
0xef: {  	v14 =	vadd.f32 v14, v56  }
0xf0: {  	v55 =	vld [tilespmem:s19+$0xE00]  }
0xf1: {  	[tilespmem:$0x1F750] =	vst v14;
	v14 =	vld [tilespmem:$0x1F760];
	_ =	sdelay $0x4  }
0xf2: {  	v14 =	vadd.f32 v14, v55  }
0xf3: {  	v58 =	vld [tilespmem:s19+$0xE10]  }
0xf4: {  	[tilespmem:$0x1F770] =	vst v14;
	v14 =	vld [tilespmem:$0x1F780];
	_ =	sdelay $0x4  }
0xf5: {  	v14 =	vadd.f32 v14, v58  }
0xf6: {  	v57 =	vld [tilespmem:s19+$0xDE0]  }
0xf7: {  	[tilespmem:$0x1F790] =	vst v14;
	v14 =	vld [tilespmem:$0x1F7A0];
	_ =	sdelay $0x4  }
0xf8: {  	v14 =	vadd.f32 v14, v57  }
0xf9: {  	v60 =	vld [tilespmem:s19+$0xDF0]  }
0xfa: {  	[tilespmem:$0x1F7B0] =	vst v14;
	v14 =	vld [tilespmem:$0x1F7C0]  }
0xfb: {  	v59 =	vld [tilespmem:s19+$0xDD0];
	_ =	sdelay $0x1  }
0xfc: {  	v17 =	vld [tilespmem:s19+$0x90C0]  }
0xfd: {  	v18 =	vld [tilespmem:s19+$0x90D0]  }
0xfe: {  	v1 =	vld [tilespmem:s19+$0x10C0];
	v14 =	vadd.f32 v14, v60  }
0xff: {  	[tilespmem:$0x1F810] =	vst v59;
	v59 =	vld [tilespmem:s19+$0xDC0]  }
0x100: {  	[tilespmem:$0x1F7D0] =	vst v14;
	v14 =	vld [tilespmem:$0x1F7E0]  }
0x101: {  	v4 =	vld [tilespmem:s19+$0x10D0];
	_ =	sdelay $0x2  }
0x102: {  	v1 =	vadd.f32 v17, v1  }
0x103: {  	v14 =	vadd.f32 v14, v59  }
0x104: {  	[tilespmem:$0x1F260] =	vst v1;
	v1 =	vadd.f32 v18, v4;
	v18 =	vld [tilespmem:$0x1F810]  }
0x105: {  	[tilespmem:$0x1F7F0] =	vst v14;
	v14 =	vld [tilespmem:$0x1F800]  }
0x106: {  	v61 =	vld [tilespmem:s19+$0xDB0];
	_ =	sdelay $0x3  }
0x107: {  	v14 =	vadd.f32 v14, v18  }
0x108: {  	[tilespmem:$0x1F860] =	vst v61;
	v61 =	vld [tilespmem:s19+$0xDA0]  }
0x109: {  	[tilespmem:$0x1F820] =	vst v14;
	v14 =	vld [tilespmem:$0x1F830];
	_ =	sdelay $0x4  }
0x10a: {  	v14 =	vadd.f32 v14, v61  }
0x10b: {  	v18 =	vld [tilespmem:$0x1F860]  }
0x10c: {  	[tilespmem:$0x1F840] =	vst v14;
	v14 =	vld [tilespmem:$0x1F850]  }
0x10d: {  	v62 =	vld [tilespmem:s19+$0xD90];
	_ =	sdelay $0x3  }
0x10e: {  	v63 =	vld [tilespmem:s19+$0xD80];
	v14 =	vadd.f32 v14, v18  }
0x10f: {  	[tilespmem:$0x1F8B0] =	vst v62;
	v62 =	vld [tilespmem:s19+$0xD70]  }
0x110: {  	[tilespmem:$0x1F870] =	vst v14;
	v14 =	vld [tilespmem:$0x1F880];
	_ =	sdelay $0x4  }
0x111: {  	[tilespmem:$0x1F910] =	vst v62;
	v62 =	vld [tilespmem:s19+$0xD60];
	v14 =	vadd.f32 v14, v63  }
0x112: {  	v18 =	vld [tilespmem:$0x1F8B0]  }
0x113: {  	[tilespmem:$0x1F890] =	vst v14;
	v14 =	vld [tilespmem:$0x1F8A0];
	_ =	sdelay $0x4  }
0x114: {  	[tilespmem:$0x1F8E0] =	vst v62;
	v62 =	vld [tilespmem:s19+$0xD50];
	v14 =	vadd.f32 v14, v18  }
0x115: {  	v18 =	vld [tilespmem:$0x1F8E0]  }
0x116: {  	[tilespmem:$0x1F8C0] =	vst v14;
	v14 =	vld [tilespmem:$0x1F8D0];
	_ =	sdelay $0x4  }
0x117: {  	[tilespmem:$0x1F970] =	vst v62;
	v62 =	vld [tilespmem:s19+$0xD40];
	v14 =	vadd.f32 v14, v18  }
0x118: {  	v18 =	vld [tilespmem:$0x1F910]  }
0x119: {  	[tilespmem:$0x1F8F0] =	vst v14;
	v14 =	vld [tilespmem:$0x1F900];
	_ =	sdelay $0x4  }
0x11a: {  	[tilespmem:$0x1F940] =	vst v62;
	v62 =	vld [tilespmem:s19+$0xD30];
	v14 =	vadd.f32 v14, v18  }
0x11b: {  	v18 =	vld [tilespmem:$0x1F940]  }
0x11c: {  	[tilespmem:$0x1F920] =	vst v14;
	v14 =	vld [tilespmem:$0x1F930];
	_ =	sdelay $0x4  }
0x11d: {  	[tilespmem:$0x1F9D0] =	vst v62;
	v62 =	vld [tilespmem:s19+$0xD20];
	v14 =	vadd.f32 v14, v18  }
0x11e: {  	v18 =	vld [tilespmem:$0x1F970]  }
0x11f: {  	[tilespmem:$0x1F950] =	vst v14;
	v14 =	vld [tilespmem:$0x1F960];
	_ =	sdelay $0x4  }
0x120: {  	[tilespmem:$0x1F9A0] =	vst v62;
	v14 =	vadd.f32 v14, v18  }
0x121: {  	v18 =	vld [tilespmem:$0x1F9A0]  }
0x122: {  	[tilespmem:$0x1F980] =	vst v14;
	v14 =	vld [tilespmem:$0x1F990];
	_ =	sdelay $0x4  }
0x123: {  	v14 =	vadd.f32 v14, v18  }
0x124: {  	v18 =	vld [tilespmem:$0x1F9D0]  }
0x125: {  	[tilespmem:$0x1F9B0] =	vst v14;
	v14 =	vld [tilespmem:$0x1F9C0]  }
0x126: {  	v62 =	vld [tilespmem:s19+$0xD10];
	_ =	sdelay $0x3  }
0x127: {  	v14 =	vadd.f32 v14, v18  }
0x128: {  	[tilespmem:$0x1FA20] =	vst v62;
	v62 =	vld [tilespmem:s19+$0xD00]  }
0x129: {  	[tilespmem:$0x1F9E0] =	vst v14;
	v14 =	vld [tilespmem:$0x1F9F0];
	_ =	sdelay $0x4  }
0x12a: {  	v14 =	vadd.f32 v14, v62  }
0x12b: {  	v18 =	vld [tilespmem:$0x1FA20]  }
0x12c: {  	[tilespmem:$0x1FA00] =	vst v14;
	v14 =	vld [tilespmem:$0x1FA10];
	_ =	sdelay $0x1  }
0x12d: {  	v41 =	vld [tilespmem:s19+$0x9080]  }
0x12e: {  	v29 =	vld [tilespmem:s19+$0x90A0]  }
0x12f: {  	v6 =	vld [tilespmem:s19+$0x90F0]  }
0x130: {  	v2 =	vld [tilespmem:s19+$0x10F0];
	v14 =	vadd.f32 v14, v18  }
0x131: {  	[tilespmem:$0x1F270] =	vst v1;
	v1 =	vld [tilespmem:s19+$0xCE0]  }
0x132: {  	[tilespmem:$0x1FA30] =	vst v14;
	v14 =	vld [tilespmem:$0x1FA40]  }
0x133: {  	v3 =	vld [tilespmem:s19+$0x10A0]  }
0x134: {  	v7 =	vld [tilespmem:s19+$0x1080]  }
0x135: {  	v42 =	vld [tilespmem:s19+$0x9090]  }
0x136: {  	v10 =	vld [tilespmem:s19+$0x1090];
	[tilespmem:$0x1F240] =	vst v0;
	v0 =	vadd.f32 v6, v2  }
0x137: {  	v1 =	vadd.f32 v14, v1  }
0x138: {  	[tilespmem:$0x1F250] =	vst v0;
	v0 =	vld [tilespmem:s19+$0xCF0]  }
0x139: {  	v2 =	vadd.f32 v29, v3;
	v3 =	vadd.f32 v41, v7;
	[tilespmem:$0x1FA50] =	vst v1;
	v1 =	vld [tilespmem:$0x1FA60];
	_ =	sdelay $0x1  }
0x13a: {  	v30 =	vld [tilespmem:s19+$0x90B0];
	[tilespmem:$0x1F2A0] =	vst v3;
	v3 =	vadd.f32 v42, v10  }
0x13b: {  	v8 =	vld [tilespmem:s19+$0x10B0]  }
0x13c: {  	[tilespmem:$0x1F2B0] =	vst v3;
	v3 =	vld [tilespmem:s19+$0xCC0]  }
0x13d: {  	v0 =	vadd.f32 v1, v0;
	v1 =	vld [tilespmem:$0x1FA80];
	_ =	sdelay $0x3  }
0x13e: {  	[tilespmem:$0x1F280] =	vst v2;
	v2 =	vadd.f32 v30, v8  }
0x13f: {  	v53 =	vld [tilespmem:s19+$0x9060];
	v1 =	vadd.f32 v1, v3  }
0x140: {  	[tilespmem:$0x1F290] =	vst v2;
	v2 =	vld [tilespmem:s19+$0xCD0]  }
0x141: {  	[tilespmem:$0x1FA90] =	vst v1;
	v1 =	vld [tilespmem:$0x1FAA0]  }
0x142: {  	v54 =	vld [tilespmem:s19+$0x9070]  }
0x143: {  	v9 =	vld [tilespmem:s19+$0x1060]  }
0x144: {  	v12 =	vld [tilespmem:s19+$0x1070]  }
0x145: {  	v15 =	vld [tilespmem:s19+$0x1000]  }
0x146: {  	v7 =	vld [tilespmem:$0x1F360];
	v1 =	vadd.f32 v1, v2  }
0x147: {  	[tilespmem:$0x1F310] =	vst v5;
	v5 =	vld [tilespmem:s19+$0xCA0]  }
0x148: {  	v4 =	vadd.f32 v53, v9;
	[tilespmem:$0x1FAB0] =	vst v1;
	v1 =	vld [tilespmem:$0x1FAC0];
	_ =	sdelay $0x1  }
0x149: {  	v13 =	vld [tilespmem:s19+$0x1020];
	[tilespmem:$0x1F2C0] =	vst v4;
	v4 =	vadd.f32 v54, v12  }
0x14a: {  	v20 =	vld [tilespmem:s19+$0x1010]  }
0x14b: {  	[tilespmem:$0x1F2D0] =	vst v4;
	v4 =	vld [tilespmem:s19+$0xCB0];
	v7 =	vadd.f32 v7, v15  }
0x14c: {  	v6 =	vld [tilespmem:$0x1F320];
	v1 =	vadd.f32 v1, v5  }
0x14d: {  	[tilespmem:$0x1F370] =	vst v7;
	v7 =	vld [tilespmem:$0x1F380]  }
0x14e: {  	[tilespmem:$0x1FAD0] =	vst v1;
	v1 =	vld [tilespmem:$0x1FAE0];
	_ =	sdelay $0x1  }
0x14f: {  	v16 =	vld [tilespmem:s19+$0x1030]  }
0x150: {  	v21 =	vld [tilespmem:s19+$0xFC0];
	v6 =	vadd.f32 v6, v13  }
0x151: {  	v9 =	vld [tilespmem:$0x1F3E0];
	v7 =	vadd.f32 v7, v20  }
0x152: {  	[tilespmem:$0x1F330] =	vst v6;
	v6 =	vld [tilespmem:$0x1F340];
	v1 =	vadd.f32 v1, v4  }
0x153: {  	[tilespmem:$0x1F390] =	vst v7;
	v7 =	vld [tilespmem:s19+$0xC80]  }
0x154: {  	[tilespmem:$0x1FAF0] =	vst v1;
	v1 =	vld [tilespmem:$0x1FB00];
	_ =	sdelay $0x1  }
0x155: {  	v19 =	vld [tilespmem:s19+$0xFE0];
	v9 =	vadd.f32 v9, v21  }
0x156: {  	v24 =	vld [tilespmem:s19+$0xFD0]  }
0x157: {  	[tilespmem:$0x1F3F0] =	vst v9;
	v9 =	vld [tilespmem:$0x1F400];
	v6 =	vadd.f32 v6, v16  }
0x158: {  	v8 =	vld [tilespmem:$0x1F3A0];
	v1 =	vadd.f32 v1, v7  }
0x159: {  	[tilespmem:$0x1F350] =	vst v6;
	v6 =	vld [tilespmem:s19+$0xC90]  }
0x15a: {  	[tilespmem:$0x1FB10] =	vst v1;
	v1 =	vld [tilespmem:$0x1FB20];
	_ =	sdelay $0x1  }
0x15b: {  	v22 =	vld [tilespmem:s19+$0xFF0];
	v9 =	vadd.f32 v9, v24  }
0x15c: {  	v25 =	vld [tilespmem:s19+$0xF80]  }
0x15d: {  	[tilespmem:$0x1F410] =	vst v9;
	v9 =	vld [tilespmem:s19+$0xC60];
	v8 =	vadd.f32 v8, v19  }
0x15e: {  	v11 =	vld [tilespmem:$0x1F460];
	v1 =	vadd.f32 v1, v6  }
0x15f: {  	[tilespmem:$0x1F3B0] =	vst v8;
	v8 =	vld [tilespmem:$0x1F3C0]  }
0x160: {  	[tilespmem:$0x1FB30] =	vst v1;
	v1 =	vld [tilespmem:$0x1FB40];
	_ =	sdelay $0x1  }
0x161: {  	v23 =	vld [tilespmem:s19+$0xFA0]  }
0x162: {  	v28 =	vld [tilespmem:s19+$0xF90];
	v11 =	vadd.f32 v11, v25  }
0x163: {  	v10 =	vld [tilespmem:$0x1F420];
	v8 =	vadd.f32 v8, v22  }
0x164: {  	[tilespmem:$0x1F470] =	vst v11;
	v11 =	vld [tilespmem:$0x1F480];
	v1 =	vadd.f32 v1, v9  }
0x165: {  	[tilespmem:$0x1F3D0] =	vst v8;
	v8 =	vld [tilespmem:s19+$0xC70]  }
0x166: {  	[tilespmem:$0x1FB50] =	vst v1;
	v1 =	vld [tilespmem:$0x1FB60];
	_ =	sdelay $0x1  }
0x167: {  	v26 =	vld [tilespmem:s19+$0xFB0]  }
0x168: {  	v31 =	vld [tilespmem:s19+$0xF40];
	v10 =	vadd.f32 v10, v23  }
0x169: {  	v13 =	vld [tilespmem:$0x1F4E0];
	v11 =	vadd.f32 v11, v28  }
0x16a: {  	[tilespmem:$0x1F430] =	vst v10;
	v10 =	vld [tilespmem:$0x1F440];
	v1 =	vadd.f32 v1, v8  }
0x16b: {  	[tilespmem:$0x1F490] =	vst v11;
	v11 =	vld [tilespmem:s19+$0xC40]  }
0x16c: {  	[tilespmem:$0x1FB70] =	vst v1;
	v1 =	vld [tilespmem:$0x1FB80];
	_ =	sdelay $0x1  }
0x16d: {  	v27 =	vld [tilespmem:s19+$0xF60]  }
0x16e: {  	v34 =	vld [tilespmem:s19+$0xF50];
	v13 =	vadd.f32 v13, v31  }
0x16f: {  	v12 =	vld [tilespmem:$0x1F4A0];
	v10 =	vadd.f32 v10, v26  }
0x170: {  	[tilespmem:$0x1F4F0] =	vst v13;
	v13 =	vld [tilespmem:$0x1F500];
	v1 =	vadd.f32 v1, v11  }
0x171: {  	[tilespmem:$0x1F450] =	vst v10;
	v10 =	vld [tilespmem:s19+$0xC50]  }
0x172: {  	[tilespmem:$0x1FB90] =	vst v1;
	v1 =	vld [tilespmem:$0x1FBA0];
	_ =	sdelay $0x2  }
0x173: {  	v12 =	vadd.f32 v12, v27  }
0x174: {  	v32 =	vld [tilespmem:s19+$0xF70];
	v13 =	vadd.f32 v13, v34  }
0x175: {  	[tilespmem:$0x1F4B0] =	vst v12;
	v12 =	vld [tilespmem:$0x1F4C0];
	v1 =	vadd.f32 v1, v10  }
0x176: {  	[tilespmem:$0x1F510] =	vst v13;
	v13 =	vld [tilespmem:s19+$0xC20]  }
0x177: {  	[tilespmem:$0x1FBB0] =	vst v1;
	v1 =	vld [tilespmem:$0x1FBC0];
	_ =	sdelay $0x3  }
0x178: {  	v12 =	vadd.f32 v12, v32  }
0x179: {  	v1 =	vadd.f32 v1, v13  }
0x17a: {  	[tilespmem:$0x1F4D0] =	vst v12;
	v12 =	vld [tilespmem:s19+$0xC30]  }
0x17b: {  	[tilespmem:$0x1FBD0] =	vst v1;
	v1 =	vld [tilespmem:$0x1FBE0];
	_ =	sdelay $0x4  }
0x17c: {  	v1 =	vadd.f32 v1, v12  }
0x17d: {  	v16 =	vld [tilespmem:s19+$0xC00]  }
0x17e: {  	[tilespmem:$0x1FBF0] =	vst v1;
	v1 =	vld [tilespmem:$0x1FC00];
	_ =	sdelay $0x4  }
0x17f: {  	v1 =	vadd.f32 v1, v16  }
0x180: {  	v15 =	vld [tilespmem:s19+$0xC10]  }
0x181: {  	[tilespmem:$0x1FC10] =	vst v1;
	v1 =	vld [tilespmem:$0x1FC20];
	_ =	sdelay $0x3  }
0x182: {  	v19 =	vld [tilespmem:s19+$0xBE0]  }
0x183: {  	v11 =	vadd.f32 v1, v15;
	v1 =	vld [tilespmem:$0x1FC30];
	_ =	sdelay $0x4  }
0x184: {  	v1 =	vadd.f32 v1, v19  }
0x185: {  	v17 =	vld [tilespmem:s19+$0xBF0]  }
0x186: {  	[tilespmem:$0x1FC40] =	vst v1;
	v1 =	vld [tilespmem:$0x1FC50];
	_ =	sdelay $0x3  }
0x187: {  	v32 =	vld [tilespmem:s19+$0xB70]  }
0x188: {  	v24 =	vld [tilespmem:s19+$0xB20];
	v1 =	vadd.f32 v1, v17  }
0x189: {  	v23 =	vld [tilespmem:s19+$0xBC0]  }
0x18a: {  	[tilespmem:$0x1FC60] =	vst v1;
	v1 =	vld [tilespmem:$0x1FC70]  }
0x18b: {  	v29 =	vld [tilespmem:s19+$0xBA0]  }
0x18c: {  	v41 =	vld [tilespmem:s19+$0xA90]  }
0x18d: {  	v30 =	vld [tilespmem:s19+$0xB90]  }
0x18e: {  	v22 =	vld [tilespmem:s19+$0xBD0]  }
0x18f: {  	v3 =	vld [tilespmem:s19+$0xAE0];
	v1 =	vadd.f32 v1, v23  }
0x190: {  	v10 =	vld [tilespmem:$0x1FDC0]  }
0x191: {  	[tilespmem:$0x1FC80] =	vst v1;
	v1 =	vld [tilespmem:$0x1FC90]  }
0x192: {  	v42 =	vld [tilespmem:s19+$0xA80]  }
0x193: {  	v25 =	vld [tilespmem:s19+$0xB10]  }
0x194: {  	v31 =	vld [tilespmem:s19+$0xB80]  }
0x195: {  	[tilespmem:$0x1FA70] =	vst v0;
	v0 =	vld [tilespmem:s19+$0xAF0]  }
0x196: {  	v1 =	vadd.f32 v1, v22;
	v22 =	vadd.f32 v10, v3;
	v3 =	vld [tilespmem:$0x1FDD0]  }
0x197: {  	v26 =	vld [tilespmem:s19+$0xB00]  }
0x198: {  	v28 =	vld [tilespmem:s19+$0xBB0]  }
0x199: {  	v33 =	vld [tilespmem:s19+$0xB60]  }
0x19a: {  	v45 =	vld [tilespmem:s19+$0xA50]  }
0x19b: {  	v15 =	vadd.f32 v3, v0;
	v3 =	vld [tilespmem:$0x1FE70]  }
0x19c: {  	v34 =	vld [tilespmem:s19+$0x9A0]  }
0x19d: {  	v38 =	vld [tilespmem:s19+$0xAC0]  }
0x19e: {  	v10 =	vld [tilespmem:$0x1FE90]  }
0x19f: {  	v0 =	vld [tilespmem:$0x1FDE0]  }
0x1a0: {  	v63 =	vadd.f32 v3, v45;
	v3 =	vld [tilespmem:$0x1FE80]  }
0x1a1: {  	v36 =	vld [tilespmem:s19+$0xB30]  }
0x1a2: {  	v35 =	vld [tilespmem:s19+$0xB40]  }
0x1a3: {  	v37 =	vld [tilespmem:s19+$0xAD0]  }
0x1a4: {  	v40 =	vld [tilespmem:s19+$0xAA0]  }
0x1a5: {  	v13 =	vadd.f32 v0, v38;
	v0 =	vld [tilespmem:$0x1FDF0];
	v3 =	vsub.f32 v10, v3  }
0x1a6: {  	v10 =	vld [tilespmem:$0x1FEC0]  }
0x1a7: {  	[tilespmem:$0x1FEA0] =	vst v3;
	v3 =	vld [tilespmem:$0x1FEB0]  }
0x1a8: {  	v39 =	vld [tilespmem:s19+$0xAB0]  }
0x1a9: {  	v44 =	vld [tilespmem:s19+$0xA60]  }
0x1aa: {  	v43 =	vld [tilespmem:s19+$0xA70]  }
0x1ab: {  	[tilespmem:$0x1FCA0] =	vst v1;
	v1 =	vld [tilespmem:$0x1FCB0]  }
0x1ac: {  	v23 =	vadd.f32 v0, v37;
	v0 =	vld [tilespmem:$0x1FE00];
	v3 =	vsub.f32 v10, v3  }
0x1ad: {  	v10 =	vld [tilespmem:$0x1FEF0]  }
0x1ae: {  	[tilespmem:$0x1FED0] =	vst v3;
	v3 =	vld [tilespmem:$0x1FEE0]  }
0x1af: {  	v46 =	vld [tilespmem:s19+$0xB50]  }
0x1b0: {  	v47 =	vld [tilespmem:s19+$0xA40];
	v1 =	vadd.f32 v1, v29  }
0x1b1: {  	v4 =	vld [tilespmem:$0x1FD80]  }
0x1b2: {  	[tilespmem:$0x1FCC0] =	vst v1;
	v1 =	vld [tilespmem:$0x1FCD0]  }
0x1b3: {  	v58 =	vadd.f32 v0, v40;
	v0 =	vld [tilespmem:$0x1FE10];
	v3 =	vsub.f32 v10, v3  }
0x1b4: {  	v10 =	vld [tilespmem:$0x1FF20]  }
0x1b5: {  	[tilespmem:$0x1FF00] =	vst v3;
	v3 =	vld [tilespmem:$0x1FF10]  }
0x1b6: {  	v50 =	vld [tilespmem:s19+$0x960]  }
0x1b7: {  	v49 =	vld [tilespmem:s19+$0x980];
	v1 =	vadd.f32 v1, v28  }
0x1b8: {  	v17 =	vadd.f32 v4, v24;
	v4 =	vld [tilespmem:$0x1FD90]  }
0x1b9: {  	[tilespmem:$0x1FCE0] =	vst v1;
	v1 =	vld [tilespmem:$0x1FCF0]  }
0x1ba: {  	v57 =	vadd.f32 v0, v39;
	v0 =	vld [tilespmem:$0x1FE20];
	v3 =	vsub.f32 v10, v3  }
0x1bb: {  	v10 =	vld [tilespmem:$0x1FF50]  }
0x1bc: {  	[tilespmem:$0x1FF30] =	vst v3;
	v3 =	vld [tilespmem:$0x1FF40]  }
0x1bd: {  	v2 =	vld [tilespmem:$0x1FD60]  }
0x1be: {  	v5 =	vld [tilespmem:s19+$0xA10];
	v1 =	vadd.f32 v1, v31  }
0x1bf: {  	v7 =	vadd.f32 v4, v36;
	v4 =	vld [tilespmem:$0x1FDA0]  }
0x1c0: {  	[tilespmem:$0x1FD00] =	vst v1;
	v1 =	vld [tilespmem:$0x1FD10]  }
0x1c1: {  	v60 =	vadd.f32 v0, v42;
	v0 =	vld [tilespmem:$0x1FE30];
	v3 =	vsub.f32 v10, v3  }
0x1c2: {  	v10 =	vld [tilespmem:$0x1FF80]  }
0x1c3: {  	[tilespmem:$0x1FF60] =	vst v3;
	v3 =	vld [tilespmem:$0x1FF70]  }
0x1c4: {  	v8 =	vadd.f32 v2, v35;
	v2 =	vld [tilespmem:$0x1FD70]  }
0x1c5: {  	v35 =	vld [tilespmem:s19+$0x970];
	v1 =	vadd.f32 v1, v30  }
0x1c6: {  	v19 =	vadd.f32 v4, v26;
	v4 =	vld [tilespmem:$0x1FDB0]  }
0x1c7: {  	[tilespmem:$0x1FD20] =	vst v1;
	v1 =	vld [tilespmem:$0x1FD30]  }
0x1c8: {  	v59 =	vadd.f32 v0, v41;
	v0 =	vld [tilespmem:$0x1FE40];
	v3 =	vsub.f32 v10, v3  }
0x1c9: {  	v10 =	vld [tilespmem:$0x1FFB0]  }
0x1ca: {  	[tilespmem:$0x1FF90] =	vst v3;
	v3 =	vld [tilespmem:$0x1FFA0]  }
0x1cb: {  	v6 =	vadd.f32 v2, v46;
	v2 =	vld [tilespmem:s19+$0xA20]  }
0x1cc: {  	v16 =	vadd.f32 v4, v25;
	v4 =	vld [tilespmem:s19+$0xA00]  }
0x1cd: {  	v29 =	vld [tilespmem:s19+$0x9D0]  }
0x1ce: {  	v62 =	vadd.f32 v0, v44;
	v0 =	vld [tilespmem:$0x1FE50]  }
0x1cf: {  	v9 =	vadd.f32 v1, v33;
	v1 =	vld [tilespmem:$0x1FD40];
	v3 =	vsub.f32 v10, v3  }
0x1d0: {  	v10 =	vld [tilespmem:$0x1FFE0]  }
0x1d1: {  	[tilespmem:$0x1FFC0] =	vst v3;
	v3 =	vld [tilespmem:$0x1FFD0]  }
0x1d2: {  	v28 =	vld [tilespmem:s19+$0x9F0]  }
0x1d3: {  	v61 =	vadd.f32 v0, v43;
	v0 =	vld [tilespmem:$0x1FE60]  }
0x1d4: {  	v31 =	vld [tilespmem:s19+$0x9B0]  }
0x1d5: {  	v30 =	vld [tilespmem:s19+$0x9E0];
	v1 =	vadd.f32 v1, v32  }
0x1d6: {  	v33 =	vld [tilespmem:s19+$0x990];
	v3 =	vsub.f32 v10, v3  }
0x1d7: {  	v32 =	vld [tilespmem:s19+$0x9C0];
	[tilespmem:$0x1FD50] =	vst v1  }
0x1d8: {  	s21 =	simm.s32 $0x0;
	s20 =	simm.s32 $0x1;
	v1 =	vld [tilespmem:s19+$0xA30];
	v0 =	vadd.f32 v0, v47;
	[tilespmem:$0x1FFF0] =	vst v3  }
.LBB2_2:
0x1d9: {  	v10 =	vld [tilespmem:$0x1F200];
	_ =	sdelay $0x4  }
0x1da: {  	v4 =	vadd.f32 v10, v4;
	v10 =	vld [tilespmem:$0x1F210];
	_ =	sdelay $0x4  }
0x1db: {  	v5 =	vadd.f32 v10, v5;
	v10 =	vld [tilespmem:$0x1F1E0];
	_ =	sdelay $0x1  }
0x1dc: {  	v3 =	vld [tilespmem:$0x1F220];
	_ =	sdelay $0x2  }
0x1dd: {  	v30 =	vadd.f32 v10, v30;
	v10 =	vld [tilespmem:$0x1F1F0];
	_ =	sdelay $0x1  }
0x1de: {  	v2 =	vadd.f32 v3, v2;
	v3 =	vld [tilespmem:$0x1F230];
	_ =	sdelay $0x2  }
0x1df: {  	v28 =	vadd.f32 v10, v28;
	v10 =	vld [tilespmem:$0x1F1C0]  }
0x1e0: {  	s21 =	sand.u32 $0x3FFFFF80, s21  }
0x1e1: {  	v3 =	vadd.f32 v3, v1;
	v1 =	vld [tilespmem:s21+$0x100];
	_ =	sdelay $0x2  }
0x1e2: {  	v32 =	vadd.f32 v10, v32;
	v10 =	vld [tilespmem:$0x1F1D0];
	_ =	sdelay $0x1  }
0x1e3: {  	v36 =	vcvt.s32.f32 v1;
	v1 =	vld [tilespmem:$0x1F160];
	_ =	sdelay $0x2  }
0x1e4: {  	v29 =	vadd.f32 v10, v29;
	v10 =	vld [tilespmem:$0x1F1A0]  }
0x1e5: {  	v51 =	vld [tilespmem:s19+$0x950]  }
0x1e6: {  	v50 =	vadd.f32 v1, v50;
	v1 =	vld [tilespmem:$0x1F170]  }
0x1e7: {  	v52 =	vld [tilespmem:s19+$0x940]  }
0x1e8: {  	v53 =	vld [tilespmem:s19+$0x930]  }
0x1e9: {  	v34 =	vadd.f32 v10, v34;
	v10 =	vld [tilespmem:$0x1F1B0]  }
0x1ea: {  	v54 =	vld [tilespmem:s19+$0x920]  }
0x1eb: {  	v35 =	vadd.f32 v1, v35;
	v1 =	vld [tilespmem:$0x1F140]  }
0x1ec: {  	v55 =	vld [tilespmem:s19+$0x910]  }
0x1ed: {  	v56 =	vld [tilespmem:s19+$0x900]  }
0x1ee: {  	v31 =	vadd.f32 v10, v31;
	v10 =	vld [tilespmem:$0x1F180]  }
0x1ef: {  	v48 =	vld [tilespmem:$0x1FEA0]  }
0x1f0: {  	v52 =	vadd.f32 v1, v52;
	v1 =	vld [tilespmem:$0x1F150]  }
0x1f1: {  	v47 =	vld [tilespmem:$0x1FED0]  }
0x1f2: {  	v46 =	vld [tilespmem:$0x1FF00]  }
0x1f3: {  	v49 =	vadd.f32 v10, v49;
	v10 =	vld [tilespmem:$0x1F190]  }
0x1f4: {  	v45 =	vld [tilespmem:$0x1FF30]  }
0x1f5: {  	v27 =	vld [tilespmem:$0x1FE80];
	v51 =	vadd.f32 v1, v51;
	v1 =	vimm.s32 $0x0  }
0x1f6: {  	v42 =	vperm.xlane v36, v1;
	v1 =	vld [tilespmem:$0x1F130]  }
0x1f7: {  	v44 =	vld [tilespmem:$0x1FF60]  }
0x1f8: {  	v33 =	vadd.f32 v10, v33;
	v10 =	vld [tilespmem:$0x1F110]  }
0x1f9: {  	v12 =	vld [tilespmem:$0x1FEE0]  }
0x1fa: {  	v24 =	vld [tilespmem:$0x1FF10]  }
0x1fb: {  	[tilespmem:$0x1E9D0] =	vst v11;
	v11 =	vld [tilespmem:$0x1FEB0];
	v53 =	vadd.f32 v1, v53;
	v1 =	vimm.s32 $0x1  }
0x1fc: {  	v40 =	vperm.xlane v36, v1;
	v1 =	vld [tilespmem:$0x1F120]  }
0x1fd: {  	v38 =	vmul.f32 v42, v48;
	v55 =	vadd.f32 v10, v55;
	v10 =	vld [tilespmem:$0x1F100]  }
0x1fe: {  	v14 =	vld [tilespmem:$0x1FF40];
	v37 =	vmul.f32 v42, v47;
	v25 =	vmul.f32 v42, v45  }
0x1ff: {  	v43 =	vld [tilespmem:$0x1FF90];
	v26 =	vmul.f32 v42, v46;
	v38 =	vadd.f32 v38, v27  }
0x200: {  	v37 =	vadd.f32 v37, v11;
	v25 =	vadd.f32 v25, v24  }
0x201: {  	v20 =	vld [tilespmem:$0x1FF70];
	v21 =	vmul.f32 v42, v44;
	v26 =	vadd.f32 v26, v12;
	v54 =	vadd.f32 v1, v54  }
0x202: {  	v41 =	vld [tilespmem:$0x1FFC0];
	v25 =	vadd.f32 v53, v25;
	v56 =	vadd.f32 v10, v56  }
0x203: {  	v21 =	vadd.f32 v21, v14;
	v26 =	vadd.f32 v54, v26  }
0x204: {  	v18 =	vmul.f32 v42, v43;
	[tilespmem:s19+$0x930] =	vst v25;
	v37 =	vadd.f32 v55, v37;
	v38 =	vadd.f32 v56, v38;
	v56 =	vld [tilespmem:$0x1FFA0]  }
0x205: {  	[tilespmem:s19+$0x920] =	vst v26  }
0x206: {  	v18 =	vadd.f32 v18, v20;
	v21 =	vadd.f32 v52, v21;
	v53 =	vmul.f32 v40, v47;
	[tilespmem:s19+$0x910] =	vst v37;
	v10 =	vld [tilespmem:$0x1FFF0]  }
0x207: {  	s31 =	sshll.u32 s20, $0xB;
	v54 =	vld [tilespmem:$0x1FFD0];
	v55 =	vmul.f32 v42, v41;
	[tilespmem:s19+$0x900] =	vst v38  }
0x208: {  	v18 =	vadd.f32 v51, v18;
	v52 =	vadd.f32 v53, v11;
	v51 =	vld [tilespmem:s31+$0x8900];
	[tilespmem:s19+$0x940] =	vst v21  }
0x209: {  	v26 =	vmul.f32 v40, v46;
	v53 =	vld [tilespmem:s31+$0x8910];
	v37 =	vadd.f32 v55, v56;
	v55 =	vmul.f32 v40, v45  }
0x20a: {  	[tilespmem:s19+$0x950] =	vst v18  }
0x20b: {  	v42 =	vmul.f32 v42, v10;
	v18 =	vadd.f32 v26, v12;
	v26 =	vadd.f32 v55, v24;
	v55 =	vld [tilespmem:s31+$0x8920]  }
0x20c: {  	v38 =	vmul.f32 v40, v48  }
0x20d: {  	v42 =	vadd.f32 v42, v54;
	v25 =	vadd.f32 v50, v37;
	[tilespmem:$0x1F100] =	vst v51  }
0x20e: {  	v21 =	vadd.f32 v38, v27;
	[tilespmem:$0x1F110] =	vst v53  }
0x20f: {  	v35 =	vadd.f32 v35, v42;
	[tilespmem:s19+$0x960] =	vst v25  }
0x210: {  	v21 =	vadd.f32 v49, v21;
	[tilespmem:$0x1F120] =	vst v55  }
0x211: {  	v52 =	vadd.f32 v33, v52;
	v42 =	vmul.f32 v40, v44;
	v55 =	vld [tilespmem:s31+$0x8930];
	[tilespmem:s19+$0x970] =	vst v35  }
0x212: {  	v1 =	vimm.s32 $0x2;
	v18 =	vadd.f32 v34, v18;
	v37 =	vmul.f32 v40, v43;
	v38 =	vld [tilespmem:s31+$0x8940];
	[tilespmem:s19+$0x980] =	vst v21  }
0x213: {  	v53 =	vmul.f32 v40, v41;
	v26 =	vadd.f32 v31, v26;
	v21 =	vadd.f32 v42, v14;
	v49 =	vld [tilespmem:s31+$0x8950];
	[tilespmem:s19+$0x990] =	vst v52  }
0x214: {  	v39 =	vperm.xlane v36, v1;
	v31 =	vmul.f32 v40, v10;
	v40 =	vadd.f32 v37, v20;
	v52 =	vld [tilespmem:s31+$0x8960];
	[tilespmem:s19+$0x9A0] =	vst v18  }
0x215: {  	v50 =	vadd.f32 v53, v56;
	v18 =	vadd.f32 v32, v21;
	v53 =	vld [tilespmem:s31+$0x8970];
	[tilespmem:s19+$0x9B0] =	vst v26  }
0x216: {  	v31 =	vadd.f32 v31, v54;
	v42 =	vmul.f32 v39, v48;
	[tilespmem:$0x1F130] =	vst v55  }
0x217: {  	v25 =	vadd.f32 v30, v50;
	v21 =	vadd.f32 v29, v40;
	v30 =	vld [tilespmem:s31+$0x8980];
	[tilespmem:s19+$0x9C0] =	vst v18  }
0x218: {  	v29 =	vmul.f32 v39, v46;
	v18 =	vadd.f32 v42, v27;
	[tilespmem:$0x1F140] =	vst v38  }
0x219: {  	v55 =	vadd.f32 v28, v31;
	v28 =	vmul.f32 v39, v45;
	v37 =	vld [tilespmem:s31+$0x8990];
	[tilespmem:s19+$0x9D0] =	vst v21  }
0x21a: {  	v51 =	vmul.f32 v39, v47;
	v21 =	vadd.f32 v29, v12;
	v38 =	vld [tilespmem:s31+$0x89A0];
	[tilespmem:s19+$0x9E0] =	vst v25;
	v4 =	vadd.f32 v4, v18  }
0x21b: {  	v31 =	vmul.f32 v39, v44;
	v29 =	vmul.f32 v39, v43;
	v28 =	vadd.f32 v28, v24;
	v25 =	vld [tilespmem:s31+$0x89B0];
	[tilespmem:s19+$0x9F0] =	vst v55  }
0x21c: {  	v18 =	vmul.f32 v39, v41;
	v2 =	vadd.f32 v2, v21;
	v21 =	vmul.f32 v39, v10;
	v39 =	vld [tilespmem:s31+$0x89C0];
	[tilespmem:s19+$0xA00] =	vst v4  }
0x21d: {  	v3 =	vadd.f32 v3, v28;
	[tilespmem:$0x1F180] =	vst v30;
	v30 =	vadd.f32 v51, v11;
	v28 =	vld [tilespmem:s31+$0x89D0]  }
0x21e: {  	[tilespmem:$0x1F150] =	vst v49  }
0x21f: {  	[tilespmem:$0x1F160] =	vst v52;
	v5 =	vadd.f32 v5, v30  }
0x220: {  	v1 =	vimm.s32 $0x3;
	[tilespmem:$0x1F170] =	vst v53  }
0x221: {  	v1 =	vperm.xlane v36, v1;
	v4 =	vadd.f32 v31, v14;
	[tilespmem:s19+$0xA10] =	vst v5  }
0x222: {  	v40 =	vadd.f32 v29, v20;
	[tilespmem:$0x1F1D0] =	vst v28  }
0x223: {  	v42 =	vmul.f32 v1, v48;
	v0 =	vadd.f32 v0, v4;
	v5 =	vadd.f32 v18, v56;
	v28 =	vld [tilespmem:s31+$0x89E0];
	[tilespmem:s19+$0xA20] =	vst v2  }
0x224: {  	v18 =	vadd.f32 v21, v54;
	v21 =	vmul.f32 v1, v47;
	v2 =	vadd.f32 v63, v40;
	v49 =	vld [tilespmem:s31+$0x89F0];
	[tilespmem:s19+$0xA30] =	vst v3  }
0x225: {  	v4 =	vmul.f32 v1, v46;
	v3 =	vadd.f32 v62, v5;
	v50 =	vld [tilespmem:s31+$0x8A00];
	[tilespmem:s19+$0xA40] =	vst v0;
	v0 =	vadd.f32 v42, v27  }
0x226: {  	v5 =	vadd.f32 v61, v18;
	v21 =	vadd.f32 v21, v11;
	v52 =	vld [tilespmem:s31+$0x8A10];
	[tilespmem:s19+$0xA50] =	vst v2  }
0x227: {  	v2 =	vadd.f32 v4, v12;
	v53 =	vld [tilespmem:s31+$0x8A20];
	[tilespmem:s19+$0xA60] =	vst v3;
	v0 =	vadd.f32 v60, v0  }
0x228: {  	v51 =	vmul.f32 v1, v44;
	v3 =	vadd.f32 v59, v21;
	v55 =	vld [tilespmem:s31+$0x8A30];
	[tilespmem:s19+$0xA70] =	vst v5  }
0x229: {  	v2 =	vadd.f32 v58, v2;
	v5 =	vld [tilespmem:s31+$0x8A40];
	[tilespmem:s19+$0xA80] =	vst v0  }
0x22a: {  	v18 =	vmul.f32 v1, v45;
	v0 =	vadd.f32 v51, v14;
	v59 =	vld [tilespmem:s31+$0x8A50];
	[tilespmem:s19+$0xA90] =	vst v3  }
0x22b: {  	v60 =	vld [tilespmem:s31+$0x8A60];
	[tilespmem:s19+$0xAA0] =	vst v2  }
0x22c: {  	v4 =	vadd.f32 v18, v24;
	v18 =	vmul.f32 v1, v43;
	v0 =	vadd.f32 v13, v0;
	v13 =	vld [tilespmem:s31+$0x8A70]  }
0x22d: {  	v21 =	vmul.f32 v1, v41  }
0x22e: {  	v4 =	vadd.f32 v57, v4;
	[tilespmem:$0x1F0E0] =	vst v5;
	v5 =	vadd.f32 v18, v20;
	v18 =	vimm.s32 $0x4  }
0x22f: {  	v1 =	vmul.f32 v1, v10;
	v18 =	vperm.xlane v36, v18  }
0x230: {  	v3 =	vadd.f32 v21, v56;
	[tilespmem:s19+$0xAB0] =	vst v4  }
0x231: {  	v1 =	vadd.f32 v1, v54;
	v2 =	vadd.f32 v23, v5;
	v5 =	vmul.f32 v18, v48;
	[tilespmem:$0x1F0D0] =	vst v13  }
0x232: {  	v3 =	vadd.f32 v22, v3;
	v4 =	vmul.f32 v18, v47;
	v13 =	vld [tilespmem:s31+$0x8A80];
	[tilespmem:s19+$0xAC0] =	vst v0  }
0x233: {  	v1 =	vadd.f32 v15, v1;
	v15 =	vld [tilespmem:s31+$0x8A90];
	[tilespmem:s19+$0xAD0] =	vst v2;
	v0 =	vadd.f32 v5, v27  }
0x234: {  	v2 =	vadd.f32 v4, v11;
	v22 =	vld [tilespmem:s31+$0x8AA0];
	[tilespmem:s19+$0xAE0] =	vst v3  }
0x235: {  	v0 =	vadd.f32 v19, v0;
	v19 =	vld [tilespmem:s31+$0x8AB0];
	[tilespmem:s19+$0xAF0] =	vst v1  }
0x236: {  	v1 =	vadd.f32 v16, v2;
	v16 =	vld [tilespmem:s31+$0x8AC0];
	_ =	sdelay $0x2  }
0x237: {  	[tilespmem:$0x1F0A0] =	vst v13;
	v13 =	vmul.f32 v18, v45  }
0x238: {  	[tilespmem:s19+$0xB00] =	vst v0  }
0x239: {  	v5 =	vmul.f32 v18, v46;
	v2 =	vadd.f32 v13, v24;
	[tilespmem:$0x1F060] =	vst v16  }
0x23a: {  	v16 =	vld [tilespmem:s31+$0x8AD0];
	[tilespmem:s19+$0xB10] =	vst v1  }
0x23b: {  	v3 =	vadd.f32 v5, v12;
	v1 =	vadd.f32 v7, v2;
	v7 =	vld [tilespmem:s31+$0x8AE0];
	_ =	sdelay $0x1  }
0x23c: {  	v0 =	vadd.f32 v17, v3  }
0x23d: {  	[tilespmem:$0x1F0B0] =	vst v15;
	v15 =	vmul.f32 v18, v43  }
0x23e: {  	[tilespmem:s19+$0xB20] =	vst v0  }
0x23f: {  	v4 =	vmul.f32 v18, v44;
	v2 =	vadd.f32 v15, v20;
	[tilespmem:$0x1F040] =	vst v7  }
0x240: {  	v7 =	vld [tilespmem:s31+$0x8AF0];
	[tilespmem:s19+$0xB30] =	vst v1  }
0x241: {  	v3 =	vadd.f32 v4, v14;
	v1 =	vadd.f32 v6, v2;
	v6 =	vld [tilespmem:s31+$0x8B00];
	_ =	sdelay $0x1  }
0x242: {  	v0 =	vadd.f32 v8, v3;
	_ =	sdelay $0x1  }
0x243: {  	[tilespmem:s19+$0xB40] =	vst v0  }
0x244: {  	[tilespmem:$0x1F020] =	vst v6;
	v6 =	vld [tilespmem:s31+$0x8B10];
	_ =	sdelay $0x2  }
0x245: {  	v5 =	vmul.f32 v18, v41  }
0x246: {  	[tilespmem:s19+$0xB50] =	vst v1;
	v1 =	vld [tilespmem:$0x1FD50]  }
0x247: {  	v13 =	vmul.f32 v18, v10;
	v3 =	vadd.f32 v5, v56;
	[tilespmem:$0x1F030] =	vst v6;
	v6 =	vld [tilespmem:s31+$0x8B20];
	_ =	sdelay $0x1  }
0x248: {  	v21 =	vimm.s32 $0x5;
	v2 =	vadd.f32 v13, v54;
	v0 =	vadd.f32 v9, v3  }
0x249: {  	v21 =	vperm.xlane v36, v21  }
0x24a: {  	v1 =	vadd.f32 v1, v2;
	[tilespmem:s19+$0xB60] =	vst v0;
	v0 =	vld [tilespmem:$0x1FD00]  }
0x24b: {  	v4 =	vmul.f32 v21, v48;
	[tilespmem:$0x1F000] =	vst v6;
	v6 =	vld [tilespmem:s31+$0x8B30]  }
0x24c: {  	[tilespmem:s19+$0xB70] =	vst v1;
	v1 =	vld [tilespmem:$0x1FD20]  }
0x24d: {  	v15 =	vmul.f32 v21, v47;
	v3 =	vadd.f32 v4, v27;
	[tilespmem:$0x1F050] =	vst v7;
	v7 =	vld [tilespmem:s31+$0x8B40];
	_ =	sdelay $0x1  }
0x24e: {  	v2 =	vadd.f32 v15, v11;
	v0 =	vadd.f32 v0, v3;
	_ =	sdelay $0x1  }
0x24f: {  	[tilespmem:s19+$0xB80] =	vst v0;
	v0 =	vld [tilespmem:$0x1FCC0];
	v1 =	vadd.f32 v1, v2  }
0x250: {  	v5 =	vmul.f32 v21, v46;
	[tilespmem:$0x1EFE0] =	vst v7  }
0x251: {  	v7 =	vld [tilespmem:s31+$0x8B50];
	[tilespmem:s19+$0xB90] =	vst v1  }
0x252: {  	v3 =	vadd.f32 v5, v12;
	v8 =	vld [tilespmem:s31+$0x8B60];
	_ =	sdelay $0x1  }
0x253: {  	v0 =	vadd.f32 v0, v3;
	v1 =	vld [tilespmem:$0x1FCE0]  }
0x254: {  	v13 =	vmul.f32 v21, v45  }
0x255: {  	[tilespmem:s19+$0xBA0] =	vst v0  }
0x256: {  	v2 =	vadd.f32 v13, v24;
	[tilespmem:$0x1EFC0] =	vst v8;
	v8 =	vld [tilespmem:s31+$0x8B70];
	_ =	sdelay $0x1  }
0x257: {  	v0 =	vld [tilespmem:$0x1FC80];
	v1 =	vadd.f32 v1, v2  }
0x258: {  	v4 =	vmul.f32 v21, v44  }
0x259: {  	[tilespmem:s19+$0xBB0] =	vst v1  }
0x25a: {  	v3 =	vadd.f32 v4, v14;
	[tilespmem:$0x1EFD0] =	vst v8;
	v8 =	vld [tilespmem:s31+$0x8B80];
	_ =	sdelay $0x1  }
0x25b: {  	v0 =	vadd.f32 v0, v3;
	v1 =	vld [tilespmem:$0x1FCA0]  }
0x25c: {  	v15 =	vmul.f32 v21, v43  }
0x25d: {  	[tilespmem:s19+$0xBC0] =	vst v0  }
0x25e: {  	v2 =	vadd.f32 v15, v20;
	[tilespmem:$0x1EFA0] =	vst v8;
	v8 =	vld [tilespmem:s31+$0x8B90];
	_ =	sdelay $0x1  }
0x25f: {  	v0 =	vld [tilespmem:$0x1FC40];
	v1 =	vadd.f32 v1, v2  }
0x260: {  	v5 =	vmul.f32 v21, v41  }
0x261: {  	[tilespmem:s19+$0xBD0] =	vst v1  }
0x262: {  	v3 =	vadd.f32 v5, v56;
	[tilespmem:$0x1EFB0] =	vst v8;
	v8 =	vld [tilespmem:s31+$0x8BA0];
	_ =	sdelay $0x1  }
0x263: {  	v0 =	vadd.f32 v0, v3;
	v1 =	vld [tilespmem:$0x1FC60]  }
0x264: {  	[tilespmem:$0x1F010] =	vst v6;
	v6 =	vmul.f32 v21, v10  }
0x265: {  	[tilespmem:s19+$0xBE0] =	vst v0  }
0x266: {  	v4 =	vimm.s32 $0x6;
	v2 =	vadd.f32 v6, v54;
	[tilespmem:$0x1EF80] =	vst v8;
	v8 =	vld [tilespmem:s31+$0x8BB0]  }
0x267: {  	v4 =	vperm.xlane v36, v4  }
0x268: {  	v1 =	vadd.f32 v1, v2;
	v0 =	vld [tilespmem:$0x1FC10]  }
0x269: {  	v5 =	vmul.f32 v4, v48  }
0x26a: {  	[tilespmem:s19+$0xBF0] =	vst v1;
	v1 =	vld [tilespmem:$0x1E9D0]  }
0x26b: {  	v6 =	vmul.f32 v4, v47;
	v3 =	vadd.f32 v5, v27;
	[tilespmem:$0x1EF90] =	vst v8;
	v8 =	vld [tilespmem:s31+$0x8BC0];
	_ =	sdelay $0x1  }
0x26c: {  	v2 =	vadd.f32 v6, v11;
	v0 =	vadd.f32 v0, v3;
	_ =	sdelay $0x1  }
0x26d: {  	v1 =	vadd.f32 v1, v2;
	[tilespmem:s19+$0xC00] =	vst v0  }
0x26e: {  	[tilespmem:$0x1EF60] =	vst v8;
	v8 =	vld [tilespmem:s31+$0x8BD0]  }
0x26f: {  	[tilespmem:s19+$0xC10] =	vst v1;
	v1 =	vld [tilespmem:$0x1FBF0]  }
0x270: {  	v6 =	vmul.f32 v4, v45  }
0x271: {  	v5 =	vmul.f32 v4, v46;
	v0 =	vld [tilespmem:$0x1FBD0]  }
0x272: {  	v2 =	vadd.f32 v6, v24;
	v6 =	vmul.f32 v4, v43  }
0x273: {  	v3 =	vadd.f32 v5, v12  }
0x274: {  	v1 =	vadd.f32 v1, v2;
	v2 =	vadd.f32 v6, v20;
	v6 =	vld [tilespmem:s31+$0x8BE0];
	_ =	sdelay $0x1  }
0x275: {  	v0 =	vadd.f32 v0, v3;
	_ =	sdelay $0x1  }
0x276: {  	[tilespmem:s19+$0xC20] =	vst v0  }
0x277: {  	[tilespmem:$0x1EF40] =	vst v6;
	v6 =	vld [tilespmem:s31+$0x8BF0];
	_ =	sdelay $0x1  }
0x278: {  	v0 =	vld [tilespmem:$0x1FB90]  }
0x279: {  	v5 =	vmul.f32 v4, v44  }
0x27a: {  	[tilespmem:s19+$0xC30] =	vst v1  }
0x27b: {  	v3 =	vadd.f32 v5, v14;
	[tilespmem:$0x1EF50] =	vst v6;
	v6 =	vld [tilespmem:s31+$0x8C00];
	_ =	sdelay $0x1  }
0x27c: {  	v0 =	vadd.f32 v0, v3;
	v1 =	vld [tilespmem:$0x1FBB0];
	_ =	sdelay $0x1  }
0x27d: {  	[tilespmem:s19+$0xC40] =	vst v0  }
0x27e: {  	[tilespmem:$0x1EF20] =	vst v6;
	v6 =	vld [tilespmem:s31+$0x8C10];
	_ =	sdelay $0x1  }
0x27f: {  	v1 =	vadd.f32 v1, v2;
	v0 =	vld [tilespmem:$0x1FB50]  }
0x280: {  	v5 =	vmul.f32 v4, v41  }
0x281: {  	[tilespmem:s19+$0xC50] =	vst v1  }
0x282: {  	v3 =	vadd.f32 v5, v56;
	[tilespmem:$0x1EF30] =	vst v6;
	v6 =	vld [tilespmem:s31+$0x8C20];
	_ =	sdelay $0x1  }
0x283: {  	v0 =	vadd.f32 v0, v3;
	v1 =	vld [tilespmem:$0x1FB70]  }
0x284: {  	[tilespmem:$0x1EFF0] =	vst v7;
	v4 =	vmul.f32 v4, v10  }
0x285: {  	[tilespmem:s19+$0xC60] =	vst v0  }
0x286: {  	v7 =	vimm.s32 $0x7;
	v2 =	vadd.f32 v4, v54;
	[tilespmem:$0x1EF00] =	vst v6;
	v6 =	vld [tilespmem:s31+$0x8C30]  }
0x287: {  	v7 =	vperm.xlane v36, v7  }
0x288: {  	v1 =	vadd.f32 v1, v2;
	v0 =	vld [tilespmem:$0x1FB10]  }
0x289: {  	v5 =	vmul.f32 v7, v48  }
0x28a: {  	[tilespmem:s19+$0xC70] =	vst v1  }
0x28b: {  	v3 =	vadd.f32 v5, v27;
	[tilespmem:$0x1EF10] =	vst v6;
	v6 =	vld [tilespmem:s31+$0x8C40];
	_ =	sdelay $0x1  }
0x28c: {  	v0 =	vadd.f32 v0, v3;
	v1 =	vld [tilespmem:$0x1FB30]  }
0x28d: {  	v4 =	vmul.f32 v7, v47  }
0x28e: {  	[tilespmem:s19+$0xC80] =	vst v0  }
0x28f: {  	v2 =	vadd.f32 v4, v11;
	[tilespmem:$0x1EEE0] =	vst v6;
	v6 =	vld [tilespmem:s31+$0x8C50];
	_ =	sdelay $0x1  }
0x290: {  	v1 =	vadd.f32 v1, v2;
	v0 =	vld [tilespmem:$0x1FAD0]  }
0x291: {  	v5 =	vmul.f32 v7, v46  }
0x292: {  	[tilespmem:s19+$0xC90] =	vst v1;
	v1 =	vld [tilespmem:$0x1FAF0]  }
0x293: {  	v4 =	vmul.f32 v7, v45;
	v3 =	vadd.f32 v5, v12;
	[tilespmem:$0x1EEF0] =	vst v6;
	v6 =	vld [tilespmem:s31+$0x8C60];
	_ =	sdelay $0x1  }
0x294: {  	v2 =	vadd.f32 v4, v24;
	v0 =	vadd.f32 v0, v3;
	_ =	sdelay $0x1  }
0x295: {  	v1 =	vadd.f32 v1, v2;
	[tilespmem:s19+$0xCA0] =	vst v0;
	v0 =	vld [tilespmem:$0x1FA90]  }
0x296: {  	v5 =	vmul.f32 v7, v44;
	[tilespmem:$0x1EEC0] =	vst v6;
	v6 =	vld [tilespmem:s31+$0x8C70]  }
0x297: {  	[tilespmem:s19+$0xCB0] =	vst v1;
	v1 =	vld [tilespmem:$0x1FAB0]  }
0x298: {  	v4 =	vmul.f32 v7, v43;
	v3 =	vadd.f32 v5, v14;
	_ =	sdelay $0x1  }
0x299: {  	v2 =	vadd.f32 v4, v20;
	v0 =	vadd.f32 v0, v3  }
0x29a: {  	[tilespmem:$0x1EED0] =	vst v6;
	v6 =	vld [tilespmem:s31+$0x8C80]  }
0x29b: {  	v1 =	vadd.f32 v1, v2;
	[tilespmem:s19+$0xCC0] =	vst v0;
	v0 =	vld [tilespmem:$0x1FA50]  }
0x29c: {  	v5 =	vmul.f32 v7, v41;
	v4 =	vmul.f32 v7, v10;
	v7 =	vld [tilespmem:s31+$0x8C90]  }
0x29d: {  	[tilespmem:s19+$0xCD0] =	vst v1;
	v1 =	vld [tilespmem:$0x1FA70]  }
0x29e: {  	[tilespmem:$0x1EF70] =	vst v8;
	v3 =	vadd.f32 v5, v56;
	v8 =	vld [tilespmem:s31+$0x8CA0];
	_ =	sdelay $0x1  }
0x29f: {  	v2 =	vadd.f32 v4, v54;
	v0 =	vadd.f32 v0, v3;
	_ =	sdelay $0x1  }
0x2a0: {  	v1 =	vadd.f32 v1, v2;
	[tilespmem:s19+$0xCE0] =	vst v0  }
0x2a1: {  	[tilespmem:$0x1EE80] =	vst v8  }
0x2a2: {  	v8 =	vld [tilespmem:s31+$0x8CB0];
	[tilespmem:s19+$0xCF0] =	vst v1  }
0x2a3: {  	v9 =	vld [tilespmem:s31+$0x8CD0];
	_ =	sdelay $0x2  }
0x2a4: {  	v5 =	vimm.s32 $0x8  }
0x2a5: {  	v5 =	vperm.xlane v36, v5  }
0x2a6: {  	[tilespmem:$0x1EE70] =	vst v9;
	v9 =	vld [tilespmem:$0x1F9B0]  }
0x2a7: {  	v2 =	vmul.f32 v5, v46  }
0x2a8: {  	[tilespmem:$0x1EE90] =	vst v8;
	v8 =	vld [tilespmem:s31+$0x8CC0]  }
0x2a9: {  	v1 =	vadd.f32 v2, v12;
	_ =	sdelay $0x1  }
0x2aa: {  	v1 =	vadd.f32 v9, v1;
	v9 =	vld [tilespmem:$0x1F9E0]  }
0x2ab: {  	[tilespmem:$0x1EEB0] =	vst v7;
	v7 =	vmul.f32 v5, v45  }
0x2ac: {  	[tilespmem:$0x1EE60] =	vst v8;
	v8 =	vld [tilespmem:$0x1FA00]  }
0x2ad: {  	v3 =	vmul.f32 v5, v48;
	v2 =	vadd.f32 v7, v24;
	_ =	sdelay $0x1  }
0x2ae: {  	v0 =	vadd.f32 v3, v27;
	v2 =	vadd.f32 v9, v2;
	v9 =	vld [tilespmem:s31+$0x8CE0];
	_ =	sdelay $0x1  }
0x2af: {  	v0 =	vadd.f32 v8, v0;
	v8 =	vld [tilespmem:$0x1FA30]  }
0x2b0: {  	[tilespmem:$0x1EEA0] =	vst v6;
	v6 =	vmul.f32 v5, v47  }
0x2b1: {  	[tilespmem:s19+$0xD00] =	vst v0  }
0x2b2: {  	v3 =	vadd.f32 v6, v11;
	[tilespmem:$0x1EE40] =	vst v9;
	v9 =	vld [tilespmem:s31+$0x8CF0];
	_ =	sdelay $0x1  }
0x2b3: {  	v3 =	vadd.f32 v8, v3;
	_ =	sdelay $0x1  }
0x2b4: {  	[tilespmem:s19+$0xD10] =	vst v3  }
0x2b5: {  	[tilespmem:$0x1EE50] =	vst v9;
	v9 =	vld [tilespmem:s31+$0x8D00];
	_ =	sdelay $0x3  }
0x2b6: {  	[tilespmem:s19+$0xD20] =	vst v1  }
0x2b7: {  	[tilespmem:$0x1EE20] =	vst v9;
	v9 =	vld [tilespmem:s31+$0x8D10];
	_ =	sdelay $0x1  }
0x2b8: {  	v1 =	vld [tilespmem:$0x1F950]  }
0x2b9: {  	v6 =	vmul.f32 v5, v44  }
0x2ba: {  	[tilespmem:s19+$0xD30] =	vst v2  }
0x2bb: {  	v0 =	vadd.f32 v6, v14;
	[tilespmem:$0x1EE30] =	vst v9;
	v9 =	vld [tilespmem:s31+$0x8D20];
	_ =	sdelay $0x1  }
0x2bc: {  	v0 =	vadd.f32 v1, v0;
	v1 =	vld [tilespmem:$0x1F980]  }
0x2bd: {  	v7 =	vmul.f32 v5, v43  }
0x2be: {  	v2 =	vld [tilespmem:$0x1F8F0];
	[tilespmem:s19+$0xD40] =	vst v0  }
0x2bf: {  	v6 =	vadd.f32 v7, v20;
	v8 =	vmul.f32 v5, v41;
	[tilespmem:$0x1EE00] =	vst v9;
	v9 =	vld [tilespmem:s31+$0x8D30];
	_ =	sdelay $0x1  }
0x2c0: {  	v3 =	vadd.f32 v8, v56;
	v1 =	vadd.f32 v1, v6;
	_ =	sdelay $0x1  }
0x2c1: {  	v2 =	vadd.f32 v2, v3;
	v3 =	vld [tilespmem:$0x1F920];
	[tilespmem:s19+$0xD50] =	vst v1  }
0x2c2: {  	v5 =	vmul.f32 v5, v10;
	[tilespmem:$0x1EE10] =	vst v9;
	v9 =	vld [tilespmem:s31+$0x8D40];
	_ =	sdelay $0x1  }
0x2c3: {  	v5 =	vadd.f32 v5, v54;
	_ =	sdelay $0x1  }
0x2c4: {  	v4 =	vimm.s32 $0x9;
	v3 =	vadd.f32 v3, v5;
	[tilespmem:s19+$0xD60] =	vst v2  }
0x2c5: {  	v4 =	vperm.xlane v36, v4;
	[tilespmem:$0x1EDE0] =	vst v9;
	v9 =	vld [tilespmem:s31+$0x8D50]  }
0x2c6: {  	[tilespmem:s19+$0xD70] =	vst v3;
	v3 =	vld [tilespmem:$0x1F840]  }
0x2c7: {  	v6 =	vmul.f32 v4, v46;
	_ =	sdelay $0x1  }
0x2c8: {  	v1 =	vadd.f32 v6, v12;
	v2 =	vld [tilespmem:$0x1F890]  }
0x2c9: {  	v7 =	vmul.f32 v4, v48  }
0x2ca: {  	v1 =	vadd.f32 v3, v1;
	v3 =	vld [tilespmem:$0x1F870]  }
0x2cb: {  	v0 =	vadd.f32 v7, v27;
	v5 =	vmul.f32 v4, v45  }
0x2cc: {  	v8 =	vmul.f32 v4, v47  }
0x2cd: {  	v5 =	vadd.f32 v5, v24;
	v0 =	vadd.f32 v2, v0;
	v2 =	vld [tilespmem:$0x1F8C0]  }
0x2ce: {  	v7 =	vadd.f32 v8, v11;
	v8 =	vmul.f32 v4, v44  }
0x2cf: {  	v3 =	vadd.f32 v3, v5;
	v5 =	vld [tilespmem:s31+$0x8D60];
	[tilespmem:s19+$0xD80] =	vst v0  }
0x2d0: {  	v0 =	vadd.f32 v8, v14;
	v8 =	vld [tilespmem:s31+$0x8D70];
	_ =	sdelay $0x1  }
0x2d1: {  	v2 =	vadd.f32 v2, v7;
	_ =	sdelay $0x1  }
0x2d2: {  	[tilespmem:s19+$0xD90] =	vst v2  }
0x2d3: {  	[tilespmem:$0x1EDD0] =	vst v8;
	v8 =	vld [tilespmem:s31+$0x8D80]  }
0x2d4: {  	[tilespmem:s19+$0xDA0] =	vst v1;
	v1 =	vld [tilespmem:$0x1F7F0];
	_ =	sdelay $0x4  }
0x2d5: {  	v0 =	vadd.f32 v1, v0;
	v1 =	vld [tilespmem:$0x1F820]  }
0x2d6: {  	[tilespmem:$0x1EDA0] =	vst v8;
	v8 =	vld [tilespmem:s31+$0x8D90]  }
0x2d7: {  	[tilespmem:s19+$0xDB0] =	vst v3;
	v3 =	vld [tilespmem:$0x1F7B0]  }
0x2d8: {  	v6 =	vmul.f32 v4, v43;
	v7 =	vmul.f32 v4, v41;
	_ =	sdelay $0x1  }
0x2d9: {  	v2 =	vadd.f32 v7, v56;
	[tilespmem:$0x1EDC0] =	vst v5;
	v5 =	vadd.f32 v6, v20  }
0x2da: {  	[tilespmem:$0x1EDF0] =	vst v9  }
0x2db: {  	v1 =	vadd.f32 v1, v5;
	[tilespmem:$0x1EDB0] =	vst v8;
	v2 =	vadd.f32 v3, v2;
	v3 =	vld [tilespmem:$0x1F7D0]  }
0x2dc: {  	v8 =	vld [tilespmem:s31+$0x8DA0];
	[tilespmem:s19+$0xDC0] =	vst v0  }
0x2dd: {  	v9 =	vld [tilespmem:s31+$0x8DB0];
	[tilespmem:s19+$0xDD0] =	vst v1  }
0x2de: {  	v4 =	vmul.f32 v4, v10;
	v13 =	vld [tilespmem:s31+$0x8DC0];
	_ =	sdelay $0x1  }
0x2df: {  	v4 =	vadd.f32 v4, v54;
	_ =	sdelay $0x1  }
0x2e0: {  	v6 =	vimm.s32 $0xA;
	[tilespmem:s19+$0xDE0] =	vst v2;
	v3 =	vadd.f32 v3, v4  }
0x2e1: {  	v6 =	vperm.xlane v36, v6;
	[tilespmem:$0x1ED60] =	vst v13;
	v13 =	vld [tilespmem:s31+$0x8DD0]  }
0x2e2: {  	[tilespmem:s19+$0xDF0] =	vst v3;
	v3 =	vld [tilespmem:$0x1F790]  }
0x2e3: {  	v4 =	vmul.f32 v6, v47  }
0x2e4: {  	v5 =	vmul.f32 v6, v48;
	v2 =	vld [tilespmem:$0x1F770]  }
0x2e5: {  	[tilespmem:$0x1ED80] =	vst v8;
	v8 =	vmul.f32 v6, v45;
	v1 =	vadd.f32 v4, v11  }
0x2e6: {  	v0 =	vadd.f32 v5, v27  }
0x2e7: {  	v1 =	vadd.f32 v3, v1;
	v3 =	vadd.f32 v8, v24;
	v8 =	vld [tilespmem:s31+$0x8DE0];
	_ =	sdelay $0x1  }
0x2e8: {  	v0 =	vadd.f32 v2, v0  }
0x2e9: {  	[tilespmem:$0x1F190] =	vst v37  }
0x2ea: {  	[tilespmem:s19+$0xE00] =	vst v0  }
0x2eb: {  	[tilespmem:$0x1ED40] =	vst v8;
	v8 =	vld [tilespmem:s31+$0x8DF0]  }
0x2ec: {  	[tilespmem:s19+$0xE10] =	vst v1;
	v1 =	vld [tilespmem:$0x1F750]  }
0x2ed: {  	[tilespmem:$0x1F1A0] =	vst v38  }
0x2ee: {  	[tilespmem:$0x1F1B0] =	vst v25;
	v5 =	vmul.f32 v6, v46;
	v0 =	vld [tilespmem:$0x1F730]  }
0x2ef: {  	[tilespmem:$0x1ED90] =	vst v9;
	v9 =	vmul.f32 v6, v43  }
0x2f0: {  	[tilespmem:$0x1F1C0] =	vst v39;
	v2 =	vadd.f32 v5, v12  }
0x2f1: {  	[tilespmem:$0x1F1E0] =	vst v28;
	v1 =	vadd.f32 v1, v3;
	v3 =	vadd.f32 v9, v20;
	v9 =	vld [tilespmem:s31+$0x8E00]  }
0x2f2: {  	[tilespmem:$0x1F1F0] =	vst v49  }
0x2f3: {  	[tilespmem:$0x1F200] =	vst v50;
	v0 =	vadd.f32 v0, v2  }
0x2f4: {  	[tilespmem:$0x1F210] =	vst v52  }
0x2f5: {  	[tilespmem:s19+$0xE20] =	vst v0  }
0x2f6: {  	[tilespmem:$0x1ED20] =	vst v9;
	v9 =	vld [tilespmem:s31+$0x8E10]  }
0x2f7: {  	[tilespmem:$0x1F220] =	vst v53  }
0x2f8: {  	[tilespmem:$0x1F230] =	vst v55;
	v0 =	vld [tilespmem:$0x1F6F0]  }
0x2f9: {  	[tilespmem:$0x1F0F0] =	vst v59;
	v4 =	vmul.f32 v6, v44  }
0x2fa: {  	[tilespmem:s19+$0xE30] =	vst v1  }
0x2fb: {  	v2 =	vadd.f32 v4, v14;
	[tilespmem:$0x1ED30] =	vst v9;
	v9 =	vld [tilespmem:s31+$0x8E20]  }
0x2fc: {  	[tilespmem:$0x1F0C0] =	vst v60  }
0x2fd: {  	[tilespmem:$0x1F080] =	vst v22;
	v0 =	vadd.f32 v0, v2;
	v1 =	vld [tilespmem:$0x1F710]  }
0x2fe: {  	[tilespmem:$0x1F090] =	vst v19  }
0x2ff: {  	[tilespmem:s19+$0xE40] =	vst v0  }
0x300: {  	[tilespmem:$0x1ED00] =	vst v9;
	v9 =	vld [tilespmem:s31+$0x8E30]  }
0x301: {  	[tilespmem:$0x1F070] =	vst v16  }
0x302: {  	[tilespmem:$0x1ED70] =	vst v13;
	v1 =	vadd.f32 v1, v3  }
0x303: {  	[tilespmem:$0x1ED50] =	vst v8;
	v0 =	vld [tilespmem:$0x1F6B0]  }
0x304: {  	v5 =	vmul.f32 v6, v41;
	[tilespmem:s19+$0xE50] =	vst v1  }
0x305: {  	v1 =	vld [tilespmem:$0x1F6D0];
	[tilespmem:$0x1ED10] =	vst v9  }
0x306: {  	v6 =	vmul.f32 v6, v10;
	v2 =	vadd.f32 v5, v56;
	v9 =	vld [tilespmem:s31+$0x8E40];
	_ =	sdelay $0x1  }
0x307: {  	v3 =	vadd.f32 v6, v54;
	v0 =	vadd.f32 v0, v2  }
0x308: {  	v7 =	vimm.s32 $0xB  }
0x309: {  	v7 =	vperm.xlane v36, v7;
	v1 =	vadd.f32 v1, v3;
	[tilespmem:s19+$0xE60] =	vst v0;
	v0 =	vld [tilespmem:$0x1F670]  }
0x30a: {  	[tilespmem:$0x1ECE0] =	vst v9;
	v9 =	vld [tilespmem:s31+$0x8E50]  }
0x30b: {  	v4 =	vmul.f32 v7, v48;
	[tilespmem:s19+$0xE70] =	vst v1;
	v1 =	vld [tilespmem:$0x1F690]  }
0x30c: {  	v8 =	vmul.f32 v7, v47  }
0x30d: {  	v5 =	vmul.f32 v7, v46;
	v6 =	vmul.f32 v7, v45;
	v2 =	vadd.f32 v4, v27  }
0x30e: {  	v4 =	vmul.f32 v7, v44;
	v3 =	vadd.f32 v8, v11;
	v8 =	vmul.f32 v7, v43  }
0x30f: {  	v0 =	vadd.f32 v0, v2;
	v2 =	vadd.f32 v5, v12;
	v5 =	vmul.f32 v7, v41  }
0x310: {  	v1 =	vadd.f32 v1, v3;
	v3 =	vadd.f32 v6, v24;
	v6 =	vmul.f32 v7, v10;
	v7 =	vld [tilespmem:s31+$0x8E60];
	_ =	sdelay $0x3  }
0x311: {  	[tilespmem:s19+$0xE80] =	vst v0  }
0x312: {  	[tilespmem:$0x1ECC0] =	vst v7;
	v7 =	vld [tilespmem:s31+$0x8E70]  }
0x313: {  	[tilespmem:s19+$0xE90] =	vst v1;
	v1 =	vld [tilespmem:$0x1F650];
	_ =	sdelay $0x1  }
0x314: {  	v0 =	vld [tilespmem:$0x1F630];
	_ =	sdelay $0x2  }
0x315: {  	v1 =	vadd.f32 v1, v3;
	v3 =	vadd.f32 v8, v20;
	v8 =	vld [tilespmem:s31+$0x8E80];
	_ =	sdelay $0x1  }
0x316: {  	v0 =	vadd.f32 v0, v2;
	_ =	sdelay $0x1  }
0x317: {  	[tilespmem:s19+$0xEA0] =	vst v0  }
0x318: {  	[tilespmem:$0x1EC90] =	vst v8;
	v8 =	vld [tilespmem:s31+$0x8E90];
	_ =	sdelay $0x1  }
0x319: {  	v0 =	vld [tilespmem:$0x1F5F0];
	_ =	sdelay $0x1  }
0x31a: {  	[tilespmem:s19+$0xEB0] =	vst v1  }
0x31b: {  	v2 =	vadd.f32 v4, v14;
	[tilespmem:$0x1ECA0] =	vst v8;
	v8 =	vld [tilespmem:s31+$0x8EA0];
	_ =	sdelay $0x1  }
0x31c: {  	v0 =	vadd.f32 v0, v2;
	v1 =	vld [tilespmem:$0x1F610];
	_ =	sdelay $0x1  }
0x31d: {  	[tilespmem:s19+$0xEC0] =	vst v0  }
0x31e: {  	[tilespmem:$0x1EC60] =	vst v8;
	v8 =	vld [tilespmem:s31+$0x8EB0];
	_ =	sdelay $0x1  }
0x31f: {  	v1 =	vadd.f32 v1, v3;
	v0 =	vld [tilespmem:$0x1F5B0];
	_ =	sdelay $0x1  }
0x320: {  	[tilespmem:s19+$0xED0] =	vst v1  }
0x321: {  	v2 =	vadd.f32 v5, v56;
	[tilespmem:$0x1EC70] =	vst v8;
	v8 =	vld [tilespmem:s31+$0x8EC0];
	_ =	sdelay $0x1  }
0x322: {  	v0 =	vadd.f32 v0, v2;
	v1 =	vld [tilespmem:$0x1F5D0];
	_ =	sdelay $0x1  }
0x323: {  	[tilespmem:s19+$0xEE0] =	vst v0  }
0x324: {  	v4 =	vimm.s32 $0xC;
	v3 =	vadd.f32 v6, v54;
	[tilespmem:$0x1EC30] =	vst v8;
	v8 =	vld [tilespmem:s31+$0x8ED0]  }
0x325: {  	v4 =	vperm.xlane v36, v4  }
0x326: {  	v1 =	vadd.f32 v1, v3;
	v0 =	vld [tilespmem:$0x1F570]  }
0x327: {  	v5 =	vmul.f32 v4, v48  }
0x328: {  	[tilespmem:s19+$0xEF0] =	vst v1;
	v1 =	vld [tilespmem:$0x1F590]  }
0x329: {  	v6 =	vmul.f32 v4, v47;
	v2 =	vadd.f32 v5, v27;
	[tilespmem:$0x1EC40] =	vst v8;
	v8 =	vld [tilespmem:s31+$0x8EE0];
	_ =	sdelay $0x1  }
0x32a: {  	v3 =	vadd.f32 v6, v11;
	v0 =	vadd.f32 v0, v2;
	_ =	sdelay $0x1  }
0x32b: {  	v1 =	vadd.f32 v1, v3;
	[tilespmem:s19+$0xF00] =	vst v0  }
0x32c: {  	[tilespmem:$0x1EC00] =	vst v8;
	v8 =	vld [tilespmem:s31+$0x8EF0]  }
0x32d: {  	[tilespmem:s19+$0xF10] =	vst v1;
	v1 =	vld [tilespmem:$0x1F550]  }
0x32e: {  	v6 =	vmul.f32 v4, v45  }
0x32f: {  	v5 =	vmul.f32 v4, v46;
	v0 =	vld [tilespmem:$0x1F530]  }
0x330: {  	v3 =	vadd.f32 v6, v24;
	v6 =	vmul.f32 v4, v43  }
0x331: {  	v2 =	vadd.f32 v5, v12  }
0x332: {  	v1 =	vadd.f32 v1, v3;
	v3 =	vadd.f32 v6, v20;
	v6 =	vld [tilespmem:s31+$0x8F00];
	_ =	sdelay $0x1  }
0x333: {  	v0 =	vadd.f32 v0, v2;
	_ =	sdelay $0x1  }
0x334: {  	[tilespmem:s19+$0xF20] =	vst v0  }
0x335: {  	[tilespmem:$0x1EBE0] =	vst v6;
	v6 =	vld [tilespmem:s31+$0x8F10];
	_ =	sdelay $0x1  }
0x336: {  	v0 =	vld [tilespmem:$0x1F4F0]  }
0x337: {  	v5 =	vmul.f32 v4, v44  }
0x338: {  	[tilespmem:s19+$0xF30] =	vst v1  }
0x339: {  	v2 =	vadd.f32 v5, v14;
	[tilespmem:$0x1EBF0] =	vst v6;
	v6 =	vld [tilespmem:s31+$0x8F20];
	_ =	sdelay $0x1  }
0x33a: {  	v0 =	vadd.f32 v0, v2;
	v1 =	vld [tilespmem:$0x1F510];
	_ =	sdelay $0x1  }
0x33b: {  	[tilespmem:s19+$0xF40] =	vst v0  }
0x33c: {  	[tilespmem:$0x1EBC0] =	vst v6;
	v6 =	vld [tilespmem:s31+$0x8F30];
	_ =	sdelay $0x1  }
0x33d: {  	v1 =	vadd.f32 v1, v3;
	v0 =	vld [tilespmem:$0x1F4B0]  }
0x33e: {  	v5 =	vmul.f32 v4, v41  }
0x33f: {  	[tilespmem:s19+$0xF50] =	vst v1  }
0x340: {  	v2 =	vadd.f32 v5, v56;
	[tilespmem:$0x1EBD0] =	vst v6;
	v6 =	vld [tilespmem:s31+$0x8F40];
	_ =	sdelay $0x1  }
0x341: {  	v0 =	vadd.f32 v0, v2;
	v1 =	vld [tilespmem:$0x1F4D0]  }
0x342: {  	[tilespmem:$0x1ECD0] =	vst v7;
	v4 =	vmul.f32 v4, v10  }
0x343: {  	[tilespmem:s19+$0xF60] =	vst v0  }
0x344: {  	v7 =	vimm.s32 $0xD;
	v3 =	vadd.f32 v4, v54;
	[tilespmem:$0x1EBA0] =	vst v6;
	v6 =	vld [tilespmem:s31+$0x8F50]  }
0x345: {  	v7 =	vperm.xlane v36, v7  }
0x346: {  	v1 =	vadd.f32 v1, v3;
	v0 =	vld [tilespmem:$0x1F470]  }
0x347: {  	v5 =	vmul.f32 v7, v48  }
0x348: {  	[tilespmem:s19+$0xF70] =	vst v1  }
0x349: {  	v2 =	vadd.f32 v5, v27;
	[tilespmem:$0x1EBB0] =	vst v6;
	v6 =	vld [tilespmem:s31+$0x8F60];
	_ =	sdelay $0x1  }
0x34a: {  	v0 =	vadd.f32 v0, v2;
	v1 =	vld [tilespmem:$0x1F490]  }
0x34b: {  	v4 =	vmul.f32 v7, v47  }
0x34c: {  	[tilespmem:s19+$0xF80] =	vst v0  }
0x34d: {  	v3 =	vadd.f32 v4, v11;
	[tilespmem:$0x1EB80] =	vst v6;
	v6 =	vld [tilespmem:s31+$0x8F70];
	_ =	sdelay $0x1  }
0x34e: {  	v1 =	vadd.f32 v1, v3;
	v0 =	vld [tilespmem:$0x1F430]  }
0x34f: {  	v5 =	vmul.f32 v7, v46  }
0x350: {  	[tilespmem:s19+$0xF90] =	vst v1;
	v1 =	vld [tilespmem:$0x1F450]  }
0x351: {  	v4 =	vmul.f32 v7, v45;
	v2 =	vadd.f32 v5, v12;
	[tilespmem:$0x1EB90] =	vst v6;
	v6 =	vld [tilespmem:s31+$0x8F80];
	_ =	sdelay $0x1  }
0x352: {  	v3 =	vadd.f32 v4, v24;
	v0 =	vadd.f32 v0, v2;
	_ =	sdelay $0x1  }
0x353: {  	v1 =	vadd.f32 v1, v3;
	[tilespmem:s19+$0xFA0] =	vst v0;
	v0 =	vld [tilespmem:$0x1F3F0]  }
0x354: {  	v5 =	vmul.f32 v7, v44;
	[tilespmem:$0x1EB60] =	vst v6;
	v6 =	vld [tilespmem:s31+$0x8F90]  }
0x355: {  	[tilespmem:s19+$0xFB0] =	vst v1;
	v1 =	vld [tilespmem:$0x1F410]  }
0x356: {  	v4 =	vmul.f32 v7, v43;
	v2 =	vadd.f32 v5, v14;
	_ =	sdelay $0x1  }
0x357: {  	v3 =	vadd.f32 v4, v20;
	v0 =	vadd.f32 v0, v2  }
0x358: {  	[tilespmem:$0x1EB70] =	vst v6;
	v6 =	vld [tilespmem:s31+$0x8FA0]  }
0x359: {  	v1 =	vadd.f32 v1, v3;
	[tilespmem:s19+$0xFC0] =	vst v0;
	v0 =	vld [tilespmem:$0x1F3B0]  }
0x35a: {  	v5 =	vmul.f32 v7, v41;
	v4 =	vmul.f32 v7, v10;
	v7 =	vld [tilespmem:s31+$0x8FB0]  }
0x35b: {  	[tilespmem:s19+$0xFD0] =	vst v1;
	v1 =	vld [tilespmem:$0x1F3D0]  }
0x35c: {  	[tilespmem:$0x1EC10] =	vst v8;
	v2 =	vadd.f32 v5, v56;
	v8 =	vld [tilespmem:s31+$0x8FC0];
	_ =	sdelay $0x1  }
0x35d: {  	v3 =	vadd.f32 v4, v54;
	v0 =	vadd.f32 v0, v2;
	_ =	sdelay $0x1  }
0x35e: {  	v1 =	vadd.f32 v1, v3;
	[tilespmem:s19+$0xFE0] =	vst v0  }
0x35f: {  	[tilespmem:$0x1EB10] =	vst v8  }
0x360: {  	v8 =	vld [tilespmem:s31+$0x8FD0];
	[tilespmem:s19+$0xFF0] =	vst v1  }
0x361: {  	[tilespmem:$0x1ECF0] =	vst v9;
	v9 =	vld [tilespmem:s31+$0x8FF0];
	_ =	sdelay $0x2  }
0x362: {  	v5 =	vimm.s32 $0xE  }
0x363: {  	v5 =	vperm.xlane v36, v5  }
0x364: {  	[tilespmem:$0x1EAF0] =	vst v9;
	v9 =	vld [tilespmem:$0x1F330]  }
0x365: {  	v3 =	vmul.f32 v5, v46  }
0x366: {  	[tilespmem:$0x1EB20] =	vst v8;
	v8 =	vld [tilespmem:s31+$0x8FE0]  }
0x367: {  	v1 =	vadd.f32 v3, v12;
	_ =	sdelay $0x1  }
0x368: {  	v1 =	vadd.f32 v9, v1;
	v9 =	vld [tilespmem:$0x1F350]  }
0x369: {  	[tilespmem:$0x1EB50] =	vst v7;
	v7 =	vmul.f32 v5, v45  }
0x36a: {  	[tilespmem:$0x1EAE0] =	vst v8;
	v8 =	vld [tilespmem:$0x1F370]  }
0x36b: {  	v2 =	vmul.f32 v5, v48;
	v3 =	vadd.f32 v7, v24;
	_ =	sdelay $0x1  }
0x36c: {  	v0 =	vadd.f32 v2, v27;
	v3 =	vadd.f32 v9, v3;
	v9 =	vld [tilespmem:s31+$0x9000];
	_ =	sdelay $0x1  }
0x36d: {  	v0 =	vadd.f32 v8, v0;
	v8 =	vld [tilespmem:$0x1F390]  }
0x36e: {  	[tilespmem:$0x1EB40] =	vst v6;
	v6 =	vmul.f32 v5, v47  }
0x36f: {  	[tilespmem:s19+$0x1000] =	vst v0  }
0x370: {  	v2 =	vadd.f32 v6, v11;
	[tilespmem:$0x1EAC0] =	vst v9;
	v9 =	vld [tilespmem:s31+$0x9010];
	_ =	sdelay $0x1  }
0x371: {  	v2 =	vadd.f32 v8, v2;
	_ =	sdelay $0x1  }
0x372: {  	[tilespmem:s19+$0x1010] =	vst v2  }
0x373: {  	[tilespmem:$0x1EAD0] =	vst v9;
	v9 =	vld [tilespmem:s31+$0x9020];
	_ =	sdelay $0x3  }
0x374: {  	[tilespmem:s19+$0x1020] =	vst v1  }
0x375: {  	[tilespmem:$0x1EAA0] =	vst v9;
	v9 =	vld [tilespmem:s31+$0x9030];
	_ =	sdelay $0x1  }
0x376: {  	v1 =	vld [tilespmem:$0x1F2F0]  }
0x377: {  	v6 =	vmul.f32 v5, v44  }
0x378: {  	[tilespmem:s19+$0x1030] =	vst v3  }
0x379: {  	v0 =	vadd.f32 v6, v14;
	[tilespmem:$0x1EAB0] =	vst v9;
	v9 =	vld [tilespmem:s31+$0x9040];
	_ =	sdelay $0x1  }
0x37a: {  	v0 =	vadd.f32 v1, v0;
	v1 =	vld [tilespmem:$0x1F310]  }
0x37b: {  	v7 =	vmul.f32 v5, v43  }
0x37c: {  	v3 =	vld [tilespmem:$0x1F2C0];
	[tilespmem:s19+$0x1040] =	vst v0  }
0x37d: {  	v6 =	vadd.f32 v7, v20;
	v8 =	vmul.f32 v5, v41;
	[tilespmem:$0x1EA80] =	vst v9;
	v9 =	vld [tilespmem:s31+$0x9050];
	_ =	sdelay $0x1  }
0x37e: {  	v2 =	vadd.f32 v8, v56;
	v1 =	vadd.f32 v1, v6;
	_ =	sdelay $0x1  }
0x37f: {  	v2 =	vadd.f32 v3, v2;
	v3 =	vld [tilespmem:$0x1F2D0];
	[tilespmem:s19+$0x1050] =	vst v1  }
0x380: {  	v5 =	vmul.f32 v5, v10;
	[tilespmem:$0x1EA90] =	vst v9;
	v9 =	vld [tilespmem:s31+$0x9060];
	_ =	sdelay $0x1  }
0x381: {  	v5 =	vadd.f32 v5, v54;
	_ =	sdelay $0x1  }
0x382: {  	v4 =	vimm.s32 $0xF;
	v3 =	vadd.f32 v3, v5;
	[tilespmem:s19+$0x1060] =	vst v2  }
0x383: {  	v4 =	vperm.xlane v36, v4;
	[tilespmem:$0x1EA60] =	vst v9;
	v9 =	vld [tilespmem:s31+$0x9070]  }
0x384: {  	[tilespmem:s19+$0x1070] =	vst v3;
	v3 =	vld [tilespmem:$0x1F280]  }
0x385: {  	v6 =	vmul.f32 v4, v46;
	_ =	sdelay $0x1  }
0x386: {  	v1 =	vadd.f32 v6, v12;
	_ =	sdelay $0x1  }
0x387: {  	v1 =	vadd.f32 v3, v1;
	v3 =	vld [tilespmem:$0x1F290]  }
0x388: {  	v5 =	vmul.f32 v4, v45  }
0x389: {  	v2 =	vld [tilespmem:$0x1F2A0]  }
0x38a: {  	v7 =	vmul.f32 v4, v48;
	v5 =	vadd.f32 v5, v24;
	_ =	sdelay $0x1  }
0x38b: {  	v0 =	vadd.f32 v7, v27;
	v3 =	vadd.f32 v3, v5;
	v5 =	vld [tilespmem:s31+$0x9080];
	_ =	sdelay $0x1  }
0x38c: {  	v0 =	vadd.f32 v2, v0;
	v2 =	vld [tilespmem:$0x1F2B0]  }
0x38d: {  	v8 =	vmul.f32 v4, v47;
	v6 =	vmul.f32 v4, v43  }
0x38e: {  	[tilespmem:s19+$0x1080] =	vst v0  }
0x38f: {  	v7 =	vadd.f32 v8, v11;
	[tilespmem:$0x1EA40] =	vst v5;
	v5 =	vadd.f32 v6, v20;
	v6 =	vld [tilespmem:s31+$0x9090];
	_ =	sdelay $0x1  }
0x390: {  	v2 =	vadd.f32 v2, v7;
	_ =	sdelay $0x1  }
0x391: {  	[tilespmem:s19+$0x1090] =	vst v2  }
0x392: {  	[tilespmem:$0x1EA50] =	vst v6;
	v6 =	vld [tilespmem:s31+$0x90A0]  }
0x393: {  	[tilespmem:s19+$0x10A0] =	vst v1;
	v1 =	vld [tilespmem:$0x1F260]  }
0x394: {  	v8 =	vmul.f32 v4, v44;
	_ =	sdelay $0x1  }
0x395: {  	v0 =	vadd.f32 v8, v14;
	_ =	sdelay $0x1  }
0x396: {  	v0 =	vadd.f32 v1, v0;
	v1 =	vld [tilespmem:$0x1F270];
	_ =	sdelay $0x4  }
0x397: {  	v1 =	vadd.f32 v1, v5;
	v5 =	vld [tilespmem:s31+$0x90B0]  }
0x398: {  	[tilespmem:s19+$0x10B0] =	vst v3;
	v3 =	vld [tilespmem:$0x1F240]  }
0x399: {  	v7 =	vmul.f32 v4, v41;
	_ =	sdelay $0x1  }
0x39a: {  	v2 =	vadd.f32 v7, v56;
	_ =	sdelay $0x1  }
0x39b: {  	v2 =	vadd.f32 v3, v2;
	v3 =	vld [tilespmem:$0x1F250]  }
0x39c: {  	v4 =	vmul.f32 v4, v10;
	_ =	sdelay $0x1  }
0x39d: {  	v4 =	vadd.f32 v4, v54;
	_ =	sdelay $0x1  }
0x39e: {  	v3 =	vadd.f32 v3, v4;
	v4 =	vld [tilespmem:s31+$0x90C0];
	[tilespmem:s19+$0x10C0] =	vst v0  }
0x39f: {  	v0 =	vld [tilespmem:s31+$0x90D0];
	_ =	sdelay $0x3  }
0x3a0: {  	[tilespmem:s19+$0x10D0] =	vst v1  }
0x3a1: {  	[tilespmem:$0x1EA10] =	vst v0;
	v0 =	vld [tilespmem:s31+$0x90E0];
	_ =	sdelay $0x3  }
0x3a2: {  	[tilespmem:s19+$0x10E0] =	vst v2  }
0x3a3: {  	[tilespmem:$0x1E9E0] =	vst v0  }
0x3a4: {  	v0 =	vld [tilespmem:s31+$0x90F0];
	[tilespmem:s19+$0x10F0] =	vst v3;
	s19 =	smov.u32 s31  }
0x3a5: {  	v22 =	vld [tilespmem:s19+$0x10E0]  }
0x3a6: {  	v23 =	vld [tilespmem:$0x1E9E0];
	_ =	sdelay $0x4  }
0x3a7: {  	v22 =	vadd.f32 v23, v22  }
0x3a8: {  	v53 =	vld [tilespmem:s19+$0x10F0];
	[tilespmem:$0x1E9F0] =	vst v0  }
0x3a9: {  	[tilespmem:$0x1F240] =	vst v22;
	v22 =	vld [tilespmem:$0x1E9F0];
	_ =	sdelay $0x3  }
0x3aa: {  	[tilespmem:$0x1EA00] =	vst v4;
	v21 =	vld [tilespmem:s19+$0x10C0]  }
0x3ab: {  	v22 =	vadd.f32 v22, v53;
	v53 =	vld [tilespmem:$0x1EA00];
	_ =	sdelay $0x3  }
0x3ac: {  	v15 =	vld [tilespmem:s19+$0x1000]  }
0x3ad: {  	v21 =	vadd.f32 v53, v21;
	v53 =	vld [tilespmem:$0x1EAC0];
	_ =	sdelay $0x4  }
0x3ae: {  	v15 =	vadd.f32 v53, v15  }
0x3af: {  	v28 =	vld [tilespmem:s19+$0x1010]  }
0x3b0: {  	[tilespmem:$0x1F370] =	vst v15;
	v15 =	vld [tilespmem:$0x1EAD0];
	_ =	sdelay $0x2  }
0x3b1: {  	v14 =	vld [tilespmem:s19+$0xFE0]  }
0x3b2: {  	v0 =	vld [tilespmem:s19+$0xFF0]  }
0x3b3: {  	v15 =	vadd.f32 v15, v28;
	v28 =	vld [tilespmem:$0x1EAE0];
	_ =	sdelay $0x4  }
0x3b4: {  	[tilespmem:$0x1EB00] =	vst v0;
	v14 =	vadd.f32 v28, v14  }
0x3b5: {  	v23 =	vld [tilespmem:$0x1EB00]  }
0x3b6: {  	[tilespmem:$0x1F3B0] =	vst v14;
	v14 =	vld [tilespmem:$0x1EAF0];
	_ =	sdelay $0x2  }
0x3b7: {  	v12 =	vld [tilespmem:s19+$0xFC0]  }
0x3b8: {  	v0 =	vld [tilespmem:s19+$0xFD0]  }
0x3b9: {  	v14 =	vadd.f32 v14, v23;
	v23 =	vld [tilespmem:$0x1EB10];
	_ =	sdelay $0x4  }
0x3ba: {  	[tilespmem:$0x1EB30] =	vst v0;
	v12 =	vadd.f32 v23, v12  }
0x3bb: {  	v23 =	vld [tilespmem:$0x1EB30]  }
0x3bc: {  	[tilespmem:$0x1F3F0] =	vst v12;
	v12 =	vld [tilespmem:$0x1EB20];
	_ =	sdelay $0x3  }
0x3bd: {  	v11 =	vld [tilespmem:s19+$0xFA0]  }
0x3be: {  	v12 =	vadd.f32 v12, v23;
	v23 =	vld [tilespmem:$0x1EB40];
	_ =	sdelay $0x3  }
0x3bf: {  	v10 =	vld [tilespmem:s19+$0xF80]  }
0x3c0: {  	v11 =	vadd.f32 v23, v11;
	v23 =	vld [tilespmem:$0x1EB60];
	_ =	sdelay $0x4  }
0x3c1: {  	v10 =	vadd.f32 v23, v10  }
0x3c2: {  	v25 =	vld [tilespmem:s19+$0xF90]  }
0x3c3: {  	[tilespmem:$0x1F470] =	vst v10;
	v10 =	vld [tilespmem:$0x1EB70];
	_ =	sdelay $0x4  }
0x3c4: {  	v10 =	vadd.f32 v10, v25  }
0x3c5: {  	[tilespmem:$0x1EA70] =	vst v9;
	v9 =	vld [tilespmem:s19+$0xF60]  }
0x3c6: {  	[tilespmem:$0x1F490] =	vst v10;
	v10 =	vld [tilespmem:$0x1EB80];
	_ =	sdelay $0x3  }
0x3c7: {  	v8 =	vld [tilespmem:s19+$0xF40]  }
0x3c8: {  	v9 =	vadd.f32 v10, v9;
	v10 =	vld [tilespmem:$0x1EBA0];
	_ =	sdelay $0x4  }
0x3c9: {  	v8 =	vadd.f32 v10, v8  }
0x3ca: {  	v58 =	vld [tilespmem:s19+$0xF50]  }
0x3cb: {  	[tilespmem:$0x1F4F0] =	vst v8;
	v8 =	vld [tilespmem:$0x1EBB0];
	_ =	sdelay $0x4  }
0x3cc: {  	v8 =	vadd.f32 v8, v58  }
0x3cd: {  	v7 =	vld [tilespmem:s19+$0xF20]  }
0x3ce: {  	[tilespmem:$0x1F510] =	vst v8;
	v8 =	vld [tilespmem:$0x1EBC0];
	_ =	sdelay $0x3  }
0x3cf: {  	[tilespmem:$0x1EA20] =	vst v6;
	v6 =	vld [tilespmem:s19+$0xF00]  }
0x3d0: {  	v7 =	vadd.f32 v8, v7;
	v8 =	vld [tilespmem:$0x1EBE0];
	_ =	sdelay $0x2  }
0x3d1: {  	[tilespmem:$0x1EA30] =	vst v5;
	v5 =	vld [tilespmem:s19+$0xEE0]  }
0x3d2: {  	v0 =	vld [tilespmem:s19+$0xEF0]  }
0x3d3: {  	v6 =	vadd.f32 v8, v6;
	v8 =	vld [tilespmem:$0x1EC00];
	_ =	sdelay $0x4  }
0x3d4: {  	[tilespmem:$0x1EC20] =	vst v0;
	v5 =	vadd.f32 v8, v5  }
0x3d5: {  	v8 =	vld [tilespmem:$0x1EC20]  }
0x3d6: {  	[tilespmem:$0x1F5B0] =	vst v5;
	v5 =	vld [tilespmem:$0x1EC10];
	_ =	sdelay $0x4  }
0x3d7: {  	v4 =	vld [tilespmem:s19+$0xEC0];
	v5 =	vadd.f32 v5, v8  }
0x3d8: {  	v0 =	vld [tilespmem:s19+$0xED0]  }
0x3d9: {  	[tilespmem:$0x1F5D0] =	vst v5;
	v5 =	vld [tilespmem:$0x1EC30];
	_ =	sdelay $0x4  }
0x3da: {  	[tilespmem:$0x1EC50] =	vst v0;
	v4 =	vadd.f32 v5, v4  }
0x3db: {  	v5 =	vld [tilespmem:$0x1EC50]  }
0x3dc: {  	[tilespmem:$0x1F5F0] =	vst v4;
	v4 =	vld [tilespmem:$0x1EC40];
	_ =	sdelay $0x4  }
0x3dd: {  	v3 =	vld [tilespmem:s19+$0xEA0];
	v4 =	vadd.f32 v4, v5  }
0x3de: {  	v0 =	vld [tilespmem:s19+$0xEB0]  }
0x3df: {  	[tilespmem:$0x1F610] =	vst v4;
	v4 =	vld [tilespmem:$0x1EC60];
	_ =	sdelay $0x4  }
0x3e0: {  	[tilespmem:$0x1EC80] =	vst v0;
	v3 =	vadd.f32 v4, v3  }
0x3e1: {  	v4 =	vld [tilespmem:$0x1EC80]  }
0x3e2: {  	[tilespmem:$0x1F630] =	vst v3;
	v3 =	vld [tilespmem:$0x1EC70];
	_ =	sdelay $0x2  }
0x3e3: {  	v2 =	vld [tilespmem:s19+$0xE80]  }
0x3e4: {  	v0 =	vld [tilespmem:s19+$0xE90]  }
0x3e5: {  	v3 =	vadd.f32 v3, v4;
	v4 =	vld [tilespmem:$0x1EC90];
	_ =	sdelay $0x4  }
0x3e6: {  	[tilespmem:$0x1ECB0] =	vst v0;
	v2 =	vadd.f32 v4, v2  }
0x3e7: {  	v4 =	vld [tilespmem:$0x1ECB0]  }
0x3e8: {  	[tilespmem:$0x1F670] =	vst v2;
	v2 =	vld [tilespmem:$0x1ECA0];
	_ =	sdelay $0x4  }
0x3e9: {  	v2 =	vadd.f32 v2, v4  }
0x3ea: {  	v1 =	vld [tilespmem:s19+$0xE60]  }
0x3eb: {  	[tilespmem:$0x1F690] =	vst v2;
	v2 =	vld [tilespmem:$0x1ECC0];
	_ =	sdelay $0x4  }
0x3ec: {  	v1 =	vadd.f32 v2, v1  }
0x3ed: {  	v63 =	vld [tilespmem:s19+$0xE70]  }
0x3ee: {  	[tilespmem:$0x1F6B0] =	vst v1;
	v1 =	vld [tilespmem:$0x1ECD0];
	_ =	sdelay $0x4  }
0x3ef: {  	v1 =	vadd.f32 v1, v63  }
0x3f0: {  	v0 =	vld [tilespmem:s19+$0xE40]  }
0x3f1: {  	[tilespmem:$0x1F6D0] =	vst v1;
	v1 =	vld [tilespmem:$0x1ECE0];
	_ =	sdelay $0x3  }
0x3f2: {  	v35 =	vld [tilespmem:s19+$0xE20]  }
0x3f3: {  	v0 =	vadd.f32 v1, v0;
	v1 =	vld [tilespmem:$0x1ED00];
	_ =	sdelay $0x4  }
0x3f4: {  	v1 =	vadd.f32 v1, v35  }
0x3f5: {  	v48 =	vld [tilespmem:s19+$0xE30]  }
0x3f6: {  	[tilespmem:$0x1F730] =	vst v1;
	v1 =	vld [tilespmem:$0x1ED10];
	_ =	sdelay $0x4  }
0x3f7: {  	v1 =	vadd.f32 v1, v48  }
0x3f8: {  	v34 =	vld [tilespmem:s19+$0xE00]  }
0x3f9: {  	[tilespmem:$0x1F750] =	vst v1;
	v1 =	vld [tilespmem:$0x1ED20];
	_ =	sdelay $0x4  }
0x3fa: {  	v1 =	vadd.f32 v1, v34  }
0x3fb: {  	v47 =	vld [tilespmem:s19+$0xE10]  }
0x3fc: {  	[tilespmem:$0x1F770] =	vst v1;
	v1 =	vld [tilespmem:$0x1ED30];
	_ =	sdelay $0x4  }
0x3fd: {  	v1 =	vadd.f32 v1, v47  }
0x3fe: {  	v33 =	vld [tilespmem:s19+$0xDE0]  }
0x3ff: {  	[tilespmem:$0x1F790] =	vst v1;
	v1 =	vld [tilespmem:$0x1ED40];
	_ =	sdelay $0x4  }
0x400: {  	v1 =	vadd.f32 v1, v33  }
0x401: {  	v46 =	vld [tilespmem:s19+$0xDF0]  }
0x402: {  	[tilespmem:$0x1F7B0] =	vst v1;
	v1 =	vld [tilespmem:$0x1ED50];
	_ =	sdelay $0x4  }
0x403: {  	v1 =	vadd.f32 v1, v46  }
0x404: {  	v32 =	vld [tilespmem:s19+$0xDC0]  }
0x405: {  	[tilespmem:$0x1F7D0] =	vst v1;
	v1 =	vld [tilespmem:$0x1ED60];
	_ =	sdelay $0x4  }
0x406: {  	v1 =	vadd.f32 v1, v32  }
0x407: {  	v45 =	vld [tilespmem:s19+$0xDD0]  }
0x408: {  	[tilespmem:$0x1F7F0] =	vst v1;
	v1 =	vld [tilespmem:$0x1ED70];
	_ =	sdelay $0x4  }
0x409: {  	v1 =	vadd.f32 v1, v45  }
0x40a: {  	v31 =	vld [tilespmem:s19+$0xDA0]  }
0x40b: {  	[tilespmem:$0x1F820] =	vst v1;
	v1 =	vld [tilespmem:$0x1ED80];
	_ =	sdelay $0x4  }
0x40c: {  	v1 =	vadd.f32 v1, v31  }
0x40d: {  	v44 =	vld [tilespmem:s19+$0xDB0]  }
0x40e: {  	[tilespmem:$0x1F840] =	vst v1;
	v1 =	vld [tilespmem:$0x1ED90];
	_ =	sdelay $0x4  }
0x40f: {  	v1 =	vadd.f32 v1, v44  }
0x410: {  	v30 =	vld [tilespmem:s19+$0xD80]  }
0x411: {  	[tilespmem:$0x1F870] =	vst v1;
	v1 =	vld [tilespmem:$0x1EDA0];
	_ =	sdelay $0x4  }
0x412: {  	v1 =	vadd.f32 v1, v30  }
0x413: {  	v43 =	vld [tilespmem:s19+$0xD90]  }
0x414: {  	[tilespmem:$0x1F890] =	vst v1;
	v1 =	vld [tilespmem:$0x1EDB0];
	_ =	sdelay $0x4  }
0x415: {  	v1 =	vadd.f32 v1, v43  }
0x416: {  	v29 =	vld [tilespmem:s19+$0xD60]  }
0x417: {  	[tilespmem:$0x1F8C0] =	vst v1;
	v1 =	vld [tilespmem:$0x1EDC0];
	_ =	sdelay $0x4  }
0x418: {  	v1 =	vadd.f32 v1, v29  }
0x419: {  	v27 =	vld [tilespmem:s19+$0xD70]  }
0x41a: {  	[tilespmem:$0x1F8F0] =	vst v1;
	v1 =	vld [tilespmem:$0x1EDD0];
	_ =	sdelay $0x4  }
0x41b: {  	v1 =	vadd.f32 v1, v27  }
0x41c: {  	v56 =	vld [tilespmem:s19+$0xD40]  }
0x41d: {  	[tilespmem:$0x1F920] =	vst v1;
	v1 =	vld [tilespmem:$0x1EDE0];
	_ =	sdelay $0x4  }
0x41e: {  	v1 =	vadd.f32 v1, v56  }
0x41f: {  	v42 =	vld [tilespmem:s19+$0xD50]  }
0x420: {  	[tilespmem:$0x1F950] =	vst v1;
	v1 =	vld [tilespmem:$0x1EDF0];
	_ =	sdelay $0x4  }
0x421: {  	v1 =	vadd.f32 v1, v42  }
0x422: {  	v13 =	vld [tilespmem:s19+$0xD20]  }
0x423: {  	[tilespmem:$0x1F980] =	vst v1;
	v1 =	vld [tilespmem:$0x1EE00];
	_ =	sdelay $0x4  }
0x424: {  	v1 =	vadd.f32 v1, v13  }
0x425: {  	v41 =	vld [tilespmem:s19+$0xD30]  }
0x426: {  	[tilespmem:$0x1F9B0] =	vst v1;
	v1 =	vld [tilespmem:$0x1EE10];
	_ =	sdelay $0x4  }
0x427: {  	v1 =	vadd.f32 v1, v41  }
0x428: {  	v55 =	vld [tilespmem:s19+$0xD00]  }
0x429: {  	[tilespmem:$0x1F9E0] =	vst v1;
	v1 =	vld [tilespmem:$0x1EE20];
	_ =	sdelay $0x4  }
0x42a: {  	v61 =	vld [tilespmem:s19+$0x10D0];
	v1 =	vadd.f32 v1, v55  }
0x42b: {  	v36 =	vld [tilespmem:s19+$0xD10]  }
0x42c: {  	[tilespmem:$0x1FA00] =	vst v1;
	v1 =	vld [tilespmem:$0x1EE30]  }
0x42d: {  	v60 =	vld [tilespmem:s19+$0x10B0]  }
0x42e: {  	v20 =	vld [tilespmem:s19+$0x10A0]  }
0x42f: {  	v52 =	vld [tilespmem:s19+$0x1090]  }
0x430: {  	v19 =	vld [tilespmem:s19+$0x1080]  }
0x431: {  	v51 =	vld [tilespmem:s19+$0x1070];
	v1 =	vadd.f32 v1, v36  }
0x432: {  	v54 =	vld [tilespmem:s19+$0xCE0]  }
0x433: {  	[tilespmem:$0x1FA30] =	vst v1;
	v1 =	vld [tilespmem:$0x1EE40]  }
0x434: {  	v18 =	vld [tilespmem:s19+$0x1060]  }
0x435: {  	v62 =	vld [tilespmem:s19+$0x1050]  }
0x436: {  	v57 =	vld [tilespmem:s19+$0xF30]  }
0x437: {  	v40 =	vld [tilespmem:s19+$0xCF0]  }
0x438: {  	[tilespmem:$0x1F530] =	vst v7;
	v7 =	vld [tilespmem:$0x1EBD0];
	v1 =	vadd.f32 v1, v54  }
0x439: {  	[tilespmem:$0x1F260] =	vst v21;
	v21 =	vld [tilespmem:$0x1EA10]  }
0x43a: {  	[tilespmem:$0x1FA50] =	vst v1;
	v1 =	vld [tilespmem:$0x1EE50]  }
0x43b: {  	v17 =	vld [tilespmem:s19+$0x1040]  }
0x43c: {  	v50 =	vld [tilespmem:s19+$0x1030]  }
0x43d: {  	v24 =	vld [tilespmem:s19+$0xCC0];
	v7 =	vadd.f32 v7, v57  }
0x43e: {  	v21 =	vadd.f32 v21, v61;
	v61 =	vld [tilespmem:$0x1EA20]  }
0x43f: {  	[tilespmem:$0x1F550] =	vst v7;
	v7 =	vld [tilespmem:s19+$0xBC0];
	v1 =	vadd.f32 v1, v40  }
0x440: {  	v4 =	vld [tilespmem:$0x1EF60]  }
0x441: {  	[tilespmem:$0x1FA70] =	vst v1;
	v1 =	vld [tilespmem:$0x1EE60]  }
0x442: {  	v26 =	vld [tilespmem:s19+$0xFB0]  }
0x443: {  	v37 =	vld [tilespmem:s19+$0xCD0]  }
0x444: {  	v20 =	vadd.f32 v61, v20;
	v61 =	vld [tilespmem:$0x1EA40]  }
0x445: {  	[tilespmem:$0x1F430] =	vst v11;
	v11 =	vld [tilespmem:$0x1EB50];
	v4 =	vadd.f32 v4, v7  }
0x446: {  	v25 =	vld [tilespmem:s19+$0xBD0];
	v1 =	vadd.f32 v1, v24  }
0x447: {  	[tilespmem:$0x1FC80] =	vst v4;
	v4 =	vld [tilespmem:$0x1EF70]  }
0x448: {  	[tilespmem:$0x1FA90] =	vst v1;
	v1 =	vld [tilespmem:$0x1EE70]  }
0x449: {  	v38 =	vld [tilespmem:s19+$0xF10]  }
0x44a: {  	[tilespmem:$0x1F250] =	vst v22;
	v22 =	vld [tilespmem:s19+$0xCA0]  }
0x44b: {  	v19 =	vadd.f32 v61, v19;
	v61 =	vld [tilespmem:$0x1EA80]  }
0x44c: {  	v11 =	vadd.f32 v11, v26;
	v26 =	vld [tilespmem:s19+$0xBA0];
	v4 =	vadd.f32 v4, v25  }
0x44d: {  	[tilespmem:$0x1F570] =	vst v6;
	v6 =	vld [tilespmem:$0x1EBF0];
	v1 =	vadd.f32 v1, v37  }
0x44e: {  	[tilespmem:$0x1FCA0] =	vst v4;
	v4 =	vld [tilespmem:$0x1EF80]  }
0x44f: {  	[tilespmem:$0x1FAB0] =	vst v1;
	v1 =	vld [tilespmem:$0x1EE80]  }
0x450: {  	v16 =	vld [tilespmem:s19+$0x1020]  }
0x451: {  	v39 =	vld [tilespmem:s19+$0xCB0];
	v17 =	vadd.f32 v61, v17  }
0x452: {  	[tilespmem:$0x1F280] =	vst v20;
	v20 =	vld [tilespmem:$0x1EA30];
	v6 =	vadd.f32 v6, v38  }
0x453: {  	[tilespmem:$0x1F2F0] =	vst v17;
	v17 =	vld [tilespmem:$0x1EA90];
	v4 =	vadd.f32 v4, v26  }
0x454: {  	[tilespmem:$0x1F590] =	vst v6;
	v6 =	vld [tilespmem:s19+$0xBB0];
	v1 =	vadd.f32 v1, v22  }
0x455: {  	[tilespmem:$0x1FCC0] =	vst v4;
	v4 =	vld [tilespmem:$0x1EF90]  }
0x456: {  	[tilespmem:$0x1FAD0] =	vst v1;
	v1 =	vld [tilespmem:$0x1EE90]  }
0x457: {  	v59 =	vld [tilespmem:s19+$0xF70]  }
0x458: {  	v20 =	vadd.f32 v20, v60;
	v60 =	vld [tilespmem:$0x1EA60]  }
0x459: {  	v17 =	vadd.f32 v17, v62;
	v62 =	vld [tilespmem:$0x1EAA0]  }
0x45a: {  	[tilespmem:$0x1F650] =	vst v3;
	v3 =	vld [tilespmem:s19+$0xB80]  }
0x45b: {  	v4 =	vadd.f32 v4, v6;
	v6 =	vld [tilespmem:$0x1EFA0];
	v1 =	vadd.f32 v1, v39  }
0x45c: {  	[tilespmem:$0x1F290] =	vst v20;
	v20 =	vld [tilespmem:s19+$0xC80]  }
0x45d: {  	[tilespmem:$0x1FAF0] =	vst v1;
	v1 =	vld [tilespmem:$0x1EEA0]  }
0x45e: {  	[tilespmem:$0x1F270] =	vst v21;
	v21 =	vld [tilespmem:s19+$0xC90]  }
0x45f: {  	v28 =	vld [tilespmem:s19+$0xB90];
	v16 =	vadd.f32 v62, v16  }
0x460: {  	[tilespmem:$0x1F4B0] =	vst v9;
	v9 =	vld [tilespmem:$0x1EB90];
	v3 =	vadd.f32 v6, v3  }
0x461: {  	v18 =	vadd.f32 v60, v18;
	[tilespmem:$0x1F330] =	vst v16;
	v16 =	vld [tilespmem:$0x1EAB0]  }
0x462: {  	[tilespmem:$0x1FD00] =	vst v3;
	v3 =	vld [tilespmem:$0x1EFB0];
	v1 =	vadd.f32 v1, v20  }
0x463: {  	[tilespmem:$0x1F2C0] =	vst v18;
	v18 =	vld [tilespmem:$0x1EA70]  }
0x464: {  	[tilespmem:$0x1FB10] =	vst v1;
	v1 =	vld [tilespmem:$0x1EEB0]  }
0x465: {  	[tilespmem:$0x1F2A0] =	vst v19;
	v19 =	vld [tilespmem:$0x1EA50];
	v9 =	vadd.f32 v9, v59  }
0x466: {  	v16 =	vadd.f32 v16, v50;
	v50 =	vld [tilespmem:s19+$0xB60]  }
0x467: {  	[tilespmem:$0x1F4D0] =	vst v9;
	v9 =	vld [tilespmem:s19+$0xBE0];
	v3 =	vadd.f32 v3, v28  }
0x468: {  	v18 =	vadd.f32 v18, v51;
	v2 =	vld [tilespmem:$0x1EF40]  }
0x469: {  	[tilespmem:$0x1FD20] =	vst v3;
	v3 =	vld [tilespmem:$0x1EFC0];
	v1 =	vadd.f32 v1, v21  }
0x46a: {  	[tilespmem:$0x1F2D0] =	vst v18;
	v18 =	vld [tilespmem:s19+$0xC60]  }
0x46b: {  	[tilespmem:$0x1FB30] =	vst v1;
	v1 =	vld [tilespmem:$0x1EEC0];
	_ =	sdelay $0x1  }
0x46c: {  	v19 =	vadd.f32 v19, v52;
	v38 =	vld [tilespmem:s19+$0xB70]  }
0x46d: {  	v2 =	vadd.f32 v2, v9;
	v9 =	vadd.f32 v3, v50;
	v3 =	vld [tilespmem:$0x1EFD0]  }
0x46e: {  	v49 =	vld [tilespmem:s19+$0xE50]  }
0x46f: {  	[tilespmem:$0x1F2B0] =	vst v19;
	v19 =	vld [tilespmem:s19+$0xC70];
	v1 =	vadd.f32 v1, v18  }
0x470: {  	[tilespmem:$0x1F6F0] =	vst v0;
	v0 =	vld [tilespmem:$0x1ECF0]  }
0x471: {  	[tilespmem:$0x1FB50] =	vst v1;
	v1 =	vld [tilespmem:$0x1EED0]  }
0x472: {  	v3 =	vadd.f32 v3, v38  }
0x473: {  	v35 =	vld [tilespmem:s19+$0xB40]  }
0x474: {  	[tilespmem:$0x1FD50] =	vst v3;
	v3 =	vld [tilespmem:$0x1EFE0]  }
0x475: {  	v0 =	vadd.f32 v0, v49  }
0x476: {  	[tilespmem:$0x1F350] =	vst v16;
	v16 =	vld [tilespmem:s19+$0xC40];
	v1 =	vadd.f32 v1, v19  }
0x477: {  	[tilespmem:$0x1F710] =	vst v0;
	v0 =	vld [tilespmem:s19+$0xB50]  }
0x478: {  	[tilespmem:$0x1FB70] =	vst v1;
	v1 =	vld [tilespmem:$0x1EEE0]  }
0x479: {  	v8 =	vadd.f32 v3, v35;
	v3 =	vld [tilespmem:$0x1EFF0];
	_ =	sdelay $0x2  }
0x47a: {  	[tilespmem:$0x1F310] =	vst v17;
	v17 =	vld [tilespmem:s19+$0xC50]  }
0x47b: {  	v57 =	vld [tilespmem:s19+$0xB20];
	v1 =	vadd.f32 v1, v16  }
0x47c: {  	v6 =	vadd.f32 v3, v0;
	v0 =	vld [tilespmem:$0x1F000]  }
0x47d: {  	[tilespmem:$0x1FB90] =	vst v1;
	v1 =	vld [tilespmem:$0x1EEF0];
	_ =	sdelay $0x3  }
0x47e: {  	v34 =	vld [tilespmem:s19+$0xB30]  }
0x47f: {  	v1 =	vadd.f32 v1, v17;
	v17 =	vadd.f32 v0, v57;
	v0 =	vld [tilespmem:$0x1F010];
	_ =	sdelay $0x3  }
0x480: {  	v31 =	vld [tilespmem:s19+$0xB00]  }
0x481: {  	v7 =	vadd.f32 v0, v34;
	v0 =	vld [tilespmem:$0x1F020];
	_ =	sdelay $0x3  }
0x482: {  	v58 =	vld [tilespmem:s19+$0xB10]  }
0x483: {  	v19 =	vadd.f32 v0, v31;
	v0 =	vld [tilespmem:$0x1F030]  }
0x484: {  	[tilespmem:$0x1F3D0] =	vst v14;
	v14 =	vld [tilespmem:s19+$0xC20]  }
0x485: {  	[tilespmem:$0x1FBB0] =	vst v1;
	v1 =	vld [tilespmem:$0x1EF00];
	_ =	sdelay $0x1  }
0x486: {  	v60 =	vld [tilespmem:s19+$0xAE0]  }
0x487: {  	v16 =	vadd.f32 v0, v58;
	v0 =	vld [tilespmem:$0x1F040];
	_ =	sdelay $0x1  }
0x488: {  	[tilespmem:$0x1F390] =	vst v15;
	v15 =	vld [tilespmem:s19+$0xC30];
	v1 =	vadd.f32 v1, v14  }
0x489: {  	v59 =	vld [tilespmem:s19+$0xAF0]  }
0x48a: {  	[tilespmem:$0x1FBD0] =	vst v1;
	v1 =	vld [tilespmem:$0x1EF10]  }
0x48b: {  	v22 =	vadd.f32 v0, v60;
	v0 =	vld [tilespmem:$0x1F050];
	_ =	sdelay $0x3  }
0x48c: {  	v13 =	vld [tilespmem:s19+$0xAC0]  }
0x48d: {  	v1 =	vadd.f32 v1, v15;
	v15 =	vadd.f32 v0, v59;
	v0 =	vld [tilespmem:$0x1F060];
	_ =	sdelay $0x1  }
0x48e: {  	v61 =	vld [tilespmem:s19+$0xAD0]  }
0x48f: {  	v23 =	vld [tilespmem:s19+$0xBF0]  }
0x490: {  	[tilespmem:$0x1FC40] =	vst v2;
	v2 =	vld [tilespmem:$0x1EF50]  }
0x491: {  	v13 =	vadd.f32 v0, v13;
	v0 =	vld [tilespmem:$0x1F070];
	_ =	sdelay $0x3  }
0x492: {  	v63 =	vld [tilespmem:s19+$0xAA0]  }
0x493: {  	v2 =	vadd.f32 v2, v23;
	v23 =	vadd.f32 v0, v61;
	v0 =	vld [tilespmem:$0x1F080];
	_ =	sdelay $0x3  }
0x494: {  	v62 =	vld [tilespmem:s19+$0xAB0]  }
0x495: {  	v58 =	vadd.f32 v0, v63;
	v0 =	vld [tilespmem:$0x1F090]  }
0x496: {  	[tilespmem:$0x1F410] =	vst v12;
	v12 =	vld [tilespmem:s19+$0xC10]  }
0x497: {  	[tilespmem:$0x1F450] =	vst v11;
	v11 =	vld [tilespmem:s19+$0xC00]  }
0x498: {  	v5 =	vld [tilespmem:s19+$0xA10]  }
0x499: {  	v45 =	vld [tilespmem:s19+$0xA80]  }
0x49a: {  	v57 =	vadd.f32 v0, v62;
	v0 =	vld [tilespmem:$0x1F0A0]  }
0x49b: {  	[tilespmem:$0x1FC60] =	vst v2;
	v2 =	vld [tilespmem:s19+$0xA20]  }
0x49c: {  	[tilespmem:$0x1FCE0] =	vst v4;
	v4 =	vld [tilespmem:s19+$0xA00]  }
0x49d: {  	v49 =	vld [tilespmem:s19+$0x980]  }
0x49e: {  	v44 =	vld [tilespmem:s19+$0xA90]  }
0x49f: {  	v60 =	vadd.f32 v0, v45;
	v0 =	vld [tilespmem:$0x1F0B0]  }
0x4a0: {  	v28 =	vld [tilespmem:s19+$0x9F0]  }
0x4a1: {  	v50 =	vld [tilespmem:s19+$0x960]  }
0x4a2: {  	v47 =	vld [tilespmem:s19+$0xA40]  }
0x4a3: {  	v18 =	vld [tilespmem:s19+$0xA60]  }
0x4a4: {  	v59 =	vadd.f32 v0, v44;
	v0 =	vld [tilespmem:$0x1F0C0]  }
0x4a5: {  	v33 =	vld [tilespmem:s19+$0x990]  }
0x4a6: {  	[tilespmem:$0x1FBF0] =	vst v1;
	v1 =	vld [tilespmem:$0x1EF20]  }
0x4a7: {  	v35 =	vld [tilespmem:s19+$0x970]  }
0x4a8: {  	v21 =	vld [tilespmem:s19+$0xA70]  }
0x4a9: {  	v62 =	vadd.f32 v0, v18;
	v0 =	vld [tilespmem:$0x1F0D0]  }
0x4aa: {  	v46 =	vld [tilespmem:s19+$0xA50]  }
0x4ab: {  	v3 =	vld [tilespmem:$0x1F0F0];
	v1 =	vadd.f32 v1, v11  }
0x4ac: {  	v32 =	vld [tilespmem:s19+$0x9C0]  }
0x4ad: {  	[tilespmem:$0x1FC10] =	vst v1;
	v1 =	vld [tilespmem:$0x1EF30]  }
0x4ae: {  	p0 =	sne.s32 s20, $0xF;
	v61 =	vadd.f32 v0, v21;
	v0 =	vld [tilespmem:$0x1F0E0]  }
.Ltmp0:
0x4af: {  	v30 =	vld [tilespmem:s19+$0x9E0];
	(pc) =	sbr.rel @p0 .LBB2_2-.Ltmp0, $4  }
0x4b0: {  	v29 =	vld [tilespmem:s19+$0x9D0]  }
0x4b1: {  	v34 =	vld [tilespmem:s19+$0x9A0]  }
0x4b2: {  	v31 =	vld [tilespmem:s19+$0x9B0];
	v11 =	vadd.f32 v1, v12  }
0x4b3: {  	s21 =	sshll.u32 s20, $0x7;
	s20 =	sadd.s32 $0x1, s20;
	v1 =	vld [tilespmem:s19+$0xA30];
	v63 =	vadd.f32 v3, v46;
	v0 =	vadd.f32 v0, v47  }
0x4b4: {  	v10 =	vld [tilespmem:$0x1F220]  }
0x4b5: {  	v43 =	vld [tilespmem:$0x1F230]  }
0x4b6: {  	v18 =	vld [tilespmem:s19+$0x950]  }
0x4b7: {  	v44 =	vld [tilespmem:$0x1F200]  }
0x4b8: {  	v45 =	vld [tilespmem:$0x1F210]  }
0x4b9: {  	v21 =	vld [tilespmem:s19+$0x940]  }
0x4ba: {  	v46 =	vld [tilespmem:$0x1F1E0]  }
0x4bb: {  	v47 =	vld [tilespmem:$0x1F1F0]  }
0x4bc: {  	v48 =	vld [tilespmem:s19+$0x930]  }
0x4bd: {  	v56 =	vld [tilespmem:$0x1F1C0]  }
0x4be: {  	v12 =	vld [tilespmem:$0x1F1D0]  }
0x4bf: {  	v14 =	vld [tilespmem:$0x1F1A0]  }
0x4c0: {  	v20 =	vld [tilespmem:$0x1F1B0]  }
0x4c1: {  	v24 =	vld [tilespmem:s19+$0x900]  }
0x4c2: {  	v51 =	vld [tilespmem:$0x1F180]  }
0x4c3: {  	v52 =	vld [tilespmem:$0x1F190]  }
0x4c4: {  	v53 =	vld [tilespmem:$0x1F160]  }
0x4c5: {  	v54 =	vld [tilespmem:$0x1F170]  }
0x4c6: {  	v39 =	vld [tilespmem:s19+$0x920]  }
0x4c7: {  	v27 =	vld [tilespmem:$0x1FE80]  }
0x4c8: {  	s20 =	sand.u32 $0x3FFFFF80, s21;
	v41 =	vld [tilespmem:$0x1FFC0]  }
0x4c9: {  	v3 =	vld [tilespmem:s20+$0x100]  }
0x4ca: {  	v25 =	vadd.f32 v46, v30;
	v30 =	vadd.f32 v56, v32;
	v32 =	vld [tilespmem:s19+$0x910]  }
0x4cb: {  	v56 =	vld [tilespmem:$0x1F140]  }
0x4cc: {  	v29 =	vadd.f32 v12, v29;
	v12 =	vld [tilespmem:$0x1F150]  }
0x4cd: {  	v34 =	vadd.f32 v14, v34;
	v14 =	vld [tilespmem:$0x1F130]  }
0x4ce: {  	v26 =	vadd.f32 v47, v28;
	v47 =	vld [tilespmem:$0x1FED0]  }
0x4cf: {  	v46 =	vld [tilespmem:$0x1FF00]  }
0x4d0: {  	v1 =	vadd.f32 v43, v1;
	v43 =	vld [tilespmem:$0x1F110];
	v36 =	vcvt.s32.f32 v3  }
0x4d1: {  	v55 =	vimm.s32 $0x0;
	v18 =	vadd.f32 v12, v18;
	v12 =	vld [tilespmem:$0x1FEE0]  }
0x4d2: {  	v4 =	vadd.f32 v44, v4;
	v44 =	vld [tilespmem:$0x1F100];
	v40 =	vperm.xlane v36, v55  }
0x4d3: {  	v35 =	vadd.f32 v54, v35;
	v54 =	vld [tilespmem:$0x1FEB0]  }
0x4d4: {  	v5 =	vadd.f32 v45, v5;
	v28 =	vadd.f32 v14, v48;
	v48 =	vld [tilespmem:$0x1FEA0];
	v45 =	vmul.f32 v40, v46  }
0x4d5: {  	v21 =	vadd.f32 v56, v21;
	v56 =	vld [tilespmem:$0x1F120]  }
0x4d6: {  	v38 =	vadd.f32 v53, v50;
	v50 =	vadd.f32 v45, v12;
	v45 =	vld [tilespmem:$0x1FF30]  }
0x4d7: {  	v3 =	vadd.f32 v44, v24;
	v44 =	vld [tilespmem:$0x1FF60]  }
0x4d8: {  	v24 =	vld [tilespmem:$0x1FF10]  }
0x4d9: {  	v2 =	vadd.f32 v10, v2;
	v31 =	vadd.f32 v20, v31;
	v14 =	vld [tilespmem:$0x1FF40]  }
0x4da: {  	v37 =	vadd.f32 v51, v49;
	v20 =	vmul.f32 v40, v47;
	v42 =	vmul.f32 v40, v48  }
0x4db: {  	v33 =	vadd.f32 v52, v33;
	v53 =	vld [tilespmem:$0x1FFA0];
	v32 =	vadd.f32 v43, v32;
	v51 =	vmul.f32 v40, v45  }
0x4dc: {  	v55 =	vld [tilespmem:$0x1FFF0];
	v49 =	vadd.f32 v20, v54;
	v10 =	vmul.f32 v40, v44;
	v42 =	vadd.f32 v42, v27  }
0x4dd: {  	v43 =	vld [tilespmem:$0x1FF90];
	v52 =	vmul.f32 v40, v41;
	v39 =	vadd.f32 v56, v39;
	v20 =	vadd.f32 v51, v24  }
0x4de: {  	v56 =	vimm.s32 $0x1;
	v3 =	vadd.f32 v3, v42;
	v42 =	vadd.f32 v10, v14  }
0x4df: {  	v39 =	vadd.f32 v39, v50;
	v51 =	vperm.xlane v36, v56;
	v28 =	vadd.f32 v28, v20;
	v20 =	vld [tilespmem:$0x1FF70]  }
0x4e0: {  	v21 =	vadd.f32 v21, v42;
	v42 =	vadd.f32 v52, v53;
	v52 =	vld [tilespmem:$0x1FFD0]  }
0x4e1: {  	v56 =	vmul.f32 v51, v48  }
0x4e2: {  	v50 =	vmul.f32 v40, v43;
	[tilespmem:s19+$0x920] =	vst v39;
	v39 =	vimm.s32 $0x2;
	v40 =	vmul.f32 v40, v55  }
0x4e3: {  	v39 =	vperm.xlane v36, v39;
	v38 =	vadd.f32 v38, v42;
	v42 =	vadd.f32 v56, v27  }
0x4e4: {  	v32 =	vadd.f32 v32, v49;
	v10 =	vadd.f32 v50, v20;
	v50 =	vmul.f32 v51, v46  }
0x4e5: {  	[tilespmem:s19+$0x960] =	vst v38;
	v38 =	vmul.f32 v39, v45;
	v40 =	vadd.f32 v40, v52;
	v37 =	vadd.f32 v37, v42  }
0x4e6: {  	v18 =	vadd.f32 v18, v10;
	v10 =	vmul.f32 v51, v47;
	v42 =	vadd.f32 v50, v12  }
0x4e7: {  	v35 =	vadd.f32 v35, v40;
	v40 =	vmul.f32 v51, v55;
	v50 =	vmul.f32 v51, v44  }
0x4e8: {  	[tilespmem:s19+$0x910] =	vst v32;
	v56 =	vadd.f32 v10, v54;
	v10 =	vmul.f32 v51, v45;
	v32 =	vadd.f32 v34, v42  }
0x4e9: {  	v49 =	vadd.f32 v50, v14;
	v50 =	vmul.f32 v51, v41;
	v42 =	vadd.f32 v38, v24  }
0x4ea: {  	[tilespmem:s19+$0x900] =	vst v3;
	v3 =	vadd.f32 v33, v56;
	v56 =	vadd.f32 v10, v24;
	v10 =	vmul.f32 v51, v43  }
0x4eb: {  	[tilespmem:s19+$0x930] =	vst v28;
	v28 =	vadd.f32 v30, v49;
	v49 =	vadd.f32 v50, v53;
	v50 =	vmul.f32 v39, v48  }
0x4ec: {  	v51 =	vmul.f32 v39, v47;
	v31 =	vadd.f32 v31, v56;
	v56 =	vadd.f32 v10, v20  }
0x4ed: {  	[tilespmem:s19+$0x950] =	vst v18;
	v1 =	vadd.f32 v1, v42;
	v18 =	vadd.f32 v25, v49;
	v10 =	vmul.f32 v39, v46  }
0x4ee: {  	[tilespmem:s19+$0x940] =	vst v21;
	v33 =	vadd.f32 v51, v54;
	v49 =	vmul.f32 v39, v43;
	v21 =	vadd.f32 v29, v56  }
0x4ef: {  	v51 =	vmul.f32 v39, v41;
	v56 =	vadd.f32 v40, v52;
	v29 =	vadd.f32 v50, v27  }
0x4f0: {  	[tilespmem:s19+$0x970] =	vst v35;
	v35 =	vadd.f32 v10, v12;
	v5 =	vadd.f32 v5, v33;
	v40 =	vmul.f32 v39, v44  }
0x4f1: {  	v50 =	vimm.s32 $0x3;
	v10 =	vadd.f32 v51, v53;
	v25 =	vadd.f32 v26, v56  }
0x4f2: {  	[tilespmem:s19+$0x980] =	vst v37;
	v30 =	vperm.xlane v36, v50;
	v4 =	vadd.f32 v4, v29;
	v2 =	vadd.f32 v2, v35  }
0x4f3: {  	[tilespmem:s19+$0x9A0] =	vst v32;
	v29 =	vadd.f32 v40, v14;
	v56 =	vmul.f32 v39, v55;
	v26 =	vadd.f32 v49, v20  }
0x4f4: {  	[tilespmem:s19+$0x9E0] =	vst v18;
	v18 =	vadd.f32 v62, v10;
	v32 =	vmul.f32 v30, v48;
	v34 =	vmul.f32 v30, v47  }
0x4f5: {  	[tilespmem:s19+$0x990] =	vst v3;
	v62 =	vimm.s32 $0x4;
	v37 =	vmul.f32 v30, v46;
	v39 =	vmul.f32 v30, v45  }
0x4f6: {  	[tilespmem:s19+$0x9C0] =	vst v28;
	v49 =	vmul.f32 v30, v44;
	v0 =	vadd.f32 v0, v29;
	v33 =	vadd.f32 v63, v26  }
0x4f7: {  	[tilespmem:s19+$0xA30] =	vst v1;
	v51 =	vmul.f32 v30, v43;
	v3 =	vadd.f32 v56, v52;
	v35 =	vadd.f32 v32, v27  }
0x4f8: {  	[tilespmem:s19+$0x9B0] =	vst v31;
	v26 =	vperm.xlane v36, v62;
	v38 =	vadd.f32 v34, v54;
	v42 =	vadd.f32 v37, v12  }
0x4f9: {  	[tilespmem:s19+$0x9D0] =	vst v21;
	v63 =	vmul.f32 v30, v55;
	v50 =	vadd.f32 v39, v24;
	v3 =	vadd.f32 v61, v3  }
0x4fa: {  	v61 =	vadd.f32 v51, v20;
	[tilespmem:s19+$0xA50] =	vst v33;
	v33 =	vmul.f32 v26, v48;
	v40 =	vadd.f32 v60, v35  }
0x4fb: {  	[tilespmem:s19+$0xA10] =	vst v5;
	v34 =	vmul.f32 v26, v47;
	v5 =	vadd.f32 v59, v38;
	v56 =	vadd.f32 v58, v42  }
0x4fc: {  	[tilespmem:s19+$0x9F0] =	vst v25;
	v37 =	vmul.f32 v26, v46;
	v58 =	vadd.f32 v49, v14;
	v60 =	vadd.f32 v57, v50  }
0x4fd: {  	[tilespmem:s19+$0xA00] =	vst v4;
	v59 =	vmul.f32 v30, v41;
	v32 =	vadd.f32 v23, v61;
	v38 =	vadd.f32 v33, v27  }
0x4fe: {  	[tilespmem:s19+$0xA20] =	vst v2;
	v49 =	vmul.f32 v26, v45;
	v39 =	vadd.f32 v34, v54;
	v42 =	vadd.f32 v37, v12  }
0x4ff: {  	[tilespmem:s19+$0xA40] =	vst v0;
	v51 =	vmul.f32 v26, v44;
	v0 =	vadd.f32 v13, v58;
	v10 =	vadd.f32 v59, v53  }
0x500: {  	v62 =	vmul.f32 v26, v41;
	[tilespmem:s19+$0xA70] =	vst v3;
	v13 =	vadd.f32 v63, v52;
	v57 =	vadd.f32 v49, v24  }
0x501: {  	[tilespmem:s19+$0xAA0] =	vst v56;
	v58 =	vmul.f32 v26, v43;
	v59 =	vadd.f32 v51, v14;
	v3 =	vadd.f32 v19, v38  }
0x502: {  	[tilespmem:s19+$0xAB0] =	vst v60;
	v60 =	vimm.s32 $0x5;
	v50 =	vadd.f32 v16, v39;
	v56 =	vadd.f32 v17, v42  }
0x503: {  	[tilespmem:s19+$0xA60] =	vst v18;
	v61 =	vperm.xlane v36, v60;
	v17 =	vadd.f32 v62, v53;
	v35 =	vadd.f32 v22, v10  }
0x504: {  	[tilespmem:s19+$0xA80] =	vst v40;
	v42 =	vimm.s32 $0x6;
	v40 =	vadd.f32 v15, v13;
	v63 =	vadd.f32 v7, v57  }
0x505: {  	[tilespmem:s19+$0xA90] =	vst v5;
	v7 =	vmul.f32 v26, v55;
	v1 =	vadd.f32 v8, v59;
	v8 =	vmul.f32 v61, v48  }
0x506: {  	v25 =	vld [tilespmem:$0x1FD50];
	[tilespmem:s19+$0xAD0] =	vst v32;
	v15 =	vadd.f32 v58, v20;
	v10 =	vmul.f32 v61, v47;
	v23 =	vmul.f32 v61, v46  }
0x507: {  	v29 =	vld [tilespmem:$0x1FD00];
	[tilespmem:s19+$0xAC0] =	vst v0;
	v21 =	vadd.f32 v9, v17;
	v28 =	vmul.f32 v61, v45;
	v31 =	vmul.f32 v61, v44  }
0x508: {  	v49 =	vld [tilespmem:$0x1FC80];
	[tilespmem:s19+$0xB00] =	vst v3;
	v34 =	vmul.f32 v61, v43;
	v15 =	vadd.f32 v6, v15;
	v13 =	vadd.f32 v7, v52  }
0x509: {  	v32 =	vld [tilespmem:$0x1FD20];
	[tilespmem:s19+$0xB10] =	vst v50;
	v38 =	vmul.f32 v61, v41;
	v22 =	vadd.f32 v8, v27;
	v26 =	vadd.f32 v10, v54  }
0x50a: {  	v39 =	vld [tilespmem:$0x1FCE0];
	[tilespmem:s19+$0xB20] =	vst v56;
	v50 =	vmul.f32 v61, v55;
	v30 =	vadd.f32 v23, v12;
	v33 =	vadd.f32 v28, v24  }
0x50b: {  	v56 =	vld [tilespmem:$0x1FCA0];
	[tilespmem:s19+$0xAF0] =	vst v40;
	v7 =	vperm.xlane v36, v42;
	v37 =	vadd.f32 v31, v14;
	v40 =	vadd.f32 v34, v20  }
0x50c: {  	v59 =	vld [tilespmem:$0x1FC40];
	[tilespmem:s19+$0xAE0] =	vst v35;
	v51 =	vadd.f32 v38, v53;
	v60 =	vadd.f32 v50, v52  }
0x50d: {  	[tilespmem:s19+$0xB30] =	vst v63;
	v3 =	vadd.f32 v25, v13;
	v57 =	vmul.f32 v7, v48;
	v58 =	vmul.f32 v7, v47  }
0x50e: {  	[tilespmem:s19+$0xB40] =	vst v1;
	v61 =	vmul.f32 v7, v46;
	v16 =	vmul.f32 v7, v45;
	v5 =	vadd.f32 v29, v22  }
0x50f: {  	v35 =	vld [tilespmem:$0x1FCC0];
	[tilespmem:s19+$0xB60] =	vst v21;
	v19 =	vmul.f32 v7, v44;
	v2 =	vadd.f32 v32, v26;
	v1 =	vadd.f32 v39, v33  }
0x510: {  	v9 =	vld [tilespmem:$0x1FC60];
	[tilespmem:s19+$0xB50] =	vst v15;
	v23 =	vmul.f32 v7, v43;
	v8 =	vadd.f32 v49, v37;
	v4 =	vadd.f32 v56, v40  }
0x511: {  	v17 =	vld [tilespmem:$0x1FC10];
	v25 =	vimm.s32 $0x7;
	[tilespmem:s19+$0xB70] =	vst v3;
	v3 =	vadd.f32 v59, v51;
	v62 =	vadd.f32 v57, v27  }
0x512: {  	v21 =	vld [tilespmem:$0x1FBD0];
	v13 =	vimm.s32 $0x8;
	v63 =	vadd.f32 v58, v54;
	v15 =	vadd.f32 v61, v12;
	[tilespmem:s19+$0xB80] =	vst v5  }
0x513: {  	v28 =	vld [tilespmem:$0x1FBF0];
	v26 =	vmul.f32 v7, v41;
	v22 =	vadd.f32 v16, v24;
	v6 =	vadd.f32 v19, v14;
	[tilespmem:s19+$0xB90] =	vst v2  }
0x514: {  	v7 =	vmul.f32 v7, v55;
	v33 =	vld [tilespmem:$0x1FBB0];
	v29 =	vadd.f32 v23, v20;
	v0 =	vadd.f32 v35, v30;
	[tilespmem:s19+$0xBB0] =	vst v1  }
0x515: {  	v39 =	vld [tilespmem:$0x1FB70];
	v2 =	vadd.f32 v9, v60;
	[tilespmem:s19+$0xBC0] =	vst v8;
	v8 =	vperm.xlane v36, v25;
	v31 =	vadd.f32 v26, v53  }
0x516: {  	v7 =	vadd.f32 v7, v52;
	v9 =	vperm.xlane v36, v13;
	v18 =	vadd.f32 v11, v63;
	[tilespmem:s19+$0xBD0] =	vst v4  }
0x517: {  	v49 =	vld [tilespmem:$0x1FB10];
	v1 =	vadd.f32 v21, v15;
	[tilespmem:s19+$0xBE0] =	vst v3;
	v32 =	vmul.f32 v8, v48;
	v34 =	vmul.f32 v8, v47  }
0x518: {  	v56 =	vld [tilespmem:$0x1FB30];
	v4 =	vadd.f32 v28, v22;
	[tilespmem:s19+$0xBA0] =	vst v0;
	v38 =	vmul.f32 v8, v46;
	v42 =	vmul.f32 v8, v45  }
0x519: {  	v30 =	vld [tilespmem:$0x1FB90];
	v0 =	vadd.f32 v17, v62;
	[tilespmem:s19+$0xBF0] =	vst v2;
	v51 =	vmul.f32 v8, v44;
	v58 =	vmul.f32 v8, v43  }
0x51a: {  	v35 =	vld [tilespmem:$0x1FB50];
	v61 =	vmul.f32 v8, v41;
	v2 =	vadd.f32 v33, v29;
	[tilespmem:s19+$0xC10] =	vst v18;
	v5 =	vadd.f32 v39, v7  }
0x51b: {  	v59 =	vld [tilespmem:$0x1FAD0];
	v16 =	vmul.f32 v8, v55;
	[tilespmem:s19+$0xC20] =	vst v1;
	v37 =	vadd.f32 v32, v27;
	v40 =	vadd.f32 v34, v54  }
0x51c: {  	v15 =	vld [tilespmem:$0x1FA90];
	v19 =	vmul.f32 v9, v48;
	[tilespmem:s19+$0xC30] =	vst v4;
	v50 =	vadd.f32 v38, v12;
	v57 =	vadd.f32 v42, v24  }
0x51d: {  	v22 =	vld [tilespmem:$0x1FA50];
	v21 =	vmul.f32 v9, v47;
	[tilespmem:s19+$0xC00] =	vst v0;
	v60 =	vadd.f32 v51, v14;
	v63 =	vadd.f32 v58, v20  }
0x51e: {  	v62 =	vld [tilespmem:$0x1FAF0];
	v23 =	vmul.f32 v9, v46;
	v17 =	vadd.f32 v61, v53;
	v3 =	vadd.f32 v30, v6;
	[tilespmem:s19+$0xC50] =	vst v2  }
0x51f: {  	v28 =	vld [tilespmem:$0x1FA70];
	v33 =	vmul.f32 v9, v44;
	v25 =	vadd.f32 v19, v27;
	v0 =	vadd.f32 v35, v31;
	[tilespmem:s19+$0xC70] =	vst v5  }
0x520: {  	v18 =	vld [tilespmem:$0x1FAB0];
	v39 =	vimm.s32 $0x9;
	v26 =	vadd.f32 v21, v54;
	v1 =	vadd.f32 v49, v37;
	[tilespmem:s19+$0xC40] =	vst v3  }
0x521: {  	v29 =	vadd.f32 v23, v12;
	v32 =	vld [tilespmem:$0x1FA30];
	v7 =	vperm.xlane v36, v39;
	v4 =	vadd.f32 v56, v40;
	[tilespmem:s19+$0xC60] =	vst v0  }
0x522: {  	v34 =	vld [tilespmem:$0x1F9B0];
	v6 =	vadd.f32 v16, v52;
	v30 =	vmul.f32 v9, v45;
	v3 =	vadd.f32 v59, v50;
	[tilespmem:s19+$0xC80] =	vst v1  }
0x523: {  	v42 =	vld [tilespmem:$0x1F9E0];
	v38 =	vadd.f32 v33, v14;
	v37 =	vmul.f32 v9, v43;
	v2 =	vadd.f32 v62, v57;
	[tilespmem:s19+$0xC90] =	vst v4  }
0x524: {  	v31 =	vld [tilespmem:$0x1FA00];
	v40 =	vmul.f32 v9, v41;
	v0 =	vadd.f32 v15, v60;
	v35 =	vadd.f32 v30, v24;
	[tilespmem:s19+$0xCA0] =	vst v3  }
0x525: {  	v56 =	vmul.f32 v7, v48;
	v50 =	vld [tilespmem:$0x1F950];
	v5 =	vadd.f32 v18, v63;
	v1 =	vadd.f32 v22, v17;
	[tilespmem:s19+$0xCB0] =	vst v2  }
0x526: {  	v58 =	vmul.f32 v7, v47;
	v57 =	vld [tilespmem:$0x1F980];
	v8 =	vadd.f32 v37, v20;
	v51 =	vadd.f32 v40, v53;
	[tilespmem:s19+$0xCC0] =	vst v0  }
0x527: {  	v61 =	vmul.f32 v7, v46;
	v59 =	vld [tilespmem:$0x1F8F0];
	v60 =	vadd.f32 v56, v27;
	v3 =	vadd.f32 v28, v6;
	[tilespmem:s19+$0xCD0] =	vst v5  }
0x528: {  	v13 =	vmul.f32 v7, v45;
	v62 =	vld [tilespmem:$0x1F920];
	v63 =	vadd.f32 v58, v54;
	v4 =	vadd.f32 v32, v26;
	[tilespmem:s19+$0xCE0] =	vst v1  }
0x529: {  	v49 =	vmul.f32 v9, v55;
	v15 =	vld [tilespmem:$0x1F890];
	v16 =	vadd.f32 v61, v12;
	v0 =	vadd.f32 v34, v29;
	[tilespmem:s19+$0xCF0] =	vst v3  }
0x52a: {  	v21 =	vmul.f32 v7, v43;
	v18 =	vld [tilespmem:$0x1F8C0];
	v19 =	vadd.f32 v13, v24;
	v2 =	vadd.f32 v31, v25;
	[tilespmem:s19+$0xD10] =	vst v4  }
0x52b: {  	v17 =	vmul.f32 v7, v44;
	v22 =	vld [tilespmem:$0x1F840];
	v6 =	vadd.f32 v49, v52;
	v1 =	vadd.f32 v42, v35;
	[tilespmem:s19+$0xD20] =	vst v0  }
0x52c: {  	v26 =	vld [tilespmem:$0x1F870];
	v28 =	vadd.f32 v21, v20;
	v29 =	vimm.s32 $0xA;
	v3 =	vadd.f32 v50, v38;
	[tilespmem:s19+$0xD00] =	vst v2  }
0x52d: {  	v30 =	vld [tilespmem:$0x1F7F0];
	v23 =	vadd.f32 v17, v14;
	v25 =	vmul.f32 v7, v41;
	v2 =	vadd.f32 v57, v8;
	[tilespmem:s19+$0xD30] =	vst v1  }
0x52e: {  	v33 =	vld [tilespmem:$0x1F820];
	v31 =	vmul.f32 v7, v55;
	v4 =	vadd.f32 v59, v51;
	v0 =	vadd.f32 v62, v6;
	[tilespmem:s19+$0xD40] =	vst v3  }
0x52f: {  	v37 =	vld [tilespmem:$0x1F7B0];
	v1 =	vadd.f32 v15, v60;
	v8 =	vperm.xlane v36, v29;
	v32 =	vadd.f32 v25, v53;
	[tilespmem:s19+$0xD50] =	vst v2  }
0x530: {  	v5 =	vadd.f32 v31, v52;
	v62 =	vimm.s32 $0xB;
	v3 =	vadd.f32 v18, v63;
	[tilespmem:s19+$0xD60] =	vst v4  }
0x531: {  	v42 =	vld [tilespmem:$0x1F7D0];
	v6 =	vperm.xlane v36, v62;
	v2 =	vadd.f32 v22, v16;
	v4 =	vadd.f32 v26, v19;
	[tilespmem:s19+$0xD70] =	vst v0  }
0x532: {  	v0 =	vadd.f32 v30, v23;
	[tilespmem:s19+$0xD80] =	vst v1;
	v34 =	vmul.f32 v8, v48;
	v35 =	vmul.f32 v8, v47  }
0x533: {  	v51 =	vld [tilespmem:$0x1F770];
	v1 =	vadd.f32 v33, v28;
	v38 =	vmul.f32 v8, v46;
	v50 =	vmul.f32 v8, v45;
	[tilespmem:s19+$0xD90] =	vst v3  }
0x534: {  	v56 =	vld [tilespmem:$0x1F790];
	v57 =	vmul.f32 v8, v44;
	v60 =	vmul.f32 v8, v43;
	v3 =	vadd.f32 v37, v32;
	[tilespmem:s19+$0xDA0] =	vst v2  }
0x535: {  	v58 =	vld [tilespmem:$0x1F730];
	v63 =	vmul.f32 v8, v41;
	v39 =	vadd.f32 v34, v27;
	v40 =	vadd.f32 v35, v54;
	[tilespmem:s19+$0xDB0] =	vst v4  }
0x536: {  	v11 =	vld [tilespmem:$0x1F750];
	v13 =	vmul.f32 v8, v55;
	v4 =	vadd.f32 v42, v5;
	v49 =	vadd.f32 v38, v12;
	[tilespmem:s19+$0xDC0] =	vst v0  }
0x537: {  	v15 =	vld [tilespmem:$0x1F6F0];
	v17 =	vmul.f32 v6, v48;
	[tilespmem:s19+$0xDD0] =	vst v1;
	v59 =	vadd.f32 v50, v24;
	v61 =	vadd.f32 v57, v14  }
0x538: {  	v18 =	vld [tilespmem:$0x1F710];
	v19 =	vmul.f32 v6, v47;
	v7 =	vadd.f32 v60, v20;
	v0 =	vadd.f32 v51, v39;
	[tilespmem:s19+$0xDE0] =	vst v3  }
0x539: {  	v21 =	vld [tilespmem:$0x1F6B0];
	v26 =	vmul.f32 v6, v46;
	v16 =	vadd.f32 v63, v53;
	v2 =	vadd.f32 v56, v40;
	[tilespmem:s19+$0xDF0] =	vst v4  }
0x53a: {  	v23 =	vld [tilespmem:$0x1F6D0];
	v29 =	vmul.f32 v6, v45;
	v5 =	vadd.f32 v13, v52;
	v1 =	vadd.f32 v58, v49;
	[tilespmem:s19+$0xE00] =	vst v0  }
0x53b: {  	v28 =	vld [tilespmem:$0x1F670];
	v30 =	vmul.f32 v6, v44;
	v22 =	vadd.f32 v17, v27;
	v4 =	vadd.f32 v11, v59;
	[tilespmem:s19+$0xE10] =	vst v2  }
0x53c: {  	v31 =	vld [tilespmem:$0x1F690];
	v33 =	vmul.f32 v6, v41;
	v25 =	vadd.f32 v19, v54;
	v0 =	vadd.f32 v15, v61;
	[tilespmem:s19+$0xE20] =	vst v1  }
0x53d: {  	v32 =	vmul.f32 v6, v43;
	v34 =	vld [tilespmem:$0x1F630];
	v35 =	vadd.f32 v30, v14;
	v2 =	vadd.f32 v18, v7;
	[tilespmem:s19+$0xE30] =	vst v4  }
0x53e: {  	v37 =	vimm.s32 $0xC;
	v38 =	vld [tilespmem:$0x1F650];
	v3 =	vadd.f32 v29, v24;
	v1 =	vadd.f32 v21, v16;
	[tilespmem:s19+$0xE40] =	vst v0  }
0x53f: {  	v42 =	vld [tilespmem:$0x1F5F0];
	v8 =	vperm.xlane v36, v37;
	v39 =	vadd.f32 v32, v20;
	v4 =	vadd.f32 v23, v5;
	[tilespmem:s19+$0xE50] =	vst v2  }
0x540: {  	v6 =	vmul.f32 v6, v55;
	v50 =	vld [tilespmem:$0x1F610];
	v7 =	vadd.f32 v26, v12;
	v0 =	vadd.f32 v28, v22;
	[tilespmem:s19+$0xE60] =	vst v1  }
0x541: {  	v57 =	vld [tilespmem:$0x1F5B0];
	v40 =	vimm.s32 $0xD;
	v49 =	vmul.f32 v8, v48;
	v2 =	vadd.f32 v31, v25;
	[tilespmem:s19+$0xE70] =	vst v4  }
0x542: {  	v60 =	vld [tilespmem:$0x1F5D0];
	v51 =	vadd.f32 v6, v52;
	v56 =	vmul.f32 v8, v47;
	v4 =	vadd.f32 v34, v7;
	[tilespmem:s19+$0xE80] =	vst v0  }
0x543: {  	v63 =	vld [tilespmem:$0x1F570];
	v59 =	vmul.f32 v8, v46;
	v58 =	vadd.f32 v49, v27;
	v0 =	vadd.f32 v38, v3;
	[tilespmem:s19+$0xE90] =	vst v2  }
0x544: {  	v11 =	vld [tilespmem:$0x1F590];
	v62 =	vmul.f32 v8, v45;
	v1 =	vadd.f32 v33, v53;
	v2 =	vadd.f32 v42, v35;
	[tilespmem:s19+$0xEA0] =	vst v4  }
0x545: {  	v10 =	vmul.f32 v8, v44;
	v16 =	vld [tilespmem:$0x1F530];
	v61 =	vadd.f32 v56, v54;
	v3 =	vadd.f32 v50, v39;
	[tilespmem:s19+$0xEB0] =	vst v0  }
0x546: {  	v19 =	vld [tilespmem:$0x1F550];
	v5 =	vperm.xlane v36, v40;
	v9 =	vadd.f32 v59, v12;
	v0 =	vadd.f32 v57, v1;
	[tilespmem:s19+$0xEC0] =	vst v2  }
0x547: {  	v15 =	vmul.f32 v8, v43;
	v23 =	vld [tilespmem:$0x1F4F0];
	v13 =	vadd.f32 v62, v24;
	v2 =	vadd.f32 v60, v51;
	[tilespmem:s19+$0xED0] =	vst v3  }
0x548: {  	v18 =	vmul.f32 v8, v41;
	v17 =	vadd.f32 v10, v14;
	v28 =	vld [tilespmem:$0x1F510];
	v1 =	vadd.f32 v63, v58;
	[tilespmem:s19+$0xEE0] =	vst v0  }
0x549: {  	v21 =	vadd.f32 v15, v20;
	v22 =	vmul.f32 v8, v55;
	v31 =	vld [tilespmem:$0x1F4B0];
	v0 =	vadd.f32 v11, v61;
	[tilespmem:s19+$0xEF0] =	vst v2  }
0x54a: {  	v25 =	vadd.f32 v18, v53;
	v26 =	vmul.f32 v5, v48;
	v34 =	vld [tilespmem:$0x1F4D0];
	v2 =	vadd.f32 v16, v9;
	[tilespmem:s19+$0xF00] =	vst v1  }
0x54b: {  	v30 =	vmul.f32 v5, v47;
	v33 =	vmul.f32 v5, v46;
	v38 =	vld [tilespmem:$0x1F470];
	v1 =	vadd.f32 v19, v13;
	[tilespmem:s19+$0xF10] =	vst v0  }
0x54c: {  	v37 =	vmul.f32 v5, v45;
	v29 =	vadd.f32 v22, v52;
	v42 =	vld [tilespmem:$0x1F490];
	v0 =	vadd.f32 v23, v17;
	[tilespmem:s19+$0xF20] =	vst v2  }
0x54d: {  	v40 =	vmul.f32 v5, v44;
	v32 =	vadd.f32 v26, v27;
	v13 =	vld [tilespmem:$0x1F3B0];
	v2 =	vadd.f32 v28, v21;
	[tilespmem:s19+$0xF30] =	vst v1  }
0x54e: {  	v35 =	vadd.f32 v30, v54;
	v51 =	vld [tilespmem:$0x1F430];
	v57 =	vmul.f32 v5, v41;
	v1 =	vadd.f32 v31, v25;
	[tilespmem:s19+$0xF40] =	vst v0  }
0x54f: {  	v39 =	vadd.f32 v33, v12;
	v58 =	vld [tilespmem:$0x1F450];
	v60 =	vimm.s32 $0xE;
	v0 =	vadd.f32 v34, v29;
	[tilespmem:s19+$0xF50] =	vst v2  }
0x550: {  	v6 =	vperm.xlane v36, v60;
	v61 =	vld [tilespmem:$0x1F3F0];
	v63 =	vadd.f32 v57, v53;
	v2 =	vadd.f32 v38, v32;
	[tilespmem:s19+$0xF60] =	vst v1  }
0x551: {  	v49 =	vadd.f32 v37, v24;
	v50 =	vmul.f32 v5, v43;
	v22 =	vld [tilespmem:$0x1F390];
	v1 =	vadd.f32 v42, v35;
	[tilespmem:s19+$0xF70] =	vst v0  }
0x552: {  	v8 =	vld [tilespmem:$0x1F410];
	v56 =	vadd.f32 v40, v14;
	v10 =	vmul.f32 v6, v47;
	v3 =	vadd.f32 v13, v63;
	[tilespmem:s19+$0xF80] =	vst v2  }
0x553: {  	v62 =	vmul.f32 v5, v55;
	v59 =	vadd.f32 v50, v20;
	v21 =	vld [tilespmem:$0x1F370];
	v0 =	vadd.f32 v51, v39;
	[tilespmem:s19+$0xF90] =	vst v1  }
0x554: {  	v26 =	vld [tilespmem:$0x1F330];
	v9 =	vmul.f32 v6, v48;
	v17 =	vadd.f32 v10, v54;
	v2 =	vadd.f32 v58, v49;
	[tilespmem:s19+$0xFE0] =	vst v3  }
0x555: {  	v18 =	vld [tilespmem:$0x1F3D0];
	v15 =	vmul.f32 v6, v46;
	v23 =	vmul.f32 v6, v44;
	v1 =	vadd.f32 v61, v56;
	[tilespmem:s19+$0xFA0] =	vst v0  }
0x556: {  	v33 =	vld [tilespmem:$0x1F2F0];
	v16 =	vadd.f32 v9, v27;
	v29 =	vimm.s32 $0xF;
	v3 =	vadd.f32 v22, v17;
	[tilespmem:s19+$0xFB0] =	vst v2  }
0x557: {  	v5 =	vadd.f32 v15, v12;
	v35 =	vld [tilespmem:$0x1F310];
	v7 =	vperm.xlane v36, v29;
	v0 =	vadd.f32 v8, v59;
	[tilespmem:s19+$0xFC0] =	vst v1  }
0x558: {  	v11 =	vadd.f32 v62, v52;
	v28 =	vmul.f32 v6, v43;
	v49 =	vld [tilespmem:$0x1F2B0];
	v1 =	vadd.f32 v21, v16;
	[tilespmem:s19+$0x1010] =	vst v3  }
0x559: {  	v31 =	vld [tilespmem:$0x1F350];
	v4 =	vadd.f32 v23, v14;
	v37 =	vmul.f32 v7, v47;
	v2 =	vadd.f32 v26, v5;
	[tilespmem:s19+$0xFD0] =	vst v0  }
0x55a: {  	v19 =	vmul.f32 v6, v45;
	v38 =	vld [tilespmem:$0x1F2C0];
	v5 =	vadd.f32 v28, v20;
	v0 =	vadd.f32 v18, v11;
	[tilespmem:s19+$0x1000] =	vst v1  }
0x55b: {  	v30 =	vmul.f32 v6, v41;
	v51 =	vld [tilespmem:$0x1F280];
	v3 =	vadd.f32 v37, v54;
	[tilespmem:s19+$0x1020] =	vst v2;
	v2 =	vadd.f32 v33, v4  }
0x55c: {  	v25 =	vadd.f32 v19, v24;
	v42 =	vld [tilespmem:$0x1F2D0];
	v40 =	vmul.f32 v7, v46;
	v5 =	vadd.f32 v35, v5;
	[tilespmem:s19+$0xFF0] =	vst v0  }
0x55d: {  	v32 =	vmul.f32 v6, v55;
	v47 =	vld [tilespmem:$0x1F2A0];
	v1 =	vadd.f32 v30, v53;
	v3 =	vadd.f32 v49, v3;
	[tilespmem:s19+$0x1040] =	vst v2  }
0x55e: {  	v57 =	vld [tilespmem:$0x1F290];
	v34 =	vmul.f32 v7, v48;
	v4 =	vadd.f32 v40, v12;
	v0 =	vadd.f32 v31, v25;
	[tilespmem:s19+$0x1050] =	vst v5  }
0x55f: {  	v62 =	vld [tilespmem:$0x1F240];
	v36 =	vadd.f32 v32, v52;
	v46 =	vmul.f32 v7, v45;
	v1 =	vadd.f32 v38, v1;
	[tilespmem:s19+$0x1090] =	vst v3  }
0x560: {  	v56 =	vmul.f32 v7, v41;
	v59 =	vld [tilespmem:$0x1F260];
	v39 =	vadd.f32 v34, v27;
	v4 =	vadd.f32 v51, v4;
	[tilespmem:s19+$0x1030] =	vst v0  }
0x561: {  	v61 =	vld [tilespmem:$0x1F270];
	v48 =	vmul.f32 v7, v44;
	v5 =	vadd.f32 v46, v24;
	v0 =	vadd.f32 v42, v36;
	[tilespmem:s19+$0x1060] =	vst v1  }
0x562: {  	v63 =	vld [tilespmem:$0x1F250];
	v50 =	vmul.f32 v7, v43;
	v2 =	vadd.f32 v56, v53;
	v1 =	vadd.f32 v47, v39;
	[tilespmem:s19+$0x10A0] =	vst v4  }
0x563: {  	v58 =	vmul.f32 v7, v55;
	v54 =	vadd.f32 v48, v14;
	v5 =	vadd.f32 v57, v5;
	[tilespmem:s19+$0x1070] =	vst v0  }
0x564: {  	v2 =	vadd.f32 v62, v2;
	[tilespmem:s19+$0x1080] =	vst v1;
	v0 =	vadd.f32 v50, v20  }
0x565: {  	v60 =	vadd.f32 v58, v52;
	v1 =	vadd.f32 v59, v54;
	[tilespmem:s19+$0x10B0] =	vst v5  }
0x566: {  	[tilespmem:s19+$0x10E0] =	vst v2;
	v0 =	vadd.f32 v61, v0  }
0x567: {  	s18 =	sadd.s32 $0x1, s18;
	[tilespmem:s19+$0x10C0] =	vst v1;
	v1 =	vadd.f32 v63, v60  }
0x568: {  	p0 =	sne.s32 s18, s9;
	[tilespmem:s19+$0x10D0] =	vst v0  }
.Ltmp1:
0x569: {  	[tilespmem:s19+$0x10F0] =	vst v1;
	(pc) =	sbr.rel @p0 .LBB2_1-.Ltmp1, $4  }
0x56a: {  	[hbm4b:s8+s4] =	stream.linear.scatter [tilespmem:s14], [sflag:$0x2], $0x8000, $0x38;
	[tilespmem:$0x10A00] =	vst v63  }
0x56b: {  	_ =	swait.ge [sflag:s10], $0x8000  }
0x56c: {  	[sflag:s10] =	ssyncset.done $0x0  }
0x56d: {  	[sflag:s10] =	ssyncadd.s32 $0xFFFF8000  }
0x56e: {  	_ =	sfence.sel $0x180000  }
0x56f: {  	[bflag:$0x0] =	sbarrier.arrive $0xFFFF  }
0x570: {  	p0 =	sne.s32 s3, $0x0;
	_ =	strace $0x90000047  }
0x571: {  	s0 =	sadd.s32 @!p0 $0x100000, s0;
	[bflag:$0x2] =	sbarrier.arrive $0xFFFF  }
0x572: {  	[sflag:s0] =	ssyncadd.tile.s32 @!p0 $0x1;
	_ =	shalt  }
.Lfunc_end2:
_tile_overlayer_lowered:
.L_overlay_start_2:
0x573: {  	(tag) =	ssettag $0x2  }
0x574: {  	s0 =	rddreg [dreg:$0x0];
	s2 =	stileid.u32  }
0x575: {  	s1 =	rddreg [dreg:$0x1];
	p0 =	sne.s32 s2, $0x0  }
0x576: {  	s3 =	rddreg [dreg:$0x2];
	[bflag:$0x3] =	sbarrier.arrive $0xFFFF;
	s2 =	simm.s32 @!p0 $0x1C02  }
0x577: {  	[timem:s3], [sflag:s2] =	dma.local @!p0 [hbm:s0], s1  }
0x578: {  	s0 =	simm.s32 @!p0 $0x2  }
0x579: {  	_ =	swait.ge @!p0 [sflag:s0], s1  }
0x57a: {  	s1 =	ssub.s32 @!p0 $0x0, s1;
	[sflag:s0] =	ssyncset.done @!p0 $0x0  }
0x57b: {  	[sflag:s0] =	ssyncadd.s32 @!p0 s1  }
0x57c: {  	[bflag:$0x3] =	sbarrier.arrive $0xFFFF  }
0x57d: {  	_ =	shalt  }

</sc_bundles>
